<compile_context>
chip_gen: v7x
topology: tpu7x:2x2x1
jax: 0.10.2.dev20260603
libtpu: 0.0.44.dev20260713+nightly
codegen_flags: <defaults>
</compile_context>

<pallas_src>
import functools

import jax
import jax.numpy as jnp
from jax import lax
from jax.experimental import pallas as pl
from jax.experimental.pallas import tpu as pltpu
from jax.experimental.pallas import tpu_sc as plsc

NUM_EMB = 1_000_000
DIM = 64
BATCH = 16384
HIST = 50
HIST_PAD = 56

NC = 2
NS = 16
NW = NC * NS

BTILE = 128
NBB = BATCH // BTILE
NBLOCKS = HIST * NBB
PER_W = NBLOCKS // NW


def _mesh():
    return plsc.VectorSubcoreMesh(core_axis_name="c", subcore_axis_name="s")


@functools.partial(
    pl.kernel,
    out_type=jax.ShapeDtypeStruct((HIST, DIM // 8, NBB, 8, BTILE),
                                  jnp.float32),
    mesh=_mesh(),
    compiler_params=pltpu.CompilerParams(use_tc_tiling_on_sc=False,
                                         needs_layout_passes=False),
    scratch_types=[
        pltpu.VMEM((HIST_PAD // 8, NBB // NW, 8, BTILE), jnp.int32),
        pltpu.VMEM((BTILE, DIM), jnp.float32),
        pltpu.VMEM((BTILE, DIM), jnp.float32),
        pltpu.VMEM((DIM // 8, 8, BTILE), jnp.float32),
        pltpu.VMEM((DIM // 8, 8, BTILE), jnp.float32),
        pltpu.SemaphoreType.DMA,
        pltpu.SemaphoreType.DMA,
        pltpu.SemaphoreType.DMA,
        pltpu.SemaphoreType.DMA,
    ],
)
def _gather_kernel(idx_hbm, table_hbm, out_hbm, idx_all, rows0, rows1, t0, t1,
                   g0sem, g1sem, o0sem, o1sem):
    wid = lax.axis_index("s") * NC + lax.axis_index("c")
    bpw = NBB // NW
    pltpu.sync_copy(idx_hbm.at[:, pl.ds(wid * bpw, bpw), :, :], idx_all)

    rows = (rows0, rows1)
    tbuf = (t0, t1)
    gsem = (g0sem, g1sem)
    osem = (o0sem, o1sem)

    i16 = lax.iota(jnp.int32, 16)
    perm = [(i16 + d) & 15 for d in range(16)]

    def fire_gather(i, slot):
        th = i // bpw
        j = i % bpw
        pltpu.async_copy(table_hbm.at[idx_all.at[th // 8, j, th % 8, :]],
                         rows[slot], gsem[slot])

    def drain(sem, slot):
        pltpu.make_async_copy(table_hbm.at[pl.ds(0, BTILE)], rows[slot],
                              sem).wait()

    def transpose(slot):
        r = rows[slot]
        t = tbuf[slot]

        @plsc.parallel_loop(0, BTILE // 16, unroll=4)
        def _(bblk):
            bvec = i16 + bblk * 16
            for cb in range(DIM // 16):
                for d in range(16):
                    cvec = perm[d] + (cb * 16)
                    v = plsc.load_gather(r, [bvec, cvec])
                    plsc.store_scatter(
                        t, [cvec >> 3, cvec & 7, bvec], v)

    def fire_out(i, slot):
        th = i // bpw
        bb = wid * bpw + (i % bpw)
        pltpu.async_copy(tbuf[slot], out_hbm.at[th, :, bb, :, :], osem[slot])

    fire_gather(0, 0)
    fire_gather(1, 1)

    @pl.loop(0, PER_W, step=2)
    def _(i):
        for s in (0, 1):
            ii = i + s
            drain(gsem[s], s)

            @pl.when(ii >= 2)
            def _():
                drain(osem[s], s)

            transpose(s)
            fire_out(ii, s)

            @pl.when(ii + 2 < PER_W)
            def _():
                fire_gather(ii + 2, s)

    drain(osem[0], 0)
    drain(osem[1], 1)


def kernel(token_ids, W):
    tp = jnp.pad(token_ids.astype(jnp.int32).T,
                 ((0, HIST_PAD - HIST), (0, 0)))
    idx4 = tp.reshape(HIST_PAD // 8, 8, NBB, BTILE).transpose(0, 2, 1, 3)
    x = _gather_kernel(idx4, W)
    return x.transpose(2, 4, 0, 1, 3).reshape(BATCH, HIST, DIM)

# --- scband reference (transcript-rebuilt; emitter-appended) ---
"""Pipeline reference for scband-embedding-6493990552176 (READ-ONLY COPY).

The authoritative reference and input builder live on the scoring server;
editing this copy changes nothing except your own understanding.
"""

import jax, jax.numpy as jnp
import numpy as np

NUM_EMBEDDINGS = 1000000
EMBEDDING_DIM = 64
BATCH = 16384
HIST_LEN = 50

def setup_inputs(seed: int = 0) -> dict:
    key = jax.random.key(seed)
    k_idx, k_w = jax.random.split(key)
    token_ids = jax.random.randint(k_idx, (BATCH, HIST_LEN), 0, NUM_EMBEDDINGS, dtype=jnp.int64 if jax.config.jax_enable_x64 else jnp.int32)
    # trunc_normal_(mean=0, std=1, a=-3, b=3)
    W = jax.random.truncated_normal(k_w, -3.0, 3.0, (NUM_EMBEDDINGS, EMBEDDING_DIM), dtype=jnp.float32)
    return {"token_ids": token_ids, "W": W}

def reference(token_ids, W):
    # Faithful translation of: return self.W[token_ids]
    return jnp.take(W, token_ids, axis=0)

if __name__ == "__main__":
    import jax
    _d = setup_inputs()
    print(jax.jit(kernel)(*tuple(_d.values())))

</pallas_src>

<mosaic_0001>
#map = affine_map<(d0, d1) -> (0, 0, 0, 0)>
#map1 = affine_map<(d0, d1) -> (0, 0)>
#map2 = affine_map<(d0, d1) -> (0, 0, 0, 0, 0)>
module attributes {stable_mosaic.version = 14 : i64} {
  func.func @_gather_kernel(%arg0: i32, %arg1: i32, %arg2: memref<7x128x8x128xi32, #tpu.memory_space<hbm>>, %arg3: memref<1000000x64xf32, #tpu.memory_space<hbm>>, %arg4: memref<50x8x128x8x128xf32, #tpu.memory_space<hbm>>, %arg5: memref<7x4x8x128xi32, #tpu.memory_space<vmem>>, %arg6: memref<128x64xf32, #tpu.memory_space<vmem>>, %arg7: memref<128x64xf32, #tpu.memory_space<vmem>>, %arg8: memref<8x8x128xf32, #tpu.memory_space<vmem>>, %arg9: memref<8x8x128xf32, #tpu.memory_space<vmem>>, %arg10: memref<!tpu.dma_semaphore, #tpu.memory_space<semaphore_mem>>, %arg11: memref<!tpu.dma_semaphore, #tpu.memory_space<semaphore_mem>>, %arg12: memref<!tpu.dma_semaphore, #tpu.memory_space<semaphore_mem>>, %arg13: memref<!tpu.dma_semaphore, #tpu.memory_space<semaphore_mem>>) attributes {dimension_semantics = [#tpu.dimension_semantics<core_parallel>, #tpu.dimension_semantics<subcore_parallel>], iteration_bounds = array<i64: 2, 16>, scalar_prefetch = 0 : i64, scratch_operands = 9 : i64, tpu.core_type = #tpu.core_type<sc_vector_subcore>, window_params = [{transform_indices = #map}, {transform_indices = #map1}, {transform_indices = #map2}]} {
    %mul3A = arith.constant 2 : i32
    %mul3A_0 = arith.muli %arg1, %mul3A : i32
    %add3A = arith.addi %mul3A_0, %arg0 : i32
    %mul3A_1 = arith.constant 4 : i32
    %mul3A_2 = arith.muli %add3A, %mul3A_1 : i32
    "tpu.region"() ({
      %run_scoped3A = tpu.sem_alloc : memref<!tpu.dma_semaphore, #tpu.memory_space<semaphore_mem>>
      %dma_start3A_130 = arith.constant 0 : i32
      %dma_start3A_131 = arith.constant 0 : i32
      %dma_start3A_132 = arith.constant 0 : i32
      %dma_start3A_133 = tpu.memref_slice %arg2[%dma_start3A_130, %mul3A_2, %dma_start3A_131, %dma_start3A_132] : memref<7x128x8x128xi32, #tpu.memory_space<hbm>> -> memref<7x4x8x128xi32, #tpu.memory_space<hbm>>
      %dma_start3A_134 = arith.constant 0 : i32
      %dma_start3A_135 = arith.constant 0 : i32
      %dma_start3A_136 = arith.constant 0 : i32
      %dma_start3A_137 = tpu.memref_slice %arg2[%dma_start3A_134, %mul3A_2, %dma_start3A_135, %dma_start3A_136] : memref<7x128x8x128xi32, #tpu.memory_space<hbm>> -> memref<7x4x8x128xi32, #tpu.memory_space<hbm>>
      tpu.enqueue_dma source(%dma_start3A_137 : memref<7x4x8x128xi32, #tpu.memory_space<hbm>>) target(%arg5 : memref<7x4x8x128xi32, #tpu.memory_space<vmem>>) target_semaphore(%run_scoped3A : memref<!tpu.dma_semaphore, #tpu.memory_space<semaphore_mem>>)
      %dma_wait3A_138 = arith.constant 0 : i32
      %dma_wait3A_139 = arith.constant 0 : i32
      %dma_wait3A_140 = arith.constant 0 : i32
      %dma_wait3A_141 = tpu.memref_slice %arg2[%dma_wait3A_138, %mul3A_2, %dma_wait3A_139, %dma_wait3A_140] : memref<7x128x8x128xi32, #tpu.memory_space<hbm>> -> memref<7x4x8x128xi32, #tpu.memory_space<hbm>>
      %dma_wait3A_142 = arith.constant 0 : i32
      %dma_wait3A_143 = arith.constant 0 : i32
      %dma_wait3A_144 = arith.constant 0 : i32
      %dma_wait3A_145 = tpu.memref_slice %arg2[%dma_wait3A_142, %mul3A_2, %dma_wait3A_143, %dma_wait3A_144] : memref<7x128x8x128xi32, #tpu.memory_space<hbm>> -> memref<7x4x8x128xi32, #tpu.memory_space<hbm>>
      tpu.wait_dma2 semaphore(%run_scoped3A : memref<!tpu.dma_semaphore, #tpu.memory_space<semaphore_mem>>) src(%dma_wait3A_145 : memref<7x4x8x128xi32, #tpu.memory_space<hbm>>) dst(%arg5 : memref<7x4x8x128xi32, #tpu.memory_space<vmem>>)
      tpu.yield
    }) : () -> ()
    %iota3A = tpu.iota {dimensions = array<i32: 0>} : vector<16xi32>
    %add3A_3 = arith.constant 0 : i32
    %add3A_4 = vector.broadcast %add3A_3 : i32 to vector<16xi32>
    %add3A_5 = arith.addi %iota3A, %add3A_4 : vector<16xi32>
    %and3A = arith.constant 15 : i32
    %and3A_6 = vector.broadcast %and3A : i32 to vector<16xi32>
    %and3A_7 = arith.andi %add3A_5, %and3A_6 : vector<16xi32>
    %add3A_8 = arith.constant 1 : i32
    %add3A_9 = vector.broadcast %add3A_8 : i32 to vector<16xi32>
    %add3A_10 = arith.addi %iota3A, %add3A_9 : vector<16xi32>
    %and3A_11 = arith.constant 15 : i32
    %and3A_12 = vector.broadcast %and3A_11 : i32 to vector<16xi32>
    %and3A_13 = arith.andi %add3A_10, %and3A_12 : vector<16xi32>
    %add3A_14 = arith.constant 2 : i32
    %add3A_15 = vector.broadcast %add3A_14 : i32 to vector<16xi32>
    %add3A_16 = arith.addi %iota3A, %add3A_15 : vector<16xi32>
    %and3A_17 = arith.constant 15 : i32
    %and3A_18 = vector.broadcast %and3A_17 : i32 to vector<16xi32>
    %and3A_19 = arith.andi %add3A_16, %and3A_18 : vector<16xi32>
    %add3A_20 = arith.constant 3 : i32
    %add3A_21 = vector.broadcast %add3A_20 : i32 to vector<16xi32>
    %add3A_22 = arith.addi %iota3A, %add3A_21 : vector<16xi32>
    %and3A_23 = arith.constant 15 : i32
    %and3A_24 = vector.broadcast %and3A_23 : i32 to vector<16xi32>
    %and3A_25 = arith.andi %add3A_22, %and3A_24 : vector<16xi32>
    %add3A_26 = arith.constant 4 : i32
    %add3A_27 = vector.broadcast %add3A_26 : i32 to vector<16xi32>
    %add3A_28 = arith.addi %iota3A, %add3A_27 : vector<16xi32>
    %and3A_29 = arith.constant 15 : i32
    %and3A_30 = vector.broadcast %and3A_29 : i32 to vector<16xi32>
    %and3A_31 = arith.andi %add3A_28, %and3A_30 : vector<16xi32>
    %add3A_32 = arith.constant 5 : i32
    %add3A_33 = vector.broadcast %add3A_32 : i32 to vector<16xi32>
    %add3A_34 = arith.addi %iota3A, %add3A_33 : vector<16xi32>
    %and3A_35 = arith.constant 15 : i32
    %and3A_36 = vector.broadcast %and3A_35 : i32 to vector<16xi32>
    %and3A_37 = arith.andi %add3A_34, %and3A_36 : vector<16xi32>
    %add3A_38 = arith.constant 6 : i32
    %add3A_39 = vector.broadcast %add3A_38 : i32 to vector<16xi32>
    %add3A_40 = arith.addi %iota3A, %add3A_39 : vector<16xi32>
    %and3A_41 = arith.constant 15 : i32
    %and3A_42 = vector.broadcast %and3A_41 : i32 to vector<16xi32>
    %and3A_43 = arith.andi %add3A_40, %and3A_42 : vector<16xi32>
    %add3A_44 = arith.constant 7 : i32
    %add3A_45 = vector.broadcast %add3A_44 : i32 to vector<16xi32>
    %add3A_46 = arith.addi %iota3A, %add3A_45 : vector<16xi32>
    %and3A_47 = arith.constant 15 : i32
    %and3A_48 = vector.broadcast %and3A_47 : i32 to vector<16xi32>
    %and3A_49 = arith.andi %add3A_46, %and3A_48 : vector<16xi32>
    %add3A_50 = arith.constant 8 : i32
    %add3A_51 = vector.broadcast %add3A_50 : i32 to vector<16xi32>
    %add3A_52 = arith.addi %iota3A, %add3A_51 : vector<16xi32>
    %and3A_53 = arith.constant 15 : i32
    %and3A_54 = vector.broadcast %and3A_53 : i32 to vector<16xi32>
    %and3A_55 = arith.andi %add3A_52, %and3A_54 : vector<16xi32>
    %add3A_56 = arith.constant 9 : i32
    %add3A_57 = vector.broadcast %add3A_56 : i32 to vector<16xi32>
    %add3A_58 = arith.addi %iota3A, %add3A_57 : vector<16xi32>
    %and3A_59 = arith.constant 15 : i32
    %and3A_60 = vector.broadcast %and3A_59 : i32 to vector<16xi32>
    %and3A_61 = arith.andi %add3A_58, %and3A_60 : vector<16xi32>
    %add3A_62 = arith.constant 10 : i32
    %add3A_63 = vector.broadcast %add3A_62 : i32 to vector<16xi32>
    %add3A_64 = arith.addi %iota3A, %add3A_63 : vector<16xi32>
    %and3A_65 = arith.constant 15 : i32
    %and3A_66 = vector.broadcast %and3A_65 : i32 to vector<16xi32>
    %and3A_67 = arith.andi %add3A_64, %and3A_66 : vector<16xi32>
    %add3A_68 = arith.constant 11 : i32
    %add3A_69 = vector.broadcast %add3A_68 : i32 to vector<16xi32>
    %add3A_70 = arith.addi %iota3A, %add3A_69 : vector<16xi32>
    %and3A_71 = arith.constant 15 : i32
    %and3A_72 = vector.broadcast %and3A_71 : i32 to vector<16xi32>
    %and3A_73 = arith.andi %add3A_70, %and3A_72 : vector<16xi32>
    %add3A_74 = arith.constant 12 : i32
    %add3A_75 = vector.broadcast %add3A_74 : i32 to vector<16xi32>
    %add3A_76 = arith.addi %iota3A, %add3A_75 : vector<16xi32>
    %and3A_77 = arith.constant 15 : i32
    %and3A_78 = vector.broadcast %and3A_77 : i32 to vector<16xi32>
    %and3A_79 = arith.andi %add3A_76, %and3A_78 : vector<16xi32>
    %add3A_80 = arith.constant 13 : i32
    %add3A_81 = vector.broadcast %add3A_80 : i32 to vector<16xi32>
    %add3A_82 = arith.addi %iota3A, %add3A_81 : vector<16xi32>
    %and3A_83 = arith.constant 15 : i32
    %and3A_84 = vector.broadcast %and3A_83 : i32 to vector<16xi32>
    %and3A_85 = arith.andi %add3A_82, %and3A_84 : vector<16xi32>
    %add3A_86 = arith.constant 14 : i32
    %add3A_87 = vector.broadcast %add3A_86 : i32 to vector<16xi32>
    %add3A_88 = arith.addi %iota3A, %add3A_87 : vector<16xi32>
    %and3A_89 = arith.constant 15 : i32
    %and3A_90 = vector.broadcast %and3A_89 : i32 to vector<16xi32>
    %and3A_91 = arith.andi %add3A_88, %and3A_90 : vector<16xi32>
    %add3A_92 = arith.constant 15 : i32
    %add3A_93 = vector.broadcast %add3A_92 : i32 to vector<16xi32>
    %add3A_94 = arith.addi %iota3A, %add3A_93 : vector<16xi32>
    %and3A_95 = arith.constant 15 : i32
    %and3A_96 = vector.broadcast %and3A_95 : i32 to vector<16xi32>
    %and3A_97 = arith.andi %add3A_94, %and3A_96 : vector<16xi32>
    %dma_start3A = arith.constant 0 : i32
    %dma_start3A_98 = arith.constant 0 : i32
    %dma_start3A_99 = arith.constant 0 : i32
    %dma_start3A_100 = arith.constant 0 : i32
    %dma_start3A_101 = tpu.memref_slice %arg5[%dma_start3A, %dma_start3A_98, %dma_start3A_99, %dma_start3A_100] : memref<7x4x8x128xi32, #tpu.memory_space<vmem>> -> memref<1x1x1x128xi32, #tpu.memory_space<vmem>>
    %dma_start3A_102 = tpu.memref_squeeze %dma_start3A_101 : memref<1x1x1x128xi32, #tpu.memory_space<vmem>> -> memref<128xi32, #tpu.memory_space<vmem>>
    %dma_start3A_103 = arith.constant 0 : i32
    %dma_start3A_104 = arith.constant 0 : i32
    %dma_start3A_105 = tpu.memref_slice %arg3[%dma_start3A_103, %dma_start3A_104] : memref<1000000x64xf32, #tpu.memory_space<hbm>> -> memref<1000000x64xf32, #tpu.memory_space<hbm>>
    tpu.enqueue_indirect_dma source(%dma_start3A_105 : memref<1000000x64xf32, #tpu.memory_space<hbm>>) target(%arg6 : memref<128x64xf32, #tpu.memory_space<vmem>>) offsets(%dma_start3A_102 : memref<128xi32, #tpu.memory_space<vmem>>) semaphore(%arg10 : memref<!tpu.dma_semaphore, #tpu.memory_space<semaphore_mem>>)
    %dma_start3A_106 = arith.constant 0 : i32
    %dma_start3A_107 = arith.constant 1 : i32
    %dma_start3A_108 = arith.constant 0 : i32
    %dma_start3A_109 = arith.constant 0 : i32
    %dma_start3A_110 = tpu.memref_slice %arg5[%dma_start3A_106, %dma_start3A_107, %dma_start3A_108, %dma_start3A_109] : memref<7x4x8x128xi32, #tpu.memory_space<vmem>> -> memref<1x1x1x128xi32, #tpu.memory_space<vmem>>
    %dma_start3A_111 = tpu.memref_squeeze %dma_start3A_110 : memref<1x1x1x128xi32, #tpu.memory_space<vmem>> -> memref<128xi32, #tpu.memory_space<vmem>>
    %dma_start3A_112 = arith.constant 0 : i32
    %dma_start3A_113 = arith.constant 0 : i32
    %dma_start3A_114 = tpu.memref_slice %arg3[%dma_start3A_112, %dma_start3A_113] : memref<1000000x64xf32, #tpu.memory_space<hbm>> -> memref<1000000x64xf32, #tpu.memory_space<hbm>>
    tpu.enqueue_indirect_dma source(%dma_start3A_114 : memref<1000000x64xf32, #tpu.memory_space<hbm>>) target(%arg7 : memref<128x64xf32, #tpu.memory_space<vmem>>) offsets(%dma_start3A_111 : memref<128xi32, #tpu.memory_space<vmem>>) semaphore(%arg11 : memref<!tpu.dma_semaphore, #tpu.memory_space<semaphore_mem>>)
    %scan3A = arith.constant 0 : i32
    %scan3A_115 = arith.constant 100 : i32
    %scan3A_116 = arith.addi %scan3A, %scan3A_115 : i32
    %scan3A_117 = arith.constant 1 : i32
    scf.for %scan3A_130 = %scan3A to %scan3A_116 step %scan3A_117  : i32 {
      %mul3A_131 = arith.constant 2 : i32
      %mul3A_132 = arith.muli %scan3A_130, %mul3A_131 : i32
      %add3A_133 = arith.constant 0 : i32
      %add3A_134 = arith.addi %add3A_133, %mul3A_132 : i32
      %add3A_135 = arith.constant 0 : i32
      %add3A_136 = arith.addi %add3A_134, %add3A_135 : i32
      %dma_wait3A_137 = arith.constant 0 : i32
      %dma_wait3A_138 = arith.constant 0 : i32
      %dma_wait3A_139 = tpu.memref_slice %arg3[%dma_wait3A_137, %dma_wait3A_138] : memref<1000000x64xf32, #tpu.memory_space<hbm>> -> memref<128x64xf32, #tpu.memory_space<hbm>>
      %dma_wait3A_140 = arith.constant 0 : i32
      %dma_wait3A_141 = arith.constant 0 : i32
      %dma_wait3A_142 = tpu.memref_slice %arg3[%dma_wait3A_140, %dma_wait3A_141] : memref<1000000x64xf32, #tpu.memory_space<hbm>> -> memref<128x64xf32, #tpu.memory_space<hbm>>
      tpu.wait_dma2 semaphore(%arg10 : memref<!tpu.dma_semaphore, #tpu.memory_space<semaphore_mem>>) src(%dma_wait3A_142 : memref<128x64xf32, #tpu.memory_space<hbm>>) dst(%arg6 : memref<128x64xf32, #tpu.memory_space<vmem>>)
      %ge3A = arith.constant 2 : i32
      %ge3A_143 = arith.cmpi sge, %add3A_136, %ge3A : i32
      %convert_element_type3A = arith.extui %ge3A_143 : i1 to i32
      %cond3A = arith.constant 0 : i32
      %cond3A_144 = arith.cmpi ne, %convert_element_type3A, %cond3A : i32
      scf.if %cond3A_144 {
        %dma_wait3A_274 = arith.constant 0 : i32
        %dma_wait3A_275 = arith.constant 0 : i32
        %dma_wait3A_276 = tpu.memref_slice %arg3[%dma_wait3A_274, %dma_wait3A_275] : memref<1000000x64xf32, #tpu.memory_space<hbm>> -> memref<128x64xf32, #tpu.memory_space<hbm>>
        %dma_wait3A_277 = arith.constant 0 : i32
        %dma_wait3A_278 = arith.constant 0 : i32
        %dma_wait3A_279 = tpu.memref_slice %arg3[%dma_wait3A_277, %dma_wait3A_278] : memref<1000000x64xf32, #tpu.memory_space<hbm>> -> memref<128x64xf32, #tpu.memory_space<hbm>>
        tpu.wait_dma2 semaphore(%arg12 : memref<!tpu.dma_semaphore, #tpu.memory_space<semaphore_mem>>) src(%dma_wait3A_279 : memref<128x64xf32, #tpu.memory_space<hbm>>) dst(%arg6 : memref<128x64xf32, #tpu.memory_space<vmem>>)
      } else {
      }
      %parallel_loop3A = arith.constant 0 : i32
      %parallel_loop3A_145 = arith.constant 8 : i32
      %parallel_loop3A_146 = arith.constant 1 : i32
      scf.for %parallel_loop3A_274 = %parallel_loop3A to %parallel_loop3A_145 step %parallel_loop3A_146  : i32 {
        %parallel_loop3A_275 = arith.constant 16 : i32
        %parallel_loop3A_276 = arith.muli %parallel_loop3A_274, %parallel_loop3A_275 : i32
        %parallel_loop3A_277 = vector.broadcast %parallel_loop3A_276 : i32 to vector<16xi32>
        %parallel_loop3A_278 = arith.addi %iota3A, %parallel_loop3A_277 : vector<16xi32>
        %parallel_loop3A_279 = arith.constant 0 : i32
        %parallel_loop3A_280 = vector.broadcast %parallel_loop3A_279 : i32 to vector<16xi32>
        %parallel_loop3A_281 = arith.addi %and3A_7, %parallel_loop3A_280 : vector<16xi32>
        %parallel_loop3A_282 = tpu.vector_load_idx %arg6[%parallel_loop3A_278, %parallel_loop3A_281] : memref<128x64xf32, #tpu.memory_space<vmem>>[vector<16xi32>, vector<16xi32>], vector<16xf32>,
        %parallel_loop3A_283 = arith.constant 3 : i32
        %parallel_loop3A_284 = vector.broadcast %parallel_loop3A_283 : i32 to vector<16xi32>
        %parallel_loop3A_285 = arith.shrsi %parallel_loop3A_281, %parallel_loop3A_284 : vector<16xi32>
        %parallel_loop3A_286 = arith.constant 7 : i32
        %parallel_loop3A_287 = vector.broadcast %parallel_loop3A_286 : i32 to vector<16xi32>
        %parallel_loop3A_288 = arith.andi %parallel_loop3A_281, %parallel_loop3A_287 : vector<16xi32>
        tpu.vector_store_idx %arg8[%parallel_loop3A_285, %parallel_loop3A_288, %parallel_loop3A_278], %parallel_loop3A_282 : memref<8x8x128xf32, #tpu.memory_space<vmem>>[vector<16xi32>, vector<16xi32>, vector<16xi32>], vector<16xf32>,
        %parallel_loop3A_289 = arith.constant 0 : i32
        %parallel_loop3A_290 = vector.broadcast %parallel_loop3A_289 : i32 to vector<16xi32>
        %parallel_loop3A_291 = arith.addi %and3A_13, %parallel_loop3A_290 : vector<16xi32>
        %parallel_loop3A_292 = tpu.vector_load_idx %arg6[%parallel_loop3A_278, %parallel_loop3A_291] : memref<128x64xf32, #tpu.memory_space<vmem>>[vector<16xi32>, vector<16xi32>], vector<16xf32>,
        %parallel_loop3A_293 = arith.constant 3 : i32
        %parallel_loop3A_294 = vector.broadcast %parallel_loop3A_293 : i32 to vector<16xi32>
        %parallel_loop3A_295 = arith.shrsi %parallel_loop3A_291, %parallel_loop3A_294 : vector<16xi32>
        %parallel_loop3A_296 = arith.constant 7 : i32
        %parallel_loop3A_297 = vector.broadcast %parallel_loop3A_296 : i32 to vector<16xi32>
        %parallel_loop3A_298 = arith.andi %parallel_loop3A_291, %parallel_loop3A_297 : vector<16xi32>
        tpu.vector_store_idx %arg8[%parallel_loop3A_295, %parallel_loop3A_298, %parallel_loop3A_278], %parallel_loop3A_292 : memref<8x8x128xf32, #tpu.memory_space<vmem>>[vector<16xi32>, vector<16xi32>, vector<16xi32>], vector<16xf32>,
        %parallel_loop3A_299 = arith.constant 0 : i32
        %parallel_loop3A_300 = vector.broadcast %parallel_loop3A_299 : i32 to vector<16xi32>
        %parallel_loop3A_301 = arith.addi %and3A_19, %parallel_loop3A_300 : vector<16xi32>
        %parallel_loop3A_302 = tpu.vector_load_idx %arg6[%parallel_loop3A_278, %parallel_loop3A_301] : memref<128x64xf32, #tpu.memory_space<vmem>>[vector<16xi32>, vector<16xi32>], vector<16xf32>,
        %parallel_loop3A_303 = arith.constant 3 : i32
        %parallel_loop3A_304 = vector.broadcast %parallel_loop3A_303 : i32 to vector<16xi32>
        %parallel_loop3A_305 = arith.shrsi %parallel_loop3A_301, %parallel_loop3A_304 : vector<16xi32>
        %parallel_loop3A_306 = arith.constant 7 : i32
        %parallel_loop3A_307 = vector.broadcast %parallel_loop3A_306 : i32 to vector<16xi32>
        %parallel_loop3A_308 = arith.andi %parallel_loop3A_301, %parallel_loop3A_307 : vector<16xi32>
        tpu.vector_store_idx %arg8[%parallel_loop3A_305, %parallel_loop3A_308, %parallel_loop3A_278], %parallel_loop3A_302 : memref<8x8x128xf32, #tpu.memory_space<vmem>>[vector<16xi32>, vector<16xi32>, vector<16xi32>], vector<16xf32>,
        %parallel_loop3A_309 = arith.constant 0 : i32
        %parallel_loop3A_310 = vector.broadcast %parallel_loop3A_309 : i32 to vector<16xi32>
        %parallel_loop3A_311 = arith.addi %and3A_25, %parallel_loop3A_310 : vector<16xi32>
        %parallel_loop3A_312 = tpu.vector_load_idx %arg6[%parallel_loop3A_278, %parallel_loop3A_311] : memref<128x64xf32, #tpu.memory_space<vmem>>[vector<16xi32>, vector<16xi32>], vector<16xf32>,
        %parallel_loop3A_313 = arith.constant 3 : i32
        %parallel_loop3A_314 = vector.broadcast %parallel_loop3A_313 : i32 to vector<16xi32>
        %parallel_loop3A_315 = arith.shrsi %parallel_loop3A_311, %parallel_loop3A_314 : vector<16xi32>
        %parallel_loop3A_316 = arith.constant 7 : i32
        %parallel_loop3A_317 = vector.broadcast %parallel_loop3A_316 : i32 to vector<16xi32>
        %parallel_loop3A_318 = arith.andi %parallel_loop3A_311, %parallel_loop3A_317 : vector<16xi32>
        tpu.vector_store_idx %arg8[%parallel_loop3A_315, %parallel_loop3A_318, %parallel_loop3A_278], %parallel_loop3A_312 : memref<8x8x128xf32, #tpu.memory_space<vmem>>[vector<16xi32>, vector<16xi32>, vector<16xi32>], vector<16xf32>,
        %parallel_loop3A_319 = arith.constant 0 : i32
        %parallel_loop3A_320 = vector.broadcast %parallel_loop3A_319 : i32 to vector<16xi32>
        %parallel_loop3A_321 = arith.addi %and3A_31, %parallel_loop3A_320 : vector<16xi32>
        %parallel_loop3A_322 = tpu.vector_load_idx %arg6[%parallel_loop3A_278, %parallel_loop3A_321] : memref<128x64xf32, #tpu.memory_space<vmem>>[vector<16xi32>, vector<16xi32>], vector<16xf32>,
        %parallel_loop3A_323 = arith.constant 3 : i32
        %parallel_loop3A_324 = vector.broadcast %parallel_loop3A_323 : i32 to vector<16xi32>
        %parallel_loop3A_325 = arith.shrsi %parallel_loop3A_321, %parallel_loop3A_324 : vector<16xi32>
        %parallel_loop3A_326 = arith.constant 7 : i32
        %parallel_loop3A_327 = vector.broadcast %parallel_loop3A_326 : i32 to vector<16xi32>
        %parallel_loop3A_328 = arith.andi %parallel_loop3A_321, %parallel_loop3A_327 : vector<16xi32>
        tpu.vector_store_idx %arg8[%parallel_loop3A_325, %parallel_loop3A_328, %parallel_loop3A_278], %parallel_loop3A_322 : memref<8x8x128xf32, #tpu.memory_space<vmem>>[vector<16xi32>, vector<16xi32>, vector<16xi32>], vector<16xf32>,
        %parallel_loop3A_329 = arith.constant 0 : i32
        %parallel_loop3A_330 = vector.broadcast %parallel_loop3A_329 : i32 to vector<16xi32>
        %parallel_loop3A_331 = arith.addi %and3A_37, %parallel_loop3A_330 : vector<16xi32>
        %parallel_loop3A_332 = tpu.vector_load_idx %arg6[%parallel_loop3A_278, %parallel_loop3A_331] : memref<128x64xf32, #tpu.memory_space<vmem>>[vector<16xi32>, vector<16xi32>], vector<16xf32>,
        %parallel_loop3A_333 = arith.constant 3 : i32
        %parallel_loop3A_334 = vector.broadcast %parallel_loop3A_333 : i32 to vector<16xi32>
        %parallel_loop3A_335 = arith.shrsi %parallel_loop3A_331, %parallel_loop3A_334 : vector<16xi32>
        %parallel_loop3A_336 = arith.constant 7 : i32
        %parallel_loop3A_337 = vector.broadcast %parallel_loop3A_336 : i32 to vector<16xi32>
        %parallel_loop3A_338 = arith.andi %parallel_loop3A_331, %parallel_loop3A_337 : vector<16xi32>
        tpu.vector_store_idx %arg8[%parallel_loop3A_335, %parallel_loop3A_338, %parallel_loop3A_278], %parallel_loop3A_332 : memref<8x8x128xf32, #tpu.memory_space<vmem>>[vector<16xi32>, vector<16xi32>, vector<16xi32>], vector<16xf32>,
        %parallel_loop3A_339 = arith.constant 0 : i32
        %parallel_loop3A_340 = vector.broadcast %parallel_loop3A_339 : i32 to vector<16xi32>
        %parallel_loop3A_341 = arith.addi %and3A_43, %parallel_loop3A_340 : vector<16xi32>
        %parallel_loop3A_342 = tpu.vector_load_idx %arg6[%parallel_loop3A_278, %parallel_loop3A_341] : memref<128x64xf32, #tpu.memory_space<vmem>>[vector<16xi32>, vector<16xi32>], vector<16xf32>,
        %parallel_loop3A_343 = arith.constant 3 : i32
        %parallel_loop3A_344 = vector.broadcast %parallel_loop3A_343 : i32 to vector<16xi32>
        %parallel_loop3A_345 = arith.shrsi %parallel_loop3A_341, %parallel_loop3A_344 : vector<16xi32>
        %parallel_loop3A_346 = arith.constant 7 : i32
        %parallel_loop3A_347 = vector.broadcast %parallel_loop3A_346 : i32 to vector<16xi32>
        %parallel_loop3A_348 = arith.andi %parallel_loop3A_341, %parallel_loop3A_347 : vector<16xi32>
        tpu.vector_store_idx %arg8[%parallel_loop3A_345, %parallel_loop3A_348, %parallel_loop3A_278], %parallel_loop3A_342 : memref<8x8x128xf32, #tpu.memory_space<vmem>>[vector<16xi32>, vector<16xi32>, vector<16xi32>], vector<16xf32>,
        %parallel_loop3A_349 = arith.constant 0 : i32
        %parallel_loop3A_350 = vector.broadcast %parallel_loop3A_349 : i32 to vector<16xi32>
        %parallel_loop3A_351 = arith.addi %and3A_49, %parallel_loop3A_350 : vector<16xi32>
        %parallel_loop3A_352 = tpu.vector_load_idx %arg6[%parallel_loop3A_278, %parallel_loop3A_351] : memref<128x64xf32, #tpu.memory_space<vmem>>[vector<16xi32>, vector<16xi32>], vector<16xf32>,
        %parallel_loop3A_353 = arith.constant 3 : i32
        %parallel_loop3A_354 = vector.broadcast %parallel_loop3A_353 : i32 to vector<16xi32>
        %parallel_loop3A_355 = arith.shrsi %parallel_loop3A_351, %parallel_loop3A_354 : vector<16xi32>
        %parallel_loop3A_356 = arith.constant 7 : i32
        %parallel_loop3A_357 = vector.broadcast %parallel_loop3A_356 : i32 to vector<16xi32>
        %parallel_loop3A_358 = arith.andi %parallel_loop3A_351, %parallel_loop3A_357 : vector<16xi32>
        tpu.vector_store_idx %arg8[%parallel_loop3A_355, %parallel_loop3A_358, %parallel_loop3A_278], %parallel_loop3A_352 : memref<8x8x128xf32, #tpu.memory_space<vmem>>[vector<16xi32>, vector<16xi32>, vector<16xi32>], vector<16xf32>,
        %parallel_loop3A_359 = arith.constant 0 : i32
        %parallel_loop3A_360 = vector.broadcast %parallel_loop3A_359 : i32 to vector<16xi32>
        %parallel_loop3A_361 = arith.addi %and3A_55, %parallel_loop3A_360 : vector<16xi32>
        %parallel_loop3A_362 = tpu.vector_load_idx %arg6[%parallel_loop3A_278, %parallel_loop3A_361] : memref<128x64xf32, #tpu.memory_space<vmem>>[vector<16xi32>, vector<16xi32>], vector<16xf32>,
        %parallel_loop3A_363 = arith.constant 3 : i32
        %parallel_loop3A_364 = vector.broadcast %parallel_loop3A_363 : i32 to vector<16xi32>
        %parallel_loop3A_365 = arith.shrsi %parallel_loop3A_361, %parallel_loop3A_364 : vector<16xi32>
        %parallel_loop3A_366 = arith.constant 7 : i32
        %parallel_loop3A_367 = vector.broadcast %parallel_loop3A_366 : i32 to vector<16xi32>
        %parallel_loop3A_368 = arith.andi %parallel_loop3A_361, %parallel_loop3A_367 : vector<16xi32>
        tpu.vector_store_idx %arg8[%parallel_loop3A_365, %parallel_loop3A_368, %parallel_loop3A_278], %parallel_loop3A_362 : memref<8x8x128xf32, #tpu.memory_space<vmem>>[vector<16xi32>, vector<16xi32>, vector<16xi32>], vector<16xf32>,
        %parallel_loop3A_369 = arith.constant 0 : i32
        %parallel_loop3A_370 = vector.broadcast %parallel_loop3A_369 : i32 to vector<16xi32>
        %parallel_loop3A_371 = arith.addi %and3A_61, %parallel_loop3A_370 : vector<16xi32>
        %parallel_loop3A_372 = tpu.vector_load_idx %arg6[%parallel_loop3A_278, %parallel_loop3A_371] : memref<128x64xf32, #tpu.memory_space<vmem>>[vector<16xi32>, vector<16xi32>], vector<16xf32>,
        %parallel_loop3A_373 = arith.constant 3 : i32
        %parallel_loop3A_374 = vector.broadcast %parallel_loop3A_373 : i32 to vector<16xi32>
        %parallel_loop3A_375 = arith.shrsi %parallel_loop3A_371, %parallel_loop3A_374 : vector<16xi32>
        %parallel_loop3A_376 = arith.constant 7 : i32
        %parallel_loop3A_377 = vector.broadcast %parallel_loop3A_376 : i32 to vector<16xi32>
        %parallel_loop3A_378 = arith.andi %parallel_loop3A_371, %parallel_loop3A_377 : vector<16xi32>
        tpu.vector_store_idx %arg8[%parallel_loop3A_375, %parallel_loop3A_378, %parallel_loop3A_278], %parallel_loop3A_372 : memref<8x8x128xf32, #tpu.memory_space<vmem>>[vector<16xi32>, vector<16xi32>, vector<16xi32>], vector<16xf32>,
        %parallel_loop3A_379 = arith.constant 0 : i32
        %parallel_loop3A_380 = vector.broadcast %parallel_loop3A_379 : i32 to vector<16xi32>
        %parallel_loop3A_381 = arith.addi %and3A_67, %parallel_loop3A_380 : vector<16xi32>
        %parallel_loop3A_382 = tpu.vector_load_idx %arg6[%parallel_loop3A_278, %parallel_loop3A_381] : memref<128x64xf32, #tpu.memory_space<vmem>>[vector<16xi32>, vector<16xi32>], vector<16xf32>,
        %parallel_loop3A_383 = arith.constant 3 : i32
        %parallel_loop3A_384 = vector.broadcast %parallel_loop3A_383 : i32 to vector<16xi32>
        %parallel_loop3A_385 = arith.shrsi %parallel_loop3A_381, %parallel_loop3A_384 : vector<16xi32>
        %parallel_loop3A_386 = arith.constant 7 : i32
        %parallel_loop3A_387 = vector.broadcast %parallel_loop3A_386 : i32 to vector<16xi32>
        %parallel_loop3A_388 = arith.andi %parallel_loop3A_381, %parallel_loop3A_387 : vector<16xi32>
        tpu.vector_store_idx %arg8[%parallel_loop3A_385, %parallel_loop3A_388, %parallel_loop3A_278], %parallel_loop3A_382 : memref<8x8x128xf32, #tpu.memory_space<vmem>>[vector<16xi32>, vector<16xi32>, vector<16xi32>], vector<16xf32>,
        %parallel_loop3A_389 = arith.constant 0 : i32
        %parallel_loop3A_390 = vector.broadcast %parallel_loop3A_389 : i32 to vector<16xi32>
        %parallel_loop3A_391 = arith.addi %and3A_73, %parallel_loop3A_390 : vector<16xi32>
        %parallel_loop3A_392 = tpu.vector_load_idx %arg6[%parallel_loop3A_278, %parallel_loop3A_391] : memref<128x64xf32, #tpu.memory_space<vmem>>[vector<16xi32>, vector<16xi32>], vector<16xf32>,
        %parallel_loop3A_393 = arith.constant 3 : i32
        %parallel_loop3A_394 = vector.broadcast %parallel_loop3A_393 : i32 to vector<16xi32>
        %parallel_loop3A_395 = arith.shrsi %parallel_loop3A_391, %parallel_loop3A_394 : vector<16xi32>
        %parallel_loop3A_396 = arith.constant 7 : i32
        %parallel_loop3A_397 = vector.broadcast %parallel_loop3A_396 : i32 to vector<16xi32>
        %parallel_loop3A_398 = arith.andi %parallel_loop3A_391, %parallel_loop3A_397 : vector<16xi32>
        tpu.vector_store_idx %arg8[%parallel_loop3A_395, %parallel_loop3A_398, %parallel_loop3A_278], %parallel_loop3A_392 : memref<8x8x128xf32, #tpu.memory_space<vmem>>[vector<16xi32>, vector<16xi32>, vector<16xi32>], vector<16xf32>,
        %parallel_loop3A_399 = arith.constant 0 : i32
        %parallel_loop3A_400 = vector.broadcast %parallel_loop3A_399 : i32 to vector<16xi32>
        %parallel_loop3A_401 = arith.addi %and3A_79, %parallel_loop3A_400 : vector<16xi32>
        %parallel_loop3A_402 = tpu.vector_load_idx %arg6[%parallel_loop3A_278, %parallel_loop3A_401] : memref<128x64xf32, #tpu.memory_space<vmem>>[vector<16xi32>, vector<16xi32>], vector<16xf32>,
        %parallel_loop3A_403 = arith.constant 3 : i32
        %parallel_loop3A_404 = vector.broadcast %parallel_loop3A_403 : i32 to vector<16xi32>
        %parallel_loop3A_405 = arith.shrsi %parallel_loop3A_401, %parallel_loop3A_404 : vector<16xi32>
        %parallel_loop3A_406 = arith.constant 7 : i32
        %parallel_loop3A_407 = vector.broadcast %parallel_loop3A_406 : i32 to vector<16xi32>
        %parallel_loop3A_408 = arith.andi %parallel_loop3A_401, %parallel_loop3A_407 : vector<16xi32>
        tpu.vector_store_idx %arg8[%parallel_loop3A_405, %parallel_loop3A_408, %parallel_loop3A_278], %parallel_loop3A_402 : memref<8x8x128xf32, #tpu.memory_space<vmem>>[vector<16xi32>, vector<16xi32>, vector<16xi32>], vector<16xf32>,
        %parallel_loop3A_409 = arith.constant 0 : i32
        %parallel_loop3A_410 = vector.broadcast %parallel_loop3A_409 : i32 to vector<16xi32>
        %parallel_loop3A_411 = arith.addi %and3A_85, %parallel_loop3A_410 : vector<16xi32>
        %parallel_loop3A_412 = tpu.vector_load_idx %arg6[%parallel_loop3A_278, %parallel_loop3A_411] : memref<128x64xf32, #tpu.memory_space<vmem>>[vector<16xi32>, vector<16xi32>], vector<16xf32>,
        %parallel_loop3A_413 = arith.constant 3 : i32
        %parallel_loop3A_414 = vector.broadcast %parallel_loop3A_413 : i32 to vector<16xi32>
        %parallel_loop3A_415 = arith.shrsi %parallel_loop3A_411, %parallel_loop3A_414 : vector<16xi32>
        %parallel_loop3A_416 = arith.constant 7 : i32
        %parallel_loop3A_417 = vector.broadcast %parallel_loop3A_416 : i32 to vector<16xi32>
        %parallel_loop3A_418 = arith.andi %parallel_loop3A_411, %parallel_loop3A_417 : vector<16xi32>
        tpu.vector_store_idx %arg8[%parallel_loop3A_415, %parallel_loop3A_418, %parallel_loop3A_278], %parallel_loop3A_412 : memref<8x8x128xf32, #tpu.memory_space<vmem>>[vector<16xi32>, vector<16xi32>, vector<16xi32>], vector<16xf32>,
        %parallel_loop3A_419 = arith.constant 0 : i32
        %parallel_loop3A_420 = vector.broadcast %parallel_loop3A_419 : i32 to vector<16xi32>
        %parallel_loop3A_421 = arith.addi %and3A_91, %parallel_loop3A_420 : vector<16xi32>
        %parallel_loop3A_422 = tpu.vector_load_idx %arg6[%parallel_loop3A_278, %parallel_loop3A_421] : memref<128x64xf32, #tpu.memory_space<vmem>>[vector<16xi32>, vector<16xi32>], vector<16xf32>,
        %parallel_loop3A_423 = arith.constant 3 : i32
        %parallel_loop3A_424 = vector.broadcast %parallel_loop3A_423 : i32 to vector<16xi32>
        %parallel_loop3A_425 = arith.shrsi %parallel_loop3A_421, %parallel_loop3A_424 : vector<16xi32>
        %parallel_loop3A_426 = arith.constant 7 : i32
        %parallel_loop3A_427 = vector.broadcast %parallel_loop3A_426 : i32 to vector<16xi32>
        %parallel_loop3A_428 = arith.andi %parallel_loop3A_421, %parallel_loop3A_427 : vector<16xi32>
        tpu.vector_store_idx %arg8[%parallel_loop3A_425, %parallel_loop3A_428, %parallel_loop3A_278], %parallel_loop3A_422 : memref<8x8x128xf32, #tpu.memory_space<vmem>>[vector<16xi32>, vector<16xi32>, vector<16xi32>], vector<16xf32>,
        %parallel_loop3A_429 = arith.constant 0 : i32
        %parallel_loop3A_430 = vector.broadcast %parallel_loop3A_429 : i32 to vector<16xi32>
        %parallel_loop3A_431 = arith.addi %and3A_97, %parallel_loop3A_430 : vector<16xi32>
        %parallel_loop3A_432 = tpu.vector_load_idx %arg6[%parallel_loop3A_278, %parallel_loop3A_431] : memref<128x64xf32, #tpu.memory_space<vmem>>[vector<16xi32>, vector<16xi32>], vector<16xf32>,
        %parallel_loop3A_433 = arith.constant 3 : i32
        %parallel_loop3A_434 = vector.broadcast %parallel_loop3A_433 : i32 to vector<16xi32>
        %parallel_loop3A_435 = arith.shrsi %parallel_loop3A_431, %parallel_loop3A_434 : vector<16xi32>
        %parallel_loop3A_436 = arith.constant 7 : i32
        %parallel_loop3A_437 = vector.broadcast %parallel_loop3A_436 : i32 to vector<16xi32>
        %parallel_loop3A_438 = arith.andi %parallel_loop3A_431, %parallel_loop3A_437 : vector<16xi32>
        tpu.vector_store_idx %arg8[%parallel_loop3A_435, %parallel_loop3A_438, %parallel_loop3A_278], %parallel_loop3A_432 : memref<8x8x128xf32, #tpu.memory_space<vmem>>[vector<16xi32>, vector<16xi32>, vector<16xi32>], vector<16xf32>,
        %parallel_loop3A_439 = arith.constant 16 : i32
        %parallel_loop3A_440 = vector.broadcast %parallel_loop3A_439 : i32 to vector<16xi32>
        %parallel_loop3A_441 = arith.addi %and3A_7, %parallel_loop3A_440 : vector<16xi32>
        %parallel_loop3A_442 = tpu.vector_load_idx %arg6[%parallel_loop3A_278, %parallel_loop3A_441] : memref<128x64xf32, #tpu.memory_space<vmem>>[vector<16xi32>, vector<16xi32>], vector<16xf32>,
        %parallel_loop3A_443 = arith.constant 3 : i32
        %parallel_loop3A_444 = vector.broadcast %parallel_loop3A_443 : i32 to vector<16xi32>
        %parallel_loop3A_445 = arith.shrsi %parallel_loop3A_441, %parallel_loop3A_444 : vector<16xi32>
        %parallel_loop3A_446 = arith.constant 7 : i32
        %parallel_loop3A_447 = vector.broadcast %parallel_loop3A_446 : i32 to vector<16xi32>
        %parallel_loop3A_448 = arith.andi %parallel_loop3A_441, %parallel_loop3A_447 : vector<16xi32>
        tpu.vector_store_idx %arg8[%parallel_loop3A_445, %parallel_loop3A_448, %parallel_loop3A_278], %parallel_loop3A_442 : memref<8x8x128xf32, #tpu.memory_space<vmem>>[vector<16xi32>, vector<16xi32>, vector<16xi32>], vector<16xf32>,
        %parallel_loop3A_449 = arith.constant 16 : i32
        %parallel_loop3A_450 = vector.broadcast %parallel_loop3A_449 : i32 to vector<16xi32>
        %parallel_loop3A_451 = arith.addi %and3A_13, %parallel_loop3A_450 : vector<16xi32>
        %parallel_loop3A_452 = tpu.vector_load_idx %arg6[%parallel_loop3A_278, %parallel_loop3A_451] : memref<128x64xf32, #tpu.memory_space<vmem>>[vector<16xi32>, vector<16xi32>], vector<16xf32>,
        %parallel_loop3A_453 = arith.constant 3 : i32
        %parallel_loop3A_454 = vector.broadcast %parallel_loop3A_453 : i32 to vector<16xi32>
        %parallel_loop3A_455 = arith.shrsi %parallel_loop3A_451, %parallel_loop3A_454 : vector<16xi32>
        %parallel_loop3A_456 = arith.constant 7 : i32
        %parallel_loop3A_457 = vector.broadcast %parallel_loop3A_456 : i32 to vector<16xi32>
        %parallel_loop3A_458 = arith.andi %parallel_loop3A_451, %parallel_loop3A_457 : vector<16xi32>
        tpu.vector_store_idx %arg8[%parallel_loop3A_455, %parallel_loop3A_458, %parallel_loop3A_278], %parallel_loop3A_452 : memref<8x8x128xf32, #tpu.memory_space<vmem>>[vector<16xi32>, vector<16xi32>, vector<16xi32>], vector<16xf32>,
        %parallel_loop3A_459 = arith.constant 16 : i32
        %parallel_loop3A_460 = vector.broadcast %parallel_loop3A_459 : i32 to vector<16xi32>
        %parallel_loop3A_461 = arith.addi %and3A_19, %parallel_loop3A_460 : vector<16xi32>
        %parallel_loop3A_462 = tpu.vector_load_idx %arg6[%parallel_loop3A_278, %parallel_loop3A_461] : memref<128x64xf32, #tpu.memory_space<vmem>>[vector<16xi32>, vector<16xi32>], vector<16xf32>,
        %parallel_loop3A_463 = arith.constant 3 : i32
        %parallel_loop3A_464 = vector.broadcast %parallel_loop3A_463 : i32 to vector<16xi32>
        %parallel_loop3A_465 = arith.shrsi %parallel_loop3A_461, %parallel_loop3A_464 : vector<16xi32>
        %parallel_loop3A_466 = arith.constant 7 : i32
        %parallel_loop3A_467 = vector.broadcast %parallel_loop3A_466 : i32 to vector<16xi32>
        %parallel_loop3A_468 = arith.andi %parallel_loop3A_461, %parallel_loop3A_467 : vector<16xi32>
        tpu.vector_store_idx %arg8[%parallel_loop3A_465, %parallel_loop3A_468, %parallel_loop3A_278], %parallel_loop3A_462 : memref<8x8x128xf32, #tpu.memory_space<vmem>>[vector<16xi32>, vector<16xi32>, vector<16xi32>], vector<16xf32>,
        %parallel_loop3A_469 = arith.constant 16 : i32
        %parallel_loop3A_470 = vector.broadcast %parallel_loop3A_469 : i32 to vector<16xi32>
        %parallel_loop3A_471 = arith.addi %and3A_25, %parallel_loop3A_470 : vector<16xi32>
        %parallel_loop3A_472 = tpu.vector_load_idx %arg6[%parallel_loop3A_278, %parallel_loop3A_471] : memref<128x64xf32, #tpu.memory_space<vmem>>[vector<16xi32>, vector<16xi32>], vector<16xf32>,
        %parallel_loop3A_473 = arith.constant 3 : i32
        %parallel_loop3A_474 = vector.broadcast %parallel_loop3A_473 : i32 to vector<16xi32>
        %parallel_loop3A_475 = arith.shrsi %parallel_loop3A_471, %parallel_loop3A_474 : vector<16xi32>
        %parallel_loop3A_476 = arith.constant 7 : i32
        %parallel_loop3A_477 = vector.broadcast %parallel_loop3A_476 : i32 to vector<16xi32>
        %parallel_loop3A_478 = arith.andi %parallel_loop3A_471, %parallel_loop3A_477 : vector<16xi32>
        tpu.vector_store_idx %arg8[%parallel_loop3A_475, %parallel_loop3A_478, %parallel_loop3A_278], %parallel_loop3A_472 : memref<8x8x128xf32, #tpu.memory_space<vmem>>[vector<16xi32>, vector<16xi32>, vector<16xi32>], vector<16xf32>,
        %parallel_loop3A_479 = arith.constant 16 : i32
        %parallel_loop3A_480 = vector.broadcast %parallel_loop3A_479 : i32 to vector<16xi32>
        %parallel_loop3A_481 = arith.addi %and3A_31, %parallel_loop3A_480 : vector<16xi32>
        %parallel_loop3A_482 = tpu.vector_load_idx %arg6[%parallel_loop3A_278, %parallel_loop3A_481] : memref<128x64xf32, #tpu.memory_space<vmem>>[vector<16xi32>, vector<16xi32>], vector<16xf32>,
        %parallel_loop3A_483 = arith.constant 3 : i32
        %parallel_loop3A_484 = vector.broadcast %parallel_loop3A_483 : i32 to vector<16xi32>
        %parallel_loop3A_485 = arith.shrsi %parallel_loop3A_481, %parallel_loop3A_484 : vector<16xi32>
        %parallel_loop3A_486 = arith.constant 7 : i32
        %parallel_loop3A_487 = vector.broadcast %parallel_loop3A_486 : i32 to vector<16xi32>
        %parallel_loop3A_488 = arith.andi %parallel_loop3A_481, %parallel_loop3A_487 : vector<16xi32>
        tpu.vector_store_idx %arg8[%parallel_loop3A_485, %parallel_loop3A_488, %parallel_loop3A_278], %parallel_loop3A_482 : memref<8x8x128xf32, #tpu.memory_space<vmem>>[vector<16xi32>, vector<16xi32>, vector<16xi32>], vector<16xf32>,
        %parallel_loop3A_489 = arith.constant 16 : i32
        %parallel_loop3A_490 = vector.broadcast %parallel_loop3A_489 : i32 to vector<16xi32>
        %parallel_loop3A_491 = arith.addi %and3A_37, %parallel_loop3A_490 : vector<16xi32>
        %parallel_loop3A_492 = tpu.vector_load_idx %arg6[%parallel_loop3A_278, %parallel_loop3A_491] : memref<128x64xf32, #tpu.memory_space<vmem>>[vector<16xi32>, vector<16xi32>], vector<16xf32>,
        %parallel_loop3A_493 = arith.constant 3 : i32
        %parallel_loop3A_494 = vector.broadcast %parallel_loop3A_493 : i32 to vector<16xi32>
        %parallel_loop3A_495 = arith.shrsi %parallel_loop3A_491, %parallel_loop3A_494 : vector<16xi32>
        %parallel_loop3A_496 = arith.constant 7 : i32
        %parallel_loop3A_497 = vector.broadcast %parallel_loop3A_496 : i32 to vector<16xi32>
        %parallel_loop3A_498 = arith.andi %parallel_loop3A_491, %parallel_loop3A_497 : vector<16xi32>
        tpu.vector_store_idx %arg8[%parallel_loop3A_495, %parallel_loop3A_498, %parallel_loop3A_278], %parallel_loop3A_492 : memref<8x8x128xf32, #tpu.memory_space<vmem>>[vector<16xi32>, vector<16xi32>, vector<16xi32>], vector<16xf32>,
        %parallel_loop3A_499 = arith.constant 16 : i32
        %parallel_loop3A_500 = vector.broadcast %parallel_loop3A_499 : i32 to vector<16xi32>
        %parallel_loop3A_501 = arith.addi %and3A_43, %parallel_loop3A_500 : vector<16xi32>
        %parallel_loop3A_502 = tpu.vector_load_idx %arg6[%parallel_loop3A_278, %parallel_loop3A_501] : memref<128x64xf32, #tpu.memory_space<vmem>>[vector<16xi32>, vector<16xi32>], vector<16xf32>,
        %parallel_loop3A_503 = arith.constant 3 : i32
        %parallel_loop3A_504 = vector.broadcast %parallel_loop3A_503 : i32 to vector<16xi32>
        %parallel_loop3A_505 = arith.shrsi %parallel_loop3A_501, %parallel_loop3A_504 : vector<16xi32>
        %parallel_loop3A_506 = arith.constant 7 : i32
        %parallel_loop3A_507 = vector.broadcast %parallel_loop3A_506 : i32 to vector<16xi32>
        %parallel_loop3A_508 = arith.andi %parallel_loop3A_501, %parallel_loop3A_507 : vector<16xi32>
        tpu.vector_store_idx %arg8[%parallel_loop3A_505, %parallel_loop3A_508, %parallel_loop3A_278], %parallel_loop3A_502 : memref<8x8x128xf32, #tpu.memory_space<vmem>>[vector<16xi32>, vector<16xi32>, vector<16xi32>], vector<16xf32>,
        %parallel_loop3A_509 = arith.constant 16 : i32
        %parallel_loop3A_510 = vector.broadcast %parallel_loop3A_509 : i32 to vector<16xi32>
        %parallel_loop3A_511 = arith.addi %and3A_49, %parallel_loop3A_510 : vector<16xi32>
        %parallel_loop3A_512 = tpu.vector_load_idx %arg6[%parallel_loop3A_278, %parallel_loop3A_511] : memref<128x64xf32, #tpu.memory_space<vmem>>[vector<16xi32>, vector<16xi32>], vector<16xf32>,
        %parallel_loop3A_513 = arith.constant 3 : i32
        %parallel_loop3A_514 = vector.broadcast %parallel_loop3A_513 : i32 to vector<16xi32>
        %parallel_loop3A_515 = arith.shrsi %parallel_loop3A_511, %parallel_loop3A_514 : vector<16xi32>
        %parallel_loop3A_516 = arith.constant 7 : i32
        %parallel_loop3A_517 = vector.broadcast %parallel_loop3A_516 : i32 to vector<16xi32>
        %parallel_loop3A_518 = arith.andi %parallel_loop3A_511, %parallel_loop3A_517 : vector<16xi32>
        tpu.vector_store_idx %arg8[%parallel_loop3A_515, %parallel_loop3A_518, %parallel_loop3A_278], %parallel_loop3A_512 : memref<8x8x128xf32, #tpu.memory_space<vmem>>[vector<16xi32>, vector<16xi32>, vector<16xi32>], vector<16xf32>,
        %parallel_loop3A_519 = arith.constant 16 : i32
        %parallel_loop3A_520 = vector.broadcast %parallel_loop3A_519 : i32 to vector<16xi32>
        %parallel_loop3A_521 = arith.addi %and3A_55, %parallel_loop3A_520 : vector<16xi32>
        %parallel_loop3A_522 = tpu.vector_load_idx %arg6[%parallel_loop3A_278, %parallel_loop3A_521] : memref<128x64xf32, #tpu.memory_space<vmem>>[vector<16xi32>, vector<16xi32>], vector<16xf32>,
        %parallel_loop3A_523 = arith.constant 3 : i32
        %parallel_loop3A_524 = vector.broadcast %parallel_loop3A_523 : i32 to vector<16xi32>
        %parallel_loop3A_525 = arith.shrsi %parallel_loop3A_521, %parallel_loop3A_524 : vector<16xi32>
        %parallel_loop3A_526 = arith.constant 7 : i32
        %parallel_loop3A_527 = vector.broadcast %parallel_loop3A_526 : i32 to vector<16xi32>
        %parallel_loop3A_528 = arith.andi %parallel_loop3A_521, %parallel_loop3A_527 : vector<16xi32>
        tpu.vector_store_idx %arg8[%parallel_loop3A_525, %parallel_loop3A_528, %parallel_loop3A_278], %parallel_loop3A_522 : memref<8x8x128xf32, #tpu.memory_space<vmem>>[vector<16xi32>, vector<16xi32>, vector<16xi32>], vector<16xf32>,
        %parallel_loop3A_529 = arith.constant 16 : i32
        %parallel_loop3A_530 = vector.broadcast %parallel_loop3A_529 : i32 to vector<16xi32>
        %parallel_loop3A_531 = arith.addi %and3A_61, %parallel_loop3A_530 : vector<16xi32>
        %parallel_loop3A_532 = tpu.vector_load_idx %arg6[%parallel_loop3A_278, %parallel_loop3A_531] : memref<128x64xf32, #tpu.memory_space<vmem>>[vector<16xi32>, vector<16xi32>], vector<16xf32>,
        %parallel_loop3A_533 = arith.constant 3 : i32
        %parallel_loop3A_534 = vector.broadcast %parallel_loop3A_533 : i32 to vector<16xi32>
        %parallel_loop3A_535 = arith.shrsi %parallel_loop3A_531, %parallel_loop3A_534 : vector<16xi32>
        %parallel_loop3A_536 = arith.constant 7 : i32
        %parallel_loop3A_537 = vector.broadcast %parallel_loop3A_536 : i32 to vector<16xi32>
        %parallel_loop3A_538 = arith.andi %parallel_loop3A_531, %parallel_loop3A_537 : vector<16xi32>
        tpu.vector_store_idx %arg8[%parallel_loop3A_535, %parallel_loop3A_538, %parallel_loop3A_278], %parallel_loop3A_532 : memref<8x8x128xf32, #tpu.memory_space<vmem>>[vector<16xi32>, vector<16xi32>, vector<16xi32>], vector<16xf32>,
        %parallel_loop3A_539 = arith.constant 16 : i32
        %parallel_loop3A_540 = vector.broadcast %parallel_loop3A_539 : i32 to vector<16xi32>
        %parallel_loop3A_541 = arith.addi %and3A_67, %parallel_loop3A_540 : vector<16xi32>
        %parallel_loop3A_542 = tpu.vector_load_idx %arg6[%parallel_loop3A_278, %parallel_loop3A_541] : memref<128x64xf32, #tpu.memory_space<vmem>>[vector<16xi32>, vector<16xi32>], vector<16xf32>,
        %parallel_loop3A_543 = arith.constant 3 : i32
        %parallel_loop3A_544 = vector.broadcast %parallel_loop3A_543 : i32 to vector<16xi32>
        %parallel_loop3A_545 = arith.shrsi %parallel_loop3A_541, %parallel_loop3A_544 : vector<16xi32>
        %parallel_loop3A_546 = arith.constant 7 : i32
        %parallel_loop3A_547 = vector.broadcast %parallel_loop3A_546 : i32 to vector<16xi32>
        %parallel_loop3A_548 = arith.andi %parallel_loop3A_541, %parallel_loop3A_547 : vector<16xi32>
        tpu.vector_store_idx %arg8[%parallel_loop3A_545, %parallel_loop3A_548, %parallel_loop3A_278], %parallel_loop3A_542 : memref<8x8x128xf32, #tpu.memory_space<vmem>>[vector<16xi32>, vector<16xi32>, vector<16xi32>], vector<16xf32>,
        %parallel_loop3A_549 = arith.constant 16 : i32
        %parallel_loop3A_550 = vector.broadcast %parallel_loop3A_549 : i32 to vector<16xi32>
        %parallel_loop3A_551 = arith.addi %and3A_73, %parallel_loop3A_550 : vector<16xi32>
        %parallel_loop3A_552 = tpu.vector_load_idx %arg6[%parallel_loop3A_278, %parallel_loop3A_551] : memref<128x64xf32, #tpu.memory_space<vmem>>[vector<16xi32>, vector<16xi32>], vector<16xf32>,
        %parallel_loop3A_553 = arith.constant 3 : i32
        %parallel_loop3A_554 = vector.broadcast %parallel_loop3A_553 : i32 to vector<16xi32>
        %parallel_loop3A_555 = arith.shrsi %parallel_loop3A_551, %parallel_loop3A_554 : vector<16xi32>
        %parallel_loop3A_556 = arith.constant 7 : i32
        %parallel_loop3A_557 = vector.broadcast %parallel_loop3A_556 : i32 to vector<16xi32>
        %parallel_loop3A_558 = arith.andi %parallel_loop3A_551, %parallel_loop3A_557 : vector<16xi32>
        tpu.vector_store_idx %arg8[%parallel_loop3A_555, %parallel_loop3A_558, %parallel_loop3A_278], %parallel_loop3A_552 : memref<8x8x128xf32, #tpu.memory_space<vmem>>[vector<16xi32>, vector<16xi32>, vector<16xi32>], vector<16xf32>,
        %parallel_loop3A_559 = arith.constant 16 : i32
        %parallel_loop3A_560 = vector.broadcast %parallel_loop3A_559 : i32 to vector<16xi32>
        %parallel_loop3A_561 = arith.addi %and3A_79, %parallel_loop3A_560 : vector<16xi32>
        %parallel_loop3A_562 = tpu.vector_load_idx %arg6[%parallel_loop3A_278, %parallel_loop3A_561] : memref<128x64xf32, #tpu.memory_space<vmem>>[vector<16xi32>, vector<16xi32>], vector<16xf32>,
        %parallel_loop3A_563 = arith.constant 3 : i32
        %parallel_loop3A_564 = vector.broadcast %parallel_loop3A_563 : i32 to vector<16xi32>
        %parallel_loop3A_565 = arith.shrsi %parallel_loop3A_561, %parallel_loop3A_564 : vector<16xi32>
        %parallel_loop3A_566 = arith.constant 7 : i32
        %parallel_loop3A_567 = vector.broadcast %parallel_loop3A_566 : i32 to vector<16xi32>
        %parallel_loop3A_568 = arith.andi %parallel_loop3A_561, %parallel_loop3A_567 : vector<16xi32>
        tpu.vector_store_idx %arg8[%parallel_loop3A_565, %parallel_loop3A_568, %parallel_loop3A_278], %parallel_loop3A_562 : memref<8x8x128xf32, #tpu.memory_space<vmem>>[vector<16xi32>, vector<16xi32>, vector<16xi32>], vector<16xf32>,
        %parallel_loop3A_569 = arith.constant 16 : i32
        %parallel_loop3A_570 = vector.broadcast %parallel_loop3A_569 : i32 to vector<16xi32>
        %parallel_loop3A_571 = arith.addi %and3A_85, %parallel_loop3A_570 : vector<16xi32>
        %parallel_loop3A_572 = tpu.vector_load_idx %arg6[%parallel_loop3A_278, %parallel_loop3A_571] : memref<128x64xf32, #tpu.memory_space<vmem>>[vector<16xi32>, vector<16xi32>], vector<16xf32>,
        %parallel_loop3A_573 = arith.constant 3 : i32
        %parallel_loop3A_574 = vector.broadcast %parallel_loop3A_573 : i32 to vector<16xi32>
        %parallel_loop3A_575 = arith.shrsi %parallel_loop3A_571, %parallel_loop3A_574 : vector<16xi32>
        %parallel_loop3A_576 = arith.constant 7 : i32
        %parallel_loop3A_577 = vector.broadcast %parallel_loop3A_576 : i32 to vector<16xi32>
        %parallel_loop3A_578 = arith.andi %parallel_loop3A_571, %parallel_loop3A_577 : vector<16xi32>
        tpu.vector_store_idx %arg8[%parallel_loop3A_575, %parallel_loop3A_578, %parallel_loop3A_278], %parallel_loop3A_572 : memref<8x8x128xf32, #tpu.memory_space<vmem>>[vector<16xi32>, vector<16xi32>, vector<16xi32>], vector<16xf32>,
        %parallel_loop3A_579 = arith.constant 16 : i32
        %parallel_loop3A_580 = vector.broadcast %parallel_loop3A_579 : i32 to vector<16xi32>
        %parallel_loop3A_581 = arith.addi %and3A_91, %parallel_loop3A_580 : vector<16xi32>
        %parallel_loop3A_582 = tpu.vector_load_idx %arg6[%parallel_loop3A_278, %parallel_loop3A_581] : memref<128x64xf32, #tpu.memory_space<vmem>>[vector<16xi32>, vector<16xi32>], vector<16xf32>,
        %parallel_loop3A_583 = arith.constant 3 : i32
        %parallel_loop3A_584 = vector.broadcast %parallel_loop3A_583 : i32 to vector<16xi32>
        %parallel_loop3A_585 = arith.shrsi %parallel_loop3A_581, %parallel_loop3A_584 : vector<16xi32>
        %parallel_loop3A_586 = arith.constant 7 : i32
        %parallel_loop3A_587 = vector.broadcast %parallel_loop3A_586 : i32 to vector<16xi32>
        %parallel_loop3A_588 = arith.andi %parallel_loop3A_581, %parallel_loop3A_587 : vector<16xi32>
        tpu.vector_store_idx %arg8[%parallel_loop3A_585, %parallel_loop3A_588, %parallel_loop3A_278], %parallel_loop3A_582 : memref<8x8x128xf32, #tpu.memory_space<vmem>>[vector<16xi32>, vector<16xi32>, vector<16xi32>], vector<16xf32>,
        %parallel_loop3A_589 = arith.constant 16 : i32
        %parallel_loop3A_590 = vector.broadcast %parallel_loop3A_589 : i32 to vector<16xi32>
        %parallel_loop3A_591 = arith.addi %and3A_97, %parallel_loop3A_590 : vector<16xi32>
        %parallel_loop3A_592 = tpu.vector_load_idx %arg6[%parallel_loop3A_278, %parallel_loop3A_591] : memref<128x64xf32, #tpu.memory_space<vmem>>[vector<16xi32>, vector<16xi32>], vector<16xf32>,
        %parallel_loop3A_593 = arith.constant 3 : i32
        %parallel_loop3A_594 = vector.broadcast %parallel_loop3A_593 : i32 to vector<16xi32>
        %parallel_loop3A_595 = arith.shrsi %parallel_loop3A_591, %parallel_loop3A_594 : vector<16xi32>
        %parallel_loop3A_596 = arith.constant 7 : i32
        %parallel_loop3A_597 = vector.broadcast %parallel_loop3A_596 : i32 to vector<16xi32>
        %parallel_loop3A_598 = arith.andi %parallel_loop3A_591, %parallel_loop3A_597 : vector<16xi32>
        tpu.vector_store_idx %arg8[%parallel_loop3A_595, %parallel_loop3A_598, %parallel_loop3A_278], %parallel_loop3A_592 : memref<8x8x128xf32, #tpu.memory_space<vmem>>[vector<16xi32>, vector<16xi32>, vector<16xi32>], vector<16xf32>,
        %parallel_loop3A_599 = arith.constant 32 : i32
        %parallel_loop3A_600 = vector.broadcast %parallel_loop3A_599 : i32 to vector<16xi32>
        %parallel_loop3A_601 = arith.addi %and3A_7, %parallel_loop3A_600 : vector<16xi32>
        %parallel_loop3A_602 = tpu.vector_load_idx %arg6[%parallel_loop3A_278, %parallel_loop3A_601] : memref<128x64xf32, #tpu.memory_space<vmem>>[vector<16xi32>, vector<16xi32>], vector<16xf32>,
        %parallel_loop3A_603 = arith.constant 3 : i32
        %parallel_loop3A_604 = vector.broadcast %parallel_loop3A_603 : i32 to vector<16xi32>
        %parallel_loop3A_605 = arith.shrsi %parallel_loop3A_601, %parallel_loop3A_604 : vector<16xi32>
        %parallel_loop3A_606 = arith.constant 7 : i32
        %parallel_loop3A_607 = vector.broadcast %parallel_loop3A_606 : i32 to vector<16xi32>
        %parallel_loop3A_608 = arith.andi %parallel_loop3A_601, %parallel_loop3A_607 : vector<16xi32>
        tpu.vector_store_idx %arg8[%parallel_loop3A_605, %parallel_loop3A_608, %parallel_loop3A_278], %parallel_loop3A_602 : memref<8x8x128xf32, #tpu.memory_space<vmem>>[vector<16xi32>, vector<16xi32>, vector<16xi32>], vector<16xf32>,
        %parallel_loop3A_609 = arith.constant 32 : i32
        %parallel_loop3A_610 = vector.broadcast %parallel_loop3A_609 : i32 to vector<16xi32>
        %parallel_loop3A_611 = arith.addi %and3A_13, %parallel_loop3A_610 : vector<16xi32>
        %parallel_loop3A_612 = tpu.vector_load_idx %arg6[%parallel_loop3A_278, %parallel_loop3A_611] : memref<128x64xf32, #tpu.memory_space<vmem>>[vector<16xi32>, vector<16xi32>], vector<16xf32>,
        %parallel_loop3A_613 = arith.constant 3 : i32
        %parallel_loop3A_614 = vector.broadcast %parallel_loop3A_613 : i32 to vector<16xi32>
        %parallel_loop3A_615 = arith.shrsi %parallel_loop3A_611, %parallel_loop3A_614 : vector<16xi32>
        %parallel_loop3A_616 = arith.constant 7 : i32
        %parallel_loop3A_617 = vector.broadcast %parallel_loop3A_616 : i32 to vector<16xi32>
        %parallel_loop3A_618 = arith.andi %parallel_loop3A_611, %parallel_loop3A_617 : vector<16xi32>
        tpu.vector_store_idx %arg8[%parallel_loop3A_615, %parallel_loop3A_618, %parallel_loop3A_278], %parallel_loop3A_612 : memref<8x8x128xf32, #tpu.memory_space<vmem>>[vector<16xi32>, vector<16xi32>, vector<16xi32>], vector<16xf32>,
        %parallel_loop3A_619 = arith.constant 32 : i32
        %parallel_loop3A_620 = vector.broadcast %parallel_loop3A_619 : i32 to vector<16xi32>
        %parallel_loop3A_621 = arith.addi %and3A_19, %parallel_loop3A_620 : vector<16xi32>
        %parallel_loop3A_622 = tpu.vector_load_idx %arg6[%parallel_loop3A_278, %parallel_loop3A_621] : memref<128x64xf32, #tpu.memory_space<vmem>>[vector<16xi32>, vector<16xi32>], vector<16xf32>,
        %parallel_loop3A_623 = arith.constant 3 : i32
        %parallel_loop3A_624 = vector.broadcast %parallel_loop3A_623 : i32 to vector<16xi32>
        %parallel_loop3A_625 = arith.shrsi %parallel_loop3A_621, %parallel_loop3A_624 : vector<16xi32>
        %parallel_loop3A_626 = arith.constant 7 : i32
        %parallel_loop3A_627 = vector.broadcast %parallel_loop3A_626 : i32 to vector<16xi32>
        %parallel_loop3A_628 = arith.andi %parallel_loop3A_621, %parallel_loop3A_627 : vector<16xi32>
        tpu.vector_store_idx %arg8[%parallel_loop3A_625, %parallel_loop3A_628, %parallel_loop3A_278], %parallel_loop3A_622 : memref<8x8x128xf32, #tpu.memory_space<vmem>>[vector<16xi32>, vector<16xi32>, vector<16xi32>], vector<16xf32>,
        %parallel_loop3A_629 = arith.constant 32 : i32
        %parallel_loop3A_630 = vector.broadcast %parallel_loop3A_629 : i32 to vector<16xi32>
        %parallel_loop3A_631 = arith.addi %and3A_25, %parallel_loop3A_630 : vector<16xi32>
        %parallel_loop3A_632 = tpu.vector_load_idx %arg6[%parallel_loop3A_278, %parallel_loop3A_631] : memref<128x64xf32, #tpu.memory_space<vmem>>[vector<16xi32>, vector<16xi32>], vector<16xf32>,
        %parallel_loop3A_633 = arith.constant 3 : i32
        %parallel_loop3A_634 = vector.broadcast %parallel_loop3A_633 : i32 to vector<16xi32>
        %parallel_loop3A_635 = arith.shrsi %parallel_loop3A_631, %parallel_loop3A_634 : vector<16xi32>
        %parallel_loop3A_636 = arith.constant 7 : i32
        %parallel_loop3A_637 = vector.broadcast %parallel_loop3A_636 : i32 to vector<16xi32>
        %parallel_loop3A_638 = arith.andi %parallel_loop3A_631, %parallel_loop3A_637 : vector<16xi32>
        tpu.vector_store_idx %arg8[%parallel_loop3A_635, %parallel_loop3A_638, %parallel_loop3A_278], %parallel_loop3A_632 : memref<8x8x128xf32, #tpu.memory_space<vmem>>[vector<16xi32>, vector<16xi32>, vector<16xi32>], vector<16xf32>,
        %parallel_loop3A_639 = arith.constant 32 : i32
        %parallel_loop3A_640 = vector.broadcast %parallel_loop3A_639 : i32 to vector<16xi32>
        %parallel_loop3A_641 = arith.addi %and3A_31, %parallel_loop3A_640 : vector<16xi32>
        %parallel_loop3A_642 = tpu.vector_load_idx %arg6[%parallel_loop3A_278, %parallel_loop3A_641] : memref<128x64xf32, #tpu.memory_space<vmem>>[vector<16xi32>, vector<16xi32>], vector<16xf32>,
        %parallel_loop3A_643 = arith.constant 3 : i32
        %parallel_loop3A_644 = vector.broadcast %parallel_loop3A_643 : i32 to vector<16xi32>
        %parallel_loop3A_645 = arith.shrsi %parallel_loop3A_641, %parallel_loop3A_644 : vector<16xi32>
        %parallel_loop3A_646 = arith.constant 7 : i32
        %parallel_loop3A_647 = vector.broadcast %parallel_loop3A_646 : i32 to vector<16xi32>
        %parallel_loop3A_648 = arith.andi %parallel_loop3A_641, %parallel_loop3A_647 : vector<16xi32>
        tpu.vector_store_idx %arg8[%parallel_loop3A_645, %parallel_loop3A_648, %parallel_loop3A_278], %parallel_loop3A_642 : memref<8x8x128xf32, #tpu.memory_space<vmem>>[vector<16xi32>, vector<16xi32>, vector<16xi32>], vector<16xf32>,
        %parallel_loop3A_649 = arith.constant 32 : i32
        %parallel_loop3A_650 = vector.broadcast %parallel_loop3A_649 : i32 to vector<16xi32>
        %parallel_loop3A_651 = arith.addi %and3A_37, %parallel_loop3A_650 : vector<16xi32>
        %parallel_loop3A_652 = tpu.vector_load_idx %arg6[%parallel_loop3A_278, %parallel_loop3A_651] : memref<128x64xf32, #tpu.memory_space<vmem>>[vector<16xi32>, vector<16xi32>], vector<16xf32>,
        %parallel_loop3A_653 = arith.constant 3 : i32
        %parallel_loop3A_654 = vector.broadcast %parallel_loop3A_653 : i32 to vector<16xi32>
        %parallel_loop3A_655 = arith.shrsi %parallel_loop3A_651, %parallel_loop3A_654 : vector<16xi32>
        %parallel_loop3A_656 = arith.constant 7 : i32
        %parallel_loop3A_657 = vector.broadcast %parallel_loop3A_656 : i32 to vector<16xi32>
        %parallel_loop3A_658 = arith.andi %parallel_loop3A_651, %parallel_loop3A_657 : vector<16xi32>
        tpu.vector_store_idx %arg8[%parallel_loop3A_655, %parallel_loop3A_658, %parallel_loop3A_278], %parallel_loop3A_652 : memref<8x8x128xf32, #tpu.memory_space<vmem>>[vector<16xi32>, vector<16xi32>, vector<16xi32>], vector<16xf32>,
        %parallel_loop3A_659 = arith.constant 32 : i32
        %parallel_loop3A_660 = vector.broadcast %parallel_loop3A_659 : i32 to vector<16xi32>
        %parallel_loop3A_661 = arith.addi %and3A_43, %parallel_loop3A_660 : vector<16xi32>
        %parallel_loop3A_662 = tpu.vector_load_idx %arg6[%parallel_loop3A_278, %parallel_loop3A_661] : memref<128x64xf32, #tpu.memory_space<vmem>>[vector<16xi32>, vector<16xi32>], vector<16xf32>,
        %parallel_loop3A_663 = arith.constant 3 : i32
        %parallel_loop3A_664 = vector.broadcast %parallel_loop3A_663 : i32 to vector<16xi32>
        %parallel_loop3A_665 = arith.shrsi %parallel_loop3A_661, %parallel_loop3A_664 : vector<16xi32>
        %parallel_loop3A_666 = arith.constant 7 : i32
        %parallel_loop3A_667 = vector.broadcast %parallel_loop3A_666 : i32 to vector<16xi32>
        %parallel_loop3A_668 = arith.andi %parallel_loop3A_661, %parallel_loop3A_667 : vector<16xi32>
        tpu.vector_store_idx %arg8[%parallel_loop3A_665, %parallel_loop3A_668, %parallel_loop3A_278], %parallel_loop3A_662 : memref<8x8x128xf32, #tpu.memory_space<vmem>>[vector<16xi32>, vector<16xi32>, vector<16xi32>], vector<16xf32>,
        %parallel_loop3A_669 = arith.constant 32 : i32
        %parallel_loop3A_670 = vector.broadcast %parallel_loop3A_669 : i32 to vector<16xi32>
        %parallel_loop3A_671 = arith.addi %and3A_49, %parallel_loop3A_670 : vector<16xi32>
        %parallel_loop3A_672 = tpu.vector_load_idx %arg6[%parallel_loop3A_278, %parallel_loop3A_671] : memref<128x64xf32, #tpu.memory_space<vmem>>[vector<16xi32>, vector<16xi32>], vector<16xf32>,
        %parallel_loop3A_673 = arith.constant 3 : i32
        %parallel_loop3A_674 = vector.broadcast %parallel_loop3A_673 : i32 to vector<16xi32>
        %parallel_loop3A_675 = arith.shrsi %parallel_loop3A_671, %parallel_loop3A_674 : vector<16xi32>
        %parallel_loop3A_676 = arith.constant 7 : i32
        %parallel_loop3A_677 = vector.broadcast %parallel_loop3A_676 : i32 to vector<16xi32>
        %parallel_loop3A_678 = arith.andi %parallel_loop3A_671, %parallel_loop3A_677 : vector<16xi32>
        tpu.vector_store_idx %arg8[%parallel_loop3A_675, %parallel_loop3A_678, %parallel_loop3A_278], %parallel_loop3A_672 : memref<8x8x128xf32, #tpu.memory_space<vmem>>[vector<16xi32>, vector<16xi32>, vector<16xi32>], vector<16xf32>,
        %parallel_loop3A_679 = arith.constant 32 : i32
        %parallel_loop3A_680 = vector.broadcast %parallel_loop3A_679 : i32 to vector<16xi32>
        %parallel_loop3A_681 = arith.addi %and3A_55, %parallel_loop3A_680 : vector<16xi32>
        %parallel_loop3A_682 = tpu.vector_load_idx %arg6[%parallel_loop3A_278, %parallel_loop3A_681] : memref<128x64xf32, #tpu.memory_space<vmem>>[vector<16xi32>, vector<16xi32>], vector<16xf32>,
        %parallel_loop3A_683 = arith.constant 3 : i32
        %parallel_loop3A_684 = vector.broadcast %parallel_loop3A_683 : i32 to vector<16xi32>
        %parallel_loop3A_685 = arith.shrsi %parallel_loop3A_681, %parallel_loop3A_684 : vector<16xi32>
        %parallel_loop3A_686 = arith.constant 7 : i32
        %parallel_loop3A_687 = vector.broadcast %parallel_loop3A_686 : i32 to vector<16xi32>
        %parallel_loop3A_688 = arith.andi %parallel_loop3A_681, %parallel_loop3A_687 : vector<16xi32>
        tpu.vector_store_idx %arg8[%parallel_loop3A_685, %parallel_loop3A_688, %parallel_loop3A_278], %parallel_loop3A_682 : memref<8x8x128xf32, #tpu.memory_space<vmem>>[vector<16xi32>, vector<16xi32>, vector<16xi32>], vector<16xf32>,
        %parallel_loop3A_689 = arith.constant 32 : i32
        %parallel_loop3A_690 = vector.broadcast %parallel_loop3A_689 : i32 to vector<16xi32>
        %parallel_loop3A_691 = arith.addi %and3A_61, %parallel_loop3A_690 : vector<16xi32>
        %parallel_loop3A_692 = tpu.vector_load_idx %arg6[%parallel_loop3A_278, %parallel_loop3A_691] : memref<128x64xf32, #tpu.memory_space<vmem>>[vector<16xi32>, vector<16xi32>], vector<16xf32>,
        %parallel_loop3A_693 = arith.constant 3 : i32
        %parallel_loop3A_694 = vector.broadcast %parallel_loop3A_693 : i32 to vector<16xi32>
        %parallel_loop3A_695 = arith.shrsi %parallel_loop3A_691, %parallel_loop3A_694 : vector<16xi32>
        %parallel_loop3A_696 = arith.constant 7 : i32
        %parallel_loop3A_697 = vector.broadcast %parallel_loop3A_696 : i32 to vector<16xi32>
        %parallel_loop3A_698 = arith.andi %parallel_loop3A_691, %parallel_loop3A_697 : vector<16xi32>
        tpu.vector_store_idx %arg8[%parallel_loop3A_695, %parallel_loop3A_698, %parallel_loop3A_278], %parallel_loop3A_692 : memref<8x8x128xf32, #tpu.memory_space<vmem>>[vector<16xi32>, vector<16xi32>, vector<16xi32>], vector<16xf32>,
        %parallel_loop3A_699 = arith.constant 32 : i32
        %parallel_loop3A_700 = vector.broadcast %parallel_loop3A_699 : i32 to vector<16xi32>
        %parallel_loop3A_701 = arith.addi %and3A_67, %parallel_loop3A_700 : vector<16xi32>
        %parallel_loop3A_702 = tpu.vector_load_idx %arg6[%parallel_loop3A_278, %parallel_loop3A_701] : memref<128x64xf32, #tpu.memory_space<vmem>>[vector<16xi32>, vector<16xi32>], vector<16xf32>,
        %parallel_loop3A_703 = arith.constant 3 : i32
        %parallel_loop3A_704 = vector.broadcast %parallel_loop3A_703 : i32 to vector<16xi32>
        %parallel_loop3A_705 = arith.shrsi %parallel_loop3A_701, %parallel_loop3A_704 : vector<16xi32>
        %parallel_loop3A_706 = arith.constant 7 : i32
        %parallel_loop3A_707 = vector.broadcast %parallel_loop3A_706 : i32 to vector<16xi32>
        %parallel_loop3A_708 = arith.andi %parallel_loop3A_701, %parallel_loop3A_707 : vector<16xi32>
        tpu.vector_store_idx %arg8[%parallel_loop3A_705, %parallel_loop3A_708, %parallel_loop3A_278], %parallel_loop3A_702 : memref<8x8x128xf32, #tpu.memory_space<vmem>>[vector<16xi32>, vector<16xi32>, vector<16xi32>], vector<16xf32>,
        %parallel_loop3A_709 = arith.constant 32 : i32
        %parallel_loop3A_710 = vector.broadcast %parallel_loop3A_709 : i32 to vector<16xi32>
        %parallel_loop3A_711 = arith.addi %and3A_73, %parallel_loop3A_710 : vector<16xi32>
        %parallel_loop3A_712 = tpu.vector_load_idx %arg6[%parallel_loop3A_278, %parallel_loop3A_711] : memref<128x64xf32, #tpu.memory_space<vmem>>[vector<16xi32>, vector<16xi32>], vector<16xf32>,
        %parallel_loop3A_713 = arith.constant 3 : i32
        %parallel_loop3A_714 = vector.broadcast %parallel_loop3A_713 : i32 to vector<16xi32>
        %parallel_loop3A_715 = arith.shrsi %parallel_loop3A_711, %parallel_loop3A_714 : vector<16xi32>
        %parallel_loop3A_716 = arith.constant 7 : i32
        %parallel_loop3A_717 = vector.broadcast %parallel_loop3A_716 : i32 to vector<16xi32>
        %parallel_loop3A_718 = arith.andi %parallel_loop3A_711, %parallel_loop3A_717 : vector<16xi32>
        tpu.vector_store_idx %arg8[%parallel_loop3A_715, %parallel_loop3A_718, %parallel_loop3A_278], %parallel_loop3A_712 : memref<8x8x128xf32, #tpu.memory_space<vmem>>[vector<16xi32>, vector<16xi32>, vector<16xi32>], vector<16xf32>,
        %parallel_loop3A_719 = arith.constant 32 : i32
        %parallel_loop3A_720 = vector.broadcast %parallel_loop3A_719 : i32 to vector<16xi32>
        %parallel_loop3A_721 = arith.addi %and3A_79, %parallel_loop3A_720 : vector<16xi32>
        %parallel_loop3A_722 = tpu.vector_load_idx %arg6[%parallel_loop3A_278, %parallel_loop3A_721] : memref<128x64xf32, #tpu.memory_space<vmem>>[vector<16xi32>, vector<16xi32>], vector<16xf32>,
        %parallel_loop3A_723 = arith.constant 3 : i32
        %parallel_loop3A_724 = vector.broadcast %parallel_loop3A_723 : i32 to vector<16xi32>
        %parallel_loop3A_725 = arith.shrsi %parallel_loop3A_721, %parallel_loop3A_724 : vector<16xi32>
        %parallel_loop3A_726 = arith.constant 7 : i32
        %parallel_loop3A_727 = vector.broadcast %parallel_loop3A_726 : i32 to vector<16xi32>
        %parallel_loop3A_728 = arith.andi %parallel_loop3A_721, %parallel_loop3A_727 : vector<16xi32>
        tpu.vector_store_idx %arg8[%parallel_loop3A_725, %parallel_loop3A_728, %parallel_loop3A_278], %parallel_loop3A_722 : memref<8x8x128xf32, #tpu.memory_space<vmem>>[vector<16xi32>, vector<16xi32>, vector<16xi32>], vector<16xf32>,
        %parallel_loop3A_729 = arith.constant 32 : i32
        %parallel_loop3A_730 = vector.broadcast %parallel_loop3A_729 : i32 to vector<16xi32>
        %parallel_loop3A_731 = arith.addi %and3A_85, %parallel_loop3A_730 : vector<16xi32>
        %parallel_loop3A_732 = tpu.vector_load_idx %arg6[%parallel_loop3A_278, %parallel_loop3A_731] : memref<128x64xf32, #tpu.memory_space<vmem>>[vector<16xi32>, vector<16xi32>], vector<16xf32>,
        %parallel_loop3A_733 = arith.constant 3 : i32
        %parallel_loop3A_734 = vector.broadcast %parallel_loop3A_733 : i32 to vector<16xi32>
        %parallel_loop3A_735 = arith.shrsi %parallel_loop3A_731, %parallel_loop3A_734 : vector<16xi32>
        %parallel_loop3A_736 = arith.constant 7 : i32
        %parallel_loop3A_737 = vector.broadcast %parallel_loop3A_736 : i32 to vector<16xi32>
        %parallel_loop3A_738 = arith.andi %parallel_loop3A_731, %parallel_loop3A_737 : vector<16xi32>
        tpu.vector_store_idx %arg8[%parallel_loop3A_735, %parallel_loop3A_738, %parallel_loop3A_278], %parallel_loop3A_732 : memref<8x8x128xf32, #tpu.memory_space<vmem>>[vector<16xi32>, vector<16xi32>, vector<16xi32>], vector<16xf32>,
        %parallel_loop3A_739 = arith.constant 32 : i32
        %parallel_loop3A_740 = vector.broadcast %parallel_loop3A_739 : i32 to vector<16xi32>
        %parallel_loop3A_741 = arith.addi %and3A_91, %parallel_loop3A_740 : vector<16xi32>
        %parallel_loop3A_742 = tpu.vector_load_idx %arg6[%parallel_loop3A_278, %parallel_loop3A_741] : memref<128x64xf32, #tpu.memory_space<vmem>>[vector<16xi32>, vector<16xi32>], vector<16xf32>,
        %parallel_loop3A_743 = arith.constant 3 : i32
        %parallel_loop3A_744 = vector.broadcast %parallel_loop3A_743 : i32 to vector<16xi32>
        %parallel_loop3A_745 = arith.shrsi %parallel_loop3A_741, %parallel_loop3A_744 : vector<16xi32>
        %parallel_loop3A_746 = arith.constant 7 : i32
        %parallel_loop3A_747 = vector.broadcast %parallel_loop3A_746 : i32 to vector<16xi32>
        %parallel_loop3A_748 = arith.andi %parallel_loop3A_741, %parallel_loop3A_747 : vector<16xi32>
        tpu.vector_store_idx %arg8[%parallel_loop3A_745, %parallel_loop3A_748, %parallel_loop3A_278], %parallel_loop3A_742 : memref<8x8x128xf32, #tpu.memory_space<vmem>>[vector<16xi32>, vector<16xi32>, vector<16xi32>], vector<16xf32>,
        %parallel_loop3A_749 = arith.constant 32 : i32
        %parallel_loop3A_750 = vector.broadcast %parallel_loop3A_749 : i32 to vector<16xi32>
        %parallel_loop3A_751 = arith.addi %and3A_97, %parallel_loop3A_750 : vector<16xi32>
        %parallel_loop3A_752 = tpu.vector_load_idx %arg6[%parallel_loop3A_278, %parallel_loop3A_751] : memref<128x64xf32, #tpu.memory_space<vmem>>[vector<16xi32>, vector<16xi32>], vector<16xf32>,
        %parallel_loop3A_753 = arith.constant 3 : i32
        %parallel_loop3A_754 = vector.broadcast %parallel_loop3A_753 : i32 to vector<16xi32>
        %parallel_loop3A_755 = arith.shrsi %parallel_loop3A_751, %parallel_loop3A_754 : vector<16xi32>
        %parallel_loop3A_756 = arith.constant 7 : i32
        %parallel_loop3A_757 = vector.broadcast %parallel_loop3A_756 : i32 to vector<16xi32>
        %parallel_loop3A_758 = arith.andi %parallel_loop3A_751, %parallel_loop3A_757 : vector<16xi32>
        tpu.vector_store_idx %arg8[%parallel_loop3A_755, %parallel_loop3A_758, %parallel_loop3A_278], %parallel_loop3A_752 : memref<8x8x128xf32, #tpu.memory_space<vmem>>[vector<16xi32>, vector<16xi32>, vector<16xi32>], vector<16xf32>,
        %parallel_loop3A_759 = arith.constant 48 : i32
        %parallel_loop3A_760 = vector.broadcast %parallel_loop3A_759 : i32 to vector<16xi32>
        %parallel_loop3A_761 = arith.addi %and3A_7, %parallel_loop3A_760 : vector<16xi32>
        %parallel_loop3A_762 = tpu.vector_load_idx %arg6[%parallel_loop3A_278, %parallel_loop3A_761] : memref<128x64xf32, #tpu.memory_space<vmem>>[vector<16xi32>, vector<16xi32>], vector<16xf32>,
        %parallel_loop3A_763 = arith.constant 3 : i32
        %parallel_loop3A_764 = vector.broadcast %parallel_loop3A_763 : i32 to vector<16xi32>
        %parallel_loop3A_765 = arith.shrsi %parallel_loop3A_761, %parallel_loop3A_764 : vector<16xi32>
        %parallel_loop3A_766 = arith.constant 7 : i32
        %parallel_loop3A_767 = vector.broadcast %parallel_loop3A_766 : i32 to vector<16xi32>
        %parallel_loop3A_768 = arith.andi %parallel_loop3A_761, %parallel_loop3A_767 : vector<16xi32>
        tpu.vector_store_idx %arg8[%parallel_loop3A_765, %parallel_loop3A_768, %parallel_loop3A_278], %parallel_loop3A_762 : memref<8x8x128xf32, #tpu.memory_space<vmem>>[vector<16xi32>, vector<16xi32>, vector<16xi32>], vector<16xf32>,
        %parallel_loop3A_769 = arith.constant 48 : i32
        %parallel_loop3A_770 = vector.broadcast %parallel_loop3A_769 : i32 to vector<16xi32>
        %parallel_loop3A_771 = arith.addi %and3A_13, %parallel_loop3A_770 : vector<16xi32>
        %parallel_loop3A_772 = tpu.vector_load_idx %arg6[%parallel_loop3A_278, %parallel_loop3A_771] : memref<128x64xf32, #tpu.memory_space<vmem>>[vector<16xi32>, vector<16xi32>], vector<16xf32>,
        %parallel_loop3A_773 = arith.constant 3 : i32
        %parallel_loop3A_774 = vector.broadcast %parallel_loop3A_773 : i32 to vector<16xi32>
        %parallel_loop3A_775 = arith.shrsi %parallel_loop3A_771, %parallel_loop3A_774 : vector<16xi32>
        %parallel_loop3A_776 = arith.constant 7 : i32
        %parallel_loop3A_777 = vector.broadcast %parallel_loop3A_776 : i32 to vector<16xi32>
        %parallel_loop3A_778 = arith.andi %parallel_loop3A_771, %parallel_loop3A_777 : vector<16xi32>
        tpu.vector_store_idx %arg8[%parallel_loop3A_775, %parallel_loop3A_778, %parallel_loop3A_278], %parallel_loop3A_772 : memref<8x8x128xf32, #tpu.memory_space<vmem>>[vector<16xi32>, vector<16xi32>, vector<16xi32>], vector<16xf32>,
        %parallel_loop3A_779 = arith.constant 48 : i32
        %parallel_loop3A_780 = vector.broadcast %parallel_loop3A_779 : i32 to vector<16xi32>
        %parallel_loop3A_781 = arith.addi %and3A_19, %parallel_loop3A_780 : vector<16xi32>
        %parallel_loop3A_782 = tpu.vector_load_idx %arg6[%parallel_loop3A_278, %parallel_loop3A_781] : memref<128x64xf32, #tpu.memory_space<vmem>>[vector<16xi32>, vector<16xi32>], vector<16xf32>,
        %parallel_loop3A_783 = arith.constant 3 : i32
        %parallel_loop3A_784 = vector.broadcast %parallel_loop3A_783 : i32 to vector<16xi32>
        %parallel_loop3A_785 = arith.shrsi %parallel_loop3A_781, %parallel_loop3A_784 : vector<16xi32>
        %parallel_loop3A_786 = arith.constant 7 : i32
        %parallel_loop3A_787 = vector.broadcast %parallel_loop3A_786 : i32 to vector<16xi32>
        %parallel_loop3A_788 = arith.andi %parallel_loop3A_781, %parallel_loop3A_787 : vector<16xi32>
        tpu.vector_store_idx %arg8[%parallel_loop3A_785, %parallel_loop3A_788, %parallel_loop3A_278], %parallel_loop3A_782 : memref<8x8x128xf32, #tpu.memory_space<vmem>>[vector<16xi32>, vector<16xi32>, vector<16xi32>], vector<16xf32>,
        %parallel_loop3A_789 = arith.constant 48 : i32
        %parallel_loop3A_790 = vector.broadcast %parallel_loop3A_789 : i32 to vector<16xi32>
        %parallel_loop3A_791 = arith.addi %and3A_25, %parallel_loop3A_790 : vector<16xi32>
        %parallel_loop3A_792 = tpu.vector_load_idx %arg6[%parallel_loop3A_278, %parallel_loop3A_791] : memref<128x64xf32, #tpu.memory_space<vmem>>[vector<16xi32>, vector<16xi32>], vector<16xf32>,
        %parallel_loop3A_793 = arith.constant 3 : i32
        %parallel_loop3A_794 = vector.broadcast %parallel_loop3A_793 : i32 to vector<16xi32>
        %parallel_loop3A_795 = arith.shrsi %parallel_loop3A_791, %parallel_loop3A_794 : vector<16xi32>
        %parallel_loop3A_796 = arith.constant 7 : i32
        %parallel_loop3A_797 = vector.broadcast %parallel_loop3A_796 : i32 to vector<16xi32>
        %parallel_loop3A_798 = arith.andi %parallel_loop3A_791, %parallel_loop3A_797 : vector<16xi32>
        tpu.vector_store_idx %arg8[%parallel_loop3A_795, %parallel_loop3A_798, %parallel_loop3A_278], %parallel_loop3A_792 : memref<8x8x128xf32, #tpu.memory_space<vmem>>[vector<16xi32>, vector<16xi32>, vector<16xi32>], vector<16xf32>,
        %parallel_loop3A_799 = arith.constant 48 : i32
        %parallel_loop3A_800 = vector.broadcast %parallel_loop3A_799 : i32 to vector<16xi32>
        %parallel_loop3A_801 = arith.addi %and3A_31, %parallel_loop3A_800 : vector<16xi32>
        %parallel_loop3A_802 = tpu.vector_load_idx %arg6[%parallel_loop3A_278, %parallel_loop3A_801] : memref<128x64xf32, #tpu.memory_space<vmem>>[vector<16xi32>, vector<16xi32>], vector<16xf32>,
        %parallel_loop3A_803 = arith.constant 3 : i32
        %parallel_loop3A_804 = vector.broadcast %parallel_loop3A_803 : i32 to vector<16xi32>
        %parallel_loop3A_805 = arith.shrsi %parallel_loop3A_801, %parallel_loop3A_804 : vector<16xi32>
        %parallel_loop3A_806 = arith.constant 7 : i32
        %parallel_loop3A_807 = vector.broadcast %parallel_loop3A_806 : i32 to vector<16xi32>
        %parallel_loop3A_808 = arith.andi %parallel_loop3A_801, %parallel_loop3A_807 : vector<16xi32>
        tpu.vector_store_idx %arg8[%parallel_loop3A_805, %parallel_loop3A_808, %parallel_loop3A_278], %parallel_loop3A_802 : memref<8x8x128xf32, #tpu.memory_space<vmem>>[vector<16xi32>, vector<16xi32>, vector<16xi32>], vector<16xf32>,
        %parallel_loop3A_809 = arith.constant 48 : i32
        %parallel_loop3A_810 = vector.broadcast %parallel_loop3A_809 : i32 to vector<16xi32>
        %parallel_loop3A_811 = arith.addi %and3A_37, %parallel_loop3A_810 : vector<16xi32>
        %parallel_loop3A_812 = tpu.vector_load_idx %arg6[%parallel_loop3A_278, %parallel_loop3A_811] : memref<128x64xf32, #tpu.memory_space<vmem>>[vector<16xi32>, vector<16xi32>], vector<16xf32>,
        %parallel_loop3A_813 = arith.constant 3 : i32
        %parallel_loop3A_814 = vector.broadcast %parallel_loop3A_813 : i32 to vector<16xi32>
        %parallel_loop3A_815 = arith.shrsi %parallel_loop3A_811, %parallel_loop3A_814 : vector<16xi32>
        %parallel_loop3A_816 = arith.constant 7 : i32
        %parallel_loop3A_817 = vector.broadcast %parallel_loop3A_816 : i32 to vector<16xi32>
        %parallel_loop3A_818 = arith.andi %parallel_loop3A_811, %parallel_loop3A_817 : vector<16xi32>
        tpu.vector_store_idx %arg8[%parallel_loop3A_815, %parallel_loop3A_818, %parallel_loop3A_278], %parallel_loop3A_812 : memref<8x8x128xf32, #tpu.memory_space<vmem>>[vector<16xi32>, vector<16xi32>, vector<16xi32>], vector<16xf32>,
        %parallel_loop3A_819 = arith.constant 48 : i32
        %parallel_loop3A_820 = vector.broadcast %parallel_loop3A_819 : i32 to vector<16xi32>
        %parallel_loop3A_821 = arith.addi %and3A_43, %parallel_loop3A_820 : vector<16xi32>
        %parallel_loop3A_822 = tpu.vector_load_idx %arg6[%parallel_loop3A_278, %parallel_loop3A_821] : memref<128x64xf32, #tpu.memory_space<vmem>>[vector<16xi32>, vector<16xi32>], vector<16xf32>,
        %parallel_loop3A_823 = arith.constant 3 : i32
        %parallel_loop3A_824 = vector.broadcast %parallel_loop3A_823 : i32 to vector<16xi32>
        %parallel_loop3A_825 = arith.shrsi %parallel_loop3A_821, %parallel_loop3A_824 : vector<16xi32>
        %parallel_loop3A_826 = arith.constant 7 : i32
        %parallel_loop3A_827 = vector.broadcast %parallel_loop3A_826 : i32 to vector<16xi32>
        %parallel_loop3A_828 = arith.andi %parallel_loop3A_821, %parallel_loop3A_827 : vector<16xi32>
        tpu.vector_store_idx %arg8[%parallel_loop3A_825, %parallel_loop3A_828, %parallel_loop3A_278], %parallel_loop3A_822 : memref<8x8x128xf32, #tpu.memory_space<vmem>>[vector<16xi32>, vector<16xi32>, vector<16xi32>], vector<16xf32>,
        %parallel_loop3A_829 = arith.constant 48 : i32
        %parallel_loop3A_830 = vector.broadcast %parallel_loop3A_829 : i32 to vector<16xi32>
        %parallel_loop3A_831 = arith.addi %and3A_49, %parallel_loop3A_830 : vector<16xi32>
        %parallel_loop3A_832 = tpu.vector_load_idx %arg6[%parallel_loop3A_278, %parallel_loop3A_831] : memref<128x64xf32, #tpu.memory_space<vmem>>[vector<16xi32>, vector<16xi32>], vector<16xf32>,
        %parallel_loop3A_833 = arith.constant 3 : i32
        %parallel_loop3A_834 = vector.broadcast %parallel_loop3A_833 : i32 to vector<16xi32>
        %parallel_loop3A_835 = arith.shrsi %parallel_loop3A_831, %parallel_loop3A_834 : vector<16xi32>
        %parallel_loop3A_836 = arith.constant 7 : i32
        %parallel_loop3A_837 = vector.broadcast %parallel_loop3A_836 : i32 to vector<16xi32>
        %parallel_loop3A_838 = arith.andi %parallel_loop3A_831, %parallel_loop3A_837 : vector<16xi32>
        tpu.vector_store_idx %arg8[%parallel_loop3A_835, %parallel_loop3A_838, %parallel_loop3A_278], %parallel_loop3A_832 : memref<8x8x128xf32, #tpu.memory_space<vmem>>[vector<16xi32>, vector<16xi32>, vector<16xi32>], vector<16xf32>,
        %parallel_loop3A_839 = arith.constant 48 : i32
        %parallel_loop3A_840 = vector.broadcast %parallel_loop3A_839 : i32 to vector<16xi32>
        %parallel_loop3A_841 = arith.addi %and3A_55, %parallel_loop3A_840 : vector<16xi32>
        %parallel_loop3A_842 = tpu.vector_load_idx %arg6[%parallel_loop3A_278, %parallel_loop3A_841] : memref<128x64xf32, #tpu.memory_space<vmem>>[vector<16xi32>, vector<16xi32>], vector<16xf32>,
        %parallel_loop3A_843 = arith.constant 3 : i32
        %parallel_loop3A_844 = vector.broadcast %parallel_loop3A_843 : i32 to vector<16xi32>
        %parallel_loop3A_845 = arith.shrsi %parallel_loop3A_841, %parallel_loop3A_844 : vector<16xi32>
        %parallel_loop3A_846 = arith.constant 7 : i32
        %parallel_loop3A_847 = vector.broadcast %parallel_loop3A_846 : i32 to vector<16xi32>
        %parallel_loop3A_848 = arith.andi %parallel_loop3A_841, %parallel_loop3A_847 : vector<16xi32>
        tpu.vector_store_idx %arg8[%parallel_loop3A_845, %parallel_loop3A_848, %parallel_loop3A_278], %parallel_loop3A_842 : memref<8x8x128xf32, #tpu.memory_space<vmem>>[vector<16xi32>, vector<16xi32>, vector<16xi32>], vector<16xf32>,
        %parallel_loop3A_849 = arith.constant 48 : i32
        %parallel_loop3A_850 = vector.broadcast %parallel_loop3A_849 : i32 to vector<16xi32>
        %parallel_loop3A_851 = arith.addi %and3A_61, %parallel_loop3A_850 : vector<16xi32>
        %parallel_loop3A_852 = tpu.vector_load_idx %arg6[%parallel_loop3A_278, %parallel_loop3A_851] : memref<128x64xf32, #tpu.memory_space<vmem>>[vector<16xi32>, vector<16xi32>], vector<16xf32>,
        %parallel_loop3A_853 = arith.constant 3 : i32
        %parallel_loop3A_854 = vector.broadcast %parallel_loop3A_853 : i32 to vector<16xi32>
        %parallel_loop3A_855 = arith.shrsi %parallel_loop3A_851, %parallel_loop3A_854 : vector<16xi32>
        %parallel_loop3A_856 = arith.constant 7 : i32
        %parallel_loop3A_857 = vector.broadcast %parallel_loop3A_856 : i32 to vector<16xi32>
        %parallel_loop3A_858 = arith.andi %parallel_loop3A_851, %parallel_loop3A_857 : vector<16xi32>
        tpu.vector_store_idx %arg8[%parallel_loop3A_855, %parallel_loop3A_858, %parallel_loop3A_278], %parallel_loop3A_852 : memref<8x8x128xf32, #tpu.memory_space<vmem>>[vector<16xi32>, vector<16xi32>, vector<16xi32>], vector<16xf32>,
        %parallel_loop3A_859 = arith.constant 48 : i32
        %parallel_loop3A_860 = vector.broadcast %parallel_loop3A_859 : i32 to vector<16xi32>
        %parallel_loop3A_861 = arith.addi %and3A_67, %parallel_loop3A_860 : vector<16xi32>
        %parallel_loop3A_862 = tpu.vector_load_idx %arg6[%parallel_loop3A_278, %parallel_loop3A_861] : memref<128x64xf32, #tpu.memory_space<vmem>>[vector<16xi32>, vector<16xi32>], vector<16xf32>,
        %parallel_loop3A_863 = arith.constant 3 : i32
        %parallel_loop3A_864 = vector.broadcast %parallel_loop3A_863 : i32 to vector<16xi32>
        %parallel_loop3A_865 = arith.shrsi %parallel_loop3A_861, %parallel_loop3A_864 : vector<16xi32>
        %parallel_loop3A_866 = arith.constant 7 : i32
        %parallel_loop3A_867 = vector.broadcast %parallel_loop3A_866 : i32 to vector<16xi32>
        %parallel_loop3A_868 = arith.andi %parallel_loop3A_861, %parallel_loop3A_867 : vector<16xi32>
        tpu.vector_store_idx %arg8[%parallel_loop3A_865, %parallel_loop3A_868, %parallel_loop3A_278], %parallel_loop3A_862 : memref<8x8x128xf32, #tpu.memory_space<vmem>>[vector<16xi32>, vector<16xi32>, vector<16xi32>], vector<16xf32>,
        %parallel_loop3A_869 = arith.constant 48 : i32
        %parallel_loop3A_870 = vector.broadcast %parallel_loop3A_869 : i32 to vector<16xi32>
        %parallel_loop3A_871 = arith.addi %and3A_73, %parallel_loop3A_870 : vector<16xi32>
        %parallel_loop3A_872 = tpu.vector_load_idx %arg6[%parallel_loop3A_278, %parallel_loop3A_871] : memref<128x64xf32, #tpu.memory_space<vmem>>[vector<16xi32>, vector<16xi32>], vector<16xf32>,
        %parallel_loop3A_873 = arith.constant 3 : i32
        %parallel_loop3A_874 = vector.broadcast %parallel_loop3A_873 : i32 to vector<16xi32>
        %parallel_loop3A_875 = arith.shrsi %parallel_loop3A_871, %parallel_loop3A_874 : vector<16xi32>
        %parallel_loop3A_876 = arith.constant 7 : i32
        %parallel_loop3A_877 = vector.broadcast %parallel_loop3A_876 : i32 to vector<16xi32>
        %parallel_loop3A_878 = arith.andi %parallel_loop3A_871, %parallel_loop3A_877 : vector<16xi32>
        tpu.vector_store_idx %arg8[%parallel_loop3A_875, %parallel_loop3A_878, %parallel_loop3A_278], %parallel_loop3A_872 : memref<8x8x128xf32, #tpu.memory_space<vmem>>[vector<16xi32>, vector<16xi32>, vector<16xi32>], vector<16xf32>,
        %parallel_loop3A_879 = arith.constant 48 : i32
        %parallel_loop3A_880 = vector.broadcast %parallel_loop3A_879 : i32 to vector<16xi32>
        %parallel_loop3A_881 = arith.addi %and3A_79, %parallel_loop3A_880 : vector<16xi32>
        %parallel_loop3A_882 = tpu.vector_load_idx %arg6[%parallel_loop3A_278, %parallel_loop3A_881] : memref<128x64xf32, #tpu.memory_space<vmem>>[vector<16xi32>, vector<16xi32>], vector<16xf32>,
        %parallel_loop3A_883 = arith.constant 3 : i32
        %parallel_loop3A_884 = vector.broadcast %parallel_loop3A_883 : i32 to vector<16xi32>
        %parallel_loop3A_885 = arith.shrsi %parallel_loop3A_881, %parallel_loop3A_884 : vector<16xi32>
        %parallel_loop3A_886 = arith.constant 7 : i32
        %parallel_loop3A_887 = vector.broadcast %parallel_loop3A_886 : i32 to vector<16xi32>
        %parallel_loop3A_888 = arith.andi %parallel_loop3A_881, %parallel_loop3A_887 : vector<16xi32>
        tpu.vector_store_idx %arg8[%parallel_loop3A_885, %parallel_loop3A_888, %parallel_loop3A_278], %parallel_loop3A_882 : memref<8x8x128xf32, #tpu.memory_space<vmem>>[vector<16xi32>, vector<16xi32>, vector<16xi32>], vector<16xf32>,
        %parallel_loop3A_889 = arith.constant 48 : i32
        %parallel_loop3A_890 = vector.broadcast %parallel_loop3A_889 : i32 to vector<16xi32>
        %parallel_loop3A_891 = arith.addi %and3A_85, %parallel_loop3A_890 : vector<16xi32>
        %parallel_loop3A_892 = tpu.vector_load_idx %arg6[%parallel_loop3A_278, %parallel_loop3A_891] : memref<128x64xf32, #tpu.memory_space<vmem>>[vector<16xi32>, vector<16xi32>], vector<16xf32>,
        %parallel_loop3A_893 = arith.constant 3 : i32
        %parallel_loop3A_894 = vector.broadcast %parallel_loop3A_893 : i32 to vector<16xi32>
        %parallel_loop3A_895 = arith.shrsi %parallel_loop3A_891, %parallel_loop3A_894 : vector<16xi32>
        %parallel_loop3A_896 = arith.constant 7 : i32
        %parallel_loop3A_897 = vector.broadcast %parallel_loop3A_896 : i32 to vector<16xi32>
        %parallel_loop3A_898 = arith.andi %parallel_loop3A_891, %parallel_loop3A_897 : vector<16xi32>
        tpu.vector_store_idx %arg8[%parallel_loop3A_895, %parallel_loop3A_898, %parallel_loop3A_278], %parallel_loop3A_892 : memref<8x8x128xf32, #tpu.memory_space<vmem>>[vector<16xi32>, vector<16xi32>, vector<16xi32>], vector<16xf32>,
        %parallel_loop3A_899 = arith.constant 48 : i32
        %parallel_loop3A_900 = vector.broadcast %parallel_loop3A_899 : i32 to vector<16xi32>
        %parallel_loop3A_901 = arith.addi %and3A_91, %parallel_loop3A_900 : vector<16xi32>
        %parallel_loop3A_902 = tpu.vector_load_idx %arg6[%parallel_loop3A_278, %parallel_loop3A_901] : memref<128x64xf32, #tpu.memory_space<vmem>>[vector<16xi32>, vector<16xi32>], vector<16xf32>,
        %parallel_loop3A_903 = arith.constant 3 : i32
        %parallel_loop3A_904 = vector.broadcast %parallel_loop3A_903 : i32 to vector<16xi32>
        %parallel_loop3A_905 = arith.shrsi %parallel_loop3A_901, %parallel_loop3A_904 : vector<16xi32>
        %parallel_loop3A_906 = arith.constant 7 : i32
        %parallel_loop3A_907 = vector.broadcast %parallel_loop3A_906 : i32 to vector<16xi32>
        %parallel_loop3A_908 = arith.andi %parallel_loop3A_901, %parallel_loop3A_907 : vector<16xi32>
        tpu.vector_store_idx %arg8[%parallel_loop3A_905, %parallel_loop3A_908, %parallel_loop3A_278], %parallel_loop3A_902 : memref<8x8x128xf32, #tpu.memory_space<vmem>>[vector<16xi32>, vector<16xi32>, vector<16xi32>], vector<16xf32>,
        %parallel_loop3A_909 = arith.constant 48 : i32
        %parallel_loop3A_910 = vector.broadcast %parallel_loop3A_909 : i32 to vector<16xi32>
        %parallel_loop3A_911 = arith.addi %and3A_97, %parallel_loop3A_910 : vector<16xi32>
        %parallel_loop3A_912 = tpu.vector_load_idx %arg6[%parallel_loop3A_278, %parallel_loop3A_911] : memref<128x64xf32, #tpu.memory_space<vmem>>[vector<16xi32>, vector<16xi32>], vector<16xf32>,
        %parallel_loop3A_913 = arith.constant 3 : i32
        %parallel_loop3A_914 = vector.broadcast %parallel_loop3A_913 : i32 to vector<16xi32>
        %parallel_loop3A_915 = arith.shrsi %parallel_loop3A_911, %parallel_loop3A_914 : vector<16xi32>
        %parallel_loop3A_916 = arith.constant 7 : i32
        %parallel_loop3A_917 = vector.broadcast %parallel_loop3A_916 : i32 to vector<16xi32>
        %parallel_loop3A_918 = arith.andi %parallel_loop3A_911, %parallel_loop3A_917 : vector<16xi32>
        tpu.vector_store_idx %arg8[%parallel_loop3A_915, %parallel_loop3A_918, %parallel_loop3A_278], %parallel_loop3A_912 : memref<8x8x128xf32, #tpu.memory_space<vmem>>[vector<16xi32>, vector<16xi32>, vector<16xi32>], vector<16xf32>,
      } {sc.loop_unroll_factor = 4 : i64, sc.parallel_access}
      %jit3A = arith.constant 4 : i32
      %div3A = arith.divsi %add3A_136, %jit3A : i32
      %sign3A = arith.constant 0 : i32
      %sign3A_147 = arith.cmpi sgt, %add3A_136, %sign3A : i32
      %sign3A_148 = arith.extui %sign3A_147 : i1 to i32
      %sign3A_149 = arith.constant 0 : i32
      %sign3A_150 = arith.cmpi slt, %add3A_136, %sign3A_149 : i32
      %sign3A_151 = arith.extui %sign3A_150 : i1 to i32
      %sign3A_152 = arith.subi %sign3A_148, %sign3A_151 : i32
      %sign3A_153 = arith.constant 0 : i32
      %sign3A_154 = arith.cmpi sgt, %jit3A, %sign3A_153 : i32
      %sign3A_155 = arith.extui %sign3A_154 : i1 to i32
      %sign3A_156 = arith.constant 0 : i32
      %sign3A_157 = arith.cmpi slt, %jit3A, %sign3A_156 : i32
      %sign3A_158 = arith.extui %sign3A_157 : i1 to i32
      %sign3A_159 = arith.subi %sign3A_155, %sign3A_158 : i32
      %ne3A = arith.cmpi ne, %sign3A_152, %sign3A_159 : i32
      %rem3A = arith.remsi %add3A_136, %jit3A : i32
      %ne3A_160 = arith.constant 0 : i32
      %ne3A_161 = arith.cmpi ne, %rem3A, %ne3A_160 : i32
      %and3A_162 = arith.andi %ne3A, %ne3A_161 : i1
      %sub3A = arith.constant 1 : i32
      %sub3A_163 = arith.subi %div3A, %sub3A : i32
      %select_n3A = arith.select %and3A_162, %sub3A_163, %div3A : i32
      %mul3A_164 = arith.constant 4 : i32
      %mul3A_165 = arith.muli %add3A, %mul3A_164 : i32
      %jit3A_166 = arith.constant 4 : i32
      %eq3A = arith.constant 0 : i32
      %eq3A_167 = arith.cmpi eq, %jit3A_166, %eq3A : i32
      %jit3A_168 = arith.constant 1 : i32
      %select_n3A_169 = arith.select %eq3A_167, %jit3A_168, %jit3A_166 : i32
      %rem3A_170 = arith.remsi %add3A_136, %select_n3A_169 : i32
      %ne3A_171 = arith.constant 0 : i32
      %ne3A_172 = arith.cmpi ne, %rem3A_170, %ne3A_171 : i32
      %lt3A = arith.constant 0 : i32
      %lt3A_173 = arith.cmpi slt, %rem3A_170, %lt3A : i32
      %lt3A_174 = arith.constant 0 : i32
      %lt3A_175 = arith.cmpi slt, %select_n3A_169, %lt3A_174 : i32
      %ne3A_176 = arith.xori %lt3A_173, %lt3A_175 : i1
      %and3A_177 = arith.andi %ne3A_176, %ne3A_172 : i1
      %add3A_178 = arith.addi %rem3A_170, %select_n3A_169 : i32
      %select_n3A_179 = arith.select %and3A_177, %add3A_178, %rem3A_170 : i32
      %add3A_180 = arith.addi %mul3A_165, %select_n3A_179 : i32
      %dma_start3A_181 = arith.constant 0 : i32
      %dma_start3A_182 = arith.constant 0 : i32
      %dma_start3A_183 = arith.constant 0 : i32
      %dma_start3A_184 = tpu.memref_slice %arg4[%select_n3A, %dma_start3A_181, %add3A_180, %dma_start3A_182, %dma_start3A_183] : memref<50x8x128x8x128xf32, #tpu.memory_space<hbm>> -> memref<1x8x1x8x128xf32, #tpu.memory_space<hbm>>
      %dma_start3A_185 = tpu.memref_squeeze %dma_start3A_184 : memref<1x8x1x8x128xf32, #tpu.memory_space<hbm>> -> memref<8x8x128xf32, #tpu.memory_space<hbm>>
      %dma_start3A_186 = arith.constant 0 : i32
      %dma_start3A_187 = arith.constant 0 : i32
      %dma_start3A_188 = arith.constant 0 : i32
      %dma_start3A_189 = tpu.memref_slice %arg4[%select_n3A, %dma_start3A_186, %add3A_180, %dma_start3A_187, %dma_start3A_188] : memref<50x8x128x8x128xf32, #tpu.memory_space<hbm>> -> memref<1x8x1x8x128xf32, #tpu.memory_space<hbm>>
      %dma_start3A_190 = tpu.memref_squeeze %dma_start3A_189 : memref<1x8x1x8x128xf32, #tpu.memory_space<hbm>> -> memref<8x8x128xf32, #tpu.memory_space<hbm>>
      tpu.enqueue_dma source(%arg8 : memref<8x8x128xf32, #tpu.memory_space<vmem>>) target(%dma_start3A_190 : memref<8x8x128xf32, #tpu.memory_space<hbm>>) target_semaphore(%arg12 : memref<!tpu.dma_semaphore, #tpu.memory_space<semaphore_mem>>)
      %add3A_191 = arith.constant 2 : i32
      %add3A_192 = arith.addi %add3A_136, %add3A_191 : i32
      %lt3A_193 = arith.constant 200 : i32
      %lt3A_194 = arith.cmpi slt, %add3A_192, %lt3A_193 : i32
      %convert_element_type3A_195 = arith.extui %lt3A_194 : i1 to i32
      %cond3A_196 = arith.constant 0 : i32
      %cond3A_197 = arith.cmpi ne, %convert_element_type3A_195, %cond3A_196 : i32
      scf.if %cond3A_197 {
        %add3A_274 = arith.constant 2 : i32
        %add3A_275 = arith.addi %add3A_136, %add3A_274 : i32
        %jit3A_276 = arith.constant 4 : i32
        %div3A_277 = arith.divsi %add3A_275, %jit3A_276 : i32
        %sign3A_278 = arith.constant 0 : i32
        %sign3A_279 = arith.cmpi sgt, %add3A_275, %sign3A_278 : i32
        %sign3A_280 = arith.extui %sign3A_279 : i1 to i32
        %sign3A_281 = arith.constant 0 : i32
        %sign3A_282 = arith.cmpi slt, %add3A_275, %sign3A_281 : i32
        %sign3A_283 = arith.extui %sign3A_282 : i1 to i32
        %sign3A_284 = arith.subi %sign3A_280, %sign3A_283 : i32
        %sign3A_285 = arith.constant 0 : i32
        %sign3A_286 = arith.cmpi sgt, %jit3A_276, %sign3A_285 : i32
        %sign3A_287 = arith.extui %sign3A_286 : i1 to i32
        %sign3A_288 = arith.constant 0 : i32
        %sign3A_289 = arith.cmpi slt, %jit3A_276, %sign3A_288 : i32
        %sign3A_290 = arith.extui %sign3A_289 : i1 to i32
        %sign3A_291 = arith.subi %sign3A_287, %sign3A_290 : i32
        %ne3A_292 = arith.cmpi ne, %sign3A_284, %sign3A_291 : i32
        %rem3A_293 = arith.remsi %add3A_275, %jit3A_276 : i32
        %ne3A_294 = arith.constant 0 : i32
        %ne3A_295 = arith.cmpi ne, %rem3A_293, %ne3A_294 : i32
        %and3A_296 = arith.andi %ne3A_292, %ne3A_295 : i1
        %sub3A_297 = arith.constant 1 : i32
        %sub3A_298 = arith.subi %div3A_277, %sub3A_297 : i32
        %select_n3A_299 = arith.select %and3A_296, %sub3A_298, %div3A_277 : i32
        %jit3A_300 = arith.constant 4 : i32
        %eq3A_301 = arith.constant 0 : i32
        %eq3A_302 = arith.cmpi eq, %jit3A_300, %eq3A_301 : i32
        %jit3A_303 = arith.constant 1 : i32
        %select_n3A_304 = arith.select %eq3A_302, %jit3A_303, %jit3A_300 : i32
        %rem3A_305 = arith.remsi %add3A_275, %select_n3A_304 : i32
        %ne3A_306 = arith.constant 0 : i32
        %ne3A_307 = arith.cmpi ne, %rem3A_305, %ne3A_306 : i32
        %lt3A_308 = arith.constant 0 : i32
        %lt3A_309 = arith.cmpi slt, %rem3A_305, %lt3A_308 : i32
        %lt3A_310 = arith.constant 0 : i32
        %lt3A_311 = arith.cmpi slt, %select_n3A_304, %lt3A_310 : i32
        %ne3A_312 = arith.xori %lt3A_309, %lt3A_311 : i1
        %and3A_313 = arith.andi %ne3A_312, %ne3A_307 : i1
        %add3A_314 = arith.addi %rem3A_305, %select_n3A_304 : i32
        %select_n3A_315 = arith.select %and3A_313, %add3A_314, %rem3A_305 : i32
        %jit3A_316 = arith.constant 8 : i32
        %div3A_317 = arith.divsi %select_n3A_299, %jit3A_316 : i32
        %sign3A_318 = arith.constant 0 : i32
        %sign3A_319 = arith.cmpi sgt, %select_n3A_299, %sign3A_318 : i32
        %sign3A_320 = arith.extui %sign3A_319 : i1 to i32
        %sign3A_321 = arith.constant 0 : i32
        %sign3A_322 = arith.cmpi slt, %select_n3A_299, %sign3A_321 : i32
        %sign3A_323 = arith.extui %sign3A_322 : i1 to i32
        %sign3A_324 = arith.subi %sign3A_320, %sign3A_323 : i32
        %sign3A_325 = arith.constant 0 : i32
        %sign3A_326 = arith.cmpi sgt, %jit3A_316, %sign3A_325 : i32
        %sign3A_327 = arith.extui %sign3A_326 : i1 to i32
        %sign3A_328 = arith.constant 0 : i32
        %sign3A_329 = arith.cmpi slt, %jit3A_316, %sign3A_328 : i32
        %sign3A_330 = arith.extui %sign3A_329 : i1 to i32
        %sign3A_331 = arith.subi %sign3A_327, %sign3A_330 : i32
        %ne3A_332 = arith.cmpi ne, %sign3A_324, %sign3A_331 : i32
        %rem3A_333 = arith.remsi %select_n3A_299, %jit3A_316 : i32
        %ne3A_334 = arith.constant 0 : i32
        %ne3A_335 = arith.cmpi ne, %rem3A_333, %ne3A_334 : i32
        %and3A_336 = arith.andi %ne3A_332, %ne3A_335 : i1
        %sub3A_337 = arith.constant 1 : i32
        %sub3A_338 = arith.subi %div3A_317, %sub3A_337 : i32
        %select_n3A_339 = arith.select %and3A_336, %sub3A_338, %div3A_317 : i32
        %jit3A_340 = arith.constant 8 : i32
        %eq3A_341 = arith.constant 0 : i32
        %eq3A_342 = arith.cmpi eq, %jit3A_340, %eq3A_341 : i32
        %jit3A_343 = arith.constant 1 : i32
        %select_n3A_344 = arith.select %eq3A_342, %jit3A_343, %jit3A_340 : i32
        %rem3A_345 = arith.remsi %select_n3A_299, %select_n3A_344 : i32
        %ne3A_346 = arith.constant 0 : i32
        %ne3A_347 = arith.cmpi ne, %rem3A_345, %ne3A_346 : i32
        %lt3A_348 = arith.constant 0 : i32
        %lt3A_349 = arith.cmpi slt, %rem3A_345, %lt3A_348 : i32
        %lt3A_350 = arith.constant 0 : i32
        %lt3A_351 = arith.cmpi slt, %select_n3A_344, %lt3A_350 : i32
        %ne3A_352 = arith.xori %lt3A_349, %lt3A_351 : i1
        %and3A_353 = arith.andi %ne3A_352, %ne3A_347 : i1
        %add3A_354 = arith.addi %rem3A_345, %select_n3A_344 : i32
        %select_n3A_355 = arith.select %and3A_353, %add3A_354, %rem3A_345 : i32
        %dma_start3A_356 = arith.constant 0 : i32
        %dma_start3A_357 = tpu.memref_slice %arg5[%select_n3A_339, %select_n3A_315, %select_n3A_355, %dma_start3A_356] : memref<7x4x8x128xi32, #tpu.memory_space<vmem>> -> memref<1x1x1x128xi32, #tpu.memory_space<vmem>>
        %dma_start3A_358 = tpu.memref_squeeze %dma_start3A_357 : memref<1x1x1x128xi32, #tpu.memory_space<vmem>> -> memref<128xi32, #tpu.memory_space<vmem>>
        %dma_start3A_359 = arith.constant 0 : i32
        %dma_start3A_360 = arith.constant 0 : i32
        %dma_start3A_361 = tpu.memref_slice %arg3[%dma_start3A_359, %dma_start3A_360] : memref<1000000x64xf32, #tpu.memory_space<hbm>> -> memref<1000000x64xf32, #tpu.memory_space<hbm>>
        tpu.enqueue_indirect_dma source(%dma_start3A_361 : memref<1000000x64xf32, #tpu.memory_space<hbm>>) target(%arg6 : memref<128x64xf32, #tpu.memory_space<vmem>>) offsets(%dma_start3A_358 : memref<128xi32, #tpu.memory_space<vmem>>) semaphore(%arg10 : memref<!tpu.dma_semaphore, #tpu.memory_space<semaphore_mem>>)
      } else {
      }
      %add3A_198 = arith.constant 1 : i32
      %add3A_199 = arith.addi %add3A_134, %add3A_198 : i32
      %dma_wait3A_200 = arith.constant 0 : i32
      %dma_wait3A_201 = arith.constant 0 : i32
      %dma_wait3A_202 = tpu.memref_slice %arg3[%dma_wait3A_200, %dma_wait3A_201] : memref<1000000x64xf32, #tpu.memory_space<hbm>> -> memref<128x64xf32, #tpu.memory_space<hbm>>
      %dma_wait3A_203 = arith.constant 0 : i32
      %dma_wait3A_204 = arith.constant 0 : i32
      %dma_wait3A_205 = tpu.memref_slice %arg3[%dma_wait3A_203, %dma_wait3A_204] : memref<1000000x64xf32, #tpu.memory_space<hbm>> -> memref<128x64xf32, #tpu.memory_space<hbm>>
      tpu.wait_dma2 semaphore(%arg11 : memref<!tpu.dma_semaphore, #tpu.memory_space<semaphore_mem>>) src(%dma_wait3A_205 : memref<128x64xf32, #tpu.memory_space<hbm>>) dst(%arg7 : memref<128x64xf32, #tpu.memory_space<vmem>>)
      %ge3A_206 = arith.constant 2 : i32
      %ge3A_207 = arith.cmpi sge, %add3A_199, %ge3A_206 : i32
      %convert_element_type3A_208 = arith.extui %ge3A_207 : i1 to i32
      %cond3A_209 = arith.constant 0 : i32
      %cond3A_210 = arith.cmpi ne, %convert_element_type3A_208, %cond3A_209 : i32
      scf.if %cond3A_210 {
        %dma_wait3A_274 = arith.constant 0 : i32
        %dma_wait3A_275 = arith.constant 0 : i32
        %dma_wait3A_276 = tpu.memref_slice %arg3[%dma_wait3A_274, %dma_wait3A_275] : memref<1000000x64xf32, #tpu.memory_space<hbm>> -> memref<128x64xf32, #tpu.memory_space<hbm>>
        %dma_wait3A_277 = arith.constant 0 : i32
        %dma_wait3A_278 = arith.constant 0 : i32
        %dma_wait3A_279 = tpu.memref_slice %arg3[%dma_wait3A_277, %dma_wait3A_278] : memref<1000000x64xf32, #tpu.memory_space<hbm>> -> memref<128x64xf32, #tpu.memory_space<hbm>>
        tpu.wait_dma2 semaphore(%arg13 : memref<!tpu.dma_semaphore, #tpu.memory_space<semaphore_mem>>) src(%dma_wait3A_279 : memref<128x64xf32, #tpu.memory_space<hbm>>) dst(%arg7 : memref<128x64xf32, #tpu.memory_space<vmem>>)
      } else {
      }
      %parallel_loop3A_211 = arith.constant 0 : i32
      %parallel_loop3A_212 = arith.constant 8 : i32
      %parallel_loop3A_213 = arith.constant 1 : i32
      scf.for %parallel_loop3A_274 = %parallel_loop3A_211 to %parallel_loop3A_212 step %parallel_loop3A_213  : i32 {
        %parallel_loop3A_275 = arith.constant 16 : i32
        %parallel_loop3A_276 = arith.muli %parallel_loop3A_274, %parallel_loop3A_275 : i32
        %parallel_loop3A_277 = vector.broadcast %parallel_loop3A_276 : i32 to vector<16xi32>
        %parallel_loop3A_278 = arith.addi %iota3A, %parallel_loop3A_277 : vector<16xi32>
        %parallel_loop3A_279 = arith.constant 0 : i32
        %parallel_loop3A_280 = vector.broadcast %parallel_loop3A_279 : i32 to vector<16xi32>
        %parallel_loop3A_281 = arith.addi %and3A_7, %parallel_loop3A_280 : vector<16xi32>
        %parallel_loop3A_282 = tpu.vector_load_idx %arg7[%parallel_loop3A_278, %parallel_loop3A_281] : memref<128x64xf32, #tpu.memory_space<vmem>>[vector<16xi32>, vector<16xi32>], vector<16xf32>,
        %parallel_loop3A_283 = arith.constant 3 : i32
        %parallel_loop3A_284 = vector.broadcast %parallel_loop3A_283 : i32 to vector<16xi32>
        %parallel_loop3A_285 = arith.shrsi %parallel_loop3A_281, %parallel_loop3A_284 : vector<16xi32>
        %parallel_loop3A_286 = arith.constant 7 : i32
        %parallel_loop3A_287 = vector.broadcast %parallel_loop3A_286 : i32 to vector<16xi32>
        %parallel_loop3A_288 = arith.andi %parallel_loop3A_281, %parallel_loop3A_287 : vector<16xi32>
        tpu.vector_store_idx %arg9[%parallel_loop3A_285, %parallel_loop3A_288, %parallel_loop3A_278], %parallel_loop3A_282 : memref<8x8x128xf32, #tpu.memory_space<vmem>>[vector<16xi32>, vector<16xi32>, vector<16xi32>], vector<16xf32>,
        %parallel_loop3A_289 = arith.constant 0 : i32
        %parallel_loop3A_290 = vector.broadcast %parallel_loop3A_289 : i32 to vector<16xi32>
        %parallel_loop3A_291 = arith.addi %and3A_13, %parallel_loop3A_290 : vector<16xi32>
        %parallel_loop3A_292 = tpu.vector_load_idx %arg7[%parallel_loop3A_278, %parallel_loop3A_291] : memref<128x64xf32, #tpu.memory_space<vmem>>[vector<16xi32>, vector<16xi32>], vector<16xf32>,
        %parallel_loop3A_293 = arith.constant 3 : i32
        %parallel_loop3A_294 = vector.broadcast %parallel_loop3A_293 : i32 to vector<16xi32>
        %parallel_loop3A_295 = arith.shrsi %parallel_loop3A_291, %parallel_loop3A_294 : vector<16xi32>
        %parallel_loop3A_296 = arith.constant 7 : i32
        %parallel_loop3A_297 = vector.broadcast %parallel_loop3A_296 : i32 to vector<16xi32>
        %parallel_loop3A_298 = arith.andi %parallel_loop3A_291, %parallel_loop3A_297 : vector<16xi32>
        tpu.vector_store_idx %arg9[%parallel_loop3A_295, %parallel_loop3A_298, %parallel_loop3A_278], %parallel_loop3A_292 : memref<8x8x128xf32, #tpu.memory_space<vmem>>[vector<16xi32>, vector<16xi32>, vector<16xi32>], vector<16xf32>,
        %parallel_loop3A_299 = arith.constant 0 : i32
        %parallel_loop3A_300 = vector.broadcast %parallel_loop3A_299 : i32 to vector<16xi32>
        %parallel_loop3A_301 = arith.addi %and3A_19, %parallel_loop3A_300 : vector<16xi32>
        %parallel_loop3A_302 = tpu.vector_load_idx %arg7[%parallel_loop3A_278, %parallel_loop3A_301] : memref<128x64xf32, #tpu.memory_space<vmem>>[vector<16xi32>, vector<16xi32>], vector<16xf32>,
        %parallel_loop3A_303 = arith.constant 3 : i32
        %parallel_loop3A_304 = vector.broadcast %parallel_loop3A_303 : i32 to vector<16xi32>
        %parallel_loop3A_305 = arith.shrsi %parallel_loop3A_301, %parallel_loop3A_304 : vector<16xi32>
        %parallel_loop3A_306 = arith.constant 7 : i32
        %parallel_loop3A_307 = vector.broadcast %parallel_loop3A_306 : i32 to vector<16xi32>
        %parallel_loop3A_308 = arith.andi %parallel_loop3A_301, %parallel_loop3A_307 : vector<16xi32>
        tpu.vector_store_idx %arg9[%parallel_loop3A_305, %parallel_loop3A_308, %parallel_loop3A_278], %parallel_loop3A_302 : memref<8x8x128xf32, #tpu.memory_space<vmem>>[vector<16xi32>, vector<16xi32>, vector<16xi32>], vector<16xf32>,
        %parallel_loop3A_309 = arith.constant 0 : i32
        %parallel_loop3A_310 = vector.broadcast %parallel_loop3A_309 : i32 to vector<16xi32>
        %parallel_loop3A_311 = arith.addi %and3A_25, %parallel_loop3A_310 : vector<16xi32>
        %parallel_loop3A_312 = tpu.vector_load_idx %arg7[%parallel_loop3A_278, %parallel_loop3A_311] : memref<128x64xf32, #tpu.memory_space<vmem>>[vector<16xi32>, vector<16xi32>], vector<16xf32>,
        %parallel_loop3A_313 = arith.constant 3 : i32
        %parallel_loop3A_314 = vector.broadcast %parallel_loop3A_313 : i32 to vector<16xi32>
        %parallel_loop3A_315 = arith.shrsi %parallel_loop3A_311, %parallel_loop3A_314 : vector<16xi32>
        %parallel_loop3A_316 = arith.constant 7 : i32
        %parallel_loop3A_317 = vector.broadcast %parallel_loop3A_316 : i32 to vector<16xi32>
        %parallel_loop3A_318 = arith.andi %parallel_loop3A_311, %parallel_loop3A_317 : vector<16xi32>
        tpu.vector_store_idx %arg9[%parallel_loop3A_315, %parallel_loop3A_318, %parallel_loop3A_278], %parallel_loop3A_312 : memref<8x8x128xf32, #tpu.memory_space<vmem>>[vector<16xi32>, vector<16xi32>, vector<16xi32>], vector<16xf32>,
        %parallel_loop3A_319 = arith.constant 0 : i32
        %parallel_loop3A_320 = vector.broadcast %parallel_loop3A_319 : i32 to vector<16xi32>
        %parallel_loop3A_321 = arith.addi %and3A_31, %parallel_loop3A_320 : vector<16xi32>
        %parallel_loop3A_322 = tpu.vector_load_idx %arg7[%parallel_loop3A_278, %parallel_loop3A_321] : memref<128x64xf32, #tpu.memory_space<vmem>>[vector<16xi32>, vector<16xi32>], vector<16xf32>,
        %parallel_loop3A_323 = arith.constant 3 : i32
        %parallel_loop3A_324 = vector.broadcast %parallel_loop3A_323 : i32 to vector<16xi32>
        %parallel_loop3A_325 = arith.shrsi %parallel_loop3A_321, %parallel_loop3A_324 : vector<16xi32>
        %parallel_loop3A_326 = arith.constant 7 : i32
        %parallel_loop3A_327 = vector.broadcast %parallel_loop3A_326 : i32 to vector<16xi32>
        %parallel_loop3A_328 = arith.andi %parallel_loop3A_321, %parallel_loop3A_327 : vector<16xi32>
        tpu.vector_store_idx %arg9[%parallel_loop3A_325, %parallel_loop3A_328, %parallel_loop3A_278], %parallel_loop3A_322 : memref<8x8x128xf32, #tpu.memory_space<vmem>>[vector<16xi32>, vector<16xi32>, vector<16xi32>], vector<16xf32>,
        %parallel_loop3A_329 = arith.constant 0 : i32
        %parallel_loop3A_330 = vector.broadcast %parallel_loop3A_329 : i32 to vector<16xi32>
        %parallel_loop3A_331 = arith.addi %and3A_37, %parallel_loop3A_330 : vector<16xi32>
        %parallel_loop3A_332 = tpu.vector_load_idx %arg7[%parallel_loop3A_278, %parallel_loop3A_331] : memref<128x64xf32, #tpu.memory_space<vmem>>[vector<16xi32>, vector<16xi32>], vector<16xf32>,
        %parallel_loop3A_333 = arith.constant 3 : i32
        %parallel_loop3A_334 = vector.broadcast %parallel_loop3A_333 : i32 to vector<16xi32>
        %parallel_loop3A_335 = arith.shrsi %parallel_loop3A_331, %parallel_loop3A_334 : vector<16xi32>
        %parallel_loop3A_336 = arith.constant 7 : i32
        %parallel_loop3A_337 = vector.broadcast %parallel_loop3A_336 : i32 to vector<16xi32>
        %parallel_loop3A_338 = arith.andi %parallel_loop3A_331, %parallel_loop3A_337 : vector<16xi32>
        tpu.vector_store_idx %arg9[%parallel_loop3A_335, %parallel_loop3A_338, %parallel_loop3A_278], %parallel_loop3A_332 : memref<8x8x128xf32, #tpu.memory_space<vmem>>[vector<16xi32>, vector<16xi32>, vector<16xi32>], vector<16xf32>,
        %parallel_loop3A_339 = arith.constant 0 : i32
        %parallel_loop3A_340 = vector.broadcast %parallel_loop3A_339 : i32 to vector<16xi32>
        %parallel_loop3A_341 = arith.addi %and3A_43, %parallel_loop3A_340 : vector<16xi32>
        %parallel_loop3A_342 = tpu.vector_load_idx %arg7[%parallel_loop3A_278, %parallel_loop3A_341] : memref<128x64xf32, #tpu.memory_space<vmem>>[vector<16xi32>, vector<16xi32>], vector<16xf32>,
        %parallel_loop3A_343 = arith.constant 3 : i32
        %parallel_loop3A_344 = vector.broadcast %parallel_loop3A_343 : i32 to vector<16xi32>
        %parallel_loop3A_345 = arith.shrsi %parallel_loop3A_341, %parallel_loop3A_344 : vector<16xi32>
        %parallel_loop3A_346 = arith.constant 7 : i32
        %parallel_loop3A_347 = vector.broadcast %parallel_loop3A_346 : i32 to vector<16xi32>
        %parallel_loop3A_348 = arith.andi %parallel_loop3A_341, %parallel_loop3A_347 : vector<16xi32>
        tpu.vector_store_idx %arg9[%parallel_loop3A_345, %parallel_loop3A_348, %parallel_loop3A_278], %parallel_loop3A_342 : memref<8x8x128xf32, #tpu.memory_space<vmem>>[vector<16xi32>, vector<16xi32>, vector<16xi32>], vector<16xf32>,
        %parallel_loop3A_349 = arith.constant 0 : i32
        %parallel_loop3A_350 = vector.broadcast %parallel_loop3A_349 : i32 to vector<16xi32>
        %parallel_loop3A_351 = arith.addi %and3A_49, %parallel_loop3A_350 : vector<16xi32>
        %parallel_loop3A_352 = tpu.vector_load_idx %arg7[%parallel_loop3A_278, %parallel_loop3A_351] : memref<128x64xf32, #tpu.memory_space<vmem>>[vector<16xi32>, vector<16xi32>], vector<16xf32>,
        %parallel_loop3A_353 = arith.constant 3 : i32
        %parallel_loop3A_354 = vector.broadcast %parallel_loop3A_353 : i32 to vector<16xi32>
        %parallel_loop3A_355 = arith.shrsi %parallel_loop3A_351, %parallel_loop3A_354 : vector<16xi32>
        %parallel_loop3A_356 = arith.constant 7 : i32
        %parallel_loop3A_357 = vector.broadcast %parallel_loop3A_356 : i32 to vector<16xi32>
        %parallel_loop3A_358 = arith.andi %parallel_loop3A_351, %parallel_loop3A_357 : vector<16xi32>
        tpu.vector_store_idx %arg9[%parallel_loop3A_355, %parallel_loop3A_358, %parallel_loop3A_278], %parallel_loop3A_352 : memref<8x8x128xf32, #tpu.memory_space<vmem>>[vector<16xi32>, vector<16xi32>, vector<16xi32>], vector<16xf32>,
        %parallel_loop3A_359 = arith.constant 0 : i32
        %parallel_loop3A_360 = vector.broadcast %parallel_loop3A_359 : i32 to vector<16xi32>
        %parallel_loop3A_361 = arith.addi %and3A_55, %parallel_loop3A_360 : vector<16xi32>
        %parallel_loop3A_362 = tpu.vector_load_idx %arg7[%parallel_loop3A_278, %parallel_loop3A_361] : memref<128x64xf32, #tpu.memory_space<vmem>>[vector<16xi32>, vector<16xi32>], vector<16xf32>,
        %parallel_loop3A_363 = arith.constant 3 : i32
        %parallel_loop3A_364 = vector.broadcast %parallel_loop3A_363 : i32 to vector<16xi32>
        %parallel_loop3A_365 = arith.shrsi %parallel_loop3A_361, %parallel_loop3A_364 : vector<16xi32>
        %parallel_loop3A_366 = arith.constant 7 : i32
        %parallel_loop3A_367 = vector.broadcast %parallel_loop3A_366 : i32 to vector<16xi32>
        %parallel_loop3A_368 = arith.andi %parallel_loop3A_361, %parallel_loop3A_367 : vector<16xi32>
        tpu.vector_store_idx %arg9[%parallel_loop3A_365, %parallel_loop3A_368, %parallel_loop3A_278], %parallel_loop3A_362 : memref<8x8x128xf32, #tpu.memory_space<vmem>>[vector<16xi32>, vector<16xi32>, vector<16xi32>], vector<16xf32>,
        %parallel_loop3A_369 = arith.constant 0 : i32
        %parallel_loop3A_370 = vector.broadcast %parallel_loop3A_369 : i32 to vector<16xi32>
        %parallel_loop3A_371 = arith.addi %and3A_61, %parallel_loop3A_370 : vector<16xi32>
        %parallel_loop3A_372 = tpu.vector_load_idx %arg7[%parallel_loop3A_278, %parallel_loop3A_371] : memref<128x64xf32, #tpu.memory_space<vmem>>[vector<16xi32>, vector<16xi32>], vector<16xf32>,
        %parallel_loop3A_373 = arith.constant 3 : i32
        %parallel_loop3A_374 = vector.broadcast %parallel_loop3A_373 : i32 to vector<16xi32>
        %parallel_loop3A_375 = arith.shrsi %parallel_loop3A_371, %parallel_loop3A_374 : vector<16xi32>
        %parallel_loop3A_376 = arith.constant 7 : i32
        %parallel_loop3A_377 = vector.broadcast %parallel_loop3A_376 : i32 to vector<16xi32>
        %parallel_loop3A_378 = arith.andi %parallel_loop3A_371, %parallel_loop3A_377 : vector<16xi32>
        tpu.vector_store_idx %arg9[%parallel_loop3A_375, %parallel_loop3A_378, %parallel_loop3A_278], %parallel_loop3A_372 : memref<8x8x128xf32, #tpu.memory_space<vmem>>[vector<16xi32>, vector<16xi32>, vector<16xi32>], vector<16xf32>,
        %parallel_loop3A_379 = arith.constant 0 : i32
        %parallel_loop3A_380 = vector.broadcast %parallel_loop3A_379 : i32 to vector<16xi32>
        %parallel_loop3A_381 = arith.addi %and3A_67, %parallel_loop3A_380 : vector<16xi32>
        %parallel_loop3A_382 = tpu.vector_load_idx %arg7[%parallel_loop3A_278, %parallel_loop3A_381] : memref<128x64xf32, #tpu.memory_space<vmem>>[vector<16xi32>, vector<16xi32>], vector<16xf32>,
        %parallel_loop3A_383 = arith.constant 3 : i32
        %parallel_loop3A_384 = vector.broadcast %parallel_loop3A_383 : i32 to vector<16xi32>
        %parallel_loop3A_385 = arith.shrsi %parallel_loop3A_381, %parallel_loop3A_384 : vector<16xi32>
        %parallel_loop3A_386 = arith.constant 7 : i32
        %parallel_loop3A_387 = vector.broadcast %parallel_loop3A_386 : i32 to vector<16xi32>
        %parallel_loop3A_388 = arith.andi %parallel_loop3A_381, %parallel_loop3A_387 : vector<16xi32>
        tpu.vector_store_idx %arg9[%parallel_loop3A_385, %parallel_loop3A_388, %parallel_loop3A_278], %parallel_loop3A_382 : memref<8x8x128xf32, #tpu.memory_space<vmem>>[vector<16xi32>, vector<16xi32>, vector<16xi32>], vector<16xf32>,
        %parallel_loop3A_389 = arith.constant 0 : i32
        %parallel_loop3A_390 = vector.broadcast %parallel_loop3A_389 : i32 to vector<16xi32>
        %parallel_loop3A_391 = arith.addi %and3A_73, %parallel_loop3A_390 : vector<16xi32>
        %parallel_loop3A_392 = tpu.vector_load_idx %arg7[%parallel_loop3A_278, %parallel_loop3A_391] : memref<128x64xf32, #tpu.memory_space<vmem>>[vector<16xi32>, vector<16xi32>], vector<16xf32>,
        %parallel_loop3A_393 = arith.constant 3 : i32
        %parallel_loop3A_394 = vector.broadcast %parallel_loop3A_393 : i32 to vector<16xi32>
        %parallel_loop3A_395 = arith.shrsi %parallel_loop3A_391, %parallel_loop3A_394 : vector<16xi32>
        %parallel_loop3A_396 = arith.constant 7 : i32
        %parallel_loop3A_397 = vector.broadcast %parallel_loop3A_396 : i32 to vector<16xi32>
        %parallel_loop3A_398 = arith.andi %parallel_loop3A_391, %parallel_loop3A_397 : vector<16xi32>
        tpu.vector_store_idx %arg9[%parallel_loop3A_395, %parallel_loop3A_398, %parallel_loop3A_278], %parallel_loop3A_392 : memref<8x8x128xf32, #tpu.memory_space<vmem>>[vector<16xi32>, vector<16xi32>, vector<16xi32>], vector<16xf32>,
        %parallel_loop3A_399 = arith.constant 0 : i32
        %parallel_loop3A_400 = vector.broadcast %parallel_loop3A_399 : i32 to vector<16xi32>
        %parallel_loop3A_401 = arith.addi %and3A_79, %parallel_loop3A_400 : vector<16xi32>
        %parallel_loop3A_402 = tpu.vector_load_idx %arg7[%parallel_loop3A_278, %parallel_loop3A_401] : memref<128x64xf32, #tpu.memory_space<vmem>>[vector<16xi32>, vector<16xi32>], vector<16xf32>,
        %parallel_loop3A_403 = arith.constant 3 : i32
        %parallel_loop3A_404 = vector.broadcast %parallel_loop3A_403 : i32 to vector<16xi32>
        %parallel_loop3A_405 = arith.shrsi %parallel_loop3A_401, %parallel_loop3A_404 : vector<16xi32>
        %parallel_loop3A_406 = arith.constant 7 : i32
        %parallel_loop3A_407 = vector.broadcast %parallel_loop3A_406 : i32 to vector<16xi32>
        %parallel_loop3A_408 = arith.andi %parallel_loop3A_401, %parallel_loop3A_407 : vector<16xi32>
        tpu.vector_store_idx %arg9[%parallel_loop3A_405, %parallel_loop3A_408, %parallel_loop3A_278], %parallel_loop3A_402 : memref<8x8x128xf32, #tpu.memory_space<vmem>>[vector<16xi32>, vector<16xi32>, vector<16xi32>], vector<16xf32>,
        %parallel_loop3A_409 = arith.constant 0 : i32
        %parallel_loop3A_410 = vector.broadcast %parallel_loop3A_409 : i32 to vector<16xi32>
        %parallel_loop3A_411 = arith.addi %and3A_85, %parallel_loop3A_410 : vector<16xi32>
        %parallel_loop3A_412 = tpu.vector_load_idx %arg7[%parallel_loop3A_278, %parallel_loop3A_411] : memref<128x64xf32, #tpu.memory_space<vmem>>[vector<16xi32>, vector<16xi32>], vector<16xf32>,
        %parallel_loop3A_413 = arith.constant 3 : i32
        %parallel_loop3A_414 = vector.broadcast %parallel_loop3A_413 : i32 to vector<16xi32>
        %parallel_loop3A_415 = arith.shrsi %parallel_loop3A_411, %parallel_loop3A_414 : vector<16xi32>
        %parallel_loop3A_416 = arith.constant 7 : i32
        %parallel_loop3A_417 = vector.broadcast %parallel_loop3A_416 : i32 to vector<16xi32>
        %parallel_loop3A_418 = arith.andi %parallel_loop3A_411, %parallel_loop3A_417 : vector<16xi32>
        tpu.vector_store_idx %arg9[%parallel_loop3A_415, %parallel_loop3A_418, %parallel_loop3A_278], %parallel_loop3A_412 : memref<8x8x128xf32, #tpu.memory_space<vmem>>[vector<16xi32>, vector<16xi32>, vector<16xi32>], vector<16xf32>,
        %parallel_loop3A_419 = arith.constant 0 : i32
        %parallel_loop3A_420 = vector.broadcast %parallel_loop3A_419 : i32 to vector<16xi32>
        %parallel_loop3A_421 = arith.addi %and3A_91, %parallel_loop3A_420 : vector<16xi32>
        %parallel_loop3A_422 = tpu.vector_load_idx %arg7[%parallel_loop3A_278, %parallel_loop3A_421] : memref<128x64xf32, #tpu.memory_space<vmem>>[vector<16xi32>, vector<16xi32>], vector<16xf32>,
        %parallel_loop3A_423 = arith.constant 3 : i32
        %parallel_loop3A_424 = vector.broadcast %parallel_loop3A_423 : i32 to vector<16xi32>
        %parallel_loop3A_425 = arith.shrsi %parallel_loop3A_421, %parallel_loop3A_424 : vector<16xi32>
        %parallel_loop3A_426 = arith.constant 7 : i32
        %parallel_loop3A_427 = vector.broadcast %parallel_loop3A_426 : i32 to vector<16xi32>
        %parallel_loop3A_428 = arith.andi %parallel_loop3A_421, %parallel_loop3A_427 : vector<16xi32>
        tpu.vector_store_idx %arg9[%parallel_loop3A_425, %parallel_loop3A_428, %parallel_loop3A_278], %parallel_loop3A_422 : memref<8x8x128xf32, #tpu.memory_space<vmem>>[vector<16xi32>, vector<16xi32>, vector<16xi32>], vector<16xf32>,
        %parallel_loop3A_429 = arith.constant 0 : i32
        %parallel_loop3A_430 = vector.broadcast %parallel_loop3A_429 : i32 to vector<16xi32>
        %parallel_loop3A_431 = arith.addi %and3A_97, %parallel_loop3A_430 : vector<16xi32>
        %parallel_loop3A_432 = tpu.vector_load_idx %arg7[%parallel_loop3A_278, %parallel_loop3A_431] : memref<128x64xf32, #tpu.memory_space<vmem>>[vector<16xi32>, vector<16xi32>], vector<16xf32>,
        %parallel_loop3A_433 = arith.constant 3 : i32
        %parallel_loop3A_434 = vector.broadcast %parallel_loop3A_433 : i32 to vector<16xi32>
        %parallel_loop3A_435 = arith.shrsi %parallel_loop3A_431, %parallel_loop3A_434 : vector<16xi32>
        %parallel_loop3A_436 = arith.constant 7 : i32
        %parallel_loop3A_437 = vector.broadcast %parallel_loop3A_436 : i32 to vector<16xi32>
        %parallel_loop3A_438 = arith.andi %parallel_loop3A_431, %parallel_loop3A_437 : vector<16xi32>
        tpu.vector_store_idx %arg9[%parallel_loop3A_435, %parallel_loop3A_438, %parallel_loop3A_278], %parallel_loop3A_432 : memref<8x8x128xf32, #tpu.memory_space<vmem>>[vector<16xi32>, vector<16xi32>, vector<16xi32>], vector<16xf32>,
        %parallel_loop3A_439 = arith.constant 16 : i32
        %parallel_loop3A_440 = vector.broadcast %parallel_loop3A_439 : i32 to vector<16xi32>
        %parallel_loop3A_441 = arith.addi %and3A_7, %parallel_loop3A_440 : vector<16xi32>
        %parallel_loop3A_442 = tpu.vector_load_idx %arg7[%parallel_loop3A_278, %parallel_loop3A_441] : memref<128x64xf32, #tpu.memory_space<vmem>>[vector<16xi32>, vector<16xi32>], vector<16xf32>,
        %parallel_loop3A_443 = arith.constant 3 : i32
        %parallel_loop3A_444 = vector.broadcast %parallel_loop3A_443 : i32 to vector<16xi32>
        %parallel_loop3A_445 = arith.shrsi %parallel_loop3A_441, %parallel_loop3A_444 : vector<16xi32>
        %parallel_loop3A_446 = arith.constant 7 : i32
        %parallel_loop3A_447 = vector.broadcast %parallel_loop3A_446 : i32 to vector<16xi32>
        %parallel_loop3A_448 = arith.andi %parallel_loop3A_441, %parallel_loop3A_447 : vector<16xi32>
        tpu.vector_store_idx %arg9[%parallel_loop3A_445, %parallel_loop3A_448, %parallel_loop3A_278], %parallel_loop3A_442 : memref<8x8x128xf32, #tpu.memory_space<vmem>>[vector<16xi32>, vector<16xi32>, vector<16xi32>], vector<16xf32>,
        %parallel_loop3A_449 = arith.constant 16 : i32
        %parallel_loop3A_450 = vector.broadcast %parallel_loop3A_449 : i32 to vector<16xi32>
        %parallel_loop3A_451 = arith.addi %and3A_13, %parallel_loop3A_450 : vector<16xi32>
        %parallel_loop3A_452 = tpu.vector_load_idx %arg7[%parallel_loop3A_278, %parallel_loop3A_451] : memref<128x64xf32, #tpu.memory_space<vmem>>[vector<16xi32>, vector<16xi32>], vector<16xf32>,
        %parallel_loop3A_453 = arith.constant 3 : i32
        %parallel_loop3A_454 = vector.broadcast %parallel_loop3A_453 : i32 to vector<16xi32>
        %parallel_loop3A_455 = arith.shrsi %parallel_loop3A_451, %parallel_loop3A_454 : vector<16xi32>
        %parallel_loop3A_456 = arith.constant 7 : i32
        %parallel_loop3A_457 = vector.broadcast %parallel_loop3A_456 : i32 to vector<16xi32>
        %parallel_loop3A_458 = arith.andi %parallel_loop3A_451, %parallel_loop3A_457 : vector<16xi32>
        tpu.vector_store_idx %arg9[%parallel_loop3A_455, %parallel_loop3A_458, %parallel_loop3A_278], %parallel_loop3A_452 : memref<8x8x128xf32, #tpu.memory_space<vmem>>[vector<16xi32>, vector<16xi32>, vector<16xi32>], vector<16xf32>,
        %parallel_loop3A_459 = arith.constant 16 : i32
        %parallel_loop3A_460 = vector.broadcast %parallel_loop3A_459 : i32 to vector<16xi32>
        %parallel_loop3A_461 = arith.addi %and3A_19, %parallel_loop3A_460 : vector<16xi32>
        %parallel_loop3A_462 = tpu.vector_load_idx %arg7[%parallel_loop3A_278, %parallel_loop3A_461] : memref<128x64xf32, #tpu.memory_space<vmem>>[vector<16xi32>, vector<16xi32>], vector<16xf32>,
        %parallel_loop3A_463 = arith.constant 3 : i32
        %parallel_loop3A_464 = vector.broadcast %parallel_loop3A_463 : i32 to vector<16xi32>
        %parallel_loop3A_465 = arith.shrsi %parallel_loop3A_461, %parallel_loop3A_464 : vector<16xi32>
        %parallel_loop3A_466 = arith.constant 7 : i32
        %parallel_loop3A_467 = vector.broadcast %parallel_loop3A_466 : i32 to vector<16xi32>
        %parallel_loop3A_468 = arith.andi %parallel_loop3A_461, %parallel_loop3A_467 : vector<16xi32>
        tpu.vector_store_idx %arg9[%parallel_loop3A_465, %parallel_loop3A_468, %parallel_loop3A_278], %parallel_loop3A_462 : memref<8x8x128xf32, #tpu.memory_space<vmem>>[vector<16xi32>, vector<16xi32>, vector<16xi32>], vector<16xf32>,
        %parallel_loop3A_469 = arith.constant 16 : i32
        %parallel_loop3A_470 = vector.broadcast %parallel_loop3A_469 : i32 to vector<16xi32>
        %parallel_loop3A_471 = arith.addi %and3A_25, %parallel_loop3A_470 : vector<16xi32>
        %parallel_loop3A_472 = tpu.vector_load_idx %arg7[%parallel_loop3A_278, %parallel_loop3A_471] : memref<128x64xf32, #tpu.memory_space<vmem>>[vector<16xi32>, vector<16xi32>], vector<16xf32>,
        %parallel_loop3A_473 = arith.constant 3 : i32
        %parallel_loop3A_474 = vector.broadcast %parallel_loop3A_473 : i32 to vector<16xi32>
        %parallel_loop3A_475 = arith.shrsi %parallel_loop3A_471, %parallel_loop3A_474 : vector<16xi32>
        %parallel_loop3A_476 = arith.constant 7 : i32
        %parallel_loop3A_477 = vector.broadcast %parallel_loop3A_476 : i32 to vector<16xi32>
        %parallel_loop3A_478 = arith.andi %parallel_loop3A_471, %parallel_loop3A_477 : vector<16xi32>
        tpu.vector_store_idx %arg9[%parallel_loop3A_475, %parallel_loop3A_478, %parallel_loop3A_278], %parallel_loop3A_472 : memref<8x8x128xf32, #tpu.memory_space<vmem>>[vector<16xi32>, vector<16xi32>, vector<16xi32>], vector<16xf32>,
        %parallel_loop3A_479 = arith.constant 16 : i32
        %parallel_loop3A_480 = vector.broadcast %parallel_loop3A_479 : i32 to vector<16xi32>
        %parallel_loop3A_481 = arith.addi %and3A_31, %parallel_loop3A_480 : vector<16xi32>
        %parallel_loop3A_482 = tpu.vector_load_idx %arg7[%parallel_loop3A_278, %parallel_loop3A_481] : memref<128x64xf32, #tpu.memory_space<vmem>>[vector<16xi32>, vector<16xi32>], vector<16xf32>,
        %parallel_loop3A_483 = arith.constant 3 : i32
        %parallel_loop3A_484 = vector.broadcast %parallel_loop3A_483 : i32 to vector<16xi32>
        %parallel_loop3A_485 = arith.shrsi %parallel_loop3A_481, %parallel_loop3A_484 : vector<16xi32>
        %parallel_loop3A_486 = arith.constant 7 : i32
        %parallel_loop3A_487 = vector.broadcast %parallel_loop3A_486 : i32 to vector<16xi32>
        %parallel_loop3A_488 = arith.andi %parallel_loop3A_481, %parallel_loop3A_487 : vector<16xi32>
        tpu.vector_store_idx %arg9[%parallel_loop3A_485, %parallel_loop3A_488, %parallel_loop3A_278], %parallel_loop3A_482 : memref<8x8x128xf32, #tpu.memory_space<vmem>>[vector<16xi32>, vector<16xi32>, vector<16xi32>], vector<16xf32>,
        %parallel_loop3A_489 = arith.constant 16 : i32
        %parallel_loop3A_490 = vector.broadcast %parallel_loop3A_489 : i32 to vector<16xi32>
        %parallel_loop3A_491 = arith.addi %and3A_37, %parallel_loop3A_490 : vector<16xi32>
        %parallel_loop3A_492 = tpu.vector_load_idx %arg7[%parallel_loop3A_278, %parallel_loop3A_491] : memref<128x64xf32, #tpu.memory_space<vmem>>[vector<16xi32>, vector<16xi32>], vector<16xf32>,
        %parallel_loop3A_493 = arith.constant 3 : i32
        %parallel_loop3A_494 = vector.broadcast %parallel_loop3A_493 : i32 to vector<16xi32>
        %parallel_loop3A_495 = arith.shrsi %parallel_loop3A_491, %parallel_loop3A_494 : vector<16xi32>
        %parallel_loop3A_496 = arith.constant 7 : i32
        %parallel_loop3A_497 = vector.broadcast %parallel_loop3A_496 : i32 to vector<16xi32>
        %parallel_loop3A_498 = arith.andi %parallel_loop3A_491, %parallel_loop3A_497 : vector<16xi32>
        tpu.vector_store_idx %arg9[%parallel_loop3A_495, %parallel_loop3A_498, %parallel_loop3A_278], %parallel_loop3A_492 : memref<8x8x128xf32, #tpu.memory_space<vmem>>[vector<16xi32>, vector<16xi32>, vector<16xi32>], vector<16xf32>,
        %parallel_loop3A_499 = arith.constant 16 : i32
        %parallel_loop3A_500 = vector.broadcast %parallel_loop3A_499 : i32 to vector<16xi32>
        %parallel_loop3A_501 = arith.addi %and3A_43, %parallel_loop3A_500 : vector<16xi32>
        %parallel_loop3A_502 = tpu.vector_load_idx %arg7[%parallel_loop3A_278, %parallel_loop3A_501] : memref<128x64xf32, #tpu.memory_space<vmem>>[vector<16xi32>, vector<16xi32>], vector<16xf32>,
        %parallel_loop3A_503 = arith.constant 3 : i32
        %parallel_loop3A_504 = vector.broadcast %parallel_loop3A_503 : i32 to vector<16xi32>
        %parallel_loop3A_505 = arith.shrsi %parallel_loop3A_501, %parallel_loop3A_504 : vector<16xi32>
        %parallel_loop3A_506 = arith.constant 7 : i32
        %parallel_loop3A_507 = vector.broadcast %parallel_loop3A_506 : i32 to vector<16xi32>
        %parallel_loop3A_508 = arith.andi %parallel_loop3A_501, %parallel_loop3A_507 : vector<16xi32>
        tpu.vector_store_idx %arg9[%parallel_loop3A_505, %parallel_loop3A_508, %parallel_loop3A_278], %parallel_loop3A_502 : memref<8x8x128xf32, #tpu.memory_space<vmem>>[vector<16xi32>, vector<16xi32>, vector<16xi32>], vector<16xf32>,
        %parallel_loop3A_509 = arith.constant 16 : i32
        %parallel_loop3A_510 = vector.broadcast %parallel_loop3A_509 : i32 to vector<16xi32>
        %parallel_loop3A_511 = arith.addi %and3A_49, %parallel_loop3A_510 : vector<16xi32>
        %parallel_loop3A_512 = tpu.vector_load_idx %arg7[%parallel_loop3A_278, %parallel_loop3A_511] : memref<128x64xf32, #tpu.memory_space<vmem>>[vector<16xi32>, vector<16xi32>], vector<16xf32>,
        %parallel_loop3A_513 = arith.constant 3 : i32
        %parallel_loop3A_514 = vector.broadcast %parallel_loop3A_513 : i32 to vector<16xi32>
        %parallel_loop3A_515 = arith.shrsi %parallel_loop3A_511, %parallel_loop3A_514 : vector<16xi32>
        %parallel_loop3A_516 = arith.constant 7 : i32
        %parallel_loop3A_517 = vector.broadcast %parallel_loop3A_516 : i32 to vector<16xi32>
        %parallel_loop3A_518 = arith.andi %parallel_loop3A_511, %parallel_loop3A_517 : vector<16xi32>
        tpu.vector_store_idx %arg9[%parallel_loop3A_515, %parallel_loop3A_518, %parallel_loop3A_278], %parallel_loop3A_512 : memref<8x8x128xf32, #tpu.memory_space<vmem>>[vector<16xi32>, vector<16xi32>, vector<16xi32>], vector<16xf32>,
        %parallel_loop3A_519 = arith.constant 16 : i32
        %parallel_loop3A_520 = vector.broadcast %parallel_loop3A_519 : i32 to vector<16xi32>
        %parallel_loop3A_521 = arith.addi %and3A_55, %parallel_loop3A_520 : vector<16xi32>
        %parallel_loop3A_522 = tpu.vector_load_idx %arg7[%parallel_loop3A_278, %parallel_loop3A_521] : memref<128x64xf32, #tpu.memory_space<vmem>>[vector<16xi32>, vector<16xi32>], vector<16xf32>,
        %parallel_loop3A_523 = arith.constant 3 : i32
        %parallel_loop3A_524 = vector.broadcast %parallel_loop3A_523 : i32 to vector<16xi32>
        %parallel_loop3A_525 = arith.shrsi %parallel_loop3A_521, %parallel_loop3A_524 : vector<16xi32>
        %parallel_loop3A_526 = arith.constant 7 : i32
        %parallel_loop3A_527 = vector.broadcast %parallel_loop3A_526 : i32 to vector<16xi32>
        %parallel_loop3A_528 = arith.andi %parallel_loop3A_521, %parallel_loop3A_527 : vector<16xi32>
        tpu.vector_store_idx %arg9[%parallel_loop3A_525, %parallel_loop3A_528, %parallel_loop3A_278], %parallel_loop3A_522 : memref<8x8x128xf32, #tpu.memory_space<vmem>>[vector<16xi32>, vector<16xi32>, vector<16xi32>], vector<16xf32>,
        %parallel_loop3A_529 = arith.constant 16 : i32
        %parallel_loop3A_530 = vector.broadcast %parallel_loop3A_529 : i32 to vector<16xi32>
        %parallel_loop3A_531 = arith.addi %and3A_61, %parallel_loop3A_530 : vector<16xi32>
        %parallel_loop3A_532 = tpu.vector_load_idx %arg7[%parallel_loop3A_278, %parallel_loop3A_531] : memref<128x64xf32, #tpu.memory_space<vmem>>[vector<16xi32>, vector<16xi32>], vector<16xf32>,
        %parallel_loop3A_533 = arith.constant 3 : i32
        %parallel_loop3A_534 = vector.broadcast %parallel_loop3A_533 : i32 to vector<16xi32>
        %parallel_loop3A_535 = arith.shrsi %parallel_loop3A_531, %parallel_loop3A_534 : vector<16xi32>
        %parallel_loop3A_536 = arith.constant 7 : i32
        %parallel_loop3A_537 = vector.broadcast %parallel_loop3A_536 : i32 to vector<16xi32>
        %parallel_loop3A_538 = arith.andi %parallel_loop3A_531, %parallel_loop3A_537 : vector<16xi32>
        tpu.vector_store_idx %arg9[%parallel_loop3A_535, %parallel_loop3A_538, %parallel_loop3A_278], %parallel_loop3A_532 : memref<8x8x128xf32, #tpu.memory_space<vmem>>[vector<16xi32>, vector<16xi32>, vector<16xi32>], vector<16xf32>,
        %parallel_loop3A_539 = arith.constant 16 : i32
        %parallel_loop3A_540 = vector.broadcast %parallel_loop3A_539 : i32 to vector<16xi32>
        %parallel_loop3A_541 = arith.addi %and3A_67, %parallel_loop3A_540 : vector<16xi32>
        %parallel_loop3A_542 = tpu.vector_load_idx %arg7[%parallel_loop3A_278, %parallel_loop3A_541] : memref<128x64xf32, #tpu.memory_space<vmem>>[vector<16xi32>, vector<16xi32>], vector<16xf32>,
        %parallel_loop3A_543 = arith.constant 3 : i32
        %parallel_loop3A_544 = vector.broadcast %parallel_loop3A_543 : i32 to vector<16xi32>
        %parallel_loop3A_545 = arith.shrsi %parallel_loop3A_541, %parallel_loop3A_544 : vector<16xi32>
        %parallel_loop3A_546 = arith.constant 7 : i32
        %parallel_loop3A_547 = vector.broadcast %parallel_loop3A_546 : i32 to vector<16xi32>
        %parallel_loop3A_548 = arith.andi %parallel_loop3A_541, %parallel_loop3A_547 : vector<16xi32>
        tpu.vector_store_idx %arg9[%parallel_loop3A_545, %parallel_loop3A_548, %parallel_loop3A_278], %parallel_loop3A_542 : memref<8x8x128xf32, #tpu.memory_space<vmem>>[vector<16xi32>, vector<16xi32>, vector<16xi32>], vector<16xf32>,
        %parallel_loop3A_549 = arith.constant 16 : i32
        %parallel_loop3A_550 = vector.broadcast %parallel_loop3A_549 : i32 to vector<16xi32>
        %parallel_loop3A_551 = arith.addi %and3A_73, %parallel_loop3A_550 : vector<16xi32>
        %parallel_loop3A_552 = tpu.vector_load_idx %arg7[%parallel_loop3A_278, %parallel_loop3A_551] : memref<128x64xf32, #tpu.memory_space<vmem>>[vector<16xi32>, vector<16xi32>], vector<16xf32>,
        %parallel_loop3A_553 = arith.constant 3 : i32
        %parallel_loop3A_554 = vector.broadcast %parallel_loop3A_553 : i32 to vector<16xi32>
        %parallel_loop3A_555 = arith.shrsi %parallel_loop3A_551, %parallel_loop3A_554 : vector<16xi32>
        %parallel_loop3A_556 = arith.constant 7 : i32
        %parallel_loop3A_557 = vector.broadcast %parallel_loop3A_556 : i32 to vector<16xi32>
        %parallel_loop3A_558 = arith.andi %parallel_loop3A_551, %parallel_loop3A_557 : vector<16xi32>
        tpu.vector_store_idx %arg9[%parallel_loop3A_555, %parallel_loop3A_558, %parallel_loop3A_278], %parallel_loop3A_552 : memref<8x8x128xf32, #tpu.memory_space<vmem>>[vector<16xi32>, vector<16xi32>, vector<16xi32>], vector<16xf32>,
        %parallel_loop3A_559 = arith.constant 16 : i32
        %parallel_loop3A_560 = vector.broadcast %parallel_loop3A_559 : i32 to vector<16xi32>
        %parallel_loop3A_561 = arith.addi %and3A_79, %parallel_loop3A_560 : vector<16xi32>
        %parallel_loop3A_562 = tpu.vector_load_idx %arg7[%parallel_loop3A_278, %parallel_loop3A_561] : memref<128x64xf32, #tpu.memory_space<vmem>>[vector<16xi32>, vector<16xi32>], vector<16xf32>,
        %parallel_loop3A_563 = arith.constant 3 : i32
        %parallel_loop3A_564 = vector.broadcast %parallel_loop3A_563 : i32 to vector<16xi32>
        %parallel_loop3A_565 = arith.shrsi %parallel_loop3A_561, %parallel_loop3A_564 : vector<16xi32>
        %parallel_loop3A_566 = arith.constant 7 : i32
        %parallel_loop3A_567 = vector.broadcast %parallel_loop3A_566 : i32 to vector<16xi32>
        %parallel_loop3A_568 = arith.andi %parallel_loop3A_561, %parallel_loop3A_567 : vector<16xi32>
        tpu.vector_store_idx %arg9[%parallel_loop3A_565, %parallel_loop3A_568, %parallel_loop3A_278], %parallel_loop3A_562 : memref<8x8x128xf32, #tpu.memory_space<vmem>>[vector<16xi32>, vector<16xi32>, vector<16xi32>], vector<16xf32>,
        %parallel_loop3A_569 = arith.constant 16 : i32
        %parallel_loop3A_570 = vector.broadcast %parallel_loop3A_569 : i32 to vector<16xi32>
        %parallel_loop3A_571 = arith.addi %and3A_85, %parallel_loop3A_570 : vector<16xi32>
        %parallel_loop3A_572 = tpu.vector_load_idx %arg7[%parallel_loop3A_278, %parallel_loop3A_571] : memref<128x64xf32, #tpu.memory_space<vmem>>[vector<16xi32>, vector<16xi32>], vector<16xf32>,
        %parallel_loop3A_573 = arith.constant 3 : i32
        %parallel_loop3A_574 = vector.broadcast %parallel_loop3A_573 : i32 to vector<16xi32>
        %parallel_loop3A_575 = arith.shrsi %parallel_loop3A_571, %parallel_loop3A_574 : vector<16xi32>
        %parallel_loop3A_576 = arith.constant 7 : i32
        %parallel_loop3A_577 = vector.broadcast %parallel_loop3A_576 : i32 to vector<16xi32>
        %parallel_loop3A_578 = arith.andi %parallel_loop3A_571, %parallel_loop3A_577 : vector<16xi32>
        tpu.vector_store_idx %arg9[%parallel_loop3A_575, %parallel_loop3A_578, %parallel_loop3A_278], %parallel_loop3A_572 : memref<8x8x128xf32, #tpu.memory_space<vmem>>[vector<16xi32>, vector<16xi32>, vector<16xi32>], vector<16xf32>,
        %parallel_loop3A_579 = arith.constant 16 : i32
        %parallel_loop3A_580 = vector.broadcast %parallel_loop3A_579 : i32 to vector<16xi32>
        %parallel_loop3A_581 = arith.addi %and3A_91, %parallel_loop3A_580 : vector<16xi32>
        %parallel_loop3A_582 = tpu.vector_load_idx %arg7[%parallel_loop3A_278, %parallel_loop3A_581] : memref<128x64xf32, #tpu.memory_space<vmem>>[vector<16xi32>, vector<16xi32>], vector<16xf32>,
        %parallel_loop3A_583 = arith.constant 3 : i32
        %parallel_loop3A_584 = vector.broadcast %parallel_loop3A_583 : i32 to vector<16xi32>
        %parallel_loop3A_585 = arith.shrsi %parallel_loop3A_581, %parallel_loop3A_584 : vector<16xi32>
        %parallel_loop3A_586 = arith.constant 7 : i32
        %parallel_loop3A_587 = vector.broadcast %parallel_loop3A_586 : i32 to vector<16xi32>
        %parallel_loop3A_588 = arith.andi %parallel_loop3A_581, %parallel_loop3A_587 : vector<16xi32>
        tpu.vector_store_idx %arg9[%parallel_loop3A_585, %parallel_loop3A_588, %parallel_loop3A_278], %parallel_loop3A_582 : memref<8x8x128xf32, #tpu.memory_space<vmem>>[vector<16xi32>, vector<16xi32>, vector<16xi32>], vector<16xf32>,
        %parallel_loop3A_589 = arith.constant 16 : i32
        %parallel_loop3A_590 = vector.broadcast %parallel_loop3A_589 : i32 to vector<16xi32>
        %parallel_loop3A_591 = arith.addi %and3A_97, %parallel_loop3A_590 : vector<16xi32>
        %parallel_loop3A_592 = tpu.vector_load_idx %arg7[%parallel_loop3A_278, %parallel_loop3A_591] : memref<128x64xf32, #tpu.memory_space<vmem>>[vector<16xi32>, vector<16xi32>], vector<16xf32>,
        %parallel_loop3A_593 = arith.constant 3 : i32
        %parallel_loop3A_594 = vector.broadcast %parallel_loop3A_593 : i32 to vector<16xi32>
        %parallel_loop3A_595 = arith.shrsi %parallel_loop3A_591, %parallel_loop3A_594 : vector<16xi32>
        %parallel_loop3A_596 = arith.constant 7 : i32
        %parallel_loop3A_597 = vector.broadcast %parallel_loop3A_596 : i32 to vector<16xi32>
        %parallel_loop3A_598 = arith.andi %parallel_loop3A_591, %parallel_loop3A_597 : vector<16xi32>
        tpu.vector_store_idx %arg9[%parallel_loop3A_595, %parallel_loop3A_598, %parallel_loop3A_278], %parallel_loop3A_592 : memref<8x8x128xf32, #tpu.memory_space<vmem>>[vector<16xi32>, vector<16xi32>, vector<16xi32>], vector<16xf32>,
        %parallel_loop3A_599 = arith.constant 32 : i32
        %parallel_loop3A_600 = vector.broadcast %parallel_loop3A_599 : i32 to vector<16xi32>
        %parallel_loop3A_601 = arith.addi %and3A_7, %parallel_loop3A_600 : vector<16xi32>
        %parallel_loop3A_602 = tpu.vector_load_idx %arg7[%parallel_loop3A_278, %parallel_loop3A_601] : memref<128x64xf32, #tpu.memory_space<vmem>>[vector<16xi32>, vector<16xi32>], vector<16xf32>,
        %parallel_loop3A_603 = arith.constant 3 : i32
        %parallel_loop3A_604 = vector.broadcast %parallel_loop3A_603 : i32 to vector<16xi32>
        %parallel_loop3A_605 = arith.shrsi %parallel_loop3A_601, %parallel_loop3A_604 : vector<16xi32>
        %parallel_loop3A_606 = arith.constant 7 : i32
        %parallel_loop3A_607 = vector.broadcast %parallel_loop3A_606 : i32 to vector<16xi32>
        %parallel_loop3A_608 = arith.andi %parallel_loop3A_601, %parallel_loop3A_607 : vector<16xi32>
        tpu.vector_store_idx %arg9[%parallel_loop3A_605, %parallel_loop3A_608, %parallel_loop3A_278], %parallel_loop3A_602 : memref<8x8x128xf32, #tpu.memory_space<vmem>>[vector<16xi32>, vector<16xi32>, vector<16xi32>], vector<16xf32>,
        %parallel_loop3A_609 = arith.constant 32 : i32
        %parallel_loop3A_610 = vector.broadcast %parallel_loop3A_609 : i32 to vector<16xi32>
        %parallel_loop3A_611 = arith.addi %and3A_13, %parallel_loop3A_610 : vector<16xi32>
        %parallel_loop3A_612 = tpu.vector_load_idx %arg7[%parallel_loop3A_278, %parallel_loop3A_611] : memref<128x64xf32, #tpu.memory_space<vmem>>[vector<16xi32>, vector<16xi32>], vector<16xf32>,
        %parallel_loop3A_613 = arith.constant 3 : i32
        %parallel_loop3A_614 = vector.broadcast %parallel_loop3A_613 : i32 to vector<16xi32>
        %parallel_loop3A_615 = arith.shrsi %parallel_loop3A_611, %parallel_loop3A_614 : vector<16xi32>
        %parallel_loop3A_616 = arith.constant 7 : i32
        %parallel_loop3A_617 = vector.broadcast %parallel_loop3A_616 : i32 to vector<16xi32>
        %parallel_loop3A_618 = arith.andi %parallel_loop3A_611, %parallel_loop3A_617 : vector<16xi32>
        tpu.vector_store_idx %arg9[%parallel_loop3A_615, %parallel_loop3A_618, %parallel_loop3A_278], %parallel_loop3A_612 : memref<8x8x128xf32, #tpu.memory_space<vmem>>[vector<16xi32>, vector<16xi32>, vector<16xi32>], vector<16xf32>,
        %parallel_loop3A_619 = arith.constant 32 : i32
        %parallel_loop3A_620 = vector.broadcast %parallel_loop3A_619 : i32 to vector<16xi32>
        %parallel_loop3A_621 = arith.addi %and3A_19, %parallel_loop3A_620 : vector<16xi32>
        %parallel_loop3A_622 = tpu.vector_load_idx %arg7[%parallel_loop3A_278, %parallel_loop3A_621] : memref<128x64xf32, #tpu.memory_space<vmem>>[vector<16xi32>, vector<16xi32>], vector<16xf32>,
        %parallel_loop3A_623 = arith.constant 3 : i32
        %parallel_loop3A_624 = vector.broadcast %parallel_loop3A_623 : i32 to vector<16xi32>
        %parallel_loop3A_625 = arith.shrsi %parallel_loop3A_621, %parallel_loop3A_624 : vector<16xi32>
        %parallel_loop3A_626 = arith.constant 7 : i32
        %parallel_loop3A_627 = vector.broadcast %parallel_loop3A_626 : i32 to vector<16xi32>
        %parallel_loop3A_628 = arith.andi %parallel_loop3A_621, %parallel_loop3A_627 : vector<16xi32>
        tpu.vector_store_idx %arg9[%parallel_loop3A_625, %parallel_loop3A_628, %parallel_loop3A_278], %parallel_loop3A_622 : memref<8x8x128xf32, #tpu.memory_space<vmem>>[vector<16xi32>, vector<16xi32>, vector<16xi32>], vector<16xf32>,
        %parallel_loop3A_629 = arith.constant 32 : i32
        %parallel_loop3A_630 = vector.broadcast %parallel_loop3A_629 : i32 to vector<16xi32>
        %parallel_loop3A_631 = arith.addi %and3A_25, %parallel_loop3A_630 : vector<16xi32>
        %parallel_loop3A_632 = tpu.vector_load_idx %arg7[%parallel_loop3A_278, %parallel_loop3A_631] : memref<128x64xf32, #tpu.memory_space<vmem>>[vector<16xi32>, vector<16xi32>], vector<16xf32>,
        %parallel_loop3A_633 = arith.constant 3 : i32
        %parallel_loop3A_634 = vector.broadcast %parallel_loop3A_633 : i32 to vector<16xi32>
        %parallel_loop3A_635 = arith.shrsi %parallel_loop3A_631, %parallel_loop3A_634 : vector<16xi32>
        %parallel_loop3A_636 = arith.constant 7 : i32
        %parallel_loop3A_637 = vector.broadcast %parallel_loop3A_636 : i32 to vector<16xi32>
        %parallel_loop3A_638 = arith.andi %parallel_loop3A_631, %parallel_loop3A_637 : vector<16xi32>
        tpu.vector_store_idx %arg9[%parallel_loop3A_635, %parallel_loop3A_638, %parallel_loop3A_278], %parallel_loop3A_632 : memref<8x8x128xf32, #tpu.memory_space<vmem>>[vector<16xi32>, vector<16xi32>, vector<16xi32>], vector<16xf32>,
        %parallel_loop3A_639 = arith.constant 32 : i32
        %parallel_loop3A_640 = vector.broadcast %parallel_loop3A_639 : i32 to vector<16xi32>
        %parallel_loop3A_641 = arith.addi %and3A_31, %parallel_loop3A_640 : vector<16xi32>
        %parallel_loop3A_642 = tpu.vector_load_idx %arg7[%parallel_loop3A_278, %parallel_loop3A_641] : memref<128x64xf32, #tpu.memory_space<vmem>>[vector<16xi32>, vector<16xi32>], vector<16xf32>,
        %parallel_loop3A_643 = arith.constant 3 : i32
        %parallel_loop3A_644 = vector.broadcast %parallel_loop3A_643 : i32 to vector<16xi32>
        %parallel_loop3A_645 = arith.shrsi %parallel_loop3A_641, %parallel_loop3A_644 : vector<16xi32>
        %parallel_loop3A_646 = arith.constant 7 : i32
        %parallel_loop3A_647 = vector.broadcast %parallel_loop3A_646 : i32 to vector<16xi32>
        %parallel_loop3A_648 = arith.andi %parallel_loop3A_641, %parallel_loop3A_647 : vector<16xi32>
        tpu.vector_store_idx %arg9[%parallel_loop3A_645, %parallel_loop3A_648, %parallel_loop3A_278], %parallel_loop3A_642 : memref<8x8x128xf32, #tpu.memory_space<vmem>>[vector<16xi32>, vector<16xi32>, vector<16xi32>], vector<16xf32>,
        %parallel_loop3A_649 = arith.constant 32 : i32
        %parallel_loop3A_650 = vector.broadcast %parallel_loop3A_649 : i32 to vector<16xi32>
        %parallel_loop3A_651 = arith.addi %and3A_37, %parallel_loop3A_650 : vector<16xi32>
        %parallel_loop3A_652 = tpu.vector_load_idx %arg7[%parallel_loop3A_278, %parallel_loop3A_651] : memref<128x64xf32, #tpu.memory_space<vmem>>[vector<16xi32>, vector<16xi32>], vector<16xf32>,
        %parallel_loop3A_653 = arith.constant 3 : i32
        %parallel_loop3A_654 = vector.broadcast %parallel_loop3A_653 : i32 to vector<16xi32>
        %parallel_loop3A_655 = arith.shrsi %parallel_loop3A_651, %parallel_loop3A_654 : vector<16xi32>
        %parallel_loop3A_656 = arith.constant 7 : i32
        %parallel_loop3A_657 = vector.broadcast %parallel_loop3A_656 : i32 to vector<16xi32>
        %parallel_loop3A_658 = arith.andi %parallel_loop3A_651, %parallel_loop3A_657 : vector<16xi32>
        tpu.vector_store_idx %arg9[%parallel_loop3A_655, %parallel_loop3A_658, %parallel_loop3A_278], %parallel_loop3A_652 : memref<8x8x128xf32, #tpu.memory_space<vmem>>[vector<16xi32>, vector<16xi32>, vector<16xi32>], vector<16xf32>,
        %parallel_loop3A_659 = arith.constant 32 : i32
        %parallel_loop3A_660 = vector.broadcast %parallel_loop3A_659 : i32 to vector<16xi32>
        %parallel_loop3A_661 = arith.addi %and3A_43, %parallel_loop3A_660 : vector<16xi32>
        %parallel_loop3A_662 = tpu.vector_load_idx %arg7[%parallel_loop3A_278, %parallel_loop3A_661] : memref<128x64xf32, #tpu.memory_space<vmem>>[vector<16xi32>, vector<16xi32>], vector<16xf32>,
        %parallel_loop3A_663 = arith.constant 3 : i32
        %parallel_loop3A_664 = vector.broadcast %parallel_loop3A_663 : i32 to vector<16xi32>
        %parallel_loop3A_665 = arith.shrsi %parallel_loop3A_661, %parallel_loop3A_664 : vector<16xi32>
        %parallel_loop3A_666 = arith.constant 7 : i32
        %parallel_loop3A_667 = vector.broadcast %parallel_loop3A_666 : i32 to vector<16xi32>
        %parallel_loop3A_668 = arith.andi %parallel_loop3A_661, %parallel_loop3A_667 : vector<16xi32>
        tpu.vector_store_idx %arg9[%parallel_loop3A_665, %parallel_loop3A_668, %parallel_loop3A_278], %parallel_loop3A_662 : memref<8x8x128xf32, #tpu.memory_space<vmem>>[vector<16xi32>, vector<16xi32>, vector<16xi32>], vector<16xf32>,
        %parallel_loop3A_669 = arith.constant 32 : i32
        %parallel_loop3A_670 = vector.broadcast %parallel_loop3A_669 : i32 to vector<16xi32>
        %parallel_loop3A_671 = arith.addi %and3A_49, %parallel_loop3A_670 : vector<16xi32>
        %parallel_loop3A_672 = tpu.vector_load_idx %arg7[%parallel_loop3A_278, %parallel_loop3A_671] : memref<128x64xf32, #tpu.memory_space<vmem>>[vector<16xi32>, vector<16xi32>], vector<16xf32>,
        %parallel_loop3A_673 = arith.constant 3 : i32
        %parallel_loop3A_674 = vector.broadcast %parallel_loop3A_673 : i32 to vector<16xi32>
        %parallel_loop3A_675 = arith.shrsi %parallel_loop3A_671, %parallel_loop3A_674 : vector<16xi32>
        %parallel_loop3A_676 = arith.constant 7 : i32
        %parallel_loop3A_677 = vector.broadcast %parallel_loop3A_676 : i32 to vector<16xi32>
        %parallel_loop3A_678 = arith.andi %parallel_loop3A_671, %parallel_loop3A_677 : vector<16xi32>
        tpu.vector_store_idx %arg9[%parallel_loop3A_675, %parallel_loop3A_678, %parallel_loop3A_278], %parallel_loop3A_672 : memref<8x8x128xf32, #tpu.memory_space<vmem>>[vector<16xi32>, vector<16xi32>, vector<16xi32>], vector<16xf32>,
        %parallel_loop3A_679 = arith.constant 32 : i32
        %parallel_loop3A_680 = vector.broadcast %parallel_loop3A_679 : i32 to vector<16xi32>
        %parallel_loop3A_681 = arith.addi %and3A_55, %parallel_loop3A_680 : vector<16xi32>
        %parallel_loop3A_682 = tpu.vector_load_idx %arg7[%parallel_loop3A_278, %parallel_loop3A_681] : memref<128x64xf32, #tpu.memory_space<vmem>>[vector<16xi32>, vector<16xi32>], vector<16xf32>,
        %parallel_loop3A_683 = arith.constant 3 : i32
        %parallel_loop3A_684 = vector.broadcast %parallel_loop3A_683 : i32 to vector<16xi32>
        %parallel_loop3A_685 = arith.shrsi %parallel_loop3A_681, %parallel_loop3A_684 : vector<16xi32>
        %parallel_loop3A_686 = arith.constant 7 : i32
        %parallel_loop3A_687 = vector.broadcast %parallel_loop3A_686 : i32 to vector<16xi32>
        %parallel_loop3A_688 = arith.andi %parallel_loop3A_681, %parallel_loop3A_687 : vector<16xi32>
        tpu.vector_store_idx %arg9[%parallel_loop3A_685, %parallel_loop3A_688, %parallel_loop3A_278], %parallel_loop3A_682 : memref<8x8x128xf32, #tpu.memory_space<vmem>>[vector<16xi32>, vector<16xi32>, vector<16xi32>], vector<16xf32>,
        %parallel_loop3A_689 = arith.constant 32 : i32
        %parallel_loop3A_690 = vector.broadcast %parallel_loop3A_689 : i32 to vector<16xi32>
        %parallel_loop3A_691 = arith.addi %and3A_61, %parallel_loop3A_690 : vector<16xi32>
        %parallel_loop3A_692 = tpu.vector_load_idx %arg7[%parallel_loop3A_278, %parallel_loop3A_691] : memref<128x64xf32, #tpu.memory_space<vmem>>[vector<16xi32>, vector<16xi32>], vector<16xf32>,
        %parallel_loop3A_693 = arith.constant 3 : i32
        %parallel_loop3A_694 = vector.broadcast %parallel_loop3A_693 : i32 to vector<16xi32>
        %parallel_loop3A_695 = arith.shrsi %parallel_loop3A_691, %parallel_loop3A_694 : vector<16xi32>
        %parallel_loop3A_696 = arith.constant 7 : i32
        %parallel_loop3A_697 = vector.broadcast %parallel_loop3A_696 : i32 to vector<16xi32>
        %parallel_loop3A_698 = arith.andi %parallel_loop3A_691, %parallel_loop3A_697 : vector<16xi32>
        tpu.vector_store_idx %arg9[%parallel_loop3A_695, %parallel_loop3A_698, %parallel_loop3A_278], %parallel_loop3A_692 : memref<8x8x128xf32, #tpu.memory_space<vmem>>[vector<16xi32>, vector<16xi32>, vector<16xi32>], vector<16xf32>,
        %parallel_loop3A_699 = arith.constant 32 : i32
        %parallel_loop3A_700 = vector.broadcast %parallel_loop3A_699 : i32 to vector<16xi32>
        %parallel_loop3A_701 = arith.addi %and3A_67, %parallel_loop3A_700 : vector<16xi32>
        %parallel_loop3A_702 = tpu.vector_load_idx %arg7[%parallel_loop3A_278, %parallel_loop3A_701] : memref<128x64xf32, #tpu.memory_space<vmem>>[vector<16xi32>, vector<16xi32>], vector<16xf32>,
        %parallel_loop3A_703 = arith.constant 3 : i32
        %parallel_loop3A_704 = vector.broadcast %parallel_loop3A_703 : i32 to vector<16xi32>
        %parallel_loop3A_705 = arith.shrsi %parallel_loop3A_701, %parallel_loop3A_704 : vector<16xi32>
        %parallel_loop3A_706 = arith.constant 7 : i32
        %parallel_loop3A_707 = vector.broadcast %parallel_loop3A_706 : i32 to vector<16xi32>
        %parallel_loop3A_708 = arith.andi %parallel_loop3A_701, %parallel_loop3A_707 : vector<16xi32>
        tpu.vector_store_idx %arg9[%parallel_loop3A_705, %parallel_loop3A_708, %parallel_loop3A_278], %parallel_loop3A_702 : memref<8x8x128xf32, #tpu.memory_space<vmem>>[vector<16xi32>, vector<16xi32>, vector<16xi32>], vector<16xf32>,
        %parallel_loop3A_709 = arith.constant 32 : i32
        %parallel_loop3A_710 = vector.broadcast %parallel_loop3A_709 : i32 to vector<16xi32>
        %parallel_loop3A_711 = arith.addi %and3A_73, %parallel_loop3A_710 : vector<16xi32>
        %parallel_loop3A_712 = tpu.vector_load_idx %arg7[%parallel_loop3A_278, %parallel_loop3A_711] : memref<128x64xf32, #tpu.memory_space<vmem>>[vector<16xi32>, vector<16xi32>], vector<16xf32>,
        %parallel_loop3A_713 = arith.constant 3 : i32
        %parallel_loop3A_714 = vector.broadcast %parallel_loop3A_713 : i32 to vector<16xi32>
        %parallel_loop3A_715 = arith.shrsi %parallel_loop3A_711, %parallel_loop3A_714 : vector<16xi32>
        %parallel_loop3A_716 = arith.constant 7 : i32
        %parallel_loop3A_717 = vector.broadcast %parallel_loop3A_716 : i32 to vector<16xi32>
        %parallel_loop3A_718 = arith.andi %parallel_loop3A_711, %parallel_loop3A_717 : vector<16xi32>
        tpu.vector_store_idx %arg9[%parallel_loop3A_715, %parallel_loop3A_718, %parallel_loop3A_278], %parallel_loop3A_712 : memref<8x8x128xf32, #tpu.memory_space<vmem>>[vector<16xi32>, vector<16xi32>, vector<16xi32>], vector<16xf32>,
        %parallel_loop3A_719 = arith.constant 32 : i32
        %parallel_loop3A_720 = vector.broadcast %parallel_loop3A_719 : i32 to vector<16xi32>
        %parallel_loop3A_721 = arith.addi %and3A_79, %parallel_loop3A_720 : vector<16xi32>
        %parallel_loop3A_722 = tpu.vector_load_idx %arg7[%parallel_loop3A_278, %parallel_loop3A_721] : memref<128x64xf32, #tpu.memory_space<vmem>>[vector<16xi32>, vector<16xi32>], vector<16xf32>,
        %parallel_loop3A_723 = arith.constant 3 : i32
        %parallel_loop3A_724 = vector.broadcast %parallel_loop3A_723 : i32 to vector<16xi32>
        %parallel_loop3A_725 = arith.shrsi %parallel_loop3A_721, %parallel_loop3A_724 : vector<16xi32>
        %parallel_loop3A_726 = arith.constant 7 : i32
        %parallel_loop3A_727 = vector.broadcast %parallel_loop3A_726 : i32 to vector<16xi32>
        %parallel_loop3A_728 = arith.andi %parallel_loop3A_721, %parallel_loop3A_727 : vector<16xi32>
        tpu.vector_store_idx %arg9[%parallel_loop3A_725, %parallel_loop3A_728, %parallel_loop3A_278], %parallel_loop3A_722 : memref<8x8x128xf32, #tpu.memory_space<vmem>>[vector<16xi32>, vector<16xi32>, vector<16xi32>], vector<16xf32>,
        %parallel_loop3A_729 = arith.constant 32 : i32
        %parallel_loop3A_730 = vector.broadcast %parallel_loop3A_729 : i32 to vector<16xi32>
        %parallel_loop3A_731 = arith.addi %and3A_85, %parallel_loop3A_730 : vector<16xi32>
        %parallel_loop3A_732 = tpu.vector_load_idx %arg7[%parallel_loop3A_278, %parallel_loop3A_731] : memref<128x64xf32, #tpu.memory_space<vmem>>[vector<16xi32>, vector<16xi32>], vector<16xf32>,
        %parallel_loop3A_733 = arith.constant 3 : i32
        %parallel_loop3A_734 = vector.broadcast %parallel_loop3A_733 : i32 to vector<16xi32>
        %parallel_loop3A_735 = arith.shrsi %parallel_loop3A_731, %parallel_loop3A_734 : vector<16xi32>
        %parallel_loop3A_736 = arith.constant 7 : i32
        %parallel_loop3A_737 = vector.broadcast %parallel_loop3A_736 : i32 to vector<16xi32>
        %parallel_loop3A_738 = arith.andi %parallel_loop3A_731, %parallel_loop3A_737 : vector<16xi32>
        tpu.vector_store_idx %arg9[%parallel_loop3A_735, %parallel_loop3A_738, %parallel_loop3A_278], %parallel_loop3A_732 : memref<8x8x128xf32, #tpu.memory_space<vmem>>[vector<16xi32>, vector<16xi32>, vector<16xi32>], vector<16xf32>,
        %parallel_loop3A_739 = arith.constant 32 : i32
        %parallel_loop3A_740 = vector.broadcast %parallel_loop3A_739 : i32 to vector<16xi32>
        %parallel_loop3A_741 = arith.addi %and3A_91, %parallel_loop3A_740 : vector<16xi32>
        %parallel_loop3A_742 = tpu.vector_load_idx %arg7[%parallel_loop3A_278, %parallel_loop3A_741] : memref<128x64xf32, #tpu.memory_space<vmem>>[vector<16xi32>, vector<16xi32>], vector<16xf32>,
        %parallel_loop3A_743 = arith.constant 3 : i32
        %parallel_loop3A_744 = vector.broadcast %parallel_loop3A_743 : i32 to vector<16xi32>
        %parallel_loop3A_745 = arith.shrsi %parallel_loop3A_741, %parallel_loop3A_744 : vector<16xi32>
        %parallel_loop3A_746 = arith.constant 7 : i32
        %parallel_loop3A_747 = vector.broadcast %parallel_loop3A_746 : i32 to vector<16xi32>
        %parallel_loop3A_748 = arith.andi %parallel_loop3A_741, %parallel_loop3A_747 : vector<16xi32>
        tpu.vector_store_idx %arg9[%parallel_loop3A_745, %parallel_loop3A_748, %parallel_loop3A_278], %parallel_loop3A_742 : memref<8x8x128xf32, #tpu.memory_space<vmem>>[vector<16xi32>, vector<16xi32>, vector<16xi32>], vector<16xf32>,
        %parallel_loop3A_749 = arith.constant 32 : i32
        %parallel_loop3A_750 = vector.broadcast %parallel_loop3A_749 : i32 to vector<16xi32>
        %parallel_loop3A_751 = arith.addi %and3A_97, %parallel_loop3A_750 : vector<16xi32>
        %parallel_loop3A_752 = tpu.vector_load_idx %arg7[%parallel_loop3A_278, %parallel_loop3A_751] : memref<128x64xf32, #tpu.memory_space<vmem>>[vector<16xi32>, vector<16xi32>], vector<16xf32>,
        %parallel_loop3A_753 = arith.constant 3 : i32
        %parallel_loop3A_754 = vector.broadcast %parallel_loop3A_753 : i32 to vector<16xi32>
        %parallel_loop3A_755 = arith.shrsi %parallel_loop3A_751, %parallel_loop3A_754 : vector<16xi32>
        %parallel_loop3A_756 = arith.constant 7 : i32
        %parallel_loop3A_757 = vector.broadcast %parallel_loop3A_756 : i32 to vector<16xi32>
        %parallel_loop3A_758 = arith.andi %parallel_loop3A_751, %parallel_loop3A_757 : vector<16xi32>
        tpu.vector_store_idx %arg9[%parallel_loop3A_755, %parallel_loop3A_758, %parallel_loop3A_278], %parallel_loop3A_752 : memref<8x8x128xf32, #tpu.memory_space<vmem>>[vector<16xi32>, vector<16xi32>, vector<16xi32>], vector<16xf32>,
        %parallel_loop3A_759 = arith.constant 48 : i32
        %parallel_loop3A_760 = vector.broadcast %parallel_loop3A_759 : i32 to vector<16xi32>
        %parallel_loop3A_761 = arith.addi %and3A_7, %parallel_loop3A_760 : vector<16xi32>
        %parallel_loop3A_762 = tpu.vector_load_idx %arg7[%parallel_loop3A_278, %parallel_loop3A_761] : memref<128x64xf32, #tpu.memory_space<vmem>>[vector<16xi32>, vector<16xi32>], vector<16xf32>,
        %parallel_loop3A_763 = arith.constant 3 : i32
        %parallel_loop3A_764 = vector.broadcast %parallel_loop3A_763 : i32 to vector<16xi32>
        %parallel_loop3A_765 = arith.shrsi %parallel_loop3A_761, %parallel_loop3A_764 : vector<16xi32>
        %parallel_loop3A_766 = arith.constant 7 : i32
        %parallel_loop3A_767 = vector.broadcast %parallel_loop3A_766 : i32 to vector<16xi32>
        %parallel_loop3A_768 = arith.andi %parallel_loop3A_761, %parallel_loop3A_767 : vector<16xi32>
        tpu.vector_store_idx %arg9[%parallel_loop3A_765, %parallel_loop3A_768, %parallel_loop3A_278], %parallel_loop3A_762 : memref<8x8x128xf32, #tpu.memory_space<vmem>>[vector<16xi32>, vector<16xi32>, vector<16xi32>], vector<16xf32>,
        %parallel_loop3A_769 = arith.constant 48 : i32
        %parallel_loop3A_770 = vector.broadcast %parallel_loop3A_769 : i32 to vector<16xi32>
        %parallel_loop3A_771 = arith.addi %and3A_13, %parallel_loop3A_770 : vector<16xi32>
        %parallel_loop3A_772 = tpu.vector_load_idx %arg7[%parallel_loop3A_278, %parallel_loop3A_771] : memref<128x64xf32, #tpu.memory_space<vmem>>[vector<16xi32>, vector<16xi32>], vector<16xf32>,
        %parallel_loop3A_773 = arith.constant 3 : i32
        %parallel_loop3A_774 = vector.broadcast %parallel_loop3A_773 : i32 to vector<16xi32>
        %parallel_loop3A_775 = arith.shrsi %parallel_loop3A_771, %parallel_loop3A_774 : vector<16xi32>
        %parallel_loop3A_776 = arith.constant 7 : i32
        %parallel_loop3A_777 = vector.broadcast %parallel_loop3A_776 : i32 to vector<16xi32>
        %parallel_loop3A_778 = arith.andi %parallel_loop3A_771, %parallel_loop3A_777 : vector<16xi32>
        tpu.vector_store_idx %arg9[%parallel_loop3A_775, %parallel_loop3A_778, %parallel_loop3A_278], %parallel_loop3A_772 : memref<8x8x128xf32, #tpu.memory_space<vmem>>[vector<16xi32>, vector<16xi32>, vector<16xi32>], vector<16xf32>,
        %parallel_loop3A_779 = arith.constant 48 : i32
        %parallel_loop3A_780 = vector.broadcast %parallel_loop3A_779 : i32 to vector<16xi32>
        %parallel_loop3A_781 = arith.addi %and3A_19, %parallel_loop3A_780 : vector<16xi32>
        %parallel_loop3A_782 = tpu.vector_load_idx %arg7[%parallel_loop3A_278, %parallel_loop3A_781] : memref<128x64xf32, #tpu.memory_space<vmem>>[vector<16xi32>, vector<16xi32>], vector<16xf32>,
        %parallel_loop3A_783 = arith.constant 3 : i32
        %parallel_loop3A_784 = vector.broadcast %parallel_loop3A_783 : i32 to vector<16xi32>
        %parallel_loop3A_785 = arith.shrsi %parallel_loop3A_781, %parallel_loop3A_784 : vector<16xi32>
        %parallel_loop3A_786 = arith.constant 7 : i32
        %parallel_loop3A_787 = vector.broadcast %parallel_loop3A_786 : i32 to vector<16xi32>
        %parallel_loop3A_788 = arith.andi %parallel_loop3A_781, %parallel_loop3A_787 : vector<16xi32>
        tpu.vector_store_idx %arg9[%parallel_loop3A_785, %parallel_loop3A_788, %parallel_loop3A_278], %parallel_loop3A_782 : memref<8x8x128xf32, #tpu.memory_space<vmem>>[vector<16xi32>, vector<16xi32>, vector<16xi32>], vector<16xf32>,
        %parallel_loop3A_789 = arith.constant 48 : i32
        %parallel_loop3A_790 = vector.broadcast %parallel_loop3A_789 : i32 to vector<16xi32>
        %parallel_loop3A_791 = arith.addi %and3A_25, %parallel_loop3A_790 : vector<16xi32>
        %parallel_loop3A_792 = tpu.vector_load_idx %arg7[%parallel_loop3A_278, %parallel_loop3A_791] : memref<128x64xf32, #tpu.memory_space<vmem>>[vector<16xi32>, vector<16xi32>], vector<16xf32>,
        %parallel_loop3A_793 = arith.constant 3 : i32
        %parallel_loop3A_794 = vector.broadcast %parallel_loop3A_793 : i32 to vector<16xi32>
        %parallel_loop3A_795 = arith.shrsi %parallel_loop3A_791, %parallel_loop3A_794 : vector<16xi32>
        %parallel_loop3A_796 = arith.constant 7 : i32
        %parallel_loop3A_797 = vector.broadcast %parallel_loop3A_796 : i32 to vector<16xi32>
        %parallel_loop3A_798 = arith.andi %parallel_loop3A_791, %parallel_loop3A_797 : vector<16xi32>
        tpu.vector_store_idx %arg9[%parallel_loop3A_795, %parallel_loop3A_798, %parallel_loop3A_278], %parallel_loop3A_792 : memref<8x8x128xf32, #tpu.memory_space<vmem>>[vector<16xi32>, vector<16xi32>, vector<16xi32>], vector<16xf32>,
        %parallel_loop3A_799 = arith.constant 48 : i32
        %parallel_loop3A_800 = vector.broadcast %parallel_loop3A_799 : i32 to vector<16xi32>
        %parallel_loop3A_801 = arith.addi %and3A_31, %parallel_loop3A_800 : vector<16xi32>
        %parallel_loop3A_802 = tpu.vector_load_idx %arg7[%parallel_loop3A_278, %parallel_loop3A_801] : memref<128x64xf32, #tpu.memory_space<vmem>>[vector<16xi32>, vector<16xi32>], vector<16xf32>,
        %parallel_loop3A_803 = arith.constant 3 : i32
        %parallel_loop3A_804 = vector.broadcast %parallel_loop3A_803 : i32 to vector<16xi32>
        %parallel_loop3A_805 = arith.shrsi %parallel_loop3A_801, %parallel_loop3A_804 : vector<16xi32>
        %parallel_loop3A_806 = arith.constant 7 : i32
        %parallel_loop3A_807 = vector.broadcast %parallel_loop3A_806 : i32 to vector<16xi32>
        %parallel_loop3A_808 = arith.andi %parallel_loop3A_801, %parallel_loop3A_807 : vector<16xi32>
        tpu.vector_store_idx %arg9[%parallel_loop3A_805, %parallel_loop3A_808, %parallel_loop3A_278], %parallel_loop3A_802 : memref<8x8x128xf32, #tpu.memory_space<vmem>>[vector<16xi32>, vector<16xi32>, vector<16xi32>], vector<16xf32>,
        %parallel_loop3A_809 = arith.constant 48 : i32
        %parallel_loop3A_810 = vector.broadcast %parallel_loop3A_809 : i32 to vector<16xi32>
        %parallel_loop3A_811 = arith.addi %and3A_37, %parallel_loop3A_810 : vector<16xi32>
        %parallel_loop3A_812 = tpu.vector_load_idx %arg7[%parallel_loop3A_278, %parallel_loop3A_811] : memref<128x64xf32, #tpu.memory_space<vmem>>[vector<16xi32>, vector<16xi32>], vector<16xf32>,
        %parallel_loop3A_813 = arith.constant 3 : i32
        %parallel_loop3A_814 = vector.broadcast %parallel_loop3A_813 : i32 to vector<16xi32>
        %parallel_loop3A_815 = arith.shrsi %parallel_loop3A_811, %parallel_loop3A_814 : vector<16xi32>
        %parallel_loop3A_816 = arith.constant 7 : i32
        %parallel_loop3A_817 = vector.broadcast %parallel_loop3A_816 : i32 to vector<16xi32>
        %parallel_loop3A_818 = arith.andi %parallel_loop3A_811, %parallel_loop3A_817 : vector<16xi32>
        tpu.vector_store_idx %arg9[%parallel_loop3A_815, %parallel_loop3A_818, %parallel_loop3A_278], %parallel_loop3A_812 : memref<8x8x128xf32, #tpu.memory_space<vmem>>[vector<16xi32>, vector<16xi32>, vector<16xi32>], vector<16xf32>,
        %parallel_loop3A_819 = arith.constant 48 : i32
        %parallel_loop3A_820 = vector.broadcast %parallel_loop3A_819 : i32 to vector<16xi32>
        %parallel_loop3A_821 = arith.addi %and3A_43, %parallel_loop3A_820 : vector<16xi32>
        %parallel_loop3A_822 = tpu.vector_load_idx %arg7[%parallel_loop3A_278, %parallel_loop3A_821] : memref<128x64xf32, #tpu.memory_space<vmem>>[vector<16xi32>, vector<16xi32>], vector<16xf32>,
        %parallel_loop3A_823 = arith.constant 3 : i32
        %parallel_loop3A_824 = vector.broadcast %parallel_loop3A_823 : i32 to vector<16xi32>
        %parallel_loop3A_825 = arith.shrsi %parallel_loop3A_821, %parallel_loop3A_824 : vector<16xi32>
        %parallel_loop3A_826 = arith.constant 7 : i32
        %parallel_loop3A_827 = vector.broadcast %parallel_loop3A_826 : i32 to vector<16xi32>
        %parallel_loop3A_828 = arith.andi %parallel_loop3A_821, %parallel_loop3A_827 : vector<16xi32>
        tpu.vector_store_idx %arg9[%parallel_loop3A_825, %parallel_loop3A_828, %parallel_loop3A_278], %parallel_loop3A_822 : memref<8x8x128xf32, #tpu.memory_space<vmem>>[vector<16xi32>, vector<16xi32>, vector<16xi32>], vector<16xf32>,
        %parallel_loop3A_829 = arith.constant 48 : i32
        %parallel_loop3A_830 = vector.broadcast %parallel_loop3A_829 : i32 to vector<16xi32>
        %parallel_loop3A_831 = arith.addi %and3A_49, %parallel_loop3A_830 : vector<16xi32>
        %parallel_loop3A_832 = tpu.vector_load_idx %arg7[%parallel_loop3A_278, %parallel_loop3A_831] : memref<128x64xf32, #tpu.memory_space<vmem>>[vector<16xi32>, vector<16xi32>], vector<16xf32>,
        %parallel_loop3A_833 = arith.constant 3 : i32
        %parallel_loop3A_834 = vector.broadcast %parallel_loop3A_833 : i32 to vector<16xi32>
        %parallel_loop3A_835 = arith.shrsi %parallel_loop3A_831, %parallel_loop3A_834 : vector<16xi32>
        %parallel_loop3A_836 = arith.constant 7 : i32
        %parallel_loop3A_837 = vector.broadcast %parallel_loop3A_836 : i32 to vector<16xi32>
        %parallel_loop3A_838 = arith.andi %parallel_loop3A_831, %parallel_loop3A_837 : vector<16xi32>
        tpu.vector_store_idx %arg9[%parallel_loop3A_835, %parallel_loop3A_838, %parallel_loop3A_278], %parallel_loop3A_832 : memref<8x8x128xf32, #tpu.memory_space<vmem>>[vector<16xi32>, vector<16xi32>, vector<16xi32>], vector<16xf32>,
        %parallel_loop3A_839 = arith.constant 48 : i32
        %parallel_loop3A_840 = vector.broadcast %parallel_loop3A_839 : i32 to vector<16xi32>
        %parallel_loop3A_841 = arith.addi %and3A_55, %parallel_loop3A_840 : vector<16xi32>
        %parallel_loop3A_842 = tpu.vector_load_idx %arg7[%parallel_loop3A_278, %parallel_loop3A_841] : memref<128x64xf32, #tpu.memory_space<vmem>>[vector<16xi32>, vector<16xi32>], vector<16xf32>,
        %parallel_loop3A_843 = arith.constant 3 : i32
        %parallel_loop3A_844 = vector.broadcast %parallel_loop3A_843 : i32 to vector<16xi32>
        %parallel_loop3A_845 = arith.shrsi %parallel_loop3A_841, %parallel_loop3A_844 : vector<16xi32>
        %parallel_loop3A_846 = arith.constant 7 : i32
        %parallel_loop3A_847 = vector.broadcast %parallel_loop3A_846 : i32 to vector<16xi32>
        %parallel_loop3A_848 = arith.andi %parallel_loop3A_841, %parallel_loop3A_847 : vector<16xi32>
        tpu.vector_store_idx %arg9[%parallel_loop3A_845, %parallel_loop3A_848, %parallel_loop3A_278], %parallel_loop3A_842 : memref<8x8x128xf32, #tpu.memory_space<vmem>>[vector<16xi32>, vector<16xi32>, vector<16xi32>], vector<16xf32>,
        %parallel_loop3A_849 = arith.constant 48 : i32
        %parallel_loop3A_850 = vector.broadcast %parallel_loop3A_849 : i32 to vector<16xi32>
        %parallel_loop3A_851 = arith.addi %and3A_61, %parallel_loop3A_850 : vector<16xi32>
        %parallel_loop3A_852 = tpu.vector_load_idx %arg7[%parallel_loop3A_278, %parallel_loop3A_851] : memref<128x64xf32, #tpu.memory_space<vmem>>[vector<16xi32>, vector<16xi32>], vector<16xf32>,
        %parallel_loop3A_853 = arith.constant 3 : i32
        %parallel_loop3A_854 = vector.broadcast %parallel_loop3A_853 : i32 to vector<16xi32>
        %parallel_loop3A_855 = arith.shrsi %parallel_loop3A_851, %parallel_loop3A_854 : vector<16xi32>
        %parallel_loop3A_856 = arith.constant 7 : i32
        %parallel_loop3A_857 = vector.broadcast %parallel_loop3A_856 : i32 to vector<16xi32>
        %parallel_loop3A_858 = arith.andi %parallel_loop3A_851, %parallel_loop3A_857 : vector<16xi32>
        tpu.vector_store_idx %arg9[%parallel_loop3A_855, %parallel_loop3A_858, %parallel_loop3A_278], %parallel_loop3A_852 : memref<8x8x128xf32, #tpu.memory_space<vmem>>[vector<16xi32>, vector<16xi32>, vector<16xi32>], vector<16xf32>,
        %parallel_loop3A_859 = arith.constant 48 : i32
        %parallel_loop3A_860 = vector.broadcast %parallel_loop3A_859 : i32 to vector<16xi32>
        %parallel_loop3A_861 = arith.addi %and3A_67, %parallel_loop3A_860 : vector<16xi32>
        %parallel_loop3A_862 = tpu.vector_load_idx %arg7[%parallel_loop3A_278, %parallel_loop3A_861] : memref<128x64xf32, #tpu.memory_space<vmem>>[vector<16xi32>, vector<16xi32>], vector<16xf32>,
        %parallel_loop3A_863 = arith.constant 3 : i32
        %parallel_loop3A_864 = vector.broadcast %parallel_loop3A_863 : i32 to vector<16xi32>
        %parallel_loop3A_865 = arith.shrsi %parallel_loop3A_861, %parallel_loop3A_864 : vector<16xi32>
        %parallel_loop3A_866 = arith.constant 7 : i32
        %parallel_loop3A_867 = vector.broadcast %parallel_loop3A_866 : i32 to vector<16xi32>
        %parallel_loop3A_868 = arith.andi %parallel_loop3A_861, %parallel_loop3A_867 : vector<16xi32>
        tpu.vector_store_idx %arg9[%parallel_loop3A_865, %parallel_loop3A_868, %parallel_loop3A_278], %parallel_loop3A_862 : memref<8x8x128xf32, #tpu.memory_space<vmem>>[vector<16xi32>, vector<16xi32>, vector<16xi32>], vector<16xf32>,
        %parallel_loop3A_869 = arith.constant 48 : i32
        %parallel_loop3A_870 = vector.broadcast %parallel_loop3A_869 : i32 to vector<16xi32>
        %parallel_loop3A_871 = arith.addi %and3A_73, %parallel_loop3A_870 : vector<16xi32>
        %parallel_loop3A_872 = tpu.vector_load_idx %arg7[%parallel_loop3A_278, %parallel_loop3A_871] : memref<128x64xf32, #tpu.memory_space<vmem>>[vector<16xi32>, vector<16xi32>], vector<16xf32>,
        %parallel_loop3A_873 = arith.constant 3 : i32
        %parallel_loop3A_874 = vector.broadcast %parallel_loop3A_873 : i32 to vector<16xi32>
        %parallel_loop3A_875 = arith.shrsi %parallel_loop3A_871, %parallel_loop3A_874 : vector<16xi32>
        %parallel_loop3A_876 = arith.constant 7 : i32
        %parallel_loop3A_877 = vector.broadcast %parallel_loop3A_876 : i32 to vector<16xi32>
        %parallel_loop3A_878 = arith.andi %parallel_loop3A_871, %parallel_loop3A_877 : vector<16xi32>
        tpu.vector_store_idx %arg9[%parallel_loop3A_875, %parallel_loop3A_878, %parallel_loop3A_278], %parallel_loop3A_872 : memref<8x8x128xf32, #tpu.memory_space<vmem>>[vector<16xi32>, vector<16xi32>, vector<16xi32>], vector<16xf32>,
        %parallel_loop3A_879 = arith.constant 48 : i32
        %parallel_loop3A_880 = vector.broadcast %parallel_loop3A_879 : i32 to vector<16xi32>
        %parallel_loop3A_881 = arith.addi %and3A_79, %parallel_loop3A_880 : vector<16xi32>
        %parallel_loop3A_882 = tpu.vector_load_idx %arg7[%parallel_loop3A_278, %parallel_loop3A_881] : memref<128x64xf32, #tpu.memory_space<vmem>>[vector<16xi32>, vector<16xi32>], vector<16xf32>,
        %parallel_loop3A_883 = arith.constant 3 : i32
        %parallel_loop3A_884 = vector.broadcast %parallel_loop3A_883 : i32 to vector<16xi32>
        %parallel_loop3A_885 = arith.shrsi %parallel_loop3A_881, %parallel_loop3A_884 : vector<16xi32>
        %parallel_loop3A_886 = arith.constant 7 : i32
        %parallel_loop3A_887 = vector.broadcast %parallel_loop3A_886 : i32 to vector<16xi32>
        %parallel_loop3A_888 = arith.andi %parallel_loop3A_881, %parallel_loop3A_887 : vector<16xi32>
        tpu.vector_store_idx %arg9[%parallel_loop3A_885, %parallel_loop3A_888, %parallel_loop3A_278], %parallel_loop3A_882 : memref<8x8x128xf32, #tpu.memory_space<vmem>>[vector<16xi32>, vector<16xi32>, vector<16xi32>], vector<16xf32>,
        %parallel_loop3A_889 = arith.constant 48 : i32
        %parallel_loop3A_890 = vector.broadcast %parallel_loop3A_889 : i32 to vector<16xi32>
        %parallel_loop3A_891 = arith.addi %and3A_85, %parallel_loop3A_890 : vector<16xi32>
        %parallel_loop3A_892 = tpu.vector_load_idx %arg7[%parallel_loop3A_278, %parallel_loop3A_891] : memref<128x64xf32, #tpu.memory_space<vmem>>[vector<16xi32>, vector<16xi32>], vector<16xf32>,
        %parallel_loop3A_893 = arith.constant 3 : i32
        %parallel_loop3A_894 = vector.broadcast %parallel_loop3A_893 : i32 to vector<16xi32>
        %parallel_loop3A_895 = arith.shrsi %parallel_loop3A_891, %parallel_loop3A_894 : vector<16xi32>
        %parallel_loop3A_896 = arith.constant 7 : i32
        %parallel_loop3A_897 = vector.broadcast %parallel_loop3A_896 : i32 to vector<16xi32>
        %parallel_loop3A_898 = arith.andi %parallel_loop3A_891, %parallel_loop3A_897 : vector<16xi32>
        tpu.vector_store_idx %arg9[%parallel_loop3A_895, %parallel_loop3A_898, %parallel_loop3A_278], %parallel_loop3A_892 : memref<8x8x128xf32, #tpu.memory_space<vmem>>[vector<16xi32>, vector<16xi32>, vector<16xi32>], vector<16xf32>,
        %parallel_loop3A_899 = arith.constant 48 : i32
        %parallel_loop3A_900 = vector.broadcast %parallel_loop3A_899 : i32 to vector<16xi32>
        %parallel_loop3A_901 = arith.addi %and3A_91, %parallel_loop3A_900 : vector<16xi32>
        %parallel_loop3A_902 = tpu.vector_load_idx %arg7[%parallel_loop3A_278, %parallel_loop3A_901] : memref<128x64xf32, #tpu.memory_space<vmem>>[vector<16xi32>, vector<16xi32>], vector<16xf32>,
        %parallel_loop3A_903 = arith.constant 3 : i32
        %parallel_loop3A_904 = vector.broadcast %parallel_loop3A_903 : i32 to vector<16xi32>
        %parallel_loop3A_905 = arith.shrsi %parallel_loop3A_901, %parallel_loop3A_904 : vector<16xi32>
        %parallel_loop3A_906 = arith.constant 7 : i32
        %parallel_loop3A_907 = vector.broadcast %parallel_loop3A_906 : i32 to vector<16xi32>
        %parallel_loop3A_908 = arith.andi %parallel_loop3A_901, %parallel_loop3A_907 : vector<16xi32>
        tpu.vector_store_idx %arg9[%parallel_loop3A_905, %parallel_loop3A_908, %parallel_loop3A_278], %parallel_loop3A_902 : memref<8x8x128xf32, #tpu.memory_space<vmem>>[vector<16xi32>, vector<16xi32>, vector<16xi32>], vector<16xf32>,
        %parallel_loop3A_909 = arith.constant 48 : i32
        %parallel_loop3A_910 = vector.broadcast %parallel_loop3A_909 : i32 to vector<16xi32>
        %parallel_loop3A_911 = arith.addi %and3A_97, %parallel_loop3A_910 : vector<16xi32>
        %parallel_loop3A_912 = tpu.vector_load_idx %arg7[%parallel_loop3A_278, %parallel_loop3A_911] : memref<128x64xf32, #tpu.memory_space<vmem>>[vector<16xi32>, vector<16xi32>], vector<16xf32>,
        %parallel_loop3A_913 = arith.constant 3 : i32
        %parallel_loop3A_914 = vector.broadcast %parallel_loop3A_913 : i32 to vector<16xi32>
        %parallel_loop3A_915 = arith.shrsi %parallel_loop3A_911, %parallel_loop3A_914 : vector<16xi32>
        %parallel_loop3A_916 = arith.constant 7 : i32
        %parallel_loop3A_917 = vector.broadcast %parallel_loop3A_916 : i32 to vector<16xi32>
        %parallel_loop3A_918 = arith.andi %parallel_loop3A_911, %parallel_loop3A_917 : vector<16xi32>
        tpu.vector_store_idx %arg9[%parallel_loop3A_915, %parallel_loop3A_918, %parallel_loop3A_278], %parallel_loop3A_912 : memref<8x8x128xf32, #tpu.memory_space<vmem>>[vector<16xi32>, vector<16xi32>, vector<16xi32>], vector<16xf32>,
      } {sc.loop_unroll_factor = 4 : i64, sc.parallel_access}
      %jit3A_214 = arith.constant 4 : i32
      %div3A_215 = arith.divsi %add3A_199, %jit3A_214 : i32
      %sign3A_216 = arith.constant 0 : i32
      %sign3A_217 = arith.cmpi sgt, %add3A_199, %sign3A_216 : i32
      %sign3A_218 = arith.extui %sign3A_217 : i1 to i32
      %sign3A_219 = arith.constant 0 : i32
      %sign3A_220 = arith.cmpi slt, %add3A_199, %sign3A_219 : i32
      %sign3A_221 = arith.extui %sign3A_220 : i1 to i32
      %sign3A_222 = arith.subi %sign3A_218, %sign3A_221 : i32
      %sign3A_223 = arith.constant 0 : i32
      %sign3A_224 = arith.cmpi sgt, %jit3A_214, %sign3A_223 : i32
      %sign3A_225 = arith.extui %sign3A_224 : i1 to i32
      %sign3A_226 = arith.constant 0 : i32
      %sign3A_227 = arith.cmpi slt, %jit3A_214, %sign3A_226 : i32
      %sign3A_228 = arith.extui %sign3A_227 : i1 to i32
      %sign3A_229 = arith.subi %sign3A_225, %sign3A_228 : i32
      %ne3A_230 = arith.cmpi ne, %sign3A_222, %sign3A_229 : i32
      %rem3A_231 = arith.remsi %add3A_199, %jit3A_214 : i32
      %ne3A_232 = arith.constant 0 : i32
      %ne3A_233 = arith.cmpi ne, %rem3A_231, %ne3A_232 : i32
      %and3A_234 = arith.andi %ne3A_230, %ne3A_233 : i1
      %sub3A_235 = arith.constant 1 : i32
      %sub3A_236 = arith.subi %div3A_215, %sub3A_235 : i32
      %select_n3A_237 = arith.select %and3A_234, %sub3A_236, %div3A_215 : i32
      %mul3A_238 = arith.constant 4 : i32
      %mul3A_239 = arith.muli %add3A, %mul3A_238 : i32
      %jit3A_240 = arith.constant 4 : i32
      %eq3A_241 = arith.constant 0 : i32
      %eq3A_242 = arith.cmpi eq, %jit3A_240, %eq3A_241 : i32
      %jit3A_243 = arith.constant 1 : i32
      %select_n3A_244 = arith.select %eq3A_242, %jit3A_243, %jit3A_240 : i32
      %rem3A_245 = arith.remsi %add3A_199, %select_n3A_244 : i32
      %ne3A_246 = arith.constant 0 : i32
      %ne3A_247 = arith.cmpi ne, %rem3A_245, %ne3A_246 : i32
      %lt3A_248 = arith.constant 0 : i32
      %lt3A_249 = arith.cmpi slt, %rem3A_245, %lt3A_248 : i32
      %lt3A_250 = arith.constant 0 : i32
      %lt3A_251 = arith.cmpi slt, %select_n3A_244, %lt3A_250 : i32
      %ne3A_252 = arith.xori %lt3A_249, %lt3A_251 : i1
      %and3A_253 = arith.andi %ne3A_252, %ne3A_247 : i1
      %add3A_254 = arith.addi %rem3A_245, %select_n3A_244 : i32
      %select_n3A_255 = arith.select %and3A_253, %add3A_254, %rem3A_245 : i32
      %add3A_256 = arith.addi %mul3A_239, %select_n3A_255 : i32
      %dma_start3A_257 = arith.constant 0 : i32
      %dma_start3A_258 = arith.constant 0 : i32
      %dma_start3A_259 = arith.constant 0 : i32
      %dma_start3A_260 = tpu.memref_slice %arg4[%select_n3A_237, %dma_start3A_257, %add3A_256, %dma_start3A_258, %dma_start3A_259] : memref<50x8x128x8x128xf32, #tpu.memory_space<hbm>> -> memref<1x8x1x8x128xf32, #tpu.memory_space<hbm>>
      %dma_start3A_261 = tpu.memref_squeeze %dma_start3A_260 : memref<1x8x1x8x128xf32, #tpu.memory_space<hbm>> -> memref<8x8x128xf32, #tpu.memory_space<hbm>>
      %dma_start3A_262 = arith.constant 0 : i32
      %dma_start3A_263 = arith.constant 0 : i32
      %dma_start3A_264 = arith.constant 0 : i32
      %dma_start3A_265 = tpu.memref_slice %arg4[%select_n3A_237, %dma_start3A_262, %add3A_256, %dma_start3A_263, %dma_start3A_264] : memref<50x8x128x8x128xf32, #tpu.memory_space<hbm>> -> memref<1x8x1x8x128xf32, #tpu.memory_space<hbm>>
      %dma_start3A_266 = tpu.memref_squeeze %dma_start3A_265 : memref<1x8x1x8x128xf32, #tpu.memory_space<hbm>> -> memref<8x8x128xf32, #tpu.memory_space<hbm>>
      tpu.enqueue_dma source(%arg9 : memref<8x8x128xf32, #tpu.memory_space<vmem>>) target(%dma_start3A_266 : memref<8x8x128xf32, #tpu.memory_space<hbm>>) target_semaphore(%arg13 : memref<!tpu.dma_semaphore, #tpu.memory_space<semaphore_mem>>)
      %add3A_267 = arith.constant 2 : i32
      %add3A_268 = arith.addi %add3A_199, %add3A_267 : i32
      %lt3A_269 = arith.constant 200 : i32
      %lt3A_270 = arith.cmpi slt, %add3A_268, %lt3A_269 : i32
      %convert_element_type3A_271 = arith.extui %lt3A_270 : i1 to i32
      %cond3A_272 = arith.constant 0 : i32
      %cond3A_273 = arith.cmpi ne, %convert_element_type3A_271, %cond3A_272 : i32
      scf.if %cond3A_273 {
        %add3A_274 = arith.constant 2 : i32
        %add3A_275 = arith.addi %add3A_199, %add3A_274 : i32
        %jit3A_276 = arith.constant 4 : i32
        %div3A_277 = arith.divsi %add3A_275, %jit3A_276 : i32
        %sign3A_278 = arith.constant 0 : i32
        %sign3A_279 = arith.cmpi sgt, %add3A_275, %sign3A_278 : i32
        %sign3A_280 = arith.extui %sign3A_279 : i1 to i32
        %sign3A_281 = arith.constant 0 : i32
        %sign3A_282 = arith.cmpi slt, %add3A_275, %sign3A_281 : i32
        %sign3A_283 = arith.extui %sign3A_282 : i1 to i32
        %sign3A_284 = arith.subi %sign3A_280, %sign3A_283 : i32
        %sign3A_285 = arith.constant 0 : i32
        %sign3A_286 = arith.cmpi sgt, %jit3A_276, %sign3A_285 : i32
        %sign3A_287 = arith.extui %sign3A_286 : i1 to i32
        %sign3A_288 = arith.constant 0 : i32
        %sign3A_289 = arith.cmpi slt, %jit3A_276, %sign3A_288 : i32
        %sign3A_290 = arith.extui %sign3A_289 : i1 to i32
        %sign3A_291 = arith.subi %sign3A_287, %sign3A_290 : i32
        %ne3A_292 = arith.cmpi ne, %sign3A_284, %sign3A_291 : i32
        %rem3A_293 = arith.remsi %add3A_275, %jit3A_276 : i32
        %ne3A_294 = arith.constant 0 : i32
        %ne3A_295 = arith.cmpi ne, %rem3A_293, %ne3A_294 : i32
        %and3A_296 = arith.andi %ne3A_292, %ne3A_295 : i1
        %sub3A_297 = arith.constant 1 : i32
        %sub3A_298 = arith.subi %div3A_277, %sub3A_297 : i32
        %select_n3A_299 = arith.select %and3A_296, %sub3A_298, %div3A_277 : i32
        %jit3A_300 = arith.constant 4 : i32
        %eq3A_301 = arith.constant 0 : i32
        %eq3A_302 = arith.cmpi eq, %jit3A_300, %eq3A_301 : i32
        %jit3A_303 = arith.constant 1 : i32
        %select_n3A_304 = arith.select %eq3A_302, %jit3A_303, %jit3A_300 : i32
        %rem3A_305 = arith.remsi %add3A_275, %select_n3A_304 : i32
        %ne3A_306 = arith.constant 0 : i32
        %ne3A_307 = arith.cmpi ne, %rem3A_305, %ne3A_306 : i32
        %lt3A_308 = arith.constant 0 : i32
        %lt3A_309 = arith.cmpi slt, %rem3A_305, %lt3A_308 : i32
        %lt3A_310 = arith.constant 0 : i32
        %lt3A_311 = arith.cmpi slt, %select_n3A_304, %lt3A_310 : i32
        %ne3A_312 = arith.xori %lt3A_309, %lt3A_311 : i1
        %and3A_313 = arith.andi %ne3A_312, %ne3A_307 : i1
        %add3A_314 = arith.addi %rem3A_305, %select_n3A_304 : i32
        %select_n3A_315 = arith.select %and3A_313, %add3A_314, %rem3A_305 : i32
        %jit3A_316 = arith.constant 8 : i32
        %div3A_317 = arith.divsi %select_n3A_299, %jit3A_316 : i32
        %sign3A_318 = arith.constant 0 : i32
        %sign3A_319 = arith.cmpi sgt, %select_n3A_299, %sign3A_318 : i32
        %sign3A_320 = arith.extui %sign3A_319 : i1 to i32
        %sign3A_321 = arith.constant 0 : i32
        %sign3A_322 = arith.cmpi slt, %select_n3A_299, %sign3A_321 : i32
        %sign3A_323 = arith.extui %sign3A_322 : i1 to i32
        %sign3A_324 = arith.subi %sign3A_320, %sign3A_323 : i32
        %sign3A_325 = arith.constant 0 : i32
        %sign3A_326 = arith.cmpi sgt, %jit3A_316, %sign3A_325 : i32
        %sign3A_327 = arith.extui %sign3A_326 : i1 to i32
        %sign3A_328 = arith.constant 0 : i32
        %sign3A_329 = arith.cmpi slt, %jit3A_316, %sign3A_328 : i32
        %sign3A_330 = arith.extui %sign3A_329 : i1 to i32
        %sign3A_331 = arith.subi %sign3A_327, %sign3A_330 : i32
        %ne3A_332 = arith.cmpi ne, %sign3A_324, %sign3A_331 : i32
        %rem3A_333 = arith.remsi %select_n3A_299, %jit3A_316 : i32
        %ne3A_334 = arith.constant 0 : i32
        %ne3A_335 = arith.cmpi ne, %rem3A_333, %ne3A_334 : i32
        %and3A_336 = arith.andi %ne3A_332, %ne3A_335 : i1
        %sub3A_337 = arith.constant 1 : i32
        %sub3A_338 = arith.subi %div3A_317, %sub3A_337 : i32
        %select_n3A_339 = arith.select %and3A_336, %sub3A_338, %div3A_317 : i32
        %jit3A_340 = arith.constant 8 : i32
        %eq3A_341 = arith.constant 0 : i32
        %eq3A_342 = arith.cmpi eq, %jit3A_340, %eq3A_341 : i32
        %jit3A_343 = arith.constant 1 : i32
        %select_n3A_344 = arith.select %eq3A_342, %jit3A_343, %jit3A_340 : i32
        %rem3A_345 = arith.remsi %select_n3A_299, %select_n3A_344 : i32
        %ne3A_346 = arith.constant 0 : i32
        %ne3A_347 = arith.cmpi ne, %rem3A_345, %ne3A_346 : i32
        %lt3A_348 = arith.constant 0 : i32
        %lt3A_349 = arith.cmpi slt, %rem3A_345, %lt3A_348 : i32
        %lt3A_350 = arith.constant 0 : i32
        %lt3A_351 = arith.cmpi slt, %select_n3A_344, %lt3A_350 : i32
        %ne3A_352 = arith.xori %lt3A_349, %lt3A_351 : i1
        %and3A_353 = arith.andi %ne3A_352, %ne3A_347 : i1
        %add3A_354 = arith.addi %rem3A_345, %select_n3A_344 : i32
        %select_n3A_355 = arith.select %and3A_353, %add3A_354, %rem3A_345 : i32
        %dma_start3A_356 = arith.constant 0 : i32
        %dma_start3A_357 = tpu.memref_slice %arg5[%select_n3A_339, %select_n3A_315, %select_n3A_355, %dma_start3A_356] : memref<7x4x8x128xi32, #tpu.memory_space<vmem>> -> memref<1x1x1x128xi32, #tpu.memory_space<vmem>>
        %dma_start3A_358 = tpu.memref_squeeze %dma_start3A_357 : memref<1x1x1x128xi32, #tpu.memory_space<vmem>> -> memref<128xi32, #tpu.memory_space<vmem>>
        %dma_start3A_359 = arith.constant 0 : i32
        %dma_start3A_360 = arith.constant 0 : i32
        %dma_start3A_361 = tpu.memref_slice %arg3[%dma_start3A_359, %dma_start3A_360] : memref<1000000x64xf32, #tpu.memory_space<hbm>> -> memref<1000000x64xf32, #tpu.memory_space<hbm>>
        tpu.enqueue_indirect_dma source(%dma_start3A_361 : memref<1000000x64xf32, #tpu.memory_space<hbm>>) target(%arg7 : memref<128x64xf32, #tpu.memory_space<vmem>>) offsets(%dma_start3A_358 : memref<128xi32, #tpu.memory_space<vmem>>) semaphore(%arg11 : memref<!tpu.dma_semaphore, #tpu.memory_space<semaphore_mem>>)
      } else {
      }
    }
    %scan3A_118 = arith.constant 100 : i32
    %dma_wait3A = arith.constant 0 : i32
    %dma_wait3A_119 = arith.constant 0 : i32
    %dma_wait3A_120 = tpu.memref_slice %arg3[%dma_wait3A, %dma_wait3A_119] : memref<1000000x64xf32, #tpu.memory_space<hbm>> -> memref<128x64xf32, #tpu.memory_space<hbm>>
    %dma_wait3A_121 = arith.constant 0 : i32
    %dma_wait3A_122 = arith.constant 0 : i32
    %dma_wait3A_123 = tpu.memref_slice %arg3[%dma_wait3A_121, %dma_wait3A_122] : memref<1000000x64xf32, #tpu.memory_space<hbm>> -> memref<128x64xf32, #tpu.memory_space<hbm>>
    tpu.wait_dma2 semaphore(%arg12 : memref<!tpu.dma_semaphore, #tpu.memory_space<semaphore_mem>>) src(%dma_wait3A_123 : memref<128x64xf32, #tpu.memory_space<hbm>>) dst(%arg6 : memref<128x64xf32, #tpu.memory_space<vmem>>)
    %dma_wait3A_124 = arith.constant 0 : i32
    %dma_wait3A_125 = arith.constant 0 : i32
    %dma_wait3A_126 = tpu.memref_slice %arg3[%dma_wait3A_124, %dma_wait3A_125] : memref<1000000x64xf32, #tpu.memory_space<hbm>> -> memref<128x64xf32, #tpu.memory_space<hbm>>
    %dma_wait3A_127 = arith.constant 0 : i32
    %dma_wait3A_128 = arith.constant 0 : i32
    %dma_wait3A_129 = tpu.memref_slice %arg3[%dma_wait3A_127, %dma_wait3A_128] : memref<1000000x64xf32, #tpu.memory_space<hbm>> -> memref<128x64xf32, #tpu.memory_space<hbm>>
    tpu.wait_dma2 semaphore(%arg13 : memref<!tpu.dma_semaphore, #tpu.memory_space<semaphore_mem>>) src(%dma_wait3A_129 : memref<128x64xf32, #tpu.memory_space<hbm>>) dst(%arg7 : memref<128x64xf32, #tpu.memory_space<vmem>>)
    return
  }
}

</mosaic_0001>

<sc_bundles>
// kernel: kernel.3.cloned.1.call-start
scs
__scs_entry_jumppad:
0x0: {  	(pc) =	sbr.rel $0x88, $3  }
0x1: {  	(tag) =	ssettag $0x0;
	lr =	simm.s32 $0x1  }
0x2: {  	[smem:$0x3F9F] =	sst lr;
	_ =	strace $0xD0000000  }
0x3: {  	_ = 	snop  }
0x4: {  	_ = 	snop  }
0x5: {  	_ = 	snop  }
0x6: {  	_ = 	snop  }
0x7: {  	_ = 	snop  }
__scs_overlays_trampoline_lowered:
0x8: {  	[smem:$0x3FAE] =	sst s0  }
0x9: {  	[smem:$0x3FAF] =	sst s1  }
0xa: {  	[smem:$0x3FB0] =	sst s2  }
0xb: {  	[smem:$0x3FB1] =	sst s3  }
0xc: {  	[smem:$0x3FB2] =	sst s4  }
0xd: {  	[smem:$0x3FB3] =	sst s5  }
0xe: {  	[smem:$0x3FB4] =	sst s6  }
0xf: {  	[smem:$0x3FB5] =	sst s7  }
0x10: {  	[smem:$0x3FB6] =	sst s8  }
0x11: {  	[smem:$0x3FB7] =	sst s9;
	s0 =	simm.s32 @!p0 $0x0  }
0x12: {  	s1 =	sld [smem:$0x3F9D];
	s0 =	simm.s32 @p0 $0x1  }
0x13: {  	[smem:$0x3FB8] =	sst s0;
	s0 =	simm.s32 @!p1 $0x0  }
0x14: {  	s2 =	sld [smem:$0x3F9C];
	s0 =	simm.s32 @p1 $0x1  }
0x15: {  	[smem:$0x3FB9] =	sst s0;
	s0 =	simm.s32 @!p2 $0x0  }
0x16: {  	s3 =	sld [smem:$0x3FDB];
	s0 =	simm.s32 @p2 $0x1  }
0x17: {  	s4 =	simm.s32 $0x1BF5;
	[smem:$0x3FBB] =	sst s0  }
0x18: {  	s0 =	sld [smem:$0x3F9E];
	_ =	swait.ge [sflag:s4], $0x0  }
0x19: {  	s7 =	sld [smem:$0x3F9F]  }
0x1a: {  	s8 =	sadd.s32 $0xFFFFE003, lr  }
0x1b: {  	s9 =	sadd.s32 $0xFFFFFEF7, lr;
	s5 =	simm.s32 $0xFFFFFFFF;
	p2 =	slt.u32 s8, $0xFFFFF086  }
0x1c: {  	p1 =	slt.u32 s9, $0xF7A;
	s5 =	simm.s32 @!p2 $0x0  }
0x1d: {  	s5 =	simm.s32 @p1 $0x1;
	p0 =	seq.s32 s7, s2  }
0x1e: {  	s7 =	smul.u32 @!p0 $0xF7A, s2;
	p2 =	seq.s32 @!p0 s5, $0x0  }
0x1f: {  	s9 =	smul.u32 $0xF7A, s1;
	s8 =	simm.s32 @!p0 $0x1BF5;
	p2 =	por !p2, p0  }
0x20: {  	[sflag:s8] =	ssyncset.s32 @!p0 $0xFFFFF086;
	s6 =	sadd.s32 @!p0 s3, s7;
	s7 =	simm.s32 @!p0 $0x108  }
0x21: {  	s3 =	sadd.s32 s3, s9;
	s6 =	sadd.s32 @!p0 $0x88, s6;
	s7 =	simm.s32 @p2 $0x1082  }
0x22: {  	[simem:s7], [sflag:s8] =	dma.local @!p0 [hbm:s6], $0xF7A  }
0x23: {  	s9 =	sor.u32 $0xD0000000, s2;
	s6 =	simm.s32 $0x108;
	_ =	swait.ge @!p0 [sflag:s8], $0x0  }
0x24: {  	s3 =	sadd.s32 $0x88, s3;
	s6 =	simm.s32 @!p1 $0x1082;
	[sflag:s4] =	ssyncset.s32 $0xFFFFF086  }
0x25: {  	[simem:s6], [sflag:s4] =	dma.local [hbm:s3], $0xF7A  }
0x26: {  	[smem:$0x3F9F] =	sst s1;
	(tag) =	ssettag s2;
	_ =	strace s9  }
0x27: {  	s1 =	sld [smem:$0x3FAF]  }
0x28: {  	s2 =	sld [smem:$0x3FB0]  }
0x29: {  	s4 =	sld [smem:$0x3FB2]  }
0x2a: {  	p0 =	seq.s32 s5, $0x0;
	s5 =	sld [smem:$0x3FB3]  }
0x2b: {  	s6 =	sld [smem:$0x3FB4]  }
0x2c: {  	s7 =	sld [smem:$0x3FB5]  }
0x2d: {  	s3 =	simm.s32 $0x108;
	s8 =	sld [smem:$0x3FB6]  }
0x2e: {  	s3 =	simm.s32 @!p0 $0x1082;
	s9 =	sld [smem:$0x3FB7]  }
0x2f: {  	lr =	sadd.s32 s0, s3;
	s0 =	sld [smem:$0x3FAE]  }
0x30: {  	s3 =	sld [smem:$0x3FB1]  }
0x31: {  	[smem:$0x3FBA] =	sst s10  }
0x32: {  	s10 =	sld [smem:$0x3FB8];
	_ =	sdelay $0x3  }
0x33: {  	p0 =	seq.s32 s10, $0x1;
	s10 =	sld [smem:$0x3FBA];
	_ =	sdelay $0x3  }
0x34: {  	[smem:$0x3FBA] =	sst s10  }
0x35: {  	s10 =	sld [smem:$0x3FB9];
	_ =	sdelay $0x3  }
0x36: {  	p1 =	seq.s32 s10, $0x1;
	s10 =	sld [smem:$0x3FBA];
	_ =	sdelay $0x3  }
0x37: {  	[smem:$0x3FBA] =	sst s10  }
0x38: {  	s10 =	sld [smem:$0x3FBB]  }
0x39: {  	_ = 	snop;
	(pc) =	sbr.ind lr, $3  }
0x3a: {  	_ = 	snop  }
0x3b: {  	_ = 	snop  }
0x3c: {  	p2 =	seq.s32 s10, $0x1;
	s10 =	sld [smem:$0x3FBA]  }
0x3d: {  	_ =	shalt  }
0x3e: {  	_ =	shalt  }
0x3f: {  	_ =	shalt  }
0x40: {  	_ =	shalt  }
0x41: {  	_ =	shalt  }
0x42: {  	_ =	shalt  }
0x43: {  	_ =	shalt  }
0x44: {  	_ =	shalt  }
0x45: {  	_ =	shalt  }
0x46: {  	_ =	shalt  }
0x47: {  	_ =	shalt  }
0x48: {  	_ =	shalt  }
0x49: {  	_ =	shalt  }
0x4a: {  	_ =	shalt  }
0x4b: {  	_ =	shalt  }
0x4c: {  	_ =	shalt  }
0x4d: {  	_ =	shalt  }
0x4e: {  	_ =	shalt  }
0x4f: {  	_ =	shalt  }
0x50: {  	_ =	shalt  }
0x51: {  	_ =	shalt  }
0x52: {  	_ =	shalt  }
0x53: {  	_ =	shalt  }
0x54: {  	_ =	shalt  }
0x55: {  	_ =	shalt  }
0x56: {  	_ =	shalt  }
0x57: {  	_ =	shalt  }
0x58: {  	_ =	shalt  }
0x59: {  	_ =	shalt  }
0x5a: {  	_ =	shalt  }
0x5b: {  	_ =	shalt  }
0x5c: {  	_ =	shalt  }
0x5d: {  	_ =	shalt  }
0x5e: {  	_ =	shalt  }
0x5f: {  	_ =	shalt  }
0x60: {  	_ =	shalt  }
0x61: {  	_ =	shalt  }
0x62: {  	_ =	shalt  }
0x63: {  	_ =	shalt  }
0x64: {  	_ =	shalt  }
0x65: {  	_ =	shalt  }
0x66: {  	_ =	shalt  }
0x67: {  	_ =	shalt  }
0x68: {  	_ =	shalt  }
0x69: {  	_ =	shalt  }
0x6a: {  	_ =	shalt  }
0x6b: {  	_ =	shalt  }
0x6c: {  	_ =	shalt  }
0x6d: {  	_ =	shalt  }
0x6e: {  	_ =	shalt  }
0x6f: {  	_ =	shalt  }
0x70: {  	_ =	shalt  }
0x71: {  	_ =	shalt  }
0x72: {  	_ =	shalt  }
0x73: {  	_ =	shalt  }
0x74: {  	_ =	shalt  }
0x75: {  	_ =	shalt  }
0x76: {  	_ =	shalt  }
0x77: {  	_ =	shalt  }
0x78: {  	_ =	shalt  }
0x79: {  	_ =	shalt  }
0x7a: {  	_ =	shalt  }
0x7b: {  	_ =	shalt  }
0x7c: {  	_ =	shalt  }
0x7d: {  	_ =	shalt  }
0x7e: {  	_ =	shalt  }
0x7f: {  	_ =	shalt  }
0x80: {  	_ =	shalt  }
0x81: {  	_ =	shalt  }
0x82: {  	_ =	shalt  }
0x83: {  	_ =	shalt  }
0x84: {  	_ =	shalt  }
0x85: {  	_ =	shalt  }
0x86: {  	_ =	shalt  }
0x87: {  	_ =	shalt  }
.Lfunc_end0:
.L_simem_size_0:
called_computation_lowered:
.L_overlay_start_0:
0x88: {  	s2 =	sld [smem:$0x3FD9]  }
0x89: {  	s3 =	sld [smem:$0x3FFE];
	_ =	sdelay $0x1  }
0x8a: {  	s1 =	srdreg.scid  }
0x8b: {  	s0 =	sand.u32 $0x1, s1  }
0x8c: {  	s17 =	sshll.u32 s0, $0xA;
	s2 =	sadd.s32 s3, s2  }
0x8d: {  	s2 =	sadd.s32 s2, s17  }
0x8e: {  	[smem:$0x3FC6] =	sst s2  }
0x8f: {  	_ = 	snop  }
0x90: {  	s2 =	sld [smem:$0x3FD0];
	(tm) =	ssettm $0x1  }
0x91: {  	s18 =	sld [smem:$0x3FFB];
	_ =	sdelay $0x3  }
0x92: {  	_ =	strace s18  }
0x93: {  	s3 =	sld [smem:$0x3FFC];
	_ =	sdelay $0x3  }
0x94: {  	_ =	strace s3  }
0x95: {  	s3 =	sld [smem:$0x3FFD];
	_ =	sdelay $0x3  }
0x96: {  	_ =	strace s3  }
0x97: {  	_ =	strace $0x8FFFFFFF  }
0x98: {  	s19 =	sld [smem:$0x3FDB];
	_ =	sdelay $0x1  }
0x99: {  	s4 =	simm.s32 $_scs_section_size  }
0x9a: {  	s5 =	simm.s32 $_size__tile_overlayer_lowered;
	s6 =	simm.s32 $_tile_overlayer_lowered  }
0x9b: {  	s22 =	simm.s32 $0x1BFF;
	s21 =	sshll.u32 s6, $0x1;
	s3 =	sadd.s32 s4, s19  }
0x9c: {  	s7 =	simm.s32 $0x0;
	s20 =	sshll.u32 s5, $0x1;
	s5 =	sadd.s32 s21, s3  }
0x9d: {  	[timem:s7], [sflag:s22] =	dma.local [hbm:s5], s20  }
0x9e: {  	_ =	swait.ge [sflag:s22], s20  }
0x9f: {  	s4 =	ssub.s32 $0x0, s20;
	[sflag:s22] =	ssyncset.done $0x0  }
0xa0: {  	[sflag:s22] =	ssyncadd.s32 s4;
	_ =	sdelay $0x1  }
0xa1: {  	s23 =	simm.s32 $0x1B8B  }
0xa2: {  	_ =	swait.ge [sflag:s23], $0x1  }
0xa3: {  	[sflag:s23] =	ssyncset.done $0x0  }
0xa4: {  	s25 =	simm.s32 $0x1B8E;
	s24 =	sld [smem:$0x3FFE];
	[sflag:s23] =	ssyncadd.s32 $0xFFFFFFFF  }
0xa5: {  	s26 =	simm.s32 $execute0_lowered;
	[smem:$0x3FD2] =	sst s25  }
0xa6: {  	s5 =	sshll.u32 s26, $0x1;
	_ =	strace $0x80000046;
	[dreg:$0x1] =	wrdreg $0xFFFFFFFF  }
0xa7: {  	s28 =	simm.s32 $_size_execute0_lowered;
	s3 =	sadd.s32 s3, s5;
	[dreg:$0x0] =	wrdreg $0x0  }
0xa8: {  	s5 =	sshll.u32 s28, $0x1;
	[dreg:$0x2] =	wrdreg s3  }
0xa9: {  	[dreg:$0x3] =	wrdreg s5  }
0xaa: {  	[dreg:$0x4] =	wrdreg $0xC0  }
0xab: {  	_ =	task [dreg:s7], $0x5FFFF  }
0xac: {  	[dreg:$0x1] =	wrdreg $0xFFFFFFFF  }
0xad: {  	[dreg:$0x0] =	wrdreg $0x60  }
0xae: {  	[dreg:$0x2] =	wrdreg s24  }
0xaf: {  	[dreg:$0x3] =	wrdreg s2  }
0xb0: {  	[dreg:$0x4] =	wrdreg $0x9  }
0xb1: {  	_ =	task.clear_ibuf [dreg:s7], $0x5FFFF;
	_ =	strace $0x90000046  }
0xb2: {  	s29 =	simm.s32 $0x9;
	_ =	strace $0x80000048  }
0xb3: {  	_ =	swait.ge [sflag:s29], $0x1  }
0xb4: {  	[sflag:s29] =	ssyncadd.s32 $0xFFFFFFFF  }
0xb5: {  	_ =	strace $0x90000048  }
0xb6: {  	_ =	sfence  }
0xb7: {  	s30 =	sld [smem:$0x0];
	_ =	sdelay $0x2  }
0xb8: {  	s31 =	sshll.u32 s1, $0xD;
	s1 =	sshrl.u32 s1, $0x2  }
0xb9: {  	s3 =	sand.u32 $0x4000, s31;
	s1 =	sadd.s32 s1, s30  }
0xba: {  	s0 =	sor.u32 s3, s0;
	s1 =	sshll.u32 s1, $0x11  }
0xbb: {  	s0 =	sor.u32 s1, s0  }
0xbc: {  	s0 =	sadd.s32 $0x8F2B, s0  }
0xbd: {  	[sflag:s0] =	ssyncadd.remote.s32 $0x1  }
0xbe: {  	_ =	sfence.sel $0xFFFF  }
0xbf: {  	[dreg:$0x0] =	wrdreg $0xFFFFFFFF;
	(pc) =	sbr.abs _section_cstart, $3  }
0xc0: {  	[dreg:$0x1] =	wrdreg $0xFFFFFFFF  }
0xc1: {  	_ =	task.clear_ibuf [dreg:s7], $0x2FFFF;
	_ =	strace $0x9FFFFFFF  }
0xc2: {  	(tm) =	ssettm $0x7FFFFFFF  }
0xc3: {  	_ =	shalt  }
tec
execute0_lowered:
.L_overlay_start_1:
0x0: {  	(tag) =	ssettag $0x1  }
0x1: {  	vm14 =	vcmask $0x300;
	v0 =	vimm.s32 $0x787  }
0x2: {  	vm13 =	vcmask $0x704;
	vm12 =	vcmask $0xB08;
	vm11 =	vcmask $0xF0C  }
0x3: {  	vm10 =	vcmask $0x1310;
	vm9 =	vcmask $0x1714;
	vm8 =	vcmask $0x1B18  }
0x4: {  	vm7 =	vcmask $0x1F1C;
	vm5 =	vcmask $0x2320;
	v1 =	vimm.s32 $0x7  }
0x5: {  	vm6 =	vcmask $0x2724;
	vm4 =	vcmask $0x2B28;
	vm1 =	vcmask $0x2F2C  }
0x6: {  	vm2 =	vcmask $0x3330;
	vm3 =	vcmask $0x3734;
	v31 =	vimm.s32 $0xFEDCBA9  }
0x7: {  	v3 =	vimm.s32 $0x87654321;
	v4 =	vimm.s32 $0x87;
	vm0 =	vcmask $0x3B38  }
0x8: {  	v36 =	vimm.s32 $0x10FEDCBA;
	v37 =	vimm.s32 $0x107;
	v38 =	vimm.s32 $0x98765432  }
0x9: {  	v41 =	vimm.s32 $0x210FEDCB;
	v7 =	vimm.s32 $0xA9876543;
	v44 =	vimm.s32 $0x187  }
0xa: {  	v54 =	vimm.s32 $0x3210FEDC;
	v55 =	vimm.s32 $0xBA987654;
	v10 =	vimm.s32 $0x207  }
0xb: {  	v60 =	vimm.s32 $0x43210FED;
	v61 =	vimm.s32 $0xCBA98765;
	v13 =	vimm.s32 $0x287  }
0xc: {  	v15 =	vimm.s32 $0xEDCBA987;
	v19 =	vimm.s32 $0x1187;
	v20 =	vimm.s32 $0x1207  }
0xd: {  	v21 =	vimm.s32 $0x1287;
	v22 =	vimm.s32 $0x1307;
	v23 =	vimm.s32 $0x1387  }
0xe: {  	v24 =	vimm.s32 $0x1407;
	v25 =	vimm.s32 $0x1487;
	v26 =	vimm.s32 $0x1507  }
0xf: {  	v27 =	vimm.s32 $0x1587;
	v28 =	vimm.s32 $0x1607;
	v29 =	vimm.s32 $0x1687  }
0x10: {  	v0 =	vsel vm14, $0x0, v0;
	v1 =	vsel vm14, $0x80, v1;
	v3 =	vunpack.c.l.s4.s8 v3  }
0x11: {  	v4 =	vsel vm14, $0x100, v4;
	v7 =	vunpack.c.l.s4.s8 v7;
	v46 =	vsel vm14, $0x200, v44  }
0x12: {  	v10 =	vsel vm14, $0x280, v10;
	v30 =	vsel vm14, $0x300, v13;
	v15 =	vunpack.c.l.s4.s8 v15  }
0x13: {  	v19 =	vsel vm14, $0x1200, v19;
	v20 =	vsel vm14, $0x1280, v20;
	v21 =	vsel vm14, $0x1300, v21  }
0x14: {  	v22 =	vsel vm14, $0x1380, v22;
	v23 =	vsel vm14, $0x1400, v23;
	v24 =	vsel vm14, $0x1480, v24  }
0x15: {  	v25 =	vsel vm14, $0x1500, v25;
	v26 =	vsel vm14, $0x1580, v26;
	v27 =	vsel vm14, $0x1600, v27  }
0x16: {  	v28 =	vsel vm14, $0x1680, v28;
	v29 =	vsel vm14, $0x1700, v29;
	v0 =	vsel vm13, $0x81, v0  }
0x17: {  	v1 =	vsel vm13, $0x101, v1;
	v4 =	vsel vm13, $0x181, v4;
	v10 =	vsel vm13, $0x301, v10  }
0x18: {  	v19 =	vsel vm13, $0x1281, v19;
	v20 =	vsel vm13, $0x1301, v20;
	v21 =	vsel vm13, $0x1381, v21  }
0x19: {  	v22 =	vsel vm13, $0x1401, v22;
	v23 =	vsel vm13, $0x1481, v23;
	v24 =	vsel vm13, $0x1501, v24  }
0x1a: {  	v25 =	vsel vm13, $0x1581, v25;
	v26 =	vsel vm13, $0x1601, v26;
	v27 =	vsel vm13, $0x1681, v27  }
0x1b: {  	v28 =	vsel vm13, $0x1701, v28;
	v29 =	vsel vm13, $0x1781, v29;
	v0 =	vsel vm12, $0x102, v0  }
0x1c: {  	v1 =	vsel vm12, $0x182, v1;
	v4 =	vsel vm12, $0x202, v4;
	v7 =	vunpack.c.0.s8.s32 v7  }
0x1d: {  	v10 =	vsel vm12, $0x382, v10;
	v0 =	vsel vm11, $0x183, v0;
	v1 =	vsel vm11, $0x203, v1  }
0x1e: {  	v4 =	vsel vm11, $0x283, v4;
	v10 =	vsel vm11, $0x403, v10;
	v0 =	vsel vm10, $0x204, v0  }
0x1f: {  	v1 =	vsel vm10, $0x284, v1;
	v35 =	vsel vm10, $0x304, v4;
	v4 =	vsel vm14, $0x180, v37  }
0x20: {  	v59 =	vsel vm10, $0x484, v10;
	v10 =	vunpack.c.l.s4.s8 v60;
	v0 =	vsel vm9, $0x285, v0  }
0x21: {  	v1 =	vsel vm9, $0x305, v1;
	v4 =	vsel vm13, $0x201, v4;
	v0 =	vsel vm8, $0x306, v0  }
0x22: {  	v1 =	vsel vm8, $0x386, v1;
	v6 =	vsel vm12, $0x282, v4;
	v0 =	vsel vm7, $0x387, v0  }
0x23: {  	v1 =	vsel vm7, $0x407, v1;
	v40 =	vsel vm11, $0x303, v6;
	v6 =	vunpack.c.l.s4.s8 v41  }
0x24: {  	v0 =	vsel vm5, $0x400, v0;
	v5 =	vsel vm5, $0x480, v1;
	v1 =	vunpack.c.0.s8.s32 v3  }
0x25: {  	v0 =	vsel vm6, $0x481, v0;
	v32 =	vsel vm6, $0x501, v5;
	v5 =	vunpack.c.l.s4.s8 v38  }
0x26: {  	v0 =	vsel vm4, $0x502, v0;
	v3 =	vsel vm4, $0x582, v32;
	v32 =	vimm.s32 $0x543210FE  }
0x27: {  	v0 =	vsel vm1, $0x583, v0;
	v3 =	vsel vm1, $0x603, v3;
	v39 =	vunpack.c.0.s8.s32 v5  }
0x28: {  	v5 =	vsel vm10, $0x384, v40;
	v0 =	vsel vm2, $0x604, v0;
	v34 =	vsel vm2, $0x684, v3  }
0x29: {  	v3 =	vsel vm9, $0x385, v35;
	v5 =	vsel vm9, $0x405, v5;
	v35 =	vunpack.c.0.s8.s32 v15  }
0x2a: {  	v2 =	vsel vm3, $0x685, v0;
	v0 =	vunpack.c.l.s4.s8 v31;
	v3 =	vsel vm8, $0x406, v3  }
0x2b: {  	v9 =	vsel vm8, $0x486, v5;
	v5 =	vunpack.c.0.s8.s32 v6;
	v48 =	vsel vm0, $0x706, v2  }
0x2c: {  	v2 =	vsel vm3, $0x705, v34;
	v3 =	vsel vm7, $0x487, v3;
	v42 =	vsel vm7, $0x507, v9  }
0x2d: {  	v9 =	vunpack.c.l.s4.s8 v55;
	v0 =	vunpack.c.0.s8.s32 v0;
	v50 =	vsel vm0, $0x786, v2  }
0x2e: {  	v2 =	vunpack.c.l.s4.s8 v36;
	v3 =	vsel vm5, $0x500, v3;
	v6 =	vsel vm5, $0x580, v42  }
0x2f: {  	v43 =	vcombine.low v7, v5;
	v42 =	vimm.s32 $0x587;
	v3 =	vsel vm6, $0x581, v3  }
0x30: {  	v6 =	vsel vm6, $0x601, v6;
	v33 =	vcombine.low v1, v0;
	v2 =	vunpack.c.0.s8.s32 v2  }
0x31: {  	v3 =	vsel vm4, $0x602, v3;
	v45 =	vsel vm4, $0x682, v6;
	v53 =	vand.u32 $0xF, v43  }
0x32: {  	v6 =	vsel vm13, $0x281, v46;
	v0 =	vcombine.low v0, v1;
	v43 =	vcombine.low v5, v7  }
0x33: {  	v3 =	vsel vm1, $0x683, v3;
	v6 =	vsel vm12, $0x302, v6;
	v49 =	vand.u32 $0xF, v33  }
0x34: {  	v8 =	vcombine.low v39, v2;
	v3 =	vsel vm2, $0x704, v3;
	v6 =	vsel vm11, $0x383, v6  }
0x35: {  	v0 =	vand.u32 $0xF, v0;
	v2 =	vcombine.low v2, v39;
	v46 =	vand.u32 $0xF, v43  }
0x36: {  	v43 =	vimm.s32 $0xB07;
	v3 =	vsel vm3, $0x785, v3;
	v6 =	vsel vm10, $0x404, v6  }
0x37: {  	[tilespmem:$0x1F870] =	vst v46;
	v46 =	vimm.s32 $0xC87;
	v51 =	vand.u32 $0xF, v8;
	v52 =	vsel vm0, $0x6, v3  }
0x38: {  	v3 =	vsel vm1, $0x703, v45;
	v11 =	vsel vm9, $0x485, v6;
	v6 =	vunpack.c.0.s8.s32 v9  }
0x39: {  	v2 =	vand.u32 $0xF, v2;
	v47 =	vsel vm2, $0x784, v3;
	v3 =	vunpack.c.l.s4.s8 v54  }
0x3a: {  	v56 =	vsel vm8, $0x506, v11;
	v11 =	vunpack.c.l.s4.s8 v61;
	[tilespmem:$0x1F850] =	vst v2;
	v2 =	vsel vm14, $0x600, v42  }
0x3b: {  	v42 =	vimm.s32 $0xA87;
	v8 =	vsel vm3, $0x5, v47;
	v9 =	vsel vm7, $0x587, v56  }
0x3c: {  	v45 =	vsel vm13, $0x681, v2;
	v47 =	vimm.s32 $0x607;
	v5 =	vsel vm14, $0xB00, v42  }
0x3d: {  	v42 =	vimm.s32 $0x1D07;
	v3 =	vunpack.c.0.s8.s32 v3;
	v9 =	vsel vm5, $0x600, v9  }
0x3e: {  	v54 =	vsel vm0, $0x86, v8;
	v63 =	vunpack.c.0.s8.s32 v11;
	v11 =	vsel vm13, $0x381, v30  }
0x3f: {  	v2 =	vsel vm14, $0x680, v47;
	v47 =	vimm.s32 $0xD07;
	v42 =	vsel vm14, $0x1D80, v42  }
0x40: {  	v5 =	vsel vm13, $0xB81, v5;
	v58 =	vsel vm6, $0x681, v9;
	v9 =	vsel vm9, $0x505, v59  }
0x41: {  	v11 =	vsel vm12, $0x402, v11;
	v2 =	vsel vm13, $0x701, v2;
	v59 =	vimm.s32 $0x687  }
0x42: {  	v42 =	vsel vm13, $0x1E01, v42;
	v57 =	vcombine.low v6, v3;
	v8 =	vsel vm4, $0x702, v58  }
0x43: {  	v9 =	vsel vm8, $0x586, v9;
	v11 =	vsel vm11, $0x483, v11;
	v2 =	vsel vm12, $0x782, v2  }
0x44: {  	v3 =	vcombine.low v3, v6;
	v8 =	vsel vm1, $0x783, v8;
	v9 =	vsel vm7, $0x607, v9  }
0x45: {  	v31 =	vsel vm10, $0x504, v11;
	v11 =	vunpack.c.l.s4.s8 v32;
	v2 =	vsel vm11, $0x3, v2  }
0x46: {  	v32 =	vimm.s32 $0x807;
	v55 =	vand.u32 $0xF, v57;
	v12 =	vsel vm2, $0x4, v8  }
0x47: {  	v9 =	vsel vm5, $0x680, v9;
	v8 =	vunpack.c.0.s8.s32 v10;
	v2 =	vsel vm10, $0x84, v2  }
0x48: {  	v58 =	vand.u32 $0xF, v3;
	v62 =	vsel vm6, $0x701, v9;
	v12 =	vsel vm3, $0x85, v12  }
0x49: {  	v2 =	vsel vm9, $0x105, v2;
	[tilespmem:$0x1F890] =	vst v58;
	v9 =	vimm.s32 $0xF87;
	v58 =	vimm.s32 $0xD87  }
0x4a: {  	v10 =	vsel vm4, $0x782, v62;
	v13 =	vcombine.low v63, v8;
	v12 =	vsel vm0, $0x106, v12  }
0x4b: {  	v57 =	vsel vm8, $0x186, v2;
	v2 =	vsel vm14, $0x700, v59;
	v62 =	vcombine.low v8, v63  }
0x4c: {  	v8 =	vimm.s32 $0x707;
	v10 =	vsel vm1, $0x3, v10;
	v61 =	vsel vm13, $0x781, v2  }
0x4d: {  	[tilespmem:$0x1F7A0] =	vst v12;
	v10 =	vsel vm2, $0x84, v10;
	v12 =	vand.u32 $0xF, v13;
	v13 =	vimm.s32 $0xDCBA9876  }
0x4e: {  	v2 =	vand.u32 $0xF, v62;
	v10 =	vsel vm3, $0x105, v10;
	[tilespmem:$0x1F7B0] =	vst v12;
	v12 =	vimm.s32 $0x307  }
0x4f: {  	v13 =	vunpack.c.l.s4.s8 v13;
	[tilespmem:$0x1F8B0] =	vst v2;
	v2 =	vsel vm14, $0x800, v9;
	v9 =	vsel vm14, $0xD00, v46  }
0x50: {  	v46 =	vimm.s32 $0x1F07;
	v10 =	vsel vm0, $0x186, v10;
	v12 =	vsel vm14, $0x380, v12  }
0x51: {  	v2 =	vsel vm13, $0x881, v2;
	v46 =	vsel vm14, $0x1F80, v46;
	v9 =	vsel vm13, $0xD81, v9  }
0x52: {  	[tilespmem:$0x1F7C0] =	vst v10;
	v10 =	vsel vm9, $0x585, v31;
	v12 =	vsel vm13, $0x401, v12;
	v13 =	vunpack.c.0.s8.s32 v13  }
0x53: {  	v2 =	vsel vm12, $0x902, v2;
	v46 =	vsel vm13, $0x1801, v46;
	v10 =	vsel vm8, $0x606, v10  }
0x54: {  	v14 =	vsel vm12, $0x482, v12;
	v12 =	vunpack.c.0.s8.s32 v11;
	v2 =	vsel vm11, $0x983, v2  }
0x55: {  	v10 =	vsel vm7, $0x687, v10;
	v33 =	vsel vm11, $0x503, v14;
	v14 =	vimm.s32 $0x6543210F  }
0x56: {  	v2 =	vsel vm10, $0xA04, v2;
	v10 =	vsel vm5, $0x700, v10;
	v11 =	vsel vm10, $0x584, v33  }
0x57: {  	v14 =	vunpack.c.l.s4.s8 v14;
	v16 =	vcombine.low v13, v12;
	v63 =	vcombine.low v12, v13  }
0x58: {  	v2 =	vsel vm9, $0xA85, v2;
	v12 =	vimm.s32 $0xE07;
	v13 =	vimm.s32 $0xE87  }
0x59: {  	v10 =	vsel vm6, $0x781, v10;
	v11 =	vsel vm9, $0x605, v11;
	v2 =	vsel vm8, $0xB06, v2  }
0x5a: {  	v12 =	vsel vm14, $0xE80, v12;
	v13 =	vsel vm14, $0xF00, v13;
	v10 =	vsel vm4, $0x2, v10  }
0x5b: {  	v11 =	vsel vm8, $0x686, v11;
	v34 =	vunpack.c.0.s8.s32 v14;
	v15 =	vand.u32 $0xF, v16  }
0x5c: {  	v6 =	vand.u32 $0xF, v63;
	v2 =	vsel vm7, $0xB87, v2;
	v12 =	vsel vm13, $0xF01, v12  }
0x5d: {  	v13 =	vsel vm13, $0xF81, v13;
	v63 =	vsel vm12, $0x1882, v46;
	v17 =	vsel vm1, $0x83, v10  }
0x5e: {  	v18 =	vsel vm7, $0x707, v11;
	v30 =	vsel vm5, $0xC00, v2;
	v2 =	vsel vm14, $0x880, v32  }
0x5f: {  	[tilespmem:$0x1F8D0] =	vst v6;
	v6 =	vsel vm14, $0xB80, v43;
	v32 =	vimm.s32 $0x1807;
	v43 =	vimm.s32 $0x1D87  }
0x60: {  	[tilespmem:$0x1F7D0] =	vst v15;
	v14 =	vsel vm5, $0x780, v18;
	v15 =	vsel vm2, $0x104, v17;
	v16 =	vcombine.low v35, v34  }
0x61: {  	v17 =	vimm.s32 $0x76543210;
	v10 =	vcombine.low v34, v35;
	v2 =	vsel vm13, $0x901, v2  }
0x62: {  	v35 =	vimm.s32 $0x1C1B1A19;
	v18 =	vimm.s32 $0x1107;
	v32 =	vsel vm14, $0x1880, v32  }
0x63: {  	v43 =	vsel vm14, $0x1E00, v43;
	v6 =	vsel vm13, $0xC01, v6;
	v14 =	vsel vm6, $0x1, v14  }
0x64: {  	v15 =	vsel vm3, $0x185, v15;
	v2 =	vsel vm12, $0x982, v2;
	v18 =	vsel vm14, $0x1180, v18  }
0x65: {  	v32 =	vsel vm13, $0x1901, v32;
	v43 =	vsel vm13, $0x1E81, v43;
	v14 =	vsel vm4, $0x82, v14  }
0x66: {  	v15 =	vsel vm0, $0x206, v15;
	v16 =	vand.u32 $0xF, v16;
	v31 =	vand.u32 $0xF, v10  }
0x67: {  	v34 =	vsel vm11, $0xA03, v2;
	v10 =	vsel vm14, $0xD80, v47;
	[tilespmem:$0x1F7E0] =	vst v15;
	v14 =	vsel vm1, $0x103, v14  }
0x68: {  	v18 =	vsel vm13, $0x1201, v18;
	v15 =	vimm.s32 $0x387;
	[tilespmem:$0x1F7F0] =	vst v16;
	v14 =	vsel vm2, $0x184, v14  }
0x69: {  	v16 =	vimm.s32 $0xFEDCBA98;
	[tilespmem:$0x1F8F0] =	vst v31;
	v31 =	vimm.s32 $0x1F87;
	v14 =	vsel vm3, $0x205, v14  }
0x6a: {  	v15 =	vsel vm14, $0x400, v15;
	v16 =	vunpack.c.l.s4.s8 v16;
	v14 =	vsel vm0, $0x286, v14  }
0x6b: {  	v10 =	vsel vm13, $0xE01, v10;
	v15 =	vsel vm13, $0x481, v15;
	[tilespmem:$0x1F800] =	vst v14;
	v14 =	vunpack.c.l.s4.s8 v17  }
0x6c: {  	v31 =	vsel vm14, $0x1800, v31;
	v15 =	vsel vm12, $0x502, v15;
	v16 =	vunpack.c.0.s8.s32 v16  }
0x6d: {  	v31 =	vsel vm13, $0x1881, v31;
	v15 =	vsel vm11, $0x583, v15;
	v14 =	vunpack.c.0.s8.s32 v14  }
0x6e: {  	v17 =	vimm.s32 $0x407;
	v15 =	vsel vm10, $0x604, v15;
	v16 =	vand.u32 $0xF, v16  }
0x6f: {  	v17 =	vsel vm14, $0x480, v17;
	v15 =	vsel vm9, $0x685, v15;
	v14 =	vcombine.low v16, v14  }
0x70: {  	v17 =	vsel vm13, $0x501, v17;
	v15 =	vsel vm8, $0x706, v15;
	v16 =	vimm.s32 $0x487  }
0x71: {  	v16 =	vsel vm14, $0x500, v16;
	[tilespmem:$0x1F810] =	vst v14;
	v14 =	vsel vm7, $0x787, v15;
	v15 =	vsel vm12, $0x582, v17  }
0x72: {  	v16 =	vsel vm13, $0x581, v16;
	v17 =	vimm.s32 $0x1087;
	v15 =	vsel vm11, $0x603, v15  }
0x73: {  	v14 =	vsel vm5, $0x0, v14;
	v16 =	vsel vm12, $0x602, v16;
	v15 =	vsel vm10, $0x684, v15  }
0x74: {  	v17 =	vsel vm14, $0x1100, v17;
	v14 =	vsel vm6, $0x81, v14;
	v15 =	vsel vm9, $0x705, v15  }
0x75: {  	v16 =	vsel vm11, $0x683, v16;
	v14 =	vsel vm4, $0x102, v14;
	v15 =	vsel vm8, $0x786, v15  }
0x76: {  	v17 =	vsel vm13, $0x1181, v17;
	v14 =	vsel vm1, $0x183, v14;
	v15 =	vsel vm7, $0x7, v15  }
0x77: {  	v16 =	vsel vm10, $0x704, v16;
	v14 =	vsel vm2, $0x204, v14;
	v15 =	vsel vm5, $0x80, v15  }
0x78: {  	v14 =	vsel vm3, $0x285, v14;
	v36 =	vsel vm6, $0x101, v15;
	v15 =	vsel vm9, $0x785, v16  }
0x79: {  	v14 =	vsel vm0, $0x306, v14;
	v16 =	vimm.s32 $0x1007;
	v1 =	vsel vm4, $0x182, v36  }
0x7a: {  	[tilespmem:$0x1F820] =	vst v14;
	v14 =	vsel vm8, $0x6, v15;
	v36 =	vimm.s32 $0x887;
	v15 =	vimm.s32 $0x1787  }
0x7b: {  	v16 =	vsel vm14, $0x1080, v16;
	v37 =	vsel vm1, $0x203, v1;
	v38 =	vsel vm7, $0x87, v14  }
0x7c: {  	v14 =	vimm.s32 $0x507;
	v15 =	vsel vm14, $0x1000, v15;
	v16 =	vsel vm13, $0x1101, v16  }
0x7d: {  	[tilespmem:$0x1F830] =	vst v0;
	v0 =	vsel vm2, $0x284, v37;
	v1 =	vsel vm5, $0x100, v38;
	v14 =	vsel vm14, $0x580, v14  }
0x7e: {  	v37 =	vsel vm14, $0x900, v36;
	v38 =	vimm.s32 $0x101F1E1D;
	v36 =	vimm.s32 $0x1A07  }
0x7f: {  	v15 =	vsel vm13, $0x1081, v15;
	v0 =	vsel vm3, $0x305, v0;
	v1 =	vsel vm6, $0x181, v1  }
0x80: {  	v39 =	vsel vm13, $0x601, v14;
	v14 =	vimm.s32 $0xF07;
	v36 =	vsel vm14, $0x1A80, v36  }
0x81: {  	v1 =	vsel vm4, $0x202, v1;
	v0 =	vsel vm0, $0x386, v0;
	v41 =	vsel vm12, $0x682, v39  }
0x82: {  	v39 =	vimm.s32 $0x907;
	v14 =	vsel vm14, $0xF80, v14;
	v36 =	vsel vm13, $0x1B01, v36  }
0x83: {  	v40 =	vsel vm1, $0x283, v1;
	v1 =	vsel vm11, $0x703, v41;
	v2 =	vsel vm14, $0x980, v39  }
0x84: {  	v41 =	vimm.s32 $0xA07;
	v39 =	vimm.s32 $0x1B87;
	v14 =	vsel vm13, $0x801, v14  }
0x85: {  	[tilespmem:$0x1F840] =	vst v0;
	v0 =	vsel vm2, $0x304, v40;
	v1 =	vsel vm10, $0x784, v1;
	v40 =	vimm.s32 $0x987  }
0x86: {  	v4 =	vsel vm14, $0xA80, v41;
	v39 =	vsel vm14, $0x1C00, v39;
	v41 =	vimm.s32 $0x1C87  }
0x87: {  	v2 =	vsel vm13, $0xA01, v2;
	v0 =	vsel vm3, $0x385, v0;
	v1 =	vsel vm9, $0x5, v1  }
0x88: {  	v3 =	vsel vm14, $0xA00, v40;
	v40 =	vimm.s32 $0x1C07;
	v41 =	vsel vm14, $0x1D00, v41  }
0x89: {  	v4 =	vsel vm13, $0xB01, v4;
	v39 =	vsel vm13, $0x1C81, v39;
	v2 =	vsel vm12, $0xA82, v2  }
0x8a: {  	v0 =	vsel vm0, $0x406, v0;
	v44 =	vsel vm8, $0x86, v1;
	v1 =	vsel vm12, $0x702, v45  }
0x8b: {  	v45 =	vimm.s32 $0xC07;
	[tilespmem:$0x1F860] =	vst v0;
	v0 =	vsel vm7, $0x107, v44;
	v1 =	vsel vm11, $0x783, v1  }
0x8c: {  	v40 =	vsel vm14, $0x1C80, v40;
	v0 =	vsel vm5, $0x180, v0;
	v1 =	vsel vm10, $0x4, v1  }
0x8d: {  	v3 =	vsel vm13, $0xA81, v3;
	v0 =	vsel vm6, $0x201, v0;
	v1 =	vsel vm9, $0x85, v1  }
0x8e: {  	v41 =	vsel vm13, $0x1D81, v41;
	v0 =	vsel vm4, $0x282, v0;
	v1 =	vsel vm8, $0x106, v1  }
0x8f: {  	v2 =	vsel vm11, $0xB03, v2;
	v0 =	vsel vm1, $0x303, v0;
	v1 =	vsel vm7, $0x187, v1  }
0x90: {  	v44 =	vimm.s32 $0xB87;
	v0 =	vsel vm2, $0x384, v0;
	v1 =	vsel vm5, $0x200, v1  }
0x91: {  	v40 =	vsel vm13, $0x1D01, v40;
	v0 =	vsel vm3, $0x405, v0;
	v1 =	vsel vm6, $0x281, v1  }
0x92: {  	v0 =	vsel vm0, $0x486, v0;
	v56 =	vsel vm4, $0x302, v1;
	v1 =	vsel vm7, $0x207, v57  }
0x93: {  	v57 =	vunpack.c.0.s8.s32 v38;
	v38 =	vimm.s32 $0x1B07;
	[tilespmem:$0x1F880] =	vst v0;
	v0 =	vsel vm1, $0x383, v56  }
0x94: {  	v1 =	vsel vm5, $0x280, v1;
	v56 =	vunpack.c.0.s8.s32 v35;
	v35 =	vimm.s32 $0x1987  }
0x95: {  	v38 =	vsel vm14, $0x1B80, v38;
	v0 =	vsel vm2, $0x404, v0;
	v1 =	vsel vm6, $0x301, v1  }
0x96: {  	v35 =	vsel vm14, $0x1A00, v35;
	v38 =	vsel vm13, $0x1C01, v38;
	v0 =	vsel vm3, $0x485, v0  }
0x97: {  	v60 =	vsel vm4, $0x382, v1;
	v1 =	vsel vm12, $0x2, v61;
	v0 =	vsel vm0, $0x506, v0  }
0x98: {  	v35 =	vsel vm13, $0x1A81, v35;
	v1 =	vsel vm11, $0x83, v1;
	[tilespmem:$0x1F8A0] =	vst v0;
	v0 =	vsel vm1, $0x403, v60  }
0x99: {  	v1 =	vsel vm10, $0x104, v1;
	v60 =	vsel vm12, $0x1F02, v43;
	v0 =	vsel vm2, $0x484, v0  }
0x9a: {  	v7 =	vsel vm9, $0x185, v1;
	v1 =	vsel vm14, $0x780, v8;
	v8 =	vsel vm14, $0xC80, v45  }
0x9b: {  	v45 =	vimm.s32 $0x1E87;
	v0 =	vsel vm3, $0x505, v0;
	v1 =	vsel vm13, $0x1, v1  }
0x9c: {  	v45 =	vsel vm14, $0x1F00, v45;
	v8 =	vsel vm13, $0xD01, v8;
	v0 =	vsel vm0, $0x586, v0  }
0x9d: {  	v1 =	vsel vm12, $0x82, v1;
	v45 =	vsel vm13, $0x1F81, v45;
	[tilespmem:$0x1F8C0] =	vst v0;
	v0 =	vsel vm8, $0x206, v7  }
0x9e: {  	v1 =	vsel vm11, $0x103, v1;
	v7 =	vsel vm14, $0xC00, v44;
	v44 =	vimm.s32 $0x1E07  }
0x9f: {  	v62 =	vsel vm12, $0x1802, v45;
	v45 =	vsel vm11, $0x1903, v63;
	v63 =	vimm.s32 $0x1E1D1C1B  }
0xa0: {  	v0 =	vsel vm7, $0x287, v0;
	v1 =	vsel vm10, $0x184, v1;
	v44 =	vsel vm14, $0x1E80, v44  }
0xa1: {  	v7 =	vsel vm13, $0xC81, v7;
	v45 =	vsel vm10, $0x1984, v45;
	v0 =	vsel vm5, $0x300, v0  }
0xa2: {  	v46 =	vunpack.c.0.s8.s32 v63;
	v63 =	vimm.s32 $0x1211101F;
	v0 =	vsel vm6, $0x381, v0  }
0xa3: {  	v1 =	vsel vm9, $0x205, v1;
	v44 =	vsel vm13, $0x1F01, v44;
	v0 =	vsel vm4, $0x402, v0  }
0xa4: {  	v45 =	vsel vm9, $0x1A05, v45;
	v1 =	vsel vm8, $0x286, v1;
	v0 =	vsel vm1, $0x483, v0  }
0xa5: {  	v61 =	vsel vm12, $0x1F82, v44;
	v44 =	vsel vm11, $0x1883, v62;
	v0 =	vsel vm2, $0x504, v0  }
0xa6: {  	v45 =	vsel vm8, $0x1A86, v45;
	v1 =	vsel vm7, $0x307, v1;
	v0 =	vsel vm3, $0x585, v0  }
0xa7: {  	v43 =	vsel vm11, $0x1803, v61;
	v11 =	vsel vm5, $0x380, v1;
	v0 =	vsel vm0, $0x606, v0  }
0xa8: {  	v44 =	vsel vm10, $0x1904, v44;
	v1 =	vsel vm6, $0xC81, v30;
	[tilespmem:$0x1F8E0] =	vst v0;
	v0 =	vsel vm6, $0x401, v11  }
0xa9: {  	v30 =	vimm.s32 $0x1707;
	v43 =	vsel vm10, $0x1884, v43;
	v0 =	vsel vm4, $0x482, v0  }
0xaa: {  	v44 =	vsel vm9, $0x1985, v44;
	v1 =	vsel vm4, $0xD02, v1;
	v0 =	vsel vm1, $0x503, v0  }
0xab: {  	v30 =	vsel vm14, $0x1780, v30;
	v43 =	vsel vm9, $0x1905, v43;
	v0 =	vsel vm2, $0x584, v0  }
0xac: {  	v44 =	vsel vm8, $0x1A06, v44;
	v1 =	vsel vm1, $0xD83, v1;
	v0 =	vsel vm3, $0x605, v0  }
0xad: {  	v30 =	vsel vm13, $0x1001, v30;
	v1 =	vsel vm2, $0xE04, v1;
	v0 =	vsel vm0, $0x686, v0  }
0xae: {  	v43 =	vsel vm8, $0x1986, v43;
	v1 =	vsel vm3, $0xE85, v1;
	[tilespmem:$0x1F900] =	vst v0;
	v0 =	vsel vm10, $0xA84, v34  }
0xaf: {  	v11 =	vsel vm14, $0xE00, v58;
	v33 =	vsel vm0, $0xF06, v1;
	v0 =	vsel vm9, $0xB05, v0  }
0xb0: {  	v1 =	vsel vm13, $0x981, v37;
	v37 =	vimm.s32 $0x1A87;
	v0 =	vsel vm8, $0xB86, v0  }
0xb1: {  	v11 =	vsel vm13, $0xE81, v11;
	v1 =	vsel vm12, $0xA02, v1;
	v0 =	vsel vm7, $0xC07, v0  }
0xb2: {  	[tilespmem:$0x1F910] =	vst v33;
	v33 =	vimm.s32 $0x1887;
	v37 =	vsel vm14, $0x1B00, v37;
	v0 =	vsel vm5, $0xC80, v0  }
0xb3: {  	v1 =	vsel vm11, $0xA83, v1;
	v33 =	vsel vm14, $0x1900, v33;
	v0 =	vsel vm6, $0xD01, v0  }
0xb4: {  	v37 =	vsel vm13, $0x1B81, v37;
	v1 =	vsel vm10, $0xB04, v1;
	v0 =	vsel vm4, $0xD82, v0  }
0xb5: {  	v33 =	vsel vm13, $0x1981, v33;
	v1 =	vsel vm9, $0xB85, v1;
	v0 =	vsel vm1, $0xE03, v0  }
0xb6: {  	v34 =	vimm.s32 $0x1907;
	v1 =	vsel vm8, $0xC06, v1;
	v0 =	vsel vm2, $0xE84, v0  }
0xb7: {  	v34 =	vsel vm14, $0x1980, v34;
	v1 =	vsel vm7, $0xC87, v1;
	v0 =	vsel vm3, $0xF05, v0  }
0xb8: {  	v34 =	vsel vm13, $0x1A01, v34;
	v1 =	vsel vm5, $0xD00, v1;
	v0 =	vsel vm0, $0xF86, v0  }
0xb9: {  	[tilespmem:$0x1F920] =	vst v0;
	v0 =	vsel vm6, $0xD81, v1;
	v1 =	vsel vm10, $0xB84, v2;
	v2 =	vsel vm12, $0xB02, v3  }
0xba: {  	v3 =	vsel vm12, $0xB82, v4;
	v4 =	vsel vm12, $0xC02, v5;
	v5 =	vsel vm12, $0xC82, v6  }
0xbb: {  	v6 =	vsel vm12, $0xD02, v7;
	v7 =	vsel vm12, $0xD82, v8;
	v8 =	vsel vm12, $0xE02, v9  }
0xbc: {  	v9 =	vsel vm12, $0xE82, v10;
	v10 =	vsel vm12, $0xF02, v11;
	v11 =	vsel vm12, $0xF82, v12  }
0xbd: {  	v12 =	vsel vm12, $0x802, v13;
	v13 =	vsel vm12, $0x882, v14;
	v14 =	vsel vm12, $0x1102, v15  }
0xbe: {  	v15 =	vsel vm12, $0x1182, v16;
	v16 =	vsel vm12, $0x1202, v17;
	v17 =	vsel vm12, $0x1282, v18  }
0xbf: {  	v18 =	vsel vm12, $0x1302, v19;
	v19 =	vsel vm12, $0x1382, v20;
	v20 =	vsel vm12, $0x1402, v21  }
0xc0: {  	v21 =	vsel vm12, $0x1482, v22;
	v22 =	vsel vm12, $0x1502, v23;
	v23 =	vsel vm12, $0x1582, v24  }
0xc1: {  	v24 =	vsel vm12, $0x1602, v25;
	v25 =	vsel vm12, $0x1682, v26;
	v26 =	vsel vm12, $0x1702, v27  }
0xc2: {  	v27 =	vsel vm12, $0x1782, v28;
	v28 =	vsel vm12, $0x1002, v29;
	v29 =	vsel vm12, $0x1082, v30  }
0xc3: {  	v30 =	vsel vm12, $0x1902, v31;
	v31 =	vsel vm12, $0x1982, v32;
	v32 =	vsel vm12, $0x1A02, v33  }
0xc4: {  	v33 =	vsel vm12, $0x1A82, v34;
	v34 =	vsel vm12, $0x1B02, v35;
	v35 =	vsel vm12, $0x1B82, v36  }
0xc5: {  	v36 =	vsel vm12, $0x1C02, v37;
	v37 =	vsel vm12, $0x1C82, v38;
	v38 =	vsel vm12, $0x1D02, v39  }
0xc6: {  	v39 =	vsel vm12, $0x1D82, v40;
	v40 =	vsel vm12, $0x1E02, v41;
	v41 =	vsel vm12, $0x1E82, v42  }
0xc7: {  	v42 =	vsel vm11, $0x1F83, v60;
	v0 =	vsel vm4, $0xE02, v0;
	v1 =	vsel vm9, $0xC05, v1  }
0xc8: {  	v2 =	vsel vm11, $0xB83, v2;
	v3 =	vsel vm11, $0xC03, v3;
	v4 =	vsel vm11, $0xC83, v4  }
0xc9: {  	v5 =	vsel vm11, $0xD03, v5;
	v6 =	vsel vm11, $0xD83, v6;
	v7 =	vsel vm11, $0xE03, v7  }
0xca: {  	v8 =	vsel vm11, $0xE83, v8;
	v9 =	vsel vm11, $0xF03, v9;
	v10 =	vsel vm11, $0xF83, v10  }
0xcb: {  	v11 =	vsel vm11, $0x803, v11;
	v12 =	vsel vm11, $0x883, v12;
	v13 =	vsel vm11, $0x903, v13  }
0xcc: {  	v14 =	vsel vm11, $0x1183, v14;
	v15 =	vsel vm11, $0x1203, v15;
	v16 =	vsel vm11, $0x1283, v16  }
0xcd: {  	v17 =	vsel vm11, $0x1303, v17;
	v18 =	vsel vm11, $0x1383, v18;
	v19 =	vsel vm11, $0x1403, v19  }
0xce: {  	v20 =	vsel vm11, $0x1483, v20;
	v21 =	vsel vm11, $0x1503, v21;
	v22 =	vsel vm11, $0x1583, v22  }
0xcf: {  	v23 =	vsel vm11, $0x1603, v23;
	v24 =	vsel vm11, $0x1683, v24;
	v25 =	vsel vm11, $0x1703, v25  }
0xd0: {  	v26 =	vsel vm11, $0x1783, v26;
	v27 =	vsel vm11, $0x1003, v27;
	v28 =	vsel vm11, $0x1083, v28  }
0xd1: {  	v29 =	vsel vm11, $0x1103, v29;
	v30 =	vsel vm11, $0x1983, v30;
	v31 =	vsel vm11, $0x1A03, v31  }
0xd2: {  	v32 =	vsel vm11, $0x1A83, v32;
	v33 =	vsel vm11, $0x1B03, v33;
	v34 =	vsel vm11, $0x1B83, v34  }
0xd3: {  	v35 =	vsel vm11, $0x1C03, v35;
	v36 =	vsel vm11, $0x1C83, v36;
	v37 =	vsel vm11, $0x1D03, v37  }
0xd4: {  	v38 =	vsel vm11, $0x1D83, v38;
	v39 =	vsel vm11, $0x1E03, v39;
	v40 =	vsel vm11, $0x1E83, v40  }
0xd5: {  	v41 =	vsel vm11, $0x1F03, v41;
	v42 =	vsel vm10, $0x1804, v42;
	v0 =	vsel vm1, $0xE83, v0  }
0xd6: {  	v1 =	vsel vm8, $0xC86, v1;
	v2 =	vsel vm10, $0xC04, v2;
	v3 =	vsel vm10, $0xC84, v3  }
0xd7: {  	v4 =	vsel vm10, $0xD04, v4;
	v5 =	vsel vm10, $0xD84, v5;
	v6 =	vsel vm10, $0xE04, v6  }
0xd8: {  	v7 =	vsel vm10, $0xE84, v7;
	v8 =	vsel vm10, $0xF04, v8;
	v9 =	vsel vm10, $0xF84, v9  }
0xd9: {  	v10 =	vsel vm10, $0x804, v10;
	v11 =	vsel vm10, $0x884, v11;
	v12 =	vsel vm10, $0x904, v12  }
0xda: {  	v13 =	vsel vm10, $0x984, v13;
	v14 =	vsel vm10, $0x1204, v14;
	v15 =	vsel vm10, $0x1284, v15  }
0xdb: {  	v16 =	vsel vm10, $0x1304, v16;
	v17 =	vsel vm10, $0x1384, v17;
	v18 =	vsel vm10, $0x1404, v18  }
0xdc: {  	v19 =	vsel vm10, $0x1484, v19;
	v20 =	vsel vm10, $0x1504, v20;
	v21 =	vsel vm10, $0x1584, v21  }
0xdd: {  	v22 =	vsel vm10, $0x1604, v22;
	v23 =	vsel vm10, $0x1684, v23;
	v24 =	vsel vm10, $0x1704, v24  }
0xde: {  	v25 =	vsel vm10, $0x1784, v25;
	v26 =	vsel vm10, $0x1004, v26;
	v27 =	vsel vm10, $0x1084, v27  }
0xdf: {  	v28 =	vsel vm10, $0x1104, v28;
	v29 =	vsel vm10, $0x1184, v29;
	v30 =	vsel vm10, $0x1A04, v30  }
0xe0: {  	v31 =	vsel vm10, $0x1A84, v31;
	v32 =	vsel vm10, $0x1B04, v32;
	v33 =	vsel vm10, $0x1B84, v33  }
0xe1: {  	v34 =	vsel vm10, $0x1C04, v34;
	v35 =	vsel vm10, $0x1C84, v35;
	v36 =	vsel vm10, $0x1D04, v36  }
0xe2: {  	v37 =	vsel vm10, $0x1D84, v37;
	v38 =	vsel vm10, $0x1E04, v38;
	v39 =	vsel vm10, $0x1E84, v39  }
0xe3: {  	v40 =	vsel vm10, $0x1F04, v40;
	v41 =	vsel vm10, $0x1F84, v41;
	v42 =	vsel vm9, $0x1885, v42  }
0xe4: {  	v0 =	vsel vm2, $0xF04, v0;
	v1 =	vsel vm7, $0xD07, v1;
	v2 =	vsel vm9, $0xC85, v2  }
0xe5: {  	v3 =	vsel vm9, $0xD05, v3;
	v4 =	vsel vm9, $0xD85, v4;
	v5 =	vsel vm9, $0xE05, v5  }
0xe6: {  	v6 =	vsel vm9, $0xE85, v6;
	v7 =	vsel vm9, $0xF05, v7;
	v8 =	vsel vm9, $0xF85, v8  }
0xe7: {  	v9 =	vsel vm9, $0x805, v9;
	v10 =	vsel vm9, $0x885, v10;
	v11 =	vsel vm9, $0x905, v11  }
0xe8: {  	v12 =	vsel vm9, $0x985, v12;
	v13 =	vsel vm9, $0xA05, v13;
	v14 =	vsel vm9, $0x1285, v14  }
0xe9: {  	v15 =	vsel vm9, $0x1305, v15;
	v16 =	vsel vm9, $0x1385, v16;
	v17 =	vsel vm9, $0x1405, v17  }
0xea: {  	v18 =	vsel vm9, $0x1485, v18;
	v19 =	vsel vm9, $0x1505, v19;
	v20 =	vsel vm9, $0x1585, v20  }
0xeb: {  	v21 =	vsel vm9, $0x1605, v21;
	v22 =	vsel vm9, $0x1685, v22;
	v23 =	vsel vm9, $0x1705, v23  }
0xec: {  	v24 =	vsel vm9, $0x1785, v24;
	v25 =	vsel vm9, $0x1005, v25;
	v26 =	vsel vm9, $0x1085, v26  }
0xed: {  	v27 =	vsel vm9, $0x1105, v27;
	v28 =	vsel vm9, $0x1185, v28;
	v29 =	vsel vm9, $0x1205, v29  }
0xee: {  	v30 =	vsel vm9, $0x1A85, v30;
	v31 =	vsel vm9, $0x1B05, v31;
	v32 =	vsel vm9, $0x1B85, v32  }
0xef: {  	v33 =	vsel vm9, $0x1C05, v33;
	v34 =	vsel vm9, $0x1C85, v34;
	v35 =	vsel vm9, $0x1D05, v35  }
0xf0: {  	v36 =	vsel vm9, $0x1D85, v36;
	v37 =	vsel vm9, $0x1E05, v37;
	v38 =	vsel vm9, $0x1E85, v38  }
0xf1: {  	v39 =	vsel vm9, $0x1F05, v39;
	v40 =	vsel vm9, $0x1F85, v40;
	v41 =	vsel vm9, $0x1805, v41  }
0xf2: {  	v42 =	vsel vm8, $0x1906, v42;
	v0 =	vsel vm3, $0xF85, v0;
	v1 =	vsel vm5, $0xD80, v1  }
0xf3: {  	v2 =	vsel vm8, $0xD06, v2;
	v3 =	vsel vm8, $0xD86, v3;
	v4 =	vsel vm8, $0xE06, v4  }
0xf4: {  	v5 =	vsel vm8, $0xE86, v5;
	v6 =	vsel vm8, $0xF06, v6;
	v7 =	vsel vm8, $0xF86, v7  }
0xf5: {  	v8 =	vsel vm8, $0x806, v8;
	v9 =	vsel vm8, $0x886, v9;
	v10 =	vsel vm8, $0x906, v10  }
0xf6: {  	v11 =	vsel vm8, $0x986, v11;
	v12 =	vsel vm8, $0xA06, v12;
	v13 =	vsel vm8, $0xA86, v13  }
0xf7: {  	v14 =	vsel vm8, $0x1306, v14;
	v15 =	vsel vm8, $0x1386, v15;
	v16 =	vsel vm8, $0x1406, v16  }
0xf8: {  	v17 =	vsel vm8, $0x1486, v17;
	v18 =	vsel vm8, $0x1506, v18;
	v19 =	vsel vm8, $0x1586, v19  }
0xf9: {  	v20 =	vsel vm8, $0x1606, v20;
	v21 =	vsel vm8, $0x1686, v21;
	v22 =	vsel vm8, $0x1706, v22  }
0xfa: {  	v23 =	vsel vm8, $0x1786, v23;
	v24 =	vsel vm8, $0x1006, v24;
	v25 =	vsel vm8, $0x1086, v25  }
0xfb: {  	v26 =	vsel vm8, $0x1106, v26;
	v27 =	vsel vm8, $0x1186, v27;
	v28 =	vsel vm8, $0x1206, v28  }
0xfc: {  	v29 =	vsel vm8, $0x1286, v29;
	v30 =	vsel vm8, $0x1B06, v30;
	v31 =	vsel vm8, $0x1B86, v31  }
0xfd: {  	v32 =	vsel vm8, $0x1C06, v32;
	v33 =	vsel vm8, $0x1C86, v33;
	v34 =	vsel vm8, $0x1D06, v34  }
0xfe: {  	v35 =	vsel vm8, $0x1D86, v35;
	v36 =	vsel vm8, $0x1E06, v36;
	v37 =	vsel vm8, $0x1E86, v37  }
0xff: {  	v38 =	vsel vm8, $0x1F06, v38;
	v39 =	vsel vm8, $0x1F86, v39;
	v0 =	vsel vm0, $0x806, v0  }
0x100: {  	v40 =	vsel vm8, $0x1806, v40;
	v41 =	vsel vm8, $0x1886, v41;
	[tilespmem:$0x1F930] =	vst v0;
	v0 =	vsel vm6, $0xE01, v1  }
0x101: {  	v1 =	vsel vm7, $0xD87, v2;
	v2 =	vsel vm7, $0xE07, v3;
	v3 =	vsel vm7, $0xE87, v4  }
0x102: {  	v4 =	vsel vm7, $0xF07, v5;
	v5 =	vsel vm7, $0xF87, v6;
	v6 =	vsel vm7, $0x807, v7  }
0x103: {  	v7 =	vsel vm7, $0x887, v8;
	v8 =	vsel vm7, $0x907, v9;
	v9 =	vsel vm7, $0x987, v10  }
0x104: {  	v10 =	vsel vm7, $0xA07, v11;
	v11 =	vsel vm7, $0xA87, v12;
	v12 =	vsel vm7, $0xB07, v13  }
0x105: {  	v13 =	vsel vm7, $0x1387, v14;
	v14 =	vsel vm7, $0x1407, v15;
	v15 =	vsel vm7, $0x1487, v16  }
0x106: {  	v16 =	vsel vm7, $0x1507, v17;
	v17 =	vsel vm7, $0x1587, v18;
	v18 =	vsel vm7, $0x1607, v19  }
0x107: {  	v19 =	vsel vm7, $0x1687, v20;
	v20 =	vsel vm7, $0x1707, v21;
	v21 =	vsel vm7, $0x1787, v22  }
0x108: {  	v22 =	vsel vm7, $0x1007, v23;
	v23 =	vsel vm7, $0x1087, v24;
	v24 =	vsel vm7, $0x1107, v25  }
0x109: {  	v25 =	vsel vm7, $0x1187, v26;
	v26 =	vsel vm7, $0x1207, v27;
	v27 =	vsel vm7, $0x1287, v28  }
0x10a: {  	v28 =	vsel vm7, $0x1307, v29;
	v29 =	vsel vm7, $0x1B87, v30;
	v30 =	vsel vm7, $0x1C07, v31  }
0x10b: {  	v31 =	vsel vm7, $0x1C87, v32;
	v32 =	vsel vm7, $0x1D07, v33;
	v33 =	vsel vm7, $0x1D87, v34  }
0x10c: {  	v34 =	vsel vm7, $0x1E07, v35;
	v35 =	vsel vm7, $0x1E87, v36;
	v36 =	vsel vm7, $0x1F07, v37  }
0x10d: {  	v37 =	vsel vm7, $0x1F87, v38;
	v38 =	vsel vm7, $0x1807, v39;
	v39 =	vsel vm7, $0x1887, v40  }
0x10e: {  	v40 =	vsel vm7, $0x1907, v41;
	v41 =	vsel vm7, $0x1987, v42;
	v42 =	vsel vm7, $0x1A07, v43  }
0x10f: {  	v43 =	vsel vm7, $0x1A87, v44;
	v44 =	vsel vm7, $0x1B07, v45;
	v45 =	vunpack.c.0.s8.s32 v63  }
0x110: {  	v63 =	vimm.s32 $0x1A191817;
	v0 =	vsel vm4, $0xE82, v0;
	v1 =	vsel vm5, $0xE00, v1  }
0x111: {  	v2 =	vsel vm5, $0xE80, v2;
	v3 =	vsel vm5, $0xF00, v3;
	v4 =	vsel vm5, $0xF80, v4  }
0x112: {  	v5 =	vsel vm5, $0x800, v5;
	v6 =	vsel vm5, $0x880, v6;
	v7 =	vsel vm5, $0x900, v7  }
0x113: {  	v8 =	vsel vm5, $0x980, v8;
	v9 =	vsel vm5, $0xA00, v9;
	v10 =	vsel vm5, $0xA80, v10  }
0x114: {  	v11 =	vsel vm5, $0xB00, v11;
	v12 =	vsel vm5, $0xB80, v12;
	v13 =	vsel vm5, $0x1400, v13  }
0x115: {  	v14 =	vsel vm5, $0x1480, v14;
	v15 =	vsel vm5, $0x1500, v15;
	v16 =	vsel vm5, $0x1580, v16  }
0x116: {  	v17 =	vsel vm5, $0x1600, v17;
	v18 =	vsel vm5, $0x1680, v18;
	v19 =	vsel vm5, $0x1700, v19  }
0x117: {  	v20 =	vsel vm5, $0x1780, v20;
	v21 =	vsel vm5, $0x1000, v21;
	v22 =	vsel vm5, $0x1080, v22  }
0x118: {  	v23 =	vsel vm5, $0x1100, v23;
	v24 =	vsel vm5, $0x1180, v24;
	v25 =	vsel vm5, $0x1200, v25  }
0x119: {  	v26 =	vsel vm5, $0x1280, v26;
	v27 =	vsel vm5, $0x1300, v27;
	v28 =	vsel vm5, $0x1380, v28  }
0x11a: {  	v29 =	vsel vm5, $0x1C00, v29;
	v30 =	vsel vm5, $0x1C80, v30;
	v31 =	vsel vm5, $0x1D00, v31  }
0x11b: {  	v32 =	vsel vm5, $0x1D80, v32;
	v33 =	vsel vm5, $0x1E00, v33;
	v34 =	vsel vm5, $0x1E80, v34  }
0x11c: {  	v35 =	vsel vm5, $0x1F00, v35;
	v36 =	vsel vm5, $0x1F80, v36;
	v37 =	vsel vm5, $0x1800, v37  }
0x11d: {  	v38 =	vsel vm5, $0x1880, v38;
	v39 =	vsel vm5, $0x1900, v39;
	v40 =	vsel vm5, $0x1980, v40  }
0x11e: {  	v41 =	vsel vm5, $0x1A00, v41;
	v42 =	vsel vm5, $0x1A80, v42;
	v43 =	vsel vm5, $0x1B00, v43  }
0x11f: {  	v44 =	vsel vm5, $0x1B80, v44;
	v63 =	vunpack.c.0.s8.s32 v63;
	v0 =	vsel vm1, $0xF03, v0  }
0x120: {  	v1 =	vsel vm6, $0xE81, v1;
	v2 =	vsel vm6, $0xF01, v2;
	v3 =	vsel vm6, $0xF81, v3  }
0x121: {  	v4 =	vsel vm6, $0x801, v4;
	v5 =	vsel vm6, $0x881, v5;
	v6 =	vsel vm6, $0x901, v6  }
0x122: {  	v7 =	vsel vm6, $0x981, v7;
	v8 =	vsel vm6, $0xA01, v8;
	v9 =	vsel vm6, $0xA81, v9  }
0x123: {  	v10 =	vsel vm6, $0xB01, v10;
	v11 =	vsel vm6, $0xB81, v11;
	v12 =	vsel vm6, $0xC01, v12  }
0x124: {  	v13 =	vsel vm6, $0x1481, v13;
	v14 =	vsel vm6, $0x1501, v14;
	v15 =	vsel vm6, $0x1581, v15  }
0x125: {  	v16 =	vsel vm6, $0x1601, v16;
	v17 =	vsel vm6, $0x1681, v17;
	v18 =	vsel vm6, $0x1701, v18  }
0x126: {  	v19 =	vsel vm6, $0x1781, v19;
	v20 =	vsel vm6, $0x1001, v20;
	v21 =	vsel vm6, $0x1081, v21  }
0x127: {  	v22 =	vsel vm6, $0x1101, v22;
	v23 =	vsel vm6, $0x1181, v23;
	v24 =	vsel vm6, $0x1201, v24  }
0x128: {  	v25 =	vsel vm6, $0x1281, v25;
	v26 =	vsel vm6, $0x1301, v26;
	v27 =	vsel vm6, $0x1381, v27  }
0x129: {  	v28 =	vsel vm6, $0x1401, v28;
	v29 =	vsel vm6, $0x1C81, v29;
	v30 =	vsel vm6, $0x1D01, v30  }
0x12a: {  	v31 =	vsel vm6, $0x1D81, v31;
	v32 =	vsel vm6, $0x1E01, v32;
	v33 =	vsel vm6, $0x1E81, v33  }
0x12b: {  	v34 =	vsel vm6, $0x1F01, v34;
	v35 =	vsel vm6, $0x1F81, v35;
	v36 =	vsel vm6, $0x1801, v36  }
0x12c: {  	v37 =	vsel vm6, $0x1881, v37;
	v38 =	vsel vm6, $0x1901, v38;
	v39 =	vsel vm6, $0x1981, v39  }
0x12d: {  	v40 =	vsel vm6, $0x1A01, v40;
	v41 =	vsel vm6, $0x1A81, v41;
	v42 =	vsel vm6, $0x1B01, v42  }
0x12e: {  	[tilespmem:$0x1F950] =	vst v45;
	v43 =	vsel vm6, $0x1B81, v43;
	v44 =	vsel vm6, $0x1C01, v44;
	v45 =	vimm.s32 $0x16151413  }
0x12f: {  	v45 =	vunpack.c.0.s8.s32 v45;
	v0 =	vsel vm2, $0xF84, v0;
	v1 =	vsel vm4, $0xF02, v1  }
0x130: {  	[tilespmem:$0x1F970] =	vst v63;
	v2 =	vsel vm4, $0xF82, v2;
	v63 =	vimm.s32 $0x1F1E1D1C;
	v0 =	vsel vm3, $0x805, v0  }
0x131: {  	[tilespmem:$0x1F940] =	vst v46;
	v46 =	vsel vm1, $0x803, v2;
	v2 =	vsel vm4, $0x802, v3;
	v3 =	vsel vm4, $0x882, v4  }
0x132: {  	v4 =	vsel vm4, $0x902, v5;
	v5 =	vsel vm4, $0x982, v6;
	v6 =	vsel vm4, $0xA02, v7  }
0x133: {  	v7 =	vsel vm4, $0xA82, v8;
	v8 =	vsel vm4, $0xB02, v9;
	v9 =	vsel vm4, $0xB82, v10  }
0x134: {  	v10 =	vsel vm4, $0xC02, v11;
	v11 =	vsel vm4, $0xC82, v12;
	v12 =	vsel vm4, $0x1502, v13  }
0x135: {  	v13 =	vsel vm4, $0x1582, v14;
	v14 =	vsel vm4, $0x1602, v15;
	v15 =	vsel vm4, $0x1682, v16  }
0x136: {  	v16 =	vsel vm4, $0x1702, v17;
	v17 =	vsel vm4, $0x1782, v18;
	v18 =	vsel vm4, $0x1002, v19  }
0x137: {  	v19 =	vsel vm4, $0x1082, v20;
	v20 =	vsel vm4, $0x1102, v21;
	v21 =	vsel vm4, $0x1182, v22  }
0x138: {  	v22 =	vsel vm4, $0x1202, v23;
	v23 =	vsel vm4, $0x1282, v24;
	v24 =	vsel vm4, $0x1302, v25  }
0x139: {  	v25 =	vsel vm4, $0x1382, v26;
	v26 =	vsel vm4, $0x1402, v27;
	v27 =	vsel vm4, $0x1482, v28  }
0x13a: {  	v28 =	vsel vm4, $0x1D02, v29;
	v29 =	vsel vm4, $0x1D82, v30;
	v30 =	vsel vm4, $0x1E02, v31  }
0x13b: {  	v31 =	vsel vm4, $0x1E82, v32;
	v32 =	vsel vm4, $0x1F02, v33;
	v33 =	vsel vm4, $0x1F82, v34  }
0x13c: {  	v34 =	vsel vm4, $0x1802, v35;
	v35 =	vsel vm4, $0x1882, v36;
	v36 =	vsel vm4, $0x1902, v37  }
0x13d: {  	v37 =	vsel vm4, $0x1982, v38;
	v38 =	vsel vm4, $0x1A02, v39;
	v39 =	vsel vm4, $0x1A82, v40  }
0x13e: {  	v40 =	vsel vm4, $0x1B02, v41;
	v41 =	vsel vm4, $0x1B82, v42;
	v42 =	vsel vm4, $0x1C02, v43  }
0x13f: {  	v43 =	vsel vm4, $0x1C82, v44;
	v44 =	vunpack.c.0.s8.s32 v63;
	v63 =	vimm.s32 $0x17161514  }
0x140: {  	[tilespmem:$0x1F960] =	vst v45;
	v0 =	vsel vm0, $0x886, v0;
	v45 =	vsel vm1, $0xF83, v1;
	v1 =	vsel vm2, $0x884, v46  }
0x141: {  	v2 =	vsel vm1, $0x883, v2;
	v3 =	vsel vm1, $0x903, v3;
	v4 =	vsel vm1, $0x983, v4  }
0x142: {  	v5 =	vsel vm1, $0xA03, v5;
	v6 =	vsel vm1, $0xA83, v6;
	v7 =	vsel vm1, $0xB03, v7  }
0x143: {  	v8 =	vsel vm1, $0xB83, v8;
	v9 =	vsel vm1, $0xC03, v9;
	v10 =	vsel vm1, $0xC83, v10  }
0x144: {  	v11 =	vsel vm1, $0xD03, v11;
	v12 =	vsel vm1, $0x1583, v12;
	v13 =	vsel vm1, $0x1603, v13  }
0x145: {  	v14 =	vsel vm1, $0x1683, v14;
	v15 =	vsel vm1, $0x1703, v15;
	v16 =	vsel vm1, $0x1783, v16  }
0x146: {  	v17 =	vsel vm1, $0x1003, v17;
	v18 =	vsel vm1, $0x1083, v18;
	v19 =	vsel vm1, $0x1103, v19  }
0x147: {  	v20 =	vsel vm1, $0x1183, v20;
	v21 =	vsel vm1, $0x1203, v21;
	v22 =	vsel vm1, $0x1283, v22  }
0x148: {  	v23 =	vsel vm1, $0x1303, v23;
	v24 =	vsel vm1, $0x1383, v24;
	v25 =	vsel vm1, $0x1403, v25  }
0x149: {  	v26 =	vsel vm1, $0x1483, v26;
	v27 =	vsel vm1, $0x1503, v27;
	v28 =	vsel vm1, $0x1D83, v28  }
0x14a: {  	v29 =	vsel vm1, $0x1E03, v29;
	v30 =	vsel vm1, $0x1E83, v30;
	v31 =	vsel vm1, $0x1F03, v31  }
0x14b: {  	v32 =	vsel vm1, $0x1F83, v32;
	v33 =	vsel vm1, $0x1803, v33;
	v34 =	vsel vm1, $0x1883, v34  }
0x14c: {  	v35 =	vsel vm1, $0x1903, v35;
	v36 =	vsel vm1, $0x1983, v36;
	v63 =	vunpack.c.0.s8.s32 v63;
	[tilespmem:$0x1F980] =	vst v0  }
0x14d: {  	v46 =	vimm.s32 $0x1B1A1918;
	[tilespmem:$0x1F990] =	vst v44;
	v1 =	vsel vm3, $0x905, v1;
	v44 =	vimm.s32 $0x13121110  }
0x14e: {  	v0 =	vsel vm2, $0x804, v45;
	v44 =	vunpack.c.0.s8.s32 v44;
	[tilespmem:$0x1F9B0] =	vst v63;
	v45 =	vsel vm0, $0x986, v1  }
0x14f: {  	v37 =	vsel vm1, $0x1A03, v37;
	v38 =	vsel vm1, $0x1A83, v38;
	v63 =	vunpack.c.0.s8.s32 v46;
	[tilespmem:$0x1F9E0] =	vst v45  }
0x150: {  	v39 =	vsel vm1, $0x1B03, v39;
	v2 =	vsel vm2, $0x904, v2;
	v0 =	vsel vm3, $0x885, v0;
	[tilespmem:$0x1F9A0] =	vst v44  }
0x151: {  	v4 =	vsel vm2, $0xA04, v4;
	v2 =	vsel vm3, $0x985, v2;
	v0 =	vsel vm0, $0x906, v0;
	[tilespmem:$0x1F9C0] =	vst v63  }
0x152: {  	v5 =	vsel vm2, $0xA84, v5;
	v4 =	vsel vm3, $0xA85, v4;
	v46 =	vsel vm0, $0xA06, v2;
	[tilespmem:$0x1F9D0] =	vst v0  }
0x153: {  	v7 =	vsel vm2, $0xB84, v7;
	v5 =	vsel vm3, $0xB05, v5;
	v4 =	vsel vm0, $0xB06, v4;
	[tilespmem:$0x1F9F0] =	vst v46  }
0x154: {  	v13 =	vsel vm2, $0x1684, v13;
	v7 =	vsel vm3, $0xC05, v7;
	v5 =	vsel vm0, $0xB86, v5;
	[tilespmem:$0x1FA10] =	vst v4  }
0x155: {  	v30 =	vsel vm2, $0x1F04, v30;
	v13 =	vsel vm3, $0x1705, v13;
	v45 =	vsel vm0, $0xC86, v7;
	[tilespmem:$0x1FA20] =	vst v5  }
0x156: {  	v3 =	vsel vm2, $0x984, v3;
	v30 =	vsel vm3, $0x1F85, v30;
	v7 =	vsel vm0, $0x1786, v13;
	[tilespmem:$0x1FA40] =	vst v45  }
0x157: {  	v6 =	vsel vm2, $0xB04, v6;
	v3 =	vsel vm3, $0xA05, v3;
	v30 =	vsel vm0, $0x1806, v30;
	[tilespmem:$0x1FAA0] =	vst v7  }
0x158: {  	v8 =	vsel vm2, $0xC04, v8;
	v6 =	vsel vm3, $0xB85, v6;
	v63 =	vsel vm0, $0xA86, v3;
	[tilespmem:$0x1FBB0] =	vst v30  }
0x159: {  	v10 =	vsel vm2, $0xD04, v10;
	v8 =	vsel vm3, $0xC85, v8;
	v44 =	vsel vm0, $0xC06, v6;
	[tilespmem:$0x1FA00] =	vst v63  }
0x15a: {  	v11 =	vsel vm2, $0xD84, v11;
	v10 =	vsel vm3, $0xD85, v10;
	v46 =	vsel vm0, $0xD06, v8;
	[tilespmem:$0x1FA30] =	vst v44  }
0x15b: {  	v12 =	vsel vm2, $0x1604, v12;
	v11 =	vsel vm3, $0xE05, v11;
	v4 =	vsel vm0, $0xE06, v10;
	[tilespmem:$0x1FA50] =	vst v46  }
0x15c: {  	v14 =	vsel vm2, $0x1704, v14;
	v12 =	vsel vm3, $0x1685, v12;
	v5 =	vsel vm0, $0xE86, v11;
	[tilespmem:$0x1FA70] =	vst v4  }
0x15d: {  	v16 =	vsel vm2, $0x1004, v16;
	v14 =	vsel vm3, $0x1785, v14;
	v6 =	vsel vm0, $0x1706, v12;
	[tilespmem:$0x1FA80] =	vst v5  }
0x15e: {  	v17 =	vsel vm2, $0x1084, v17;
	v16 =	vsel vm3, $0x1085, v16;
	v8 =	vsel vm0, $0x1006, v14;
	[tilespmem:$0x1FA90] =	vst v6  }
0x15f: {  	v19 =	vsel vm2, $0x1184, v19;
	v17 =	vsel vm3, $0x1105, v17;
	v10 =	vsel vm0, $0x1106, v16;
	[tilespmem:$0x1FAB0] =	vst v8  }
0x160: {  	v25 =	vsel vm2, $0x1484, v25;
	v19 =	vsel vm3, $0x1205, v19;
	v11 =	vsel vm0, $0x1186, v17;
	[tilespmem:$0x1FAD0] =	vst v10  }
0x161: {  	v9 =	vsel vm2, $0xC84, v9;
	v25 =	vsel vm3, $0x1505, v25;
	v45 =	vsel vm0, $0x1286, v19;
	[tilespmem:$0x1FAE0] =	vst v11  }
0x162: {  	v15 =	vsel vm2, $0x1784, v15;
	v9 =	vsel vm3, $0xD05, v9;
	v7 =	vsel vm0, $0x1586, v25;
	[tilespmem:$0x1FB00] =	vst v45  }
0x163: {  	v18 =	vsel vm2, $0x1104, v18;
	v15 =	vsel vm3, $0x1005, v15;
	v63 =	vsel vm0, $0xD86, v9;
	[tilespmem:$0x1FB60] =	vst v7  }
0x164: {  	v20 =	vsel vm2, $0x1204, v20;
	v18 =	vsel vm3, $0x1185, v18;
	v9 =	vsel vm0, $0x1086, v15;
	[tilespmem:$0x1FA60] =	vst v63  }
0x165: {  	v22 =	vsel vm2, $0x1304, v22;
	v20 =	vsel vm3, $0x1285, v20;
	v44 =	vsel vm0, $0x1206, v18;
	[tilespmem:$0x1FAC0] =	vst v9  }
0x166: {  	v23 =	vsel vm2, $0x1384, v23;
	v22 =	vsel vm3, $0x1385, v22;
	v46 =	vsel vm0, $0x1306, v20;
	[tilespmem:$0x1FAF0] =	vst v44  }
0x167: {  	v24 =	vsel vm2, $0x1404, v24;
	v23 =	vsel vm3, $0x1405, v23;
	v4 =	vsel vm0, $0x1406, v22;
	[tilespmem:$0x1FB10] =	vst v46  }
0x168: {  	v26 =	vsel vm2, $0x1504, v26;
	v24 =	vsel vm3, $0x1485, v24;
	v5 =	vsel vm0, $0x1486, v23;
	[tilespmem:$0x1FB30] =	vst v4  }
0x169: {  	v28 =	vsel vm2, $0x1E04, v28;
	v26 =	vsel vm3, $0x1585, v26;
	v6 =	vsel vm0, $0x1506, v24;
	[tilespmem:$0x1FB40] =	vst v5  }
0x16a: {  	v29 =	vsel vm2, $0x1E84, v29;
	v28 =	vsel vm3, $0x1E85, v28;
	v8 =	vsel vm0, $0x1606, v26;
	[tilespmem:$0x1FB50] =	vst v6  }
0x16b: {  	v32 =	vsel vm2, $0x1804, v32;
	v29 =	vsel vm3, $0x1F05, v29;
	v10 =	vsel vm0, $0x1F06, v28;
	[tilespmem:$0x1FB70] =	vst v8  }
0x16c: {  	v38 =	vsel vm2, $0x1B04, v38;
	v32 =	vsel vm3, $0x1885, v32;
	v11 =	vsel vm0, $0x1F86, v29;
	[tilespmem:$0x1FB90] =	vst v10  }
0x16d: {  	v21 =	vsel vm2, $0x1284, v21;
	v38 =	vsel vm3, $0x1B85, v38;
	v45 =	vsel vm0, $0x1906, v32;
	[tilespmem:$0x1FBA0] =	vst v11  }
0x16e: {  	v27 =	vsel vm2, $0x1584, v27;
	v21 =	vsel vm3, $0x1305, v21;
	v7 =	vsel vm0, $0x1C06, v38;
	[tilespmem:$0x1FBD0] =	vst v45  }
0x16f: {  	v31 =	vsel vm2, $0x1F84, v31;
	v27 =	vsel vm3, $0x1605, v27;
	v63 =	vsel vm0, $0x1386, v21;
	[tilespmem:$0x1FC30] =	vst v7  }
0x170: {  	v33 =	vsel vm2, $0x1884, v33;
	v31 =	vsel vm3, $0x1805, v31;
	v9 =	vsel vm0, $0x1686, v27;
	[tilespmem:$0x1FB20] =	vst v63  }
0x171: {  	v33 =	vsel vm3, $0x1905, v33;
	v44 =	vsel vm0, $0x1886, v31;
	v11 =	vimm.s32 $0x2C2B2A29;
	[tilespmem:$0x1FB80] =	vst v9  }
0x172: {  	v35 =	vsel vm2, $0x1984, v35;
	v46 =	vsel vm0, $0x1986, v33;
	[tilespmem:$0x1FBC0] =	vst v44;
	v0 =	vunpack.c.0.s8.s32 v11  }
0x173: {  	v34 =	vsel vm2, $0x1904, v34;
	v35 =	vsel vm3, $0x1A05, v35;
	v30 =	vimm.s32 $0x202F2E2D;
	[tilespmem:$0x1FBE0] =	vst v46  }
0x174: {  	v36 =	vsel vm2, $0x1A04, v36;
	v4 =	vsel vm0, $0x1A86, v35;
	[tilespmem:$0x1FC70] =	vst v0;
	v0 =	vunpack.c.0.s8.s32 v30  }
0x175: {  	v37 =	vsel vm2, $0x1A84, v37;
	v36 =	vsel vm3, $0x1A85, v36;
	v33 =	vimm.s32 $0x28272625;
	[tilespmem:$0x1FC00] =	vst v4  }
0x176: {  	v34 =	vsel vm3, $0x1985, v34;
	v5 =	vsel vm0, $0x1B06, v36;
	[tilespmem:$0x1FC80] =	vst v0;
	v0 =	vunpack.c.0.s8.s32 v33  }
0x177: {  	v37 =	vsel vm3, $0x1B05, v37;
	v63 =	vsel vm0, $0x1A06, v34;
	[tilespmem:$0x1FC10] =	vst v5;
	v34 =	vimm.s32 $0x2D2C2B2A  }
0x178: {  	v39 =	vsel vm2, $0x1B84, v39;
	v6 =	vsel vm0, $0x1B86, v37;
	[tilespmem:$0x1FCA0] =	vst v0;
	v0 =	vunpack.c.0.s8.s32 v34  }
0x179: {  	v41 =	vsel vm1, $0x1C03, v41;
	v39 =	vsel vm3, $0x1C05, v39;
	v37 =	vimm.s32 $0x25242322;
	[tilespmem:$0x1FC20] =	vst v6  }
0x17a: {  	v41 =	vsel vm2, $0x1C84, v41;
	v8 =	vsel vm0, $0x1C86, v39;
	[tilespmem:$0x1FCB0] =	vst v0;
	v0 =	vunpack.c.0.s8.s32 v37  }
0x17b: {  	v41 =	vsel vm3, $0x1D05, v41;
	v38 =	vimm.s32 $0x29282726;
	[tilespmem:$0x1FC40] =	vst v8  }
0x17c: {  	v42 =	vsel vm1, $0x1C83, v42;
	v10 =	vsel vm0, $0x1D86, v41;
	[tilespmem:$0x1FCD0] =	vst v0;
	v0 =	vunpack.c.0.s8.s32 v38  }
0x17d: {  	v40 =	vsel vm1, $0x1B83, v40;
	v42 =	vsel vm2, $0x1D04, v42;
	v41 =	vimm.s32 $0x2221202F;
	[tilespmem:$0x1FC60] =	vst v10  }
0x17e: {  	v40 =	vsel vm2, $0x1C04, v40;
	v42 =	vsel vm3, $0x1D85, v42;
	[tilespmem:$0x1FCE0] =	vst v0;
	v0 =	vunpack.c.0.s8.s32 v41  }
0x17f: {  	v40 =	vsel vm3, $0x1C85, v40;
	v19 =	vsel vm0, $0x1E06, v42;
	v42 =	vimm.s32 $0x26252423;
	[tilespmem:$0x1FBF0] =	vst v63  }
0x180: {  	v31 =	vimm.s32 $0x24232221;
	v9 =	vsel vm0, $0x1D06, v40;
	[tilespmem:$0x1FD00] =	vst v0;
	v0 =	vunpack.c.0.s8.s32 v42  }
0x181: {  	v45 =	vimm.s32 $0x2F2E2D2C;
	v32 =	vunpack.c.0.s8.s32 v31;
	[tilespmem:$0x1FC50] =	vst v9  }
0x182: {  	v35 =	vimm.s32 $0x21202F2E;
	[tilespmem:$0x1FD10] =	vst v0;
	v0 =	vunpack.c.0.s8.s32 v45  }
0x183: {  	v43 =	vsel vm1, $0x1D03, v43;
	v36 =	vunpack.c.0.s8.s32 v35;
	v46 =	vimm.s32 $0x23222120;
	[tilespmem:$0x1FC90] =	vst v32  }
0x184: {  	v43 =	vsel vm2, $0x1D84, v43;
	v39 =	vimm.s32 $0x2E2D2C2B;
	[tilespmem:$0x1FD30] =	vst v0;
	v0 =	vunpack.c.0.s8.s32 v46  }
0x185: {  	v43 =	vsel vm3, $0x1E05, v43;
	v40 =	vunpack.c.0.s8.s32 v39;
	v5 =	vimm.s32 $0x2B2A2928;
	[tilespmem:$0x1FCC0] =	vst v36  }
0x186: {  	v8 =	vsel vm0, $0x1E86, v43;
	v43 =	vimm.s32 $0x2A292827;
	[tilespmem:$0x1FD40] =	vst v0;
	v0 =	vunpack.c.0.s8.s32 v5  }
0x187: {  	v6 =	vimm.s32 $0x3C3B3A39;
	v44 =	vunpack.c.0.s8.s32 v43;
	[tilespmem:$0x1FCF0] =	vst v40  }
0x188: {  	v7 =	vimm.s32 $0x303F3E3D;
	[tilespmem:$0x1FD60] =	vst v0;
	v0 =	vunpack.c.0.s8.s32 v6  }
0x189: {  	v10 =	vimm.s32 $0x34333231;
	v9 =	vunpack.c.0.s8.s32 v7;
	[tilespmem:$0x1FD20] =	vst v44  }
0x18a: {  	v63 =	vimm.s32 $0x27262524;
	[tilespmem:$0x1FD70] =	vst v0;
	v0 =	vunpack.c.0.s8.s32 v10  }
0x18b: {  	v11 =	vimm.s32 $0x38373635;
	v4 =	vunpack.c.0.s8.s32 v63;
	[tilespmem:$0x1FD80] =	vst v9  }
0x18c: {  	v30 =	vimm.s32 $0x3D3C3B3A;
	[tilespmem:$0x1FD90] =	vst v0;
	v0 =	vunpack.c.0.s8.s32 v11  }
0x18d: {  	v32 =	vimm.s32 $0x31303F3E;
	v31 =	vunpack.c.0.s8.s32 v30;
	[tilespmem:$0x1FD50] =	vst v4  }
0x18e: {  	v34 =	vimm.s32 $0x39383736;
	[tilespmem:$0x1FDA0] =	vst v0;
	v0 =	vunpack.c.0.s8.s32 v32  }
0x18f: {  	s3 =	srdreg.scid;
	v33 =	vimm.s32 $0x35343332;
	[tilespmem:$0x1FDB0] =	vst v31;
	v35 =	vunpack.c.0.s8.s32 v34  }
0x190: {  	s5 =	rddreg [dreg:$0x0];
	s6 =	sand.u32 $0x1, s3;
	s3 =	simm.s32 $0x0;
	v38 =	vimm.s32 $0x36353433;
	[tilespmem:$0x1FDC0] =	vst v0;
	v0 =	vunpack.c.0.s8.s32 v33  }
0x191: {  	[smem:$0x7FF] =	sst s3;
	[tilespmem:$0x1FDE0] =	vst v35;
	v39 =	vunpack.c.0.s8.s32 v38;
	v42 =	vimm.s32 $0x33323130  }
0x192: {  	s1 =	rddreg [dreg:$0x1];
	v59 =	vimm.s32 $0x18171615;
	v47 =	vimm.s32 $0x14131211;
	v43 =	vunpack.c.0.s8.s32 v42;
	[tilespmem:$0x1FDD0] =	vst v0  }
0x193: {  	s0 =	rddreg [dreg:$0x2];
	v58 =	vunpack.c.0.s8.s32 v47;
	v47 =	vunpack.c.0.s8.s32 v59;
	v59 =	vimm.s32 $0x1D1C1B1A;
	_ =	strace $0x80000047;
	[tilespmem:$0x1FE10] =	vst v39  }
0x194: {  	v59 =	vunpack.c.0.s8.s32 v59;
	v60 =	vimm.s32 $0x11101F1E;
	[tilespmem:$0x1FE40] =	vst v43  }
0x195: {  	v61 =	vimm.s32 $0x15141312;
	v60 =	vunpack.c.0.s8.s32 v60;
	[tilespmem:$0x1FE70] =	vst v47  }
0x196: {  	v62 =	vimm.s32 $0x19181716;
	v61 =	vunpack.c.0.s8.s32 v61;
	[tilespmem:$0x1FE80] =	vst v59  }
0x197: {  	v62 =	vunpack.c.0.s8.s32 v62;
	[tilespmem:$0x1FE90] =	vst v60  }
0x198: {  	vm0 =	vcmask $0x1F10;
	[tilespmem:$0x1FEA0] =	vst v61  }
0x199: {  	v46 =	vsel vm0, v57, v56;
	[tilespmem:$0x1FEB0] =	vst v62  }
0x19a: {  	[tilespmem:$0x1FED0] =	vst v46  }
0x19b: {  	[tilespmem:$0x1FF30] =	vst v48  }
0x19c: {  	[tilespmem:$0x1FF40] =	vst v49  }
0x19d: {  	[tilespmem:$0x1FF50] =	vst v50  }
0x19e: {  	[tilespmem:$0x1FF60] =	vst v51  }
0x19f: {  	[tilespmem:$0x1FF70] =	vst v52  }
0x1a0: {  	[tilespmem:$0x1FF80] =	vst v53  }
0x1a1: {  	[tilespmem:$0x1FF90] =	vst v54  }
0x1a2: {  	[tilespmem:$0x1FFA0] =	vst v55  }
0x1a3: {  	[tilespmem:$0x1FFB0] =	vst v56  }
0x1a4: {  	v36 =	vimm.s32 $0x3E3D3C3B;
	[tilespmem:$0x1FFC0] =	vst v57  }
0x1a5: {  	v0 =	vunpack.c.0.s8.s32 v36;
	[tilespmem:$0x1FFD0] =	vst v58  }
0x1a6: {  	v37 =	vimm.s32 $0x3231303F;
	[tilespmem:$0x1FFE0] =	vst v19  }
0x1a7: {  	[tilespmem:$0x1FDF0] =	vst v0;
	v0 =	vunpack.c.0.s8.s32 v37  }
0x1a8: {  	v12 =	vlaneseq.u32;
	v40 =	vimm.s32 $0x3A393837;
	[tilespmem:$0x1FFF0] =	vst v8  }
0x1a9: {  	v61 =	vsel vm0, v62, v61;
	v62 =	vor.u32 $0x10, v12;
	[tilespmem:$0x1FE00] =	vst v0;
	v0 =	vunpack.c.0.s8.s32 v40  }
0x1aa: {  	v41 =	vimm.s32 $0x3F3E3D3C;
	[tilespmem:$0x1FEC0] =	vst v62  }
0x1ab: {  	s2 =	stileid.u32;
	s9 =	simm.s32 $0x20000;
	s10 =	simm.s32 $0x5;
	v47 =	vsel vm0, v47, v58;
	[tilespmem:$0x1FE20] =	vst v0;
	v0 =	vunpack.c.0.s8.s32 v41  }
0x1ac: {  	s11 =	simm.s32 $0x80;
	s12 =	simm.s32 $0x7000;
	s13 =	simm.s32 $0x400;
	v44 =	vimm.s32 $0x37363534;
	[tilespmem:$0x1FEE0] =	vst v47  }
0x1ad: {  	s14 =	simm.s32 $0x9000;
	s15 =	simm.s32 $0x1;
	s16 =	simm.s32 $0xB000;
	v60 =	vsel vm0, v60, v59;
	[tilespmem:$0x1FE30] =	vst v0;
	v0 =	vunpack.c.0.s8.s32 v44  }
0x1ae: {  	s17 =	simm.s32 $0x2;
	s18 =	simm.s32 $0x4;
	s19 =	simm.s32 $0xD000;
	v45 =	vimm.s32 $0x3B3A3938;
	[tilespmem:$0x1FF00] =	vst v60  }
.Ltmp0:
0x1af: {  	s4 =	sshll.u32 s2, $0x3;
	s7 =	sshll.u32 s6, $0x2;
	[tilespmem:$0x1FE50] =	vst v0;
	v0 =	vunpack.c.0.s8.s32 v45;
	(pc) =	sbr.rel .LBB2_1-.Ltmp0, $4  }
0x1b0: {  	s20 =	simm.s32 $0x3;
	s6 =	ssub.s32 $0x2, s6;
	s4 =	sor.u32 s7, s4;
	[tilespmem:$0x1FF10] =	vst v61;
	v63 =	vcombine.low v61, v60  }
0x1b1: {  	s21 =	simm.s32 $0x0;
	s8 =	sshrl.u32 s6, $0x1;
	s7 =	sshll.u32 s4, $0x7;
	v16 =	vmov v56;
	[tilespmem:$0x1FE60] =	vst v0;
	v0 =	vcombine.low v47, v46  }
0x1b2: {  	s8 =	ssub.s32 s6, s8;
	s7 =	sadd.s32 s7, s5;
	s5 =	sadd.s32 $0xF42A00, s5;
	v17 =	vmovc v57;
	v18 =	vmovc v58;
	v20 =	vmov v48;
	v22 =	vmov v50;
	v23 =	vmov v51;
	[tilespmem:$0x1FF20] =	vst v63  }
0x1b3: {  	s6 =	sadd.s32 $0x600, s7;
	s7 =	smax.u32 s8, $0x1;
	s8 =	simm.s32 $0x1000;
	v24 =	vmovc v52;
	v25 =	vmovc v53;
	v26 =	vmov v54;
	v21 =	vmov v49;
	v27 =	vmov v55;
	[tilespmem:$0x1FEF0] =	vst v0  }
.LBB2_12:
0x1b4: {  	_ =	swait.ge [sflag:s20], $0x2000;
	s21 =	sadd.s32 $0x1, s21  }
0x1b5: {  	[sflag:s20] =	ssyncset.done $0x0;
	p0 =	sne.s32 s21, s7  }
.Ltmp1:
0x1b6: {  	[sflag:s20] =	ssyncadd.s32 $0xFFFFE000;
	(pc) =	sbr.rel @!p0 .LBB2_13-.Ltmp1, $4  }
0x1b7: {  	_ =	swait.ge [sflag:s18], $0x2000  }
0x1b8: {  	v16 =	vld [tilespmem:$0x1FFB0]  }
0x1b9: {  	[sflag:s18] =	ssyncset.done $0x0;
	v17 =	vld [tilespmem:$0x1FFC0]  }
0x1ba: {  	v18 =	vld [tilespmem:$0x1FFD0];
	[sflag:s18] =	ssyncadd.s32 $0xFFFFE000  }
.LBB2_1:
0x1bb: {  	[tilespmem:s3], [sflag:$0x5] =	stream.strided.gather [hbm4b:s6+s8], $0x7000, s9, s8, $0x38;
	[tilespmem:$0xF000] =	vst v63  }
0x1bc: {  	_ =	swait.ge [sflag:s10], $0x7000  }
0x1bd: {  	[sflag:s10] =	ssyncset.done $0x0  }
0x1be: {  	[sflag:s10] =	ssyncadd.s32 $0xFFFF9000  }
0x1bf: {  	[tilespmem:s12], [sflag:$0x1] =	stream.indirect.gather [hbm4b:s5+s11], $0x40, s3, s11, $0xb8;
	[tilespmem:$0xF000] =	vst v63  }
0x1c0: {  	s22 =	simm.s32 $0x0  }
0x1c1: {  	[tilespmem:s14], [sflag:$0x2] =	stream.indirect.gather [hbm4b:s5+s11], $0x40, s13, s11, $0xb8;
	[tilespmem:$0xF000] =	vst v63  }
.LBB2_2:
0x1c2: {  	_ =	swait.ge [sflag:s15], $0x2000  }
0x1c3: {  	p0 =	seq.s32 s22, $0x0;
	[sflag:s15] =	ssyncset.done $0x0  }
0x1c4: {  	s24 =	simm.s32 @!p0 $0x3;
	[sflag:s15] =	ssyncadd.s32 $0xFFFFE000  }
0x1c5: {  	_ =	swait.ge @!p0 [sflag:s24], $0x2000  }
0x1c6: {  	s23 =	sshll.u32 s22, $0x1;
	[sflag:s24] =	ssyncset.done @!p0 $0x0  }
0x1c7: {  	p1 =	por $0x1, $0x1;
	[sflag:s24] =	ssyncadd.s32 @!p0 $0xFFFFE000;
	s24 =	simm.s32 $0x0  }
.LBB2_3:
0x1c8: {  	v0 =	vor.u32 s24, v12  }
0x1c9: {  	v1 =	vshll.u32 v0, $0x6  }
0x1ca: {  	v2 =	vor.u32 v12, v1;
	_ =	sdelay $0x3  }
0x1cb: {  	v0 =	vand.u32 $0x48, v0  }
0x1cc: {  	v3 =	vor.u32 v20, v0;
	v2 =	vld.idx.msk [tilespmem:v2+s12+$0x0], $0xffff  }
0x1cd: {  	v4 =	vor.u32 v21, v1;
	_ =	sdelay $0x3  }
0x1ce: {  	[tilespmem:v3+s16+$0x0] =	vst.idx.msk $0xffff, v2  }
0x1cf: {  	v39 =	vor.u32 v22, v0;
	v2 =	vld.idx.msk [tilespmem:v4+s12+$0x0], $0xffff  }
0x1d0: {  	v40 =	vor.u32 v23, v1;
	_ =	sdelay $0x3  }
0x1d1: {  	[tilespmem:v39+s16+$0x0] =	vst.idx.msk $0xffff, v2  }
0x1d2: {  	v41 =	vor.u32 v24, v0;
	v2 =	vld.idx.msk [tilespmem:v40+s12+$0x0], $0xffff  }
0x1d3: {  	v42 =	vor.u32 v25, v1;
	_ =	sdelay $0x3  }
0x1d4: {  	[tilespmem:v41+s16+$0x0] =	vst.idx.msk $0xffff, v2  }
0x1d5: {  	v43 =	vor.u32 v26, v0;
	v2 =	vld.idx.msk [tilespmem:v42+s12+$0x0], $0xffff  }
0x1d6: {  	v28 =	vld [tilespmem:$0x1F7A0];
	v44 =	vor.u32 v27, v1  }
0x1d7: {  	v29 =	vld [tilespmem:$0x1F7B0];
	_ =	sdelay $0x2  }
0x1d8: {  	[tilespmem:v43+s16+$0x0] =	vst.idx.msk $0xffff, v2  }
0x1d9: {  	v45 =	vor.u32 v28, v0;
	v2 =	vld.idx.msk [tilespmem:v44+s12+$0x0], $0xffff  }
0x1da: {  	v30 =	vld [tilespmem:$0x1F7C0];
	v46 =	vor.u32 v29, v1;
	_ =	sdelay $0x3  }
0x1db: {  	[tilespmem:v45+s16+$0x0] =	vst.idx.msk $0xffff, v2  }
0x1dc: {  	s25 =	sor.u32 $0x10, s24;
	v47 =	vor.u32 v30, v0;
	v2 =	vld.idx.msk [tilespmem:v46+s12+$0x0], $0xffff  }
0x1dd: {  	s30 =	sor.u32 $0x20, s24;
	s31 =	sor.u32 $0x30, s24;
	v13 =	vlaneseq.u32;
	v15 =	vld [tilespmem:$0x1FF30];
	v48 =	vor.u32 s25, v12  }
0x1de: {  	v9 =	vor.u32 s30, v12;
	v11 =	vor.u32 s31, v12;
	v5 =	vshll.u32 v48, $0x6  }
0x1df: {  	v6 =	vshll.u32 v9, $0x6;
	v7 =	vshll.u32 v11, $0x6;
	v10 =	vor.u32 v12, v5  }
0x1e0: {  	v12 =	vor.u32 v12, v6;
	v13 =	vor.u32 v13, v7  }
0x1e1: {  	v3 =	vand.u32 $0x68, v9;
	v4 =	vand.u32 $0x78, v11;
	[tilespmem:v47+s16+$0x0] =	vst.idx.msk $0xffff, v2;
	v2 =	vand.u32 $0x58, v48  }
0x1e2: {  	v19 =	vor.u32 v20, v3;
	v14 =	vor.u32 v20, v2;
	v20 =	vor.u32 v15, v4;
	v15 =	vld [tilespmem:$0x1FF40];
	_ =	sdelay $0x1  }
0x1e3: {  	v10 =	vld.idx.msk [tilespmem:v10+s12+$0x0], $0xffff  }
0x1e4: {  	v49 =	vor.u32 v21, v5;
	v12 =	vld.idx.msk [tilespmem:v12+s12+$0x0], $0xffff  }
0x1e5: {  	v50 =	vor.u32 v21, v6;
	v13 =	vld.idx.msk [tilespmem:v13+s12+$0x0], $0xffff  }
0x1e6: {  	v21 =	vor.u32 v15, v7;
	_ =	sdelay $0x1  }
0x1e7: {  	[tilespmem:v14+s16+$0x0] =	vst.idx.msk $0xffff, v10  }
0x1e8: {  	[tilespmem:v19+s16+$0x0] =	vst.idx.msk $0xffff, v12;
	v51 =	vor.u32 v22, v2;
	v9 =	vld.idx.msk [tilespmem:v49+s12+$0x0], $0xffff  }
0x1e9: {  	v12 =	vor.u32 v23, v5;
	v11 =	vld.idx.msk [tilespmem:v50+s12+$0x0], $0xffff;
	v14 =	vor.u32 v22, v3;
	[tilespmem:v20+s16+$0x0] =	vst.idx.msk $0xffff, v13  }
0x1ea: {  	v13 =	vor.u32 v23, v6;
	v20 =	vor.u32 v22, v4;
	v19 =	vld.idx.msk [tilespmem:v21+s12+$0x0], $0xffff  }
0x1eb: {  	v21 =	vor.u32 v23, v7;
	_ =	sdelay $0x1  }
0x1ec: {  	[tilespmem:v51+s16+$0x0] =	vst.idx.msk $0xffff, v9  }
0x1ed: {  	v52 =	vor.u32 v24, v2;
	[tilespmem:v14+s16+$0x0] =	vst.idx.msk $0xffff, v11;
	v9 =	vld.idx.msk [tilespmem:v12+s12+$0x0], $0xffff  }
0x1ee: {  	v53 =	vor.u32 v25, v5;
	v12 =	vld.idx.msk [tilespmem:v13+s12+$0x0], $0xffff;
	v13 =	vor.u32 v24, v3;
	[tilespmem:v20+s16+$0x0] =	vst.idx.msk $0xffff, v19  }
0x1ef: {  	v14 =	vor.u32 v25, v6;
	v20 =	vor.u32 v24, v4;
	v19 =	vld.idx.msk [tilespmem:v21+s12+$0x0], $0xffff  }
0x1f0: {  	v21 =	vor.u32 v25, v7;
	_ =	sdelay $0x1  }
0x1f1: {  	[tilespmem:v52+s16+$0x0] =	vst.idx.msk $0xffff, v9  }
0x1f2: {  	v54 =	vor.u32 v26, v2;
	[tilespmem:v13+s16+$0x0] =	vst.idx.msk $0xffff, v12;
	v9 =	vld.idx.msk [tilespmem:v53+s12+$0x0], $0xffff  }
0x1f3: {  	v55 =	vor.u32 v27, v5;
	v13 =	vor.u32 v26, v3;
	v12 =	vld.idx.msk [tilespmem:v14+s12+$0x0], $0xffff;
	[tilespmem:v20+s16+$0x0] =	vst.idx.msk $0xffff, v19  }
0x1f4: {  	v14 =	vor.u32 v27, v6;
	v20 =	vor.u32 v26, v4;
	v19 =	vld.idx.msk [tilespmem:v21+s12+$0x0], $0xffff  }
0x1f5: {  	v21 =	vor.u32 v27, v7;
	_ =	sdelay $0x1  }
0x1f6: {  	v31 =	vld [tilespmem:$0x1F7D0];
	[tilespmem:v54+s16+$0x0] =	vst.idx.msk $0xffff, v9  }
0x1f7: {  	v56 =	vor.u32 v28, v2;
	[tilespmem:v13+s16+$0x0] =	vst.idx.msk $0xffff, v12;
	v9 =	vld.idx.msk [tilespmem:v55+s12+$0x0], $0xffff  }
0x1f8: {  	v57 =	vor.u32 v29, v5;
	v13 =	vor.u32 v28, v3;
	v12 =	vld.idx.msk [tilespmem:v14+s12+$0x0], $0xffff;
	[tilespmem:v20+s16+$0x0] =	vst.idx.msk $0xffff, v19  }
0x1f9: {  	v14 =	vor.u32 v29, v6;
	v20 =	vor.u32 v28, v4;
	v19 =	vld.idx.msk [tilespmem:v21+s12+$0x0], $0xffff  }
0x1fa: {  	v21 =	vor.u32 v29, v7  }
0x1fb: {  	v15 =	vld [tilespmem:$0x1F7E0]  }
0x1fc: {  	v23 =	vld [tilespmem:$0x1F7F0];
	[tilespmem:v56+s16+$0x0] =	vst.idx.msk $0xffff, v9  }
0x1fd: {  	v8 =	vor.u32 v31, v1;
	v58 =	vor.u32 v30, v2;
	[tilespmem:v13+s16+$0x0] =	vst.idx.msk $0xffff, v12;
	v9 =	vld.idx.msk [tilespmem:v57+s12+$0x0], $0xffff  }
0x1fe: {  	v59 =	vor.u32 v31, v5;
	v13 =	vor.u32 v30, v3;
	v12 =	vld.idx.msk [tilespmem:v14+s12+$0x0], $0xffff;
	[tilespmem:v20+s16+$0x0] =	vst.idx.msk $0xffff, v19  }
0x1ff: {  	v14 =	vor.u32 v31, v6;
	v20 =	vor.u32 v30, v4;
	v19 =	vld.idx.msk [tilespmem:v21+s12+$0x0], $0xffff  }
0x200: {  	v21 =	vor.u32 v31, v7;
	_ =	sdelay $0x1  }
0x201: {  	v8 =	vld.idx.msk [tilespmem:v8+s12+$0x0], $0xffff;
	[tilespmem:v58+s16+$0x0] =	vst.idx.msk $0xffff, v9  }
0x202: {  	v22 =	vor.u32 v15, v0;
	[tilespmem:v13+s16+$0x0] =	vst.idx.msk $0xffff, v12;
	v10 =	vld.idx.msk [tilespmem:v59+s12+$0x0], $0xffff  }
0x203: {  	v61 =	vor.u32 v15, v2;
	v60 =	vor.u32 v23, v1;
	v13 =	vld.idx.msk [tilespmem:v14+s12+$0x0], $0xffff;
	[tilespmem:v20+s16+$0x0] =	vst.idx.msk $0xffff, v19  }
0x204: {  	v12 =	vor.u32 v23, v5;
	v14 =	vor.u32 v15, v3;
	v20 =	vld.idx.msk [tilespmem:v21+s12+$0x0], $0xffff  }
0x205: {  	v19 =	vor.u32 v23, v6;
	v21 =	vor.u32 v15, v4;
	v15 =	vld [tilespmem:$0x1F800];
	_ =	sdelay $0x1  }
0x206: {  	[tilespmem:v22+s16+$0x0] =	vst.idx.msk $0xffff, v8;
	v24 =	vld [tilespmem:$0x1F810];
	v23 =	vor.u32 v23, v7  }
0x207: {  	v8 =	vld.idx.msk [tilespmem:v60+s12+$0x0], $0xffff;
	[tilespmem:v61+s16+$0x0] =	vst.idx.msk $0xffff, v10  }
0x208: {  	[tilespmem:v14+s16+$0x0] =	vst.idx.msk $0xffff, v13;
	v11 =	vld.idx.msk [tilespmem:v12+s12+$0x0], $0xffff  }
0x209: {  	v14 =	vld.idx.msk [tilespmem:v19+s12+$0x0], $0xffff;
	v62 =	vor.u32 v15, v0;
	v12 =	vor.u32 v15, v2  }
0x20a: {  	v19 =	vor.u32 v15, v3;
	[tilespmem:v21+s16+$0x0] =	vst.idx.msk $0xffff, v20;
	v22 =	vor.u32 v15, v4;
	v15 =	vld [tilespmem:$0x1F820]  }
0x20b: {  	v63 =	vor.u32 v24, v1;
	v21 =	vld.idx.msk [tilespmem:v23+s12+$0x0], $0xffff  }
0x20c: {  	v13 =	vor.u32 v24, v5;
	v20 =	vor.u32 v24, v6;
	v23 =	vor.u32 v24, v7;
	v24 =	vld [tilespmem:$0x1F830];
	_ =	sdelay $0x2  }
0x20d: {  	[tilespmem:v62+s16+$0x0] =	vst.idx.msk $0xffff, v8  }
0x20e: {  	v32 =	vor.u32 v15, v0;
	[tilespmem:v12+s16+$0x0] =	vst.idx.msk $0xffff, v11;
	v8 =	vld.idx.msk [tilespmem:v63+s12+$0x0], $0xffff  }
0x20f: {  	v12 =	vor.u32 v15, v2;
	[tilespmem:v19+s16+$0x0] =	vst.idx.msk $0xffff, v14;
	v33 =	vor.u32 v24, v1;
	v11 =	vld.idx.msk [tilespmem:v13+s12+$0x0], $0xffff  }
0x210: {  	v19 =	vor.u32 v15, v3;
	v13 =	vor.u32 v24, v5;
	v14 =	vld.idx.msk [tilespmem:v20+s12+$0x0], $0xffff  }
0x211: {  	[tilespmem:v22+s16+$0x0] =	vst.idx.msk $0xffff, v21;
	v20 =	vor.u32 v24, v6;
	v22 =	vor.u32 v15, v4;
	v15 =	vld [tilespmem:$0x1F840]  }
0x212: {  	v21 =	vld.idx.msk [tilespmem:v23+s12+$0x0], $0xffff  }
0x213: {  	v23 =	vor.u32 v24, v7;
	v24 =	vld [tilespmem:$0x1F850];
	[tilespmem:v32+s16+$0x0] =	vst.idx.msk $0xffff, v8  }
0x214: {  	[tilespmem:v12+s16+$0x0] =	vst.idx.msk $0xffff, v11;
	v8 =	vld.idx.msk [tilespmem:v33+s12+$0x0], $0xffff  }
0x215: {  	[tilespmem:v19+s16+$0x0] =	vst.idx.msk $0xffff, v14;
	v11 =	vld.idx.msk [tilespmem:v13+s12+$0x0], $0xffff  }
0x216: {  	v34 =	vor.u32 v15, v0;
	v12 =	vor.u32 v15, v2;
	v14 =	vld.idx.msk [tilespmem:v20+s12+$0x0], $0xffff  }
0x217: {  	v19 =	vor.u32 v15, v3;
	[tilespmem:v22+s16+$0x0] =	vst.idx.msk $0xffff, v21;
	v22 =	vor.u32 v15, v4;
	v15 =	vld [tilespmem:$0x1F860]  }
0x218: {  	v35 =	vor.u32 v24, v1;
	v21 =	vld.idx.msk [tilespmem:v23+s12+$0x0], $0xffff  }
0x219: {  	v13 =	vor.u32 v24, v5;
	v20 =	vor.u32 v24, v6;
	v23 =	vor.u32 v24, v7;
	v24 =	vld [tilespmem:$0x1F870];
	_ =	sdelay $0x2  }
0x21a: {  	[tilespmem:v34+s16+$0x0] =	vst.idx.msk $0xffff, v8  }
0x21b: {  	v36 =	vor.u32 v15, v0;
	[tilespmem:v12+s16+$0x0] =	vst.idx.msk $0xffff, v11;
	v8 =	vld.idx.msk [tilespmem:v35+s12+$0x0], $0xffff  }
0x21c: {  	v12 =	vor.u32 v15, v2;
	[tilespmem:v19+s16+$0x0] =	vst.idx.msk $0xffff, v14;
	v37 =	vor.u32 v24, v1;
	v11 =	vld.idx.msk [tilespmem:v13+s12+$0x0], $0xffff  }
0x21d: {  	v19 =	vor.u32 v15, v3;
	v13 =	vor.u32 v24, v5;
	v14 =	vld.idx.msk [tilespmem:v20+s12+$0x0], $0xffff  }
0x21e: {  	[tilespmem:v22+s16+$0x0] =	vst.idx.msk $0xffff, v21;
	v20 =	vor.u32 v24, v6;
	v22 =	vor.u32 v15, v4;
	v15 =	vld [tilespmem:$0x1F880]  }
0x21f: {  	v21 =	vld.idx.msk [tilespmem:v23+s12+$0x0], $0xffff  }
0x220: {  	v23 =	vor.u32 v24, v7;
	v24 =	vld [tilespmem:$0x1F890];
	[tilespmem:v36+s16+$0x0] =	vst.idx.msk $0xffff, v8  }
0x221: {  	[tilespmem:v12+s16+$0x0] =	vst.idx.msk $0xffff, v11;
	v8 =	vld.idx.msk [tilespmem:v37+s12+$0x0], $0xffff  }
0x222: {  	[tilespmem:v19+s16+$0x0] =	vst.idx.msk $0xffff, v14;
	v11 =	vld.idx.msk [tilespmem:v13+s12+$0x0], $0xffff  }
0x223: {  	v38 =	vor.u32 v15, v0;
	v12 =	vor.u32 v15, v2;
	v14 =	vld.idx.msk [tilespmem:v20+s12+$0x0], $0xffff  }
0x224: {  	v19 =	vor.u32 v15, v3;
	[tilespmem:v22+s16+$0x0] =	vst.idx.msk $0xffff, v21;
	v22 =	vor.u32 v15, v4;
	v15 =	vld [tilespmem:$0x1F8A0]  }
0x225: {  	v39 =	vor.u32 v24, v1;
	v21 =	vld.idx.msk [tilespmem:v23+s12+$0x0], $0xffff  }
0x226: {  	v13 =	vor.u32 v24, v5;
	v20 =	vor.u32 v24, v6;
	v23 =	vor.u32 v24, v7;
	v24 =	vld [tilespmem:$0x1F8B0];
	_ =	sdelay $0x2  }
0x227: {  	[tilespmem:v38+s16+$0x0] =	vst.idx.msk $0xffff, v8  }
0x228: {  	v40 =	vor.u32 v15, v0;
	[tilespmem:v12+s16+$0x0] =	vst.idx.msk $0xffff, v11;
	v8 =	vld.idx.msk [tilespmem:v39+s12+$0x0], $0xffff  }
0x229: {  	v12 =	vor.u32 v15, v2;
	[tilespmem:v19+s16+$0x0] =	vst.idx.msk $0xffff, v14;
	v41 =	vor.u32 v24, v1;
	v11 =	vld.idx.msk [tilespmem:v13+s12+$0x0], $0xffff  }
0x22a: {  	v19 =	vor.u32 v15, v3;
	v13 =	vor.u32 v24, v5;
	v14 =	vld.idx.msk [tilespmem:v20+s12+$0x0], $0xffff  }
0x22b: {  	[tilespmem:v22+s16+$0x0] =	vst.idx.msk $0xffff, v21;
	v20 =	vor.u32 v24, v6;
	v22 =	vor.u32 v15, v4;
	v15 =	vld [tilespmem:$0x1F8C0]  }
0x22c: {  	v21 =	vld.idx.msk [tilespmem:v23+s12+$0x0], $0xffff  }
0x22d: {  	v23 =	vor.u32 v24, v7;
	v24 =	vld [tilespmem:$0x1F8D0];
	[tilespmem:v40+s16+$0x0] =	vst.idx.msk $0xffff, v8  }
0x22e: {  	[tilespmem:v12+s16+$0x0] =	vst.idx.msk $0xffff, v11;
	v8 =	vld.idx.msk [tilespmem:v41+s12+$0x0], $0xffff  }
0x22f: {  	[tilespmem:v19+s16+$0x0] =	vst.idx.msk $0xffff, v14;
	v11 =	vld.idx.msk [tilespmem:v13+s12+$0x0], $0xffff  }
0x230: {  	v42 =	vor.u32 v15, v0;
	v12 =	vor.u32 v15, v2;
	v14 =	vld.idx.msk [tilespmem:v20+s12+$0x0], $0xffff  }
0x231: {  	v19 =	vor.u32 v15, v3;
	[tilespmem:v22+s16+$0x0] =	vst.idx.msk $0xffff, v21;
	v22 =	vor.u32 v15, v4;
	v15 =	vld [tilespmem:$0x1F8E0]  }
0x232: {  	v43 =	vor.u32 v24, v1;
	v21 =	vld.idx.msk [tilespmem:v23+s12+$0x0], $0xffff  }
0x233: {  	v13 =	vor.u32 v24, v5;
	v20 =	vor.u32 v24, v6;
	v23 =	vor.u32 v24, v7;
	v24 =	vld [tilespmem:$0x1F8F0];
	_ =	sdelay $0x2  }
0x234: {  	[tilespmem:v42+s16+$0x0] =	vst.idx.msk $0xffff, v8  }
0x235: {  	v44 =	vor.u32 v15, v0;
	[tilespmem:v12+s16+$0x0] =	vst.idx.msk $0xffff, v11;
	v8 =	vld.idx.msk [tilespmem:v43+s12+$0x0], $0xffff  }
0x236: {  	v12 =	vor.u32 v15, v2;
	[tilespmem:v19+s16+$0x0] =	vst.idx.msk $0xffff, v14;
	v45 =	vor.u32 v24, v1;
	v11 =	vld.idx.msk [tilespmem:v13+s12+$0x0], $0xffff  }
0x237: {  	v19 =	vor.u32 v15, v3;
	v13 =	vor.u32 v24, v5;
	v14 =	vld.idx.msk [tilespmem:v20+s12+$0x0], $0xffff  }
0x238: {  	[tilespmem:v22+s16+$0x0] =	vst.idx.msk $0xffff, v21;
	v20 =	vor.u32 v24, v6;
	v22 =	vor.u32 v15, v4;
	v15 =	vld [tilespmem:$0x1F900]  }
0x239: {  	v21 =	vld.idx.msk [tilespmem:v23+s12+$0x0], $0xffff  }
0x23a: {  	v23 =	vor.u32 v24, v7;
	v24 =	vld [tilespmem:$0x1FEC0];
	[tilespmem:v44+s16+$0x0] =	vst.idx.msk $0xffff, v8  }
0x23b: {  	[tilespmem:v12+s16+$0x0] =	vst.idx.msk $0xffff, v11;
	v8 =	vld.idx.msk [tilespmem:v45+s12+$0x0], $0xffff  }
0x23c: {  	[tilespmem:v19+s16+$0x0] =	vst.idx.msk $0xffff, v14;
	v11 =	vld.idx.msk [tilespmem:v13+s12+$0x0], $0xffff  }
0x23d: {  	v46 =	vor.u32 v15, v0;
	v12 =	vor.u32 v15, v2;
	v14 =	vld.idx.msk [tilespmem:v20+s12+$0x0], $0xffff  }
0x23e: {  	v19 =	vor.u32 v15, v3;
	[tilespmem:v22+s16+$0x0] =	vst.idx.msk $0xffff, v21;
	v22 =	vor.u32 v15, v4;
	v15 =	vld [tilespmem:$0x1F910]  }
0x23f: {  	v47 =	vor.u32 v24, v1;
	v21 =	vld.idx.msk [tilespmem:v23+s12+$0x0], $0xffff  }
0x240: {  	v13 =	vor.u32 v24, v5;
	v20 =	vor.u32 v24, v6;
	v23 =	vor.u32 v24, v7;
	v24 =	vld [tilespmem:$0x1FEF0];
	_ =	sdelay $0x2  }
0x241: {  	[tilespmem:v46+s16+$0x0] =	vst.idx.msk $0xffff, v8  }
0x242: {  	v48 =	vor.u32 v15, v0;
	[tilespmem:v12+s16+$0x0] =	vst.idx.msk $0xffff, v11;
	v8 =	vld.idx.msk [tilespmem:v47+s12+$0x0], $0xffff  }
0x243: {  	v12 =	vor.u32 v15, v2;
	[tilespmem:v19+s16+$0x0] =	vst.idx.msk $0xffff, v14;
	v49 =	vor.u32 v24, v1;
	v11 =	vld.idx.msk [tilespmem:v13+s12+$0x0], $0xffff  }
0x244: {  	v19 =	vor.u32 v15, v3;
	v13 =	vor.u32 v24, v5;
	v14 =	vld.idx.msk [tilespmem:v20+s12+$0x0], $0xffff  }
0x245: {  	[tilespmem:v22+s16+$0x0] =	vst.idx.msk $0xffff, v21;
	v20 =	vor.u32 v24, v6;
	v22 =	vor.u32 v15, v4;
	v15 =	vld [tilespmem:$0x1F920]  }
0x246: {  	v21 =	vld.idx.msk [tilespmem:v23+s12+$0x0], $0xffff  }
0x247: {  	v23 =	vor.u32 v24, v7;
	v24 =	vld [tilespmem:$0x1FF20];
	[tilespmem:v48+s16+$0x0] =	vst.idx.msk $0xffff, v8  }
0x248: {  	[tilespmem:v12+s16+$0x0] =	vst.idx.msk $0xffff, v11;
	v8 =	vld.idx.msk [tilespmem:v49+s12+$0x0], $0xffff  }
0x249: {  	v11 =	vld.idx.msk [tilespmem:v13+s12+$0x0], $0xffff;
	[tilespmem:v19+s16+$0x0] =	vst.idx.msk $0xffff, v14  }
0x24a: {  	v14 =	vld.idx.msk [tilespmem:v20+s12+$0x0], $0xffff  }
0x24b: {  	v19 =	vld [tilespmem:$0x1F940]  }
0x24c: {  	v38 =	vld [tilespmem:$0x1F950]  }
0x24d: {  	v39 =	vld [tilespmem:$0x1F960]  }
0x24e: {  	v50 =	vor.u32 v15, v0;
	[tilespmem:v22+s16+$0x0] =	vst.idx.msk $0xffff, v21;
	v40 =	vld [tilespmem:$0x1F970]  }
0x24f: {  	v20 =	vor.u32 v15, v3;
	v22 =	vld.idx.msk [tilespmem:v23+s12+$0x0], $0xffff  }
0x250: {  	v12 =	vor.u32 v15, v2;
	v51 =	vor.u32 v24, v1;
	v23 =	vor.u32 v15, v4;
	v15 =	vld [tilespmem:$0x1F930]  }
0x251: {  	v41 =	vld [tilespmem:$0x1F9A0]  }
0x252: {  	v13 =	vor.u32 v24, v5;
	v42 =	vld [tilespmem:$0x1F9B0]  }
0x253: {  	v43 =	vld [tilespmem:$0x1F9C0];
	[tilespmem:v50+s16+$0x0] =	vst.idx.msk $0xffff, v8;
	v27 =	vsel vm0, v38, v19;
	v28 =	vsel vm0, v40, v39  }
0x254: {  	v21 =	vor.u32 v24, v6;
	[tilespmem:v20+s16+$0x0] =	vst.idx.msk $0xffff, v14;
	v20 =	vld [tilespmem:$0x1F990];
	v25 =	vcombine.low v28, v27  }
0x255: {  	v24 =	vor.u32 v24, v7;
	v8 =	vld.idx.msk [tilespmem:v51+s12+$0x0], $0xffff;
	v52 =	vor.u32 v15, v0  }
0x256: {  	v54 =	vld [tilespmem:$0x1F980];
	[tilespmem:v12+s16+$0x0] =	vst.idx.msk $0xffff, v11;
	v53 =	vor.u32 v25, v1  }
0x257: {  	v11 =	vld.idx.msk [tilespmem:v13+s12+$0x0], $0xffff;
	v12 =	vor.u32 v15, v2  }
0x258: {  	v56 =	vld [tilespmem:$0x1FE70];
	[tilespmem:v23+s16+$0x0] =	vst.idx.msk $0xffff, v22;
	v13 =	vor.u32 v25, v5  }
0x259: {  	v30 =	vsel vm0, v43, v42;
	v14 =	vld.idx.msk [tilespmem:v21+s12+$0x0], $0xffff;
	v21 =	vor.u32 v15, v3;
	v29 =	vsel vm0, v41, v20  }
0x25a: {  	v23 =	vld.idx.msk [tilespmem:v24+s12+$0x0], $0xffff;
	v24 =	vor.u32 v15, v4;
	[tilespmem:v52+s16+$0x0] =	vst.idx.msk $0xffff, v8;
	v15 =	vcombine.low v30, v29  }
0x25b: {  	v26 =	vor.u32 v54, v0;
	v10 =	vld.idx.msk [tilespmem:v53+s12+$0x0], $0xffff  }
0x25c: {  	v57 =	vld [tilespmem:$0x1F9D0];
	[tilespmem:v12+s16+$0x0] =	vst.idx.msk $0xffff, v11;
	v55 =	vor.u32 v15, v1  }
0x25d: {  	v12 =	vld.idx.msk [tilespmem:v13+s12+$0x0], $0xffff;
	v13 =	vor.u32 v54, v2  }
0x25e: {  	v22 =	vor.u32 v25, v6;
	[tilespmem:$0x1F6A0] =	vst v25;
	v25 =	vor.u32 v25, v7  }
0x25f: {  	v59 =	vld [tilespmem:$0x1FE90];
	v9 =	vsel vm0, v16, v56;
	v8 =	vsel vm0, v18, v17;
	[tilespmem:v21+s16+$0x0] =	vst.idx.msk $0xffff, v14  }
0x260: {  	v60 =	vld [tilespmem:$0x1FEA0];
	v16 =	vcombine.low v9, v8;
	[tilespmem:v26+s16+$0x0] =	vst.idx.msk $0xffff, v10  }
0x261: {  	v33 =	vor.u32 v57, v0;
	[tilespmem:v24+s16+$0x0] =	vst.idx.msk $0xffff, v23;
	v14 =	vor.u32 v15, v5;
	v26 =	vld.idx.msk [tilespmem:v55+s12+$0x0], $0xffff  }
0x262: {  	v61 =	vld [tilespmem:$0x1FE80];
	[tilespmem:v13+s16+$0x0] =	vst.idx.msk $0xffff, v12;
	v12 =	vor.u32 v16, v1  }
0x263: {  	v24 =	vld.idx.msk [tilespmem:v25+s12+$0x0], $0xffff;
	v25 =	vor.u32 v54, v4  }
0x264: {  	v23 =	vor.u32 v15, v6;
	[tilespmem:$0x1F6B0] =	vst v15;
	v32 =	vor.u32 v15, v7;
	v15 =	vld [tilespmem:$0x1FEB0]  }
0x265: {  	v31 =	vor.u32 v54, v3;
	v22 =	vld.idx.msk [tilespmem:v22+s12+$0x0], $0xffff  }
0x266: {  	v13 =	vld.idx.msk [tilespmem:v14+s12+$0x0], $0xffff;
	[tilespmem:v33+s16+$0x0] =	vst.idx.msk $0xffff, v26  }
0x267: {  	v26 =	vld.idx.msk [tilespmem:v12+s12+$0x0], $0xffff  }
0x268: {  	[tilespmem:v25+s16+$0x0] =	vst.idx.msk $0xffff, v24;
	v14 =	vor.u32 v57, v2;
	v12 =	vld [tilespmem:$0x1F9E0]  }
0x269: {  	v58 =	vor.u32 v57, v4;
	v10 =	vsel vm0, v60, v59;
	v11 =	vsel vm0, v61, v15;
	v25 =	vld.idx.msk [tilespmem:v32+s12+$0x0], $0xffff  }
0x26a: {  	[tilespmem:v31+s16+$0x0] =	vst.idx.msk $0xffff, v22;
	v31 =	vor.u32 v16, v5;
	v15 =	vcombine.low v11, v10;
	_ =	sdelay $0x1  }
0x26b: {  	v63 =	vor.u32 v15, v5;
	[tilespmem:$0x1F6D0] =	vst v15  }
0x26c: {  	v45 =	vor.u32 v15, v7;
	[tilespmem:v14+s16+$0x0] =	vst.idx.msk $0xffff, v13;
	v62 =	vor.u32 v12, v0  }
0x26d: {  	v14 =	vor.u32 v15, v1;
	[tilespmem:v58+s16+$0x0] =	vst.idx.msk $0xffff, v25;
	v25 =	vor.u32 v15, v6;
	v15 =	vld [tilespmem:$0x1F9F0]  }
0x26e: {  	v31 =	vld.idx.msk [tilespmem:v31+s12+$0x0], $0xffff;
	v36 =	vor.u32 v12, v2  }
0x26f: {  	v34 =	vor.u32 v57, v3;
	v35 =	vor.u32 v16, v7;
	v13 =	vsel vm0, v19, v40  }
0x270: {  	[tilespmem:$0x1F6C0] =	vst v16;
	v37 =	vor.u32 v12, v3;
	v44 =	vor.u32 v12, v4;
	v12 =	vsel vm0, v39, v38  }
0x271: {  	v24 =	vor.u32 v16, v6;
	v23 =	vld.idx.msk [tilespmem:v23+s12+$0x0], $0xffff;
	v16 =	vcombine.low v13, v12;
	[tilespmem:v62+s16+$0x0] =	vst.idx.msk $0xffff, v26  }
0x272: {  	v47 =	vor.u32 v15, v2;
	v49 =	vor.u32 v15, v3;
	v26 =	vor.u32 v15, v0;
	v14 =	vld.idx.msk [tilespmem:v14+s12+$0x0], $0xffff  }
0x273: {  	v51 =	vor.u32 v15, v4;
	[tilespmem:v36+s16+$0x0] =	vst.idx.msk $0xffff, v31;
	v31 =	vor.u32 v16, v1;
	v15 =	vld [tilespmem:$0x1FA00];
	_ =	sdelay $0x3  }
0x274: {  	[tilespmem:v26+s16+$0x0] =	vst.idx.msk $0xffff, v14  }
0x275: {  	[tilespmem:v34+s16+$0x0] =	vst.idx.msk $0xffff, v23;
	v26 =	vor.u32 v15, v0;
	v14 =	vld.idx.msk [tilespmem:v31+s12+$0x0], $0xffff  }
0x276: {  	v24 =	vld.idx.msk [tilespmem:v24+s12+$0x0], $0xffff;
	_ =	sdelay $0x2  }
0x277: {  	v54 =	vor.u32 v15, v2;
	v56 =	vor.u32 v15, v3;
	v58 =	vor.u32 v15, v4;
	v15 =	vld [tilespmem:$0x1FEE0]  }
0x278: {  	v52 =	vsel vm0, v20, v43;
	[tilespmem:v26+s16+$0x0] =	vst.idx.msk $0xffff, v14;
	v14 =	vld [tilespmem:$0x1FED0]  }
0x279: {  	v48 =	vor.u32 v16, v5;
	[tilespmem:v37+s16+$0x0] =	vst.idx.msk $0xffff, v24;
	v24 =	vsel vm0, v42, v41  }
0x27a: {  	v50 =	vor.u32 v16, v6;
	[tilespmem:$0x1F6E0] =	vst v16;
	v53 =	vor.u32 v16, v7;
	v16 =	vcombine.low v52, v24;
	_ =	sdelay $0x1  }
0x27b: {  	v32 =	vld.idx.msk [tilespmem:v35+s12+$0x0], $0xffff;
	v55 =	vor.u32 v16, v5;
	v57 =	vor.u32 v16, v6  }
0x27c: {  	[tilespmem:$0x1F6F0] =	vst v16;
	v59 =	vor.u32 v16, v7;
	v31 =	vor.u32 v16, v1;
	v16 =	vcombine.low v14, v15;
	v15 =	vld [tilespmem:$0x1FA10];
	_ =	sdelay $0x1  }
0x27d: {  	v46 =	vld.idx.msk [tilespmem:v63+s12+$0x0], $0xffff  }
0x27e: {  	v25 =	vld.idx.msk [tilespmem:v25+s12+$0x0], $0xffff;
	_ =	sdelay $0x1  }
0x27f: {  	[tilespmem:v44+s16+$0x0] =	vst.idx.msk $0xffff, v32;
	v14 =	vld.idx.msk [tilespmem:v31+s12+$0x0], $0xffff;
	v26 =	vor.u32 v15, v0  }
0x280: {  	v35 =	vld.idx.msk [tilespmem:v45+s12+$0x0], $0xffff  }
0x281: {  	[tilespmem:v47+s16+$0x0] =	vst.idx.msk $0xffff, v46  }
0x282: {  	[tilespmem:v49+s16+$0x0] =	vst.idx.msk $0xffff, v25;
	v33 =	vld.idx.msk [tilespmem:v48+s12+$0x0], $0xffff  }
0x283: {  	v60 =	vor.u32 v15, v2;
	v62 =	vor.u32 v15, v3;
	v44 =	vor.u32 v15, v4;
	v15 =	vld [tilespmem:$0x1FF10]  }
0x284: {  	[tilespmem:v26+s16+$0x0] =	vst.idx.msk $0xffff, v14;
	v14 =	vld [tilespmem:$0x1FF00]  }
0x285: {  	[tilespmem:v51+s16+$0x0] =	vst.idx.msk $0xffff, v35;
	v32 =	vld.idx.msk [tilespmem:v50+s12+$0x0], $0xffff  }
0x286: {  	v38 =	vld.idx.msk [tilespmem:v53+s12+$0x0], $0xffff  }
0x287: {  	[tilespmem:v54+s16+$0x0] =	vst.idx.msk $0xffff, v33  }
0x288: {  	v33 =	vld.idx.msk [tilespmem:v55+s12+$0x0], $0xffff;
	v31 =	vor.u32 v16, v1;
	v61 =	vor.u32 v16, v5  }
0x289: {  	v63 =	vor.u32 v16, v6;
	[tilespmem:$0x1F700] =	vst v16;
	v45 =	vor.u32 v16, v7;
	v16 =	vcombine.low v14, v15;
	v15 =	vld [tilespmem:$0x1FA20]  }
0x28a: {  	[tilespmem:v56+s16+$0x0] =	vst.idx.msk $0xffff, v32  }
0x28b: {  	[tilespmem:v58+s16+$0x0] =	vst.idx.msk $0xffff, v38;
	v35 =	vld.idx.msk [tilespmem:v57+s12+$0x0], $0xffff  }
0x28c: {  	v38 =	vld.idx.msk [tilespmem:v59+s12+$0x0], $0xffff;
	_ =	sdelay $0x1  }
0x28d: {  	[tilespmem:v60+s16+$0x0] =	vst.idx.msk $0xffff, v33;
	v14 =	vld.idx.msk [tilespmem:v31+s12+$0x0], $0xffff;
	v46 =	vor.u32 v16, v1;
	v31 =	vor.u32 v15, v0  }
0x28e: {  	v47 =	vor.u32 v15, v2;
	v49 =	vor.u32 v15, v3;
	v51 =	vor.u32 v15, v4;
	v15 =	vld [tilespmem:$0x1FA30]  }
0x28f: {  	[tilespmem:v62+s16+$0x0] =	vst.idx.msk $0xffff, v35;
	v32 =	vld.idx.msk [tilespmem:v61+s12+$0x0], $0xffff  }
0x290: {  	[tilespmem:v44+s16+$0x0] =	vst.idx.msk $0xffff, v38;
	v36 =	vld.idx.msk [tilespmem:v63+s12+$0x0], $0xffff;
	v48 =	vor.u32 v16, v5  }
0x291: {  	v17 =	vld [tilespmem:$0x1FC80];
	v50 =	vor.u32 v16, v6;
	[tilespmem:$0x1F710] =	vst v16;
	v52 =	vor.u32 v16, v7;
	v16 =	vcombine.low v27, v28  }
0x292: {  	v39 =	vld.idx.msk [tilespmem:v45+s12+$0x0], $0xffff;
	[tilespmem:v31+s16+$0x0] =	vst.idx.msk $0xffff, v14  }
0x293: {  	v28 =	vor.u32 v15, v0;
	v31 =	vor.u32 v16, v1;
	v14 =	vld.idx.msk [tilespmem:v46+s12+$0x0], $0xffff  }
0x294: {  	[tilespmem:$0x1F720] =	vst v16;
	v53 =	vor.u32 v15, v2;
	v56 =	vor.u32 v15, v3;
	v59 =	vor.u32 v15, v4;
	v15 =	vld [tilespmem:$0x1FA40]  }
0x295: {  	v18 =	vld [tilespmem:$0x1FC90];
	[tilespmem:v47+s16+$0x0] =	vst.idx.msk $0xffff, v32  }
0x296: {  	v54 =	vor.u32 v16, v5;
	v57 =	vor.u32 v16, v6;
	[tilespmem:v49+s16+$0x0] =	vst.idx.msk $0xffff, v36;
	v32 =	vld.idx.msk [tilespmem:v48+s12+$0x0], $0xffff  }
0x297: {  	v60 =	vor.u32 v16, v7;
	[tilespmem:v51+s16+$0x0] =	vst.idx.msk $0xffff, v39;
	v16 =	vcombine.low v29, v30;
	v55 =	vld.idx.msk [tilespmem:v50+s12+$0x0], $0xffff  }
0x298: {  	v58 =	vld.idx.msk [tilespmem:v52+s12+$0x0], $0xffff;
	[tilespmem:v28+s16+$0x0] =	vst.idx.msk $0xffff, v14  }
0x299: {  	v30 =	vor.u32 v16, v1;
	v29 =	vor.u32 v15, v0;
	v14 =	vld.idx.msk [tilespmem:v31+s12+$0x0], $0xffff  }
0x29a: {  	[tilespmem:$0x1F730] =	vst v16;
	v61 =	vor.u32 v15, v2;
	v42 =	vor.u32 v15, v3;
	v45 =	vor.u32 v15, v4;
	v15 =	vld [tilespmem:$0x1FA50]  }
0x29b: {  	v21 =	vld [tilespmem:$0x1FCC0];
	[tilespmem:v53+s16+$0x0] =	vst.idx.msk $0xffff, v32  }
0x29c: {  	[tilespmem:v56+s16+$0x0] =	vst.idx.msk $0xffff, v55;
	v31 =	vld.idx.msk [tilespmem:v54+s12+$0x0], $0xffff  }
0x29d: {  	v62 =	vor.u32 v16, v5;
	v43 =	vor.u32 v16, v6;
	[tilespmem:v59+s16+$0x0] =	vst.idx.msk $0xffff, v58;
	v63 =	vld.idx.msk [tilespmem:v57+s12+$0x0], $0xffff  }
0x29e: {  	v46 =	vor.u32 v16, v7;
	v16 =	vcombine.low v8, v9;
	v44 =	vld.idx.msk [tilespmem:v60+s12+$0x0], $0xffff;
	[tilespmem:v29+s16+$0x0] =	vst.idx.msk $0xffff, v14  }
0x29f: {  	v48 =	vor.u32 v15, v0;
	v49 =	vor.u32 v15, v2;
	v47 =	vld.idx.msk [tilespmem:v30+s12+$0x0], $0xffff  }
0x2a0: {  	[tilespmem:$0x1F740] =	vst v16;
	v51 =	vor.u32 v15, v3;
	v53 =	vor.u32 v15, v4;
	v15 =	vld [tilespmem:$0x1FA60];
	v14 =	vor.u32 v16, v1  }
0x2a1: {  	v22 =	vld [tilespmem:$0x1FCD0];
	[tilespmem:v61+s16+$0x0] =	vst.idx.msk $0xffff, v31  }
0x2a2: {  	[tilespmem:v42+s16+$0x0] =	vst.idx.msk $0xffff, v63;
	v31 =	vld.idx.msk [tilespmem:v62+s12+$0x0], $0xffff  }
0x2a3: {  	v50 =	vor.u32 v16, v5;
	[tilespmem:v45+s16+$0x0] =	vst.idx.msk $0xffff, v44;
	v34 =	vld.idx.msk [tilespmem:v43+s12+$0x0], $0xffff  }
0x2a4: {  	v52 =	vor.u32 v16, v6;
	v37 =	vld.idx.msk [tilespmem:v46+s12+$0x0], $0xffff;
	[tilespmem:v48+s16+$0x0] =	vst.idx.msk $0xffff, v47  }
0x2a5: {  	v54 =	vor.u32 v16, v7;
	v16 =	vcombine.low v10, v11;
	v55 =	vor.u32 v15, v0;
	v8 =	vld.idx.msk [tilespmem:v14+s12+$0x0], $0xffff  }
0x2a6: {  	v59 =	vor.u32 v15, v3;
	v62 =	vor.u32 v15, v4;
	v14 =	vor.u32 v15, v2;
	v15 =	vld [tilespmem:$0x1FA70]  }
0x2a7: {  	v19 =	vld [tilespmem:$0x1FCA0];
	[tilespmem:v49+s16+$0x0] =	vst.idx.msk $0xffff, v31  }
0x2a8: {  	v10 =	vor.u32 v16, v1;
	[tilespmem:$0x1F750] =	vst v16;
	v56 =	vld.idx.msk [tilespmem:v50+s12+$0x0], $0xffff  }
0x2a9: {  	v23 =	vld [tilespmem:$0x1FCE0];
	v57 =	vor.u32 v16, v5;
	[tilespmem:v51+s16+$0x0] =	vst.idx.msk $0xffff, v34  }
0x2aa: {  	v60 =	vor.u32 v16, v6;
	v63 =	vor.u32 v16, v7;
	[tilespmem:v53+s16+$0x0] =	vst.idx.msk $0xffff, v37;
	v58 =	vld.idx.msk [tilespmem:v52+s12+$0x0], $0xffff  }
0x2ab: {  	v16 =	vcombine.low v12, v13;
	v61 =	vld.idx.msk [tilespmem:v54+s12+$0x0], $0xffff;
	[tilespmem:v55+s16+$0x0] =	vst.idx.msk $0xffff, v8;
	v40 =	vor.u32 v15, v0  }
0x2ac: {  	v12 =	vor.u32 v15, v2;
	v42 =	vor.u32 v15, v3;
	v45 =	vor.u32 v15, v4;
	v15 =	vld [tilespmem:$0x1FA80]  }
0x2ad: {  	[tilespmem:v14+s16+$0x0] =	vst.idx.msk $0xffff, v56;
	v8 =	vld.idx.msk [tilespmem:v10+s12+$0x0], $0xffff  }
0x2ae: {  	v11 =	vld.idx.msk [tilespmem:v57+s12+$0x0], $0xffff  }
0x2af: {  	v25 =	vld [tilespmem:$0x1FD00];
	v41 =	vor.u32 v16, v1;
	[tilespmem:v59+s16+$0x0] =	vst.idx.msk $0xffff, v58  }
0x2b0: {  	v13 =	vor.u32 v16, v5;
	[tilespmem:$0x1F760] =	vst v16;
	v14 =	vld.idx.msk [tilespmem:v60+s12+$0x0], $0xffff  }
0x2b1: {  	v43 =	vor.u32 v16, v6;
	v46 =	vor.u32 v16, v7;
	v16 =	vld [tilespmem:$0x1FC70];
	[tilespmem:v62+s16+$0x0] =	vst.idx.msk $0xffff, v61  }
0x2b2: {  	v44 =	vld.idx.msk [tilespmem:v63+s12+$0x0], $0xffff;
	v47 =	vor.u32 v15, v0;
	v49 =	vor.u32 v15, v3;
	[tilespmem:v40+s16+$0x0] =	vst.idx.msk $0xffff, v8  }
0x2b3: {  	v51 =	vor.u32 v15, v4;
	[tilespmem:v12+s16+$0x0] =	vst.idx.msk $0xffff, v11;
	v12 =	vor.u32 v15, v2;
	v15 =	vld [tilespmem:$0x1FA90]  }
0x2b4: {  	v48 =	vlaneseq.u32;
	v8 =	vld.idx.msk [tilespmem:v41+s12+$0x0], $0xffff  }
0x2b5: {  	v20 =	vor.u32 $0x20, v48;
	[tilespmem:v42+s16+$0x0] =	vst.idx.msk $0xffff, v14;
	v11 =	vld.idx.msk [tilespmem:v13+s12+$0x0], $0xffff  }
0x2b6: {  	v33 =	vsel vm0, v19, v18;
	[tilespmem:$0x1F770] =	vst v20;
	v10 =	vor.u32 v20, v1;
	v14 =	vld.idx.msk [tilespmem:v43+s12+$0x0], $0xffff  }
0x2b7: {  	v26 =	vld [tilespmem:$0x1FD10];
	v50 =	vor.u32 v20, v6;
	v32 =	vsel vm0, v17, v16;
	[tilespmem:v45+s16+$0x0] =	vst.idx.msk $0xffff, v44  }
0x2b8: {  	v52 =	vor.u32 v20, v7;
	v24 =	vcombine.low v33, v32;
	v13 =	vor.u32 v20, v5;
	v35 =	vld.idx.msk [tilespmem:v46+s12+$0x0], $0xffff  }
0x2b9: {  	v20 =	vld [tilespmem:$0x1FCB0];
	v53 =	vor.u32 v15, v0;
	v55 =	vor.u32 v15, v3;
	[tilespmem:v47+s16+$0x0] =	vst.idx.msk $0xffff, v8  }
0x2ba: {  	v57 =	vor.u32 v15, v4;
	[tilespmem:v12+s16+$0x0] =	vst.idx.msk $0xffff, v11;
	v12 =	vor.u32 v15, v2;
	v15 =	vld [tilespmem:$0x1FAA0]  }
0x2bb: {  	[tilespmem:v49+s16+$0x0] =	vst.idx.msk $0xffff, v14;
	v8 =	vld.idx.msk [tilespmem:v10+s12+$0x0], $0xffff  }
0x2bc: {  	v54 =	vor.u32 v24, v1;
	v14 =	vld.idx.msk [tilespmem:v50+s12+$0x0], $0xffff  }
0x2bd: {  	v27 =	vld [tilespmem:$0x1FD20];
	v56 =	vor.u32 v24, v6;
	[tilespmem:$0x1F780] =	vst v24  }
0x2be: {  	[tilespmem:v51+s16+$0x0] =	vst.idx.msk $0xffff, v35;
	v11 =	vld.idx.msk [tilespmem:v13+s12+$0x0], $0xffff  }
0x2bf: {  	v34 =	vsel vm0, v21, v20;
	v35 =	vsel vm0, v23, v22;
	v13 =	vor.u32 v24, v5;
	v39 =	vld.idx.msk [tilespmem:v52+s12+$0x0], $0xffff  }
0x2c0: {  	v58 =	vor.u32 v24, v7;
	v28 =	vcombine.low v35, v34;
	v24 =	vld [tilespmem:$0x1FCF0];
	[tilespmem:v53+s16+$0x0] =	vst.idx.msk $0xffff, v8  }
0x2c1: {  	v59 =	vor.u32 v15, v0;
	[tilespmem:v55+s16+$0x0] =	vst.idx.msk $0xffff, v14;
	v8 =	vld.idx.msk [tilespmem:v54+s12+$0x0], $0xffff  }
0x2c2: {  	v60 =	vor.u32 v28, v1;
	v61 =	vor.u32 v15, v3;
	v14 =	vld.idx.msk [tilespmem:v56+s12+$0x0], $0xffff  }
0x2c3: {  	v63 =	vor.u32 v15, v4;
	[tilespmem:v12+s16+$0x0] =	vst.idx.msk $0xffff, v11;
	v12 =	vor.u32 v15, v2;
	v15 =	vld [tilespmem:$0x1FAB0]  }
0x2c4: {  	v62 =	vor.u32 v28, v6;
	[tilespmem:v57+s16+$0x0] =	vst.idx.msk $0xffff, v39;
	v11 =	vld.idx.msk [tilespmem:v13+s12+$0x0], $0xffff  }
0x2c5: {  	v40 =	vld.idx.msk [tilespmem:v58+s12+$0x0], $0xffff  }
0x2c6: {  	[tilespmem:v59+s16+$0x0] =	vst.idx.msk $0xffff, v8;
	v59 =	vld [tilespmem:$0x1FD30]  }
0x2c7: {  	v13 =	vor.u32 v28, v5;
	[tilespmem:v61+s16+$0x0] =	vst.idx.msk $0xffff, v14;
	v61 =	vld [tilespmem:$0x1FD50]  }
0x2c8: {  	v8 =	vld.idx.msk [tilespmem:v60+s12+$0x0], $0xffff  }
0x2c9: {  	v38 =	vsel vm0, v27, v26;
	v37 =	vsel vm0, v25, v24;
	v14 =	vld.idx.msk [tilespmem:v62+s12+$0x0], $0xffff  }
0x2ca: {  	v51 =	vcombine.low v38, v37;
	v60 =	vld [tilespmem:$0x1FD40]  }
0x2cb: {  	v44 =	vor.u32 v28, v7;
	v49 =	vor.u32 v15, v0;
	[tilespmem:v12+s16+$0x0] =	vst.idx.msk $0xffff, v11;
	v62 =	vld [tilespmem:$0x1FD60]  }
0x2cc: {  	v50 =	vor.u32 v51, v1;
	v12 =	vor.u32 v15, v2;
	v11 =	vld.idx.msk [tilespmem:v13+s12+$0x0], $0xffff  }
0x2cd: {  	v57 =	vld [tilespmem:$0x1FAC0];
	v13 =	vor.u32 v51, v5;
	_ =	sdelay $0x1  }
0x2ce: {  	[tilespmem:v63+s16+$0x0] =	vst.idx.msk $0xffff, v40  }
0x2cf: {  	v44 =	vld.idx.msk [tilespmem:v44+s12+$0x0], $0xffff;
	v39 =	vsel vm0, v60, v59;
	v40 =	vsel vm0, v62, v61;
	[tilespmem:v49+s16+$0x0] =	vst.idx.msk $0xffff, v8  }
0x2d0: {  	v43 =	vor.u32 v15, v3;
	[tilespmem:v12+s16+$0x0] =	vst.idx.msk $0xffff, v11;
	v52 =	vcombine.low v40, v39;
	v10 =	vld.idx.msk [tilespmem:v50+s12+$0x0], $0xffff  }
0x2d1: {  	v45 =	vor.u32 v15, v4;
	v48 =	vor.u32 v57, v0;
	v56 =	vor.u32 v57, v4;
	v12 =	vld.idx.msk [tilespmem:v13+s12+$0x0], $0xffff  }
0x2d2: {  	v63 =	vor.u32 v57, v3;
	v13 =	vor.u32 v57, v2;
	v57 =	vld [tilespmem:$0x1FAD0];
	v58 =	vor.u32 v52, v1;
	_ =	sdelay $0x1  }
0x2d3: {  	v9 =	vsel vm0, v16, v19;
	v47 =	vor.u32 v51, v7  }
0x2d4: {  	v42 =	vor.u32 v51, v6;
	[tilespmem:v43+s16+$0x0] =	vst.idx.msk $0xffff, v14;
	v8 =	vsel vm0, v18, v17  }
0x2d5: {  	v53 =	vcombine.low v9, v8;
	[tilespmem:v48+s16+$0x0] =	vst.idx.msk $0xffff, v10  }
0x2d6: {  	[tilespmem:v45+s16+$0x0] =	vst.idx.msk $0xffff, v44;
	v14 =	vor.u32 v52, v5;
	v50 =	vor.u32 v57, v0;
	v48 =	vld.idx.msk [tilespmem:v58+s12+$0x0], $0xffff  }
0x2d7: {  	[tilespmem:v13+s16+$0x0] =	vst.idx.msk $0xffff, v12;
	v12 =	vor.u32 v53, v1  }
0x2d8: {  	v45 =	vld.idx.msk [tilespmem:v47+s12+$0x0], $0xffff  }
0x2d9: {  	v42 =	vld.idx.msk [tilespmem:v42+s12+$0x0], $0xffff;
	v49 =	vor.u32 v52, v7  }
0x2da: {  	v36 =	vor.u32 v52, v6  }
0x2db: {  	v13 =	vld.idx.msk [tilespmem:v14+s12+$0x0], $0xffff;
	[tilespmem:v50+s16+$0x0] =	vst.idx.msk $0xffff, v48  }
0x2dc: {  	v48 =	vld.idx.msk [tilespmem:v12+s12+$0x0], $0xffff  }
0x2dd: {  	[tilespmem:v56+s16+$0x0] =	vst.idx.msk $0xffff, v45;
	v14 =	vor.u32 v57, v2;
	v12 =	vld [tilespmem:$0x1FAE0]  }
0x2de: {  	[tilespmem:v63+s16+$0x0] =	vst.idx.msk $0xffff, v42;
	v63 =	vor.u32 v57, v4;
	v58 =	vor.u32 v53, v5;
	v47 =	vld.idx.msk [tilespmem:v49+s12+$0x0], $0xffff  }
0x2df: {  	v55 =	vor.u32 v53, v7;
	v44 =	vor.u32 v57, v3;
	v43 =	vld.idx.msk [tilespmem:v36+s12+$0x0], $0xffff  }
0x2e0: {  	v11 =	vsel vm0, v20, v23;
	v10 =	vsel vm0, v22, v21  }
0x2e1: {  	v54 =	vcombine.low v11, v10;
	v36 =	vor.u32 v53, v6  }
0x2e2: {  	[tilespmem:v14+s16+$0x0] =	vst.idx.msk $0xffff, v13;
	v50 =	vor.u32 v12, v0  }
0x2e3: {  	v14 =	vor.u32 v54, v1;
	[tilespmem:v63+s16+$0x0] =	vst.idx.msk $0xffff, v47;
	v42 =	vld.idx.msk [tilespmem:v58+s12+$0x0], $0xffff;
	v56 =	vor.u32 v12, v2  }
0x2e4: {  	[tilespmem:v44+s16+$0x0] =	vst.idx.msk $0xffff, v43;
	v43 =	vor.u32 v54, v5;
	v49 =	vld.idx.msk [tilespmem:v55+s12+$0x0], $0xffff;
	v57 =	vor.u32 v12, v4  }
0x2e5: {  	v15 =	vld [tilespmem:$0x1FAF0];
	v58 =	vor.u32 v54, v7  }
0x2e6: {  	v63 =	vor.u32 v54, v6;
	v44 =	vld.idx.msk [tilespmem:v36+s12+$0x0], $0xffff;
	v36 =	vor.u32 v12, v3  }
0x2e7: {  	v13 =	vsel vm0, v24, v27;
	v12 =	vsel vm0, v26, v25;
	[tilespmem:v50+s16+$0x0] =	vst.idx.msk $0xffff, v48  }
0x2e8: {  	v55 =	vcombine.low v13, v12;
	[tilespmem:v56+s16+$0x0] =	vst.idx.msk $0xffff, v42;
	v14 =	vld.idx.msk [tilespmem:v14+s12+$0x0], $0xffff  }
0x2e9: {  	[tilespmem:v57+s16+$0x0] =	vst.idx.msk $0xffff, v49;
	v43 =	vld.idx.msk [tilespmem:v43+s12+$0x0], $0xffff  }
0x2ea: {  	v47 =	vor.u32 v15, v3;
	v48 =	vor.u32 v15, v0;
	v42 =	vor.u32 v55, v1;
	v57 =	vld.idx.msk [tilespmem:v58+s12+$0x0], $0xffff  }
0x2eb: {  	v50 =	vor.u32 v15, v2;
	[tilespmem:v36+s16+$0x0] =	vst.idx.msk $0xffff, v44;
	v58 =	vor.u32 v15, v4;
	v15 =	vld [tilespmem:$0x1FB00]  }
0x2ec: {  	v44 =	vor.u32 v55, v5;
	v45 =	vld.idx.msk [tilespmem:v63+s12+$0x0], $0xffff  }
0x2ed: {  	v49 =	vor.u32 v55, v6  }
0x2ee: {  	v59 =	vsel vm0, v59, v62;
	v36 =	vsel vm0, v61, v60  }
0x2ef: {  	v60 =	vor.u32 v55, v7;
	v56 =	vcombine.low v59, v36;
	[tilespmem:v48+s16+$0x0] =	vst.idx.msk $0xffff, v14  }
0x2f0: {  	[tilespmem:v50+s16+$0x0] =	vst.idx.msk $0xffff, v43;
	v14 =	vld.idx.msk [tilespmem:v42+s12+$0x0], $0xffff;
	v42 =	vor.u32 v15, v0  }
0x2f1: {  	v43 =	vor.u32 v56, v1;
	v48 =	vor.u32 v15, v2;
	[tilespmem:v47+s16+$0x0] =	vst.idx.msk $0xffff, v45;
	v44 =	vld.idx.msk [tilespmem:v44+s12+$0x0], $0xffff  }
0x2f2: {  	v41 =	vor.u32 v56, v5;
	v46 =	vor.u32 v15, v3;
	v47 =	vld.idx.msk [tilespmem:v49+s12+$0x0], $0xffff  }
0x2f3: {  	v36 =	vor.u32 v56, v6;
	[tilespmem:v58+s16+$0x0] =	vst.idx.msk $0xffff, v57;
	v59 =	vor.u32 v15, v4;
	v15 =	vld [tilespmem:$0x1FB10]  }
0x2f4: {  	v58 =	vld.idx.msk [tilespmem:v60+s12+$0x0], $0xffff  }
0x2f5: {  	v60 =	vor.u32 v56, v7;
	[tilespmem:v42+s16+$0x0] =	vst.idx.msk $0xffff, v14  }
0x2f6: {  	[tilespmem:v48+s16+$0x0] =	vst.idx.msk $0xffff, v44;
	v14 =	vld.idx.msk [tilespmem:v43+s12+$0x0], $0xffff  }
0x2f7: {  	[tilespmem:v46+s16+$0x0] =	vst.idx.msk $0xffff, v47;
	v42 =	vld.idx.msk [tilespmem:v41+s12+$0x0], $0xffff  }
0x2f8: {  	v57 =	vcombine.low v32, v33;
	v32 =	vor.u32 v15, v0;
	v63 =	vor.u32 v15, v2;
	v36 =	vld.idx.msk [tilespmem:v36+s12+$0x0], $0xffff  }
0x2f9: {  	[tilespmem:v59+s16+$0x0] =	vst.idx.msk $0xffff, v58;
	v61 =	vor.u32 v15, v4;
	v41 =	vor.u32 v15, v3;
	v15 =	vld [tilespmem:$0x1FB20]  }
0x2fa: {  	v60 =	vld.idx.msk [tilespmem:v60+s12+$0x0], $0xffff  }
0x2fb: {  	v33 =	vor.u32 v57, v1  }
0x2fc: {  	v62 =	vor.u32 v57, v7;
	v44 =	vor.u32 v57, v5  }
0x2fd: {  	v46 =	vor.u32 v57, v6;
	v58 =	vcombine.low v34, v35;
	[tilespmem:v32+s16+$0x0] =	vst.idx.msk $0xffff, v14  }
0x2fe: {  	v32 =	vor.u32 v15, v0;
	v35 =	vor.u32 v15, v2;
	[tilespmem:v41+s16+$0x0] =	vst.idx.msk $0xffff, v36  }
0x2ff: {  	v36 =	vor.u32 v15, v3;
	[tilespmem:v61+s16+$0x0] =	vst.idx.msk $0xffff, v60;
	v61 =	vor.u32 v15, v4;
	v15 =	vld [tilespmem:$0x1FB30]  }
0x300: {  	[tilespmem:v63+s16+$0x0] =	vst.idx.msk $0xffff, v42;
	v14 =	vld.idx.msk [tilespmem:v33+s12+$0x0], $0xffff  }
0x301: {  	v63 =	vor.u32 v58, v1;
	v34 =	vld.idx.msk [tilespmem:v44+s12+$0x0], $0xffff  }
0x302: {  	v42 =	vor.u32 v58, v5;
	v43 =	vld.idx.msk [tilespmem:v46+s12+$0x0], $0xffff  }
0x303: {  	v41 =	vor.u32 v58, v6  }
0x304: {  	v60 =	vld.idx.msk [tilespmem:v62+s12+$0x0], $0xffff  }
0x305: {  	v62 =	vor.u32 v58, v7;
	[tilespmem:v32+s16+$0x0] =	vst.idx.msk $0xffff, v14  }
0x306: {  	v59 =	vcombine.low v37, v38;
	[tilespmem:v35+s16+$0x0] =	vst.idx.msk $0xffff, v34;
	v14 =	vld.idx.msk [tilespmem:v63+s12+$0x0], $0xffff  }
0x307: {  	[tilespmem:v36+s16+$0x0] =	vst.idx.msk $0xffff, v43;
	v63 =	vor.u32 v15, v0;
	v34 =	vld.idx.msk [tilespmem:v42+s12+$0x0], $0xffff  }
0x308: {  	v37 =	vor.u32 v59, v5;
	v33 =	vor.u32 v59, v1;
	v35 =	vor.u32 v15, v2;
	v38 =	vld.idx.msk [tilespmem:v41+s12+$0x0], $0xffff  }
0x309: {  	v45 =	vor.u32 v15, v4;
	v36 =	vor.u32 v15, v3;
	[tilespmem:v61+s16+$0x0] =	vst.idx.msk $0xffff, v60;
	v15 =	vld [tilespmem:$0x1FB40]  }
0x30a: {  	v43 =	vor.u32 v59, v6;
	v44 =	vld.idx.msk [tilespmem:v62+s12+$0x0], $0xffff  }
0x30b: {  	v50 =	vor.u32 v59, v7  }
0x30c: {  	[tilespmem:v63+s16+$0x0] =	vst.idx.msk $0xffff, v14  }
0x30d: {  	v60 =	vcombine.low v39, v40;
	[tilespmem:v35+s16+$0x0] =	vst.idx.msk $0xffff, v34;
	v14 =	vld.idx.msk [tilespmem:v33+s12+$0x0], $0xffff  }
0x30e: {  	v63 =	vor.u32 v15, v0;
	[tilespmem:v36+s16+$0x0] =	vst.idx.msk $0xffff, v38;
	v34 =	vld.idx.msk [tilespmem:v37+s12+$0x0], $0xffff  }
0x30f: {  	v48 =	vor.u32 v60, v1;
	v35 =	vor.u32 v15, v2;
	[tilespmem:v45+s16+$0x0] =	vst.idx.msk $0xffff, v44;
	v38 =	vld.idx.msk [tilespmem:v43+s12+$0x0], $0xffff  }
0x310: {  	v49 =	vor.u32 v15, v3;
	v37 =	vor.u32 v60, v5;
	v42 =	vld.idx.msk [tilespmem:v50+s12+$0x0], $0xffff  }
0x311: {  	v40 =	vor.u32 v60, v6;
	v50 =	vor.u32 v15, v4;
	v15 =	vld [tilespmem:$0x1FB50];
	_ =	sdelay $0x1  }
0x312: {  	v41 =	vor.u32 v60, v7;
	[tilespmem:v63+s16+$0x0] =	vst.idx.msk $0xffff, v14  }
0x313: {  	v61 =	vcombine.low v8, v9;
	[tilespmem:v35+s16+$0x0] =	vst.idx.msk $0xffff, v34;
	v63 =	vld.idx.msk [tilespmem:v48+s12+$0x0], $0xffff  }
0x314: {  	[tilespmem:v49+s16+$0x0] =	vst.idx.msk $0xffff, v38;
	v32 =	vld.idx.msk [tilespmem:v37+s12+$0x0], $0xffff  }
0x315: {  	v14 =	vor.u32 v61, v1;
	v33 =	vor.u32 v15, v2;
	v48 =	vor.u32 v15, v0;
	v35 =	vld.idx.msk [tilespmem:v40+s12+$0x0], $0xffff  }
0x316: {  	[tilespmem:v50+s16+$0x0] =	vst.idx.msk $0xffff, v42;
	v46 =	vor.u32 v15, v4;
	v37 =	vor.u32 v15, v3;
	v15 =	vld [tilespmem:$0x1FB60]  }
0x317: {  	v45 =	vld.idx.msk [tilespmem:v41+s12+$0x0], $0xffff  }
0x318: {  	v50 =	vor.u32 v61, v6  }
0x319: {  	v19 =	vld [tilespmem:$0x1FD70];
	v49 =	vor.u32 v61, v5  }
0x31a: {  	v20 =	vld [tilespmem:$0x1FD80];
	v62 =	vcombine.low v10, v11;
	v47 =	vor.u32 v61, v7;
	[tilespmem:v48+s16+$0x0] =	vst.idx.msk $0xffff, v63  }
0x31b: {  	v48 =	vor.u32 v15, v0;
	[tilespmem:v37+s16+$0x0] =	vst.idx.msk $0xffff, v35;
	v43 =	vor.u32 v15, v3;
	v8 =	vld.idx.msk [tilespmem:v14+s12+$0x0], $0xffff  }
0x31c: {  	[tilespmem:v46+s16+$0x0] =	vst.idx.msk $0xffff, v45;
	v46 =	vor.u32 v15, v4;
	v14 =	vor.u32 v15, v2;
	v15 =	vld [tilespmem:$0x1FB70]  }
0x31d: {  	[tilespmem:v33+s16+$0x0] =	vst.idx.msk $0xffff, v32;
	v50 =	vld.idx.msk [tilespmem:v50+s12+$0x0], $0xffff  }
0x31e: {  	v10 =	vor.u32 v62, v1;
	v49 =	vld.idx.msk [tilespmem:v49+s12+$0x0], $0xffff  }
0x31f: {  	v32 =	vor.u32 v62, v5;
	v45 =	vld.idx.msk [tilespmem:v47+s12+$0x0], $0xffff  }
0x320: {  	v23 =	vld [tilespmem:$0x1FDB0];
	v44 =	vor.u32 v62, v6;
	v63 =	vcombine.low v12, v13;
	v47 =	vor.u32 v62, v7  }
0x321: {  	v21 =	vld [tilespmem:$0x1FD90];
	[tilespmem:v48+s16+$0x0] =	vst.idx.msk $0xffff, v8;
	v48 =	vor.u32 v15, v0;
	v12 =	vor.u32 v15, v2  }
0x322: {  	[tilespmem:v43+s16+$0x0] =	vst.idx.msk $0xffff, v50;
	v50 =	vor.u32 v15, v3;
	v42 =	vor.u32 v15, v4;
	v15 =	vld [tilespmem:$0x1FB80]  }
0x323: {  	[tilespmem:v14+s16+$0x0] =	vst.idx.msk $0xffff, v49;
	v8 =	vld.idx.msk [tilespmem:v10+s12+$0x0], $0xffff  }
0x324: {  	v49 =	vor.u32 v63, v1;
	[tilespmem:v46+s16+$0x0] =	vst.idx.msk $0xffff, v45;
	v11 =	vld.idx.msk [tilespmem:v32+s12+$0x0], $0xffff  }
0x325: {  	v41 =	vld.idx.msk [tilespmem:v47+s12+$0x0], $0xffff  }
0x326: {  	v43 =	vor.u32 v63, v7;
	v14 =	vld.idx.msk [tilespmem:v44+s12+$0x0], $0xffff  }
0x327: {  	v22 =	vld [tilespmem:$0x1FDA0];
	v40 =	vor.u32 v63, v6  }
0x328: {  	v24 =	vld [tilespmem:$0x1FDC0];
	v13 =	vor.u32 v63, v5;
	[tilespmem:v48+s16+$0x0] =	vst.idx.msk $0xffff, v8  }
0x329: {  	v34 =	vor.u32 v15, v3;
	v38 =	vor.u32 v15, v4;
	[tilespmem:v12+s16+$0x0] =	vst.idx.msk $0xffff, v11;
	v8 =	vld.idx.msk [tilespmem:v49+s12+$0x0], $0xffff;
	v49 =	vlaneseq.u32  }
0x32a: {  	v48 =	vor.u32 v15, v0;
	v12 =	vor.u32 v15, v2;
	[tilespmem:v42+s16+$0x0] =	vst.idx.msk $0xffff, v41;
	v15 =	vld [tilespmem:$0x1FB90];
	v46 =	vor.u32 $0x30, v49  }
0x32b: {  	[tilespmem:v50+s16+$0x0] =	vst.idx.msk $0xffff, v14;
	v37 =	vld.idx.msk [tilespmem:v43+s12+$0x0], $0xffff;
	v10 =	vor.u32 v46, v1  }
0x32c: {  	v14 =	vld.idx.msk [tilespmem:v40+s12+$0x0], $0xffff;
	v47 =	vor.u32 v46, v7  }
0x32d: {  	v11 =	vld.idx.msk [tilespmem:v13+s12+$0x0], $0xffff;
	v50 =	vor.u32 v46, v6  }
0x32e: {  	v25 =	vld [tilespmem:$0x1FDD0];
	v13 =	vor.u32 v46, v5  }
0x32f: {  	v26 =	vld [tilespmem:$0x1FDE0];
	v44 =	vsel vm0, v22, v21;
	[tilespmem:v48+s16+$0x0] =	vst.idx.msk $0xffff, v8  }
0x330: {  	v43 =	vsel vm0, v20, v19;
	v48 =	vor.u32 v15, v0;
	[tilespmem:v38+s16+$0x0] =	vst.idx.msk $0xffff, v37;
	v8 =	vld.idx.msk [tilespmem:v10+s12+$0x0], $0xffff  }
0x331: {  	v41 =	vcombine.low v44, v43;
	v33 =	vor.u32 v15, v4;
	[tilespmem:v34+s16+$0x0] =	vst.idx.msk $0xffff, v14;
	v38 =	vld.idx.msk [tilespmem:v47+s12+$0x0], $0xffff  }
0x332: {  	[tilespmem:v12+s16+$0x0] =	vst.idx.msk $0xffff, v11;
	v14 =	vld.idx.msk [tilespmem:v50+s12+$0x0], $0xffff;
	v50 =	vor.u32 v15, v3  }
0x333: {  	v49 =	vor.u32 v41, v1;
	v12 =	vor.u32 v15, v2;
	v11 =	vld.idx.msk [tilespmem:v13+s12+$0x0], $0xffff  }
0x334: {  	v27 =	vld [tilespmem:$0x1FDF0];
	v13 =	vor.u32 v41, v5  }
0x335: {  	v32 =	vor.u32 v41, v6;
	v15 =	vld [tilespmem:$0x1FBA0];
	[tilespmem:v48+s16+$0x0] =	vst.idx.msk $0xffff, v8  }
0x336: {  	v34 =	vor.u32 v41, v7;
	[tilespmem:v33+s16+$0x0] =	vst.idx.msk $0xffff, v38;
	v33 =	vld [tilespmem:$0x1FE10]  }
0x337: {  	[tilespmem:v50+s16+$0x0] =	vst.idx.msk $0xffff, v14;
	v50 =	vld [tilespmem:$0x1FBB0]  }
0x338: {  	v45 =	vsel vm0, v24, v23;
	v47 =	vsel vm0, v26, v25;
	[tilespmem:v12+s16+$0x0] =	vst.idx.msk $0xffff, v11;
	v8 =	vld.idx.msk [tilespmem:v49+s12+$0x0], $0xffff  }
0x339: {  	[tilespmem:$0x1F790] =	vst v28;
	v28 =	vcombine.low v47, v45;
	v11 =	vld.idx.msk [tilespmem:v13+s12+$0x0], $0xffff  }
0x33a: {  	v9 =	vor.u32 v15, v0;
	v14 =	vld.idx.msk [tilespmem:v32+s12+$0x0], $0xffff  }
0x33b: {  	v10 =	vor.u32 v28, v1;
	v39 =	vld.idx.msk [tilespmem:v34+s12+$0x0], $0xffff  }
0x33c: {  	v32 =	vld [tilespmem:$0x1FE00]  }
0x33d: {  	v12 =	vor.u32 v15, v2;
	v34 =	vld [tilespmem:$0x1FE20]  }
0x33e: {  	v37 =	vor.u32 v15, v3  }
0x33f: {  	v40 =	vor.u32 v15, v4;
	[tilespmem:v9+s16+$0x0] =	vst.idx.msk $0xffff, v8  }
0x340: {  	v9 =	vld.idx.msk [tilespmem:v10+s12+$0x0], $0xffff;
	v10 =	vor.u32 v50, v0  }
0x341: {  	v35 =	vor.u32 v28, v7  }
0x342: {  	v29 =	vld [tilespmem:$0x1FE60];
	v48 =	vsel vm0, v32, v27;
	v49 =	vsel vm0, v34, v33;
	[tilespmem:v12+s16+$0x0] =	vst.idx.msk $0xffff, v11  }
0x343: {  	v36 =	vld [tilespmem:$0x1FE50];
	v13 =	vor.u32 v28, v5;
	[tilespmem:v37+s16+$0x0] =	vst.idx.msk $0xffff, v14;
	v30 =	vcombine.low v49, v48  }
0x344: {  	[tilespmem:v40+s16+$0x0] =	vst.idx.msk $0xffff, v39;
	v37 =	vld [tilespmem:$0x1FE40]  }
0x345: {  	v11 =	vor.u32 v30, v1;
	[tilespmem:v10+s16+$0x0] =	vst.idx.msk $0xffff, v9;
	v9 =	vld [tilespmem:$0x1FBC0]  }
0x346: {  	v38 =	vor.u32 v28, v6;
	v40 =	vld.idx.msk [tilespmem:v35+s12+$0x0], $0xffff  }
0x347: {  	v35 =	vld [tilespmem:$0x1FE30]  }
0x348: {  	v12 =	vld.idx.msk [tilespmem:v13+s12+$0x0], $0xffff;
	v13 =	vor.u32 v50, v2  }
0x349: {  	v14 =	vor.u32 v30, v5  }
0x34a: {  	v11 =	vld.idx.msk [tilespmem:v11+s12+$0x0], $0xffff;
	v18 =	vor.u32 v9, v0  }
0x34b: {  	v16 =	vor.u32 v50, v3;
	v38 =	vld.idx.msk [tilespmem:v38+s12+$0x0], $0xffff  }
0x34c: {  	v42 =	vor.u32 v50, v4;
	v8 =	vsel vm0, v29, v36;
	v50 =	vsel vm0, v37, v35  }
0x34d: {  	[tilespmem:v13+s16+$0x0] =	vst.idx.msk $0xffff, v12;
	v31 =	vcombine.low v8, v50  }
0x34e: {  	v13 =	vld.idx.msk [tilespmem:v14+s12+$0x0], $0xffff  }
0x34f: {  	v12 =	vor.u32 v31, v1;
	v14 =	vor.u32 v9, v2;
	[tilespmem:v18+s16+$0x0] =	vst.idx.msk $0xffff, v11;
	v11 =	vld [tilespmem:$0x1FBD0]  }
0x350: {  	v39 =	vor.u32 v30, v6;
	[tilespmem:v16+s16+$0x0] =	vst.idx.msk $0xffff, v38;
	v16 =	vor.u32 v31, v5  }
0x351: {  	v17 =	vor.u32 v30, v7;
	[tilespmem:v42+s16+$0x0] =	vst.idx.msk $0xffff, v40;
	v10 =	vsel vm0, v19, v22  }
0x352: {  	v15 =	vor.u32 v9, v3;
	v42 =	vor.u32 v9, v4;
	v9 =	vsel vm0, v21, v20  }
0x353: {  	v38 =	vcombine.low v10, v9  }
0x354: {  	[tilespmem:v14+s16+$0x0] =	vst.idx.msk $0xffff, v13;
	v18 =	vld.idx.msk [tilespmem:v12+s12+$0x0], $0xffff;
	v20 =	vor.u32 v11, v0  }
0x355: {  	v13 =	vor.u32 v38, v1;
	v14 =	vld.idx.msk [tilespmem:v16+s12+$0x0], $0xffff;
	v16 =	vor.u32 v11, v2  }
0x356: {  	v39 =	vld.idx.msk [tilespmem:v39+s12+$0x0], $0xffff  }
0x357: {  	v17 =	vld.idx.msk [tilespmem:v17+s12+$0x0], $0xffff;
	v40 =	vor.u32 v31, v6  }
0x358: {  	v19 =	vor.u32 v31, v7  }
0x359: {  	[tilespmem:v20+s16+$0x0] =	vst.idx.msk $0xffff, v18  }
0x35a: {  	[tilespmem:v16+s16+$0x0] =	vst.idx.msk $0xffff, v14;
	v16 =	vld.idx.msk [tilespmem:v13+s12+$0x0], $0xffff  }
0x35b: {  	[tilespmem:v15+s16+$0x0] =	vst.idx.msk $0xffff, v39;
	v13 =	vld [tilespmem:$0x1FBE0]  }
0x35c: {  	v15 =	vor.u32 v38, v5;
	[tilespmem:v42+s16+$0x0] =	vst.idx.msk $0xffff, v17;
	v40 =	vld.idx.msk [tilespmem:v40+s12+$0x0], $0xffff;
	v21 =	vor.u32 v11, v3  }
0x35d: {  	v17 =	vor.u32 v38, v6;
	v19 =	vld.idx.msk [tilespmem:v19+s12+$0x0], $0xffff;
	v42 =	vor.u32 v11, v4  }
0x35e: {  	v22 =	vor.u32 v38, v7;
	v12 =	vsel vm0, v23, v26;
	v11 =	vsel vm0, v25, v24  }
0x35f: {  	v39 =	vcombine.low v12, v11  }
0x360: {  	v26 =	vld [tilespmem:$0x1FBF0];
	v18 =	vor.u32 v13, v0  }
0x361: {  	[tilespmem:v21+s16+$0x0] =	vst.idx.msk $0xffff, v40;
	v20 =	vor.u32 v39, v1;
	v15 =	vld.idx.msk [tilespmem:v15+s12+$0x0], $0xffff;
	v21 =	vor.u32 v13, v2  }
0x362: {  	[tilespmem:v42+s16+$0x0] =	vst.idx.msk $0xffff, v19;
	v19 =	vor.u32 v39, v5;
	v17 =	vld.idx.msk [tilespmem:v17+s12+$0x0], $0xffff;
	v42 =	vor.u32 v13, v3  }
0x363: {  	v23 =	vor.u32 v39, v6;
	v22 =	vld.idx.msk [tilespmem:v22+s12+$0x0], $0xffff;
	v24 =	vor.u32 v13, v4  }
0x364: {  	v25 =	vor.u32 v39, v7  }
0x365: {  	[tilespmem:v18+s16+$0x0] =	vst.idx.msk $0xffff, v16  }
0x366: {  	v14 =	vsel vm0, v27, v34;
	v13 =	vsel vm0, v33, v32;
	[tilespmem:v21+s16+$0x0] =	vst.idx.msk $0xffff, v15;
	v15 =	vld.idx.msk [tilespmem:v20+s12+$0x0], $0xffff  }
0x367: {  	v34 =	vsel vm0, v36, v37;
	v40 =	vcombine.low v14, v13;
	[tilespmem:v42+s16+$0x0] =	vst.idx.msk $0xffff, v17;
	v17 =	vld.idx.msk [tilespmem:v19+s12+$0x0], $0xffff  }
0x368: {  	v16 =	vor.u32 v26, v0;
	[tilespmem:v24+s16+$0x0] =	vst.idx.msk $0xffff, v22;
	v22 =	vor.u32 v26, v3;
	v20 =	vld.idx.msk [tilespmem:v23+s12+$0x0], $0xffff  }
0x369: {  	v19 =	vor.u32 v26, v2;
	v23 =	vld.idx.msk [tilespmem:v25+s12+$0x0], $0xffff;
	v25 =	vor.u32 v26, v4;
	v26 =	vsel vm0, v35, v29  }
0x36a: {  	v18 =	vor.u32 v40, v1;
	v42 =	vcombine.low v26, v34;
	v26 =	vld [tilespmem:$0x1FC00]  }
0x36b: {  	v21 =	vor.u32 v40, v5  }
0x36c: {  	v24 =	vor.u32 v40, v6  }
0x36d: {  	v27 =	vor.u32 v40, v7  }
0x36e: {  	v36 =	vld [tilespmem:$0x1FC10];
	[tilespmem:v16+s16+$0x0] =	vst.idx.msk $0xffff, v15  }
0x36f: {  	[tilespmem:v19+s16+$0x0] =	vst.idx.msk $0xffff, v17;
	v15 =	vld.idx.msk [tilespmem:v18+s12+$0x0], $0xffff;
	v16 =	vor.u32 v26, v0  }
0x370: {  	[tilespmem:v22+s16+$0x0] =	vst.idx.msk $0xffff, v20;
	v17 =	vld.idx.msk [tilespmem:v21+s12+$0x0], $0xffff;
	v18 =	vor.u32 v42, v1;
	v19 =	vor.u32 v26, v2  }
0x371: {  	[tilespmem:v25+s16+$0x0] =	vst.idx.msk $0xffff, v23;
	v20 =	vld.idx.msk [tilespmem:v24+s12+$0x0], $0xffff;
	v21 =	vor.u32 v42, v5;
	v22 =	vor.u32 v26, v3  }
0x372: {  	v23 =	vld.idx.msk [tilespmem:v27+s12+$0x0], $0xffff;
	v24 =	vor.u32 v42, v6;
	v25 =	vor.u32 v26, v4  }
0x373: {  	v26 =	vor.u32 v42, v7  }
0x374: {  	v43 =	vcombine.low v43, v44;
	v37 =	vld [tilespmem:$0x1FC20];
	[tilespmem:v16+s16+$0x0] =	vst.idx.msk $0xffff, v15  }
0x375: {  	[tilespmem:v19+s16+$0x0] =	vst.idx.msk $0xffff, v17;
	v16 =	vor.u32 v36, v0;
	v15 =	vld.idx.msk [tilespmem:v18+s12+$0x0], $0xffff  }
0x376: {  	[tilespmem:v22+s16+$0x0] =	vst.idx.msk $0xffff, v20;
	v19 =	vor.u32 v36, v2;
	v17 =	vld.idx.msk [tilespmem:v21+s12+$0x0], $0xffff;
	v18 =	vor.u32 v43, v1  }
0x377: {  	[tilespmem:v25+s16+$0x0] =	vst.idx.msk $0xffff, v23;
	v22 =	vor.u32 v36, v3;
	v20 =	vld.idx.msk [tilespmem:v24+s12+$0x0], $0xffff;
	v21 =	vor.u32 v43, v5  }
0x378: {  	v25 =	vor.u32 v36, v4;
	v23 =	vld.idx.msk [tilespmem:v26+s12+$0x0], $0xffff;
	v24 =	vor.u32 v43, v6  }
0x379: {  	v26 =	vor.u32 v43, v7  }
0x37a: {  	v44 =	vcombine.low v45, v47;
	v45 =	vcombine.low v48, v49;
	v49 =	vld [tilespmem:$0x1FC30];
	[tilespmem:v16+s16+$0x0] =	vst.idx.msk $0xffff, v15  }
0x37b: {  	[tilespmem:v19+s16+$0x0] =	vst.idx.msk $0xffff, v17;
	v16 =	vor.u32 v37, v0;
	v15 =	vld.idx.msk [tilespmem:v18+s12+$0x0], $0xffff  }
0x37c: {  	[tilespmem:v22+s16+$0x0] =	vst.idx.msk $0xffff, v20;
	v19 =	vor.u32 v37, v2;
	v17 =	vld.idx.msk [tilespmem:v21+s12+$0x0], $0xffff;
	v18 =	vor.u32 v44, v1  }
0x37d: {  	[tilespmem:v25+s16+$0x0] =	vst.idx.msk $0xffff, v23;
	v22 =	vor.u32 v37, v3;
	v20 =	vld.idx.msk [tilespmem:v24+s12+$0x0], $0xffff;
	v21 =	vor.u32 v44, v5  }
0x37e: {  	v25 =	vor.u32 v37, v4;
	v23 =	vld.idx.msk [tilespmem:v26+s12+$0x0], $0xffff;
	v24 =	vor.u32 v44, v6  }
0x37f: {  	v26 =	vor.u32 v44, v7  }
0x380: {  	v33 =	vld [tilespmem:$0x1FC40];
	[tilespmem:v16+s16+$0x0] =	vst.idx.msk $0xffff, v15  }
0x381: {  	[tilespmem:v19+s16+$0x0] =	vst.idx.msk $0xffff, v17;
	v16 =	vor.u32 v49, v0;
	v15 =	vld.idx.msk [tilespmem:v18+s12+$0x0], $0xffff  }
0x382: {  	[tilespmem:v22+s16+$0x0] =	vst.idx.msk $0xffff, v20;
	v19 =	vor.u32 v49, v2;
	v17 =	vld.idx.msk [tilespmem:v21+s12+$0x0], $0xffff;
	v18 =	vor.u32 v45, v1  }
0x383: {  	[tilespmem:v25+s16+$0x0] =	vst.idx.msk $0xffff, v23;
	v22 =	vor.u32 v49, v3;
	v20 =	vld.idx.msk [tilespmem:v24+s12+$0x0], $0xffff;
	v21 =	vor.u32 v45, v5  }
0x384: {  	v25 =	vor.u32 v49, v4;
	v23 =	vld.idx.msk [tilespmem:v26+s12+$0x0], $0xffff;
	v24 =	vor.u32 v45, v6  }
0x385: {  	v26 =	vor.u32 v45, v7  }
0x386: {  	v34 =	vld [tilespmem:$0x1FC50];
	[tilespmem:v16+s16+$0x0] =	vst.idx.msk $0xffff, v15  }
0x387: {  	v47 =	vcombine.low v50, v8;
	[tilespmem:v19+s16+$0x0] =	vst.idx.msk $0xffff, v17;
	v32 =	vld.idx.msk [tilespmem:v18+s12+$0x0], $0xffff  }
0x388: {  	v15 =	vor.u32 v33, v0;
	[tilespmem:v22+s16+$0x0] =	vst.idx.msk $0xffff, v20;
	v17 =	vld.idx.msk [tilespmem:v21+s12+$0x0], $0xffff  }
0x389: {  	v16 =	vor.u32 v47, v1;
	[tilespmem:v25+s16+$0x0] =	vst.idx.msk $0xffff, v23;
	v18 =	vor.u32 v33, v2;
	v20 =	vld.idx.msk [tilespmem:v24+s12+$0x0], $0xffff  }
0x38a: {  	v19 =	vor.u32 v47, v5;
	v22 =	vld.idx.msk [tilespmem:v26+s12+$0x0], $0xffff;
	v24 =	vor.u32 v33, v4  }
0x38b: {  	v25 =	vor.u32 v47, v7;
	v21 =	vor.u32 v33, v3  }
0x38c: {  	v23 =	vor.u32 v47, v6  }
0x38d: {  	v36 =	vld [tilespmem:$0x1FC60];
	[tilespmem:v15+s16+$0x0] =	vst.idx.msk $0xffff, v32  }
0x38e: {  	[tilespmem:v18+s16+$0x0] =	vst.idx.msk $0xffff, v17;
	v8 =	vld.idx.msk [tilespmem:v16+s12+$0x0], $0xffff  }
0x38f: {  	v48 =	vcombine.low v9, v10;
	v35 =	vor.u32 v34, v0;
	[tilespmem:v24+s16+$0x0] =	vst.idx.msk $0xffff, v22;
	v15 =	vld.idx.msk [tilespmem:v19+s12+$0x0], $0xffff  }
0x390: {  	[tilespmem:v21+s16+$0x0] =	vst.idx.msk $0xffff, v20;
	v22 =	vor.u32 v34, v4;
	v20 =	vld.idx.msk [tilespmem:v25+s12+$0x0], $0xffff  }
0x391: {  	v18 =	vld.idx.msk [tilespmem:v23+s12+$0x0], $0xffff;
	v19 =	vor.u32 v34, v3;
	v23 =	vor.u32 v48, v7  }
0x392: {  	v10 =	vor.u32 v48, v1;
	v27 =	vld [tilespmem:$0x1FFA0];
	v16 =	vor.u32 v34, v2  }
0x393: {  	v26 =	vld [tilespmem:$0x1FF90];
	v17 =	vor.u32 v48, v5  }
0x394: {  	v24 =	vld [tilespmem:$0x1FF70];
	v21 =	vor.u32 v48, v6;
	[tilespmem:v35+s16+$0x0] =	vst.idx.msk $0xffff, v8  }
0x395: {  	v34 =	vld [tilespmem:$0x1FFE0];
	[tilespmem:v22+s16+$0x0] =	vst.idx.msk $0xffff, v20  }
0x396: {  	[tilespmem:v19+s16+$0x0] =	vst.idx.msk $0xffff, v18;
	v20 =	vor.u32 v36, v4;
	v19 =	vld.idx.msk [tilespmem:v23+s12+$0x0], $0xffff  }
0x397: {  	v49 =	vcombine.low v11, v12;
	[tilespmem:v16+s16+$0x0] =	vst.idx.msk $0xffff, v15;
	v8 =	vld.idx.msk [tilespmem:v10+s12+$0x0], $0xffff  }
0x398: {  	v37 =	vor.u32 v36, v0;
	v33 =	vld.idx.msk [tilespmem:v17+s12+$0x0], $0xffff  }
0x399: {  	v12 =	vor.u32 v36, v2;
	v32 =	vor.u32 v49, v1;
	v16 =	vld.idx.msk [tilespmem:v21+s12+$0x0], $0xffff  }
0x39a: {  	v15 =	vor.u32 v49, v5;
	v17 =	vor.u32 v36, v3;
	v36 =	vld [tilespmem:$0x1FFE0]  }
0x39b: {  	v18 =	vor.u32 v49, v6;
	[tilespmem:v20+s16+$0x0] =	vst.idx.msk $0xffff, v19;
	v19 =	vld [tilespmem:$0x1FFE0]  }
0x39c: {  	v25 =	vld [tilespmem:$0x1FF80];
	v21 =	vor.u32 v49, v7  }
0x39d: {  	v50 =	vcombine.low v13, v14;
	[tilespmem:v37+s16+$0x0] =	vst.idx.msk $0xffff, v8;
	v37 =	vld [tilespmem:$0x1FFF0]  }
0x39e: {  	v9 =	vor.u32 v34, v0;
	[tilespmem:v12+s16+$0x0] =	vst.idx.msk $0xffff, v33;
	v8 =	vld.idx.msk [tilespmem:v32+s12+$0x0], $0xffff  }
0x39f: {  	v1 =	vor.u32 v50, v1;
	[tilespmem:v17+s16+$0x0] =	vst.idx.msk $0xffff, v16;
	v11 =	vor.u32 v36, v2;
	v35 =	vld.idx.msk [tilespmem:v15+s12+$0x0], $0xffff  }
0x3a0: {  	v5 =	vor.u32 v50, v5;
	v12 =	vld.idx.msk [tilespmem:v18+s12+$0x0], $0xffff;
	v13 =	vor.u32 v19, v3  }
0x3a1: {  	v6 =	vor.u32 v50, v6;
	v14 =	vld.idx.msk [tilespmem:v21+s12+$0x0], $0xffff;
	v15 =	vor.u32 v19, v4  }
0x3a2: {  	v22 =	vld [tilespmem:$0x1FF50];
	v7 =	vor.u32 v50, v7  }
0x3a3: {  	v23 =	vld [tilespmem:$0x1FF60];
	[tilespmem:v9+s16+$0x0] =	vst.idx.msk $0xffff, v8  }
0x3a4: {  	v0 =	vor.u32 v37, v0;
	[tilespmem:v11+s16+$0x0] =	vst.idx.msk $0xffff, v35;
	v1 =	vld.idx.msk [tilespmem:v1+s12+$0x0], $0xffff  }
0x3a5: {  	v2 =	vor.u32 v37, v2;
	v5 =	vld.idx.msk [tilespmem:v5+s12+$0x0], $0xffff;
	[tilespmem:v13+s16+$0x0] =	vst.idx.msk $0xffff, v12  }
0x3a6: {  	v3 =	vor.u32 v37, v3;
	[tilespmem:v15+s16+$0x0] =	vst.idx.msk $0xffff, v14;
	v6 =	vld.idx.msk [tilespmem:v6+s12+$0x0], $0xffff  }
0x3a7: {  	p2 =	por p1, p1;
	v4 =	vor.u32 v37, v4;
	v7 =	vld.idx.msk [tilespmem:v7+s12+$0x0], $0xffff  }
.Ltmp2:
0x3a8: {  	v17 =	vld [tilespmem:$0x1FFC0];
	(pc) =	sbr.rel @p2 .LBB2_3-.Ltmp2, $4  }
0x3a9: {  	v16 =	vld [tilespmem:$0x1FFB0];
	[tilespmem:v0+s16+$0x0] =	vst.idx.msk $0xffff, v1  }
0x3aa: {  	v20 =	vld [tilespmem:$0x1FF30];
	[tilespmem:v2+s16+$0x0] =	vst.idx.msk $0xffff, v5  }
0x3ab: {  	v18 =	vld [tilespmem:$0x1FFD0];
	[tilespmem:v3+s16+$0x0] =	vst.idx.msk $0xffff, v6  }
0x3ac: {  	s24 =	simm.s32 $0x40;
	p1 =	por $0x0, $0x0;
	v21 =	vld [tilespmem:$0x1FF40];
	v12 =	vlaneseq.u32;
	[tilespmem:v4+s16+$0x0] =	vst.idx.msk $0xffff, v7  }
0x3ad: {  	p1 =	sne.s32 s22, $0x63  }
.Ltmp3:
0x3ae: {  	v1 =	vld [tilespmem:$0x1F790];
	s24 =	sshll.u32 s22, $0x10;
	s25 =	sand.u32 $0x2, s23;
	(pc) =	sbr.rel @p1 .LBB2_6-.Ltmp3, $4  }
0x3af: {  	v29 =	vld [tilespmem:$0x1F780];
	s24 =	sand.u32 $0x7E0000, s24;
	s25 =	sor.u32 s4, s25  }
0x3b0: {  	v37 =	vmov v31;
	v35 =	vmov v30;
	v36 =	vld [tilespmem:$0x1F770];
	s25 =	sshll.u32 s25, $0x7;
	s24 =	sadd.s32 s1, s24  }
0x3b1: {  	v34 =	vmovc v28;
	v33 =	vmovc v41;
	v32 =	vmov v46;
	v8 =	vmov v63;
	v7 =	vmov v62;
	v31 =	vld [tilespmem:$0x1F760];
	s24 =	sadd.s32 s25, s24  }
0x3b2: {  	v6 =	vmovc v61;
	v5 =	vmovc v54;
	v4 =	vmov v53;
	v3 =	vmov v52;
	v2 =	vmov v51;
	v30 =	vld [tilespmem:$0x1F750];
	[hbm4b:s24+s13] =	stream.strided.scatter [tilespmem:s16], [sflag:$0x3], $0x2000, s9, s13, $0x38  }
.Ltmp4:
0x3b3: {  	(pc) =	sbr.rel .LBB2_7-.Ltmp4, $4  }
0x3b4: {  	_ = 	snop  }
0x3b5: {  	_ =	swait.ge [sflag:s17], $0x2000  }
0x3b6: {  	[sflag:s17] =	ssyncset.done $0x0  }
0x3b7: {  	v10 =	vmovc v33;
	v11 =	vmov v34;
	v13 =	vmov v35;
	v14 =	vmov v37;
	[sflag:s17] =	ssyncadd.s32 $0xFFFFE000  }
.LBB2_6:
0x3b8: {  	s25 =	sadd.s32 $0x2, s23  }
0x3b9: {  	s26 =	sshll.u32 s25, $0xA;
	s28 =	sshll.u32 s25, $0x7  }
0x3ba: {  	s25 =	sshll.u32 s25, $0x5;
	s26 =	sand.u32 $0x800, s26;
	s28 =	sand.u32 $0xF000, s28  }
0x3bb: {  	s25 =	sand.u32 $0x380, s25;
	s26 =	sor.u32 s26, s28  }
.Ltmp5:
0x3bc: {  	s25 =	sor.u32 s25, s26;
	(pc) =	sbr.rel @p0 .LBB2_8-.Ltmp5, $4  }
0x3bd: {  	[tilespmem:s12], [sflag:$0x1] =	stream.indirect.gather [hbm4b:s5+s11], $0x40, s25, s11, $0xb8;
	[tilespmem:$0xF000] =	vst v63  }
0x3be: {  	_ =	swait.ge [sflag:s17], $0x2000  }
0x3bf: {  	[sflag:s17] =	ssyncset.done $0x0  }
0x3c0: {  	v10 =	vmovc v33;
	v11 =	vmov v34;
	v13 =	vmov v35;
	v14 =	vmov v37;
	[sflag:s17] =	ssyncadd.s32 $0xFFFFE000  }
.LBB2_7:
0x3c1: {  	_ =	swait.ge [sflag:s18], $0x2000  }
0x3c2: {  	[sflag:s18] =	ssyncset.done $0x0  }
0x3c3: {  	[sflag:s18] =	ssyncadd.s32 $0xFFFFE000  }
.LBB2_8:
0x3c4: {  	v28 =	vmov v30;
	v30 =	vmov v31;
	v31 =	vmov v36  }
0x3c5: {  	v36 =	vmovc v29;
	v29 =	vmovc v1;
	v51 =	vmov v2;
	v52 =	vmov v3;
	v53 =	vmov v4  }
0x3c6: {  	v54 =	vmovc v5;
	v61 =	vmovc v55;
	v55 =	vmov v56;
	v56 =	vmov v57;
	v57 =	vmov v58  }
0x3c7: {  	v58 =	vmovc v59;
	v59 =	vmovc v60;
	v60 =	vmov v6;
	v62 =	vmov v7;
	v63 =	vmov v8  }
0x3c8: {  	s25 =	simm.s32 $0x0;
	p0 =	por $0x1, $0x1;
	v33 =	vmovc v32;
	v34 =	vmovc v10;
	v35 =	vmov v11;
	v37 =	vmov v13;
	v41 =	vmov v14  }
.LBB2_9:
0x3c9: {  	v0 =	vor.u32 s25, v12  }
0x3ca: {  	v1 =	vshll.u32 v0, $0x6  }
0x3cb: {  	v2 =	vor.u32 v12, v1;
	_ =	sdelay $0x3  }
0x3cc: {  	v0 =	vand.u32 $0x48, v0  }
0x3cd: {  	v3 =	vor.u32 v20, v0;
	v2 =	vld.idx.msk [tilespmem:v2+s14+$0x0], $0xffff  }
0x3ce: {  	v4 =	vor.u32 v21, v1;
	_ =	sdelay $0x3  }
0x3cf: {  	[tilespmem:v3+s19+$0x0] =	vst.idx.msk $0xffff, v2  }
0x3d0: {  	v16 =	vor.u32 v22, v0;
	v2 =	vld.idx.msk [tilespmem:v4+s14+$0x0], $0xffff  }
0x3d1: {  	v17 =	vor.u32 v23, v1;
	_ =	sdelay $0x3  }
0x3d2: {  	[tilespmem:v16+s19+$0x0] =	vst.idx.msk $0xffff, v2  }
0x3d3: {  	v32 =	vor.u32 v24, v0;
	v2 =	vld.idx.msk [tilespmem:v17+s14+$0x0], $0xffff  }
0x3d4: {  	v46 =	vor.u32 v25, v1;
	_ =	sdelay $0x3  }
0x3d5: {  	[tilespmem:v32+s19+$0x0] =	vst.idx.msk $0xffff, v2  }
0x3d6: {  	v8 =	vor.u32 v26, v0;
	v2 =	vld.idx.msk [tilespmem:v46+s14+$0x0], $0xffff  }
0x3d7: {  	v18 =	vld [tilespmem:$0x1F7A0];
	v9 =	vor.u32 v27, v1  }
0x3d8: {  	v19 =	vld [tilespmem:$0x1F7B0];
	_ =	sdelay $0x2  }
0x3d9: {  	[tilespmem:v8+s19+$0x0] =	vst.idx.msk $0xffff, v2  }
0x3da: {  	v10 =	vor.u32 v18, v0;
	v2 =	vld.idx.msk [tilespmem:v9+s14+$0x0], $0xffff  }
0x3db: {  	v11 =	vor.u32 v19, v1;
	v46 =	vld [tilespmem:$0x1F7C0];
	_ =	sdelay $0x2  }
0x3dc: {  	s26 =	sor.u32 $0x10, s25  }
0x3dd: {  	s30 =	sor.u32 $0x20, s25;
	v17 =	vor.u32 s26, v12;
	[tilespmem:v10+s19+$0x0] =	vst.idx.msk $0xffff, v2  }
0x3de: {  	s31 =	sor.u32 $0x30, s25;
	v5 =	vshll.u32 v17, $0x6;
	v16 =	vor.u32 v46, v0;
	v9 =	vor.u32 s30, v12;
	v2 =	vld.idx.msk [tilespmem:v11+s14+$0x0], $0xffff  }
0x3df: {  	v6 =	vshll.u32 v9, $0x6;
	v10 =	vor.u32 v12, v5;
	v11 =	vor.u32 s31, v12  }
0x3e0: {  	v13 =	vlaneseq.u32;
	v12 =	vor.u32 v12, v6;
	v7 =	vshll.u32 v11, $0x6  }
0x3e1: {  	v13 =	vor.u32 v13, v7;
	_ =	sdelay $0x1  }
0x3e2: {  	[tilespmem:v16+s19+$0x0] =	vst.idx.msk $0xffff, v2;
	v2 =	vand.u32 $0x58, v17  }
0x3e3: {  	v3 =	vand.u32 $0x68, v9;
	v10 =	vld.idx.msk [tilespmem:v10+s14+$0x0], $0xffff;
	v14 =	vor.u32 v20, v2  }
0x3e4: {  	v9 =	vor.u32 v21, v5;
	v15 =	vor.u32 v20, v3;
	v4 =	vand.u32 $0x78, v11;
	v12 =	vld.idx.msk [tilespmem:v12+s14+$0x0], $0xffff  }
0x3e5: {  	v11 =	vor.u32 v21, v6;
	v16 =	vor.u32 v20, v4;
	v13 =	vld.idx.msk [tilespmem:v13+s14+$0x0], $0xffff  }
0x3e6: {  	v17 =	vor.u32 v21, v7;
	_ =	sdelay $0x1  }
0x3e7: {  	[tilespmem:v14+s19+$0x0] =	vst.idx.msk $0xffff, v10  }
0x3e8: {  	[tilespmem:v15+s19+$0x0] =	vst.idx.msk $0xffff, v12;
	v10 =	vor.u32 v22, v2;
	v9 =	vld.idx.msk [tilespmem:v9+s14+$0x0], $0xffff  }
0x3e9: {  	v12 =	vor.u32 v23, v5;
	v11 =	vld.idx.msk [tilespmem:v11+s14+$0x0], $0xffff;
	v14 =	vor.u32 v22, v3;
	[tilespmem:v16+s19+$0x0] =	vst.idx.msk $0xffff, v13  }
0x3ea: {  	v13 =	vor.u32 v23, v6;
	v16 =	vor.u32 v22, v4;
	v15 =	vld.idx.msk [tilespmem:v17+s14+$0x0], $0xffff  }
0x3eb: {  	v17 =	vor.u32 v23, v7;
	_ =	sdelay $0x1  }
0x3ec: {  	[tilespmem:v10+s19+$0x0] =	vst.idx.msk $0xffff, v9  }
0x3ed: {  	[tilespmem:v14+s19+$0x0] =	vst.idx.msk $0xffff, v11;
	v10 =	vor.u32 v24, v2;
	v9 =	vld.idx.msk [tilespmem:v12+s14+$0x0], $0xffff  }
0x3ee: {  	v11 =	vor.u32 v25, v5;
	v12 =	vld.idx.msk [tilespmem:v13+s14+$0x0], $0xffff;
	v13 =	vor.u32 v24, v3;
	[tilespmem:v16+s19+$0x0] =	vst.idx.msk $0xffff, v15  }
0x3ef: {  	v14 =	vor.u32 v25, v6;
	v16 =	vor.u32 v24, v4;
	v15 =	vld.idx.msk [tilespmem:v17+s14+$0x0], $0xffff  }
0x3f0: {  	v17 =	vor.u32 v25, v7;
	_ =	sdelay $0x1  }
0x3f1: {  	v32 =	vld [tilespmem:$0x1F7D0];
	[tilespmem:v10+s19+$0x0] =	vst.idx.msk $0xffff, v9  }
0x3f2: {  	v10 =	vor.u32 v26, v2;
	[tilespmem:v13+s19+$0x0] =	vst.idx.msk $0xffff, v12;
	v9 =	vld.idx.msk [tilespmem:v11+s14+$0x0], $0xffff  }
0x3f3: {  	v13 =	vor.u32 v26, v3;
	v11 =	vor.u32 v27, v5;
	v12 =	vld.idx.msk [tilespmem:v14+s14+$0x0], $0xffff;
	[tilespmem:v16+s19+$0x0] =	vst.idx.msk $0xffff, v15  }
0x3f4: {  	v14 =	vor.u32 v27, v6;
	v16 =	vor.u32 v26, v4;
	v15 =	vld.idx.msk [tilespmem:v17+s14+$0x0], $0xffff  }
0x3f5: {  	v17 =	vor.u32 v27, v7;
	_ =	sdelay $0x1  }
0x3f6: {  	[tilespmem:v10+s19+$0x0] =	vst.idx.msk $0xffff, v9  }
0x3f7: {  	[tilespmem:v13+s19+$0x0] =	vst.idx.msk $0xffff, v12;
	v9 =	vld.idx.msk [tilespmem:v11+s14+$0x0], $0xffff  }
0x3f8: {  	v8 =	vor.u32 v32, v1;
	v10 =	vor.u32 v18, v2;
	v12 =	vld.idx.msk [tilespmem:v14+s14+$0x0], $0xffff;
	[tilespmem:v16+s19+$0x0] =	vst.idx.msk $0xffff, v15  }
0x3f9: {  	v13 =	vor.u32 v18, v3;
	v11 =	vor.u32 v19, v5;
	v15 =	vld.idx.msk [tilespmem:v17+s14+$0x0], $0xffff  }
0x3fa: {  	v14 =	vor.u32 v19, v6;
	v16 =	vor.u32 v18, v4;
	v17 =	vor.u32 v19, v7;
	v19 =	vld [tilespmem:$0x1F7E0];
	_ =	sdelay $0x2  }
0x3fb: {  	v8 =	vld.idx.msk [tilespmem:v8+s14+$0x0], $0xffff;
	[tilespmem:v10+s19+$0x0] =	vst.idx.msk $0xffff, v9  }
0x3fc: {  	v10 =	vor.u32 v46, v2;
	[tilespmem:v13+s19+$0x0] =	vst.idx.msk $0xffff, v12;
	v9 =	vld.idx.msk [tilespmem:v11+s14+$0x0], $0xffff  }
0x3fd: {  	v12 =	vld.idx.msk [tilespmem:v14+s14+$0x0], $0xffff;
	[tilespmem:v16+s19+$0x0] =	vst.idx.msk $0xffff, v15;
	v18 =	vor.u32 v19, v0  }
0x3fe: {  	v13 =	vor.u32 v46, v3;
	v11 =	vor.u32 v32, v5;
	v15 =	vld.idx.msk [tilespmem:v17+s14+$0x0], $0xffff  }
0x3ff: {  	v14 =	vor.u32 v32, v6;
	v16 =	vor.u32 v46, v4;
	v17 =	vor.u32 v32, v7;
	v32 =	vld [tilespmem:$0x1F7F0];
	_ =	sdelay $0x1  }
0x400: {  	[tilespmem:v10+s19+$0x0] =	vst.idx.msk $0xffff, v9  }
0x401: {  	[tilespmem:v18+s19+$0x0] =	vst.idx.msk $0xffff, v8;
	v18 =	vld [tilespmem:$0x1F800]  }
0x402: {  	[tilespmem:v13+s19+$0x0] =	vst.idx.msk $0xffff, v12;
	v10 =	vld.idx.msk [tilespmem:v11+s14+$0x0], $0xffff  }
0x403: {  	v46 =	vor.u32 v19, v2;
	v9 =	vor.u32 v32, v1;
	v13 =	vld.idx.msk [tilespmem:v14+s14+$0x0], $0xffff;
	[tilespmem:v16+s19+$0x0] =	vst.idx.msk $0xffff, v15  }
0x404: {  	v12 =	vor.u32 v32, v5;
	v14 =	vor.u32 v19, v3;
	v16 =	vld.idx.msk [tilespmem:v17+s14+$0x0], $0xffff  }
0x405: {  	v15 =	vor.u32 v32, v6;
	v17 =	vor.u32 v19, v4;
	v19 =	vor.u32 v32, v7;
	v32 =	vld [tilespmem:$0x1F810];
	_ =	sdelay $0x2  }
0x406: {  	v8 =	vld.idx.msk [tilespmem:v9+s14+$0x0], $0xffff;
	[tilespmem:v46+s19+$0x0] =	vst.idx.msk $0xffff, v10  }
0x407: {  	v9 =	vor.u32 v18, v0;
	[tilespmem:v14+s19+$0x0] =	vst.idx.msk $0xffff, v13;
	v11 =	vld.idx.msk [tilespmem:v12+s14+$0x0], $0xffff  }
0x408: {  	v46 =	vor.u32 v32, v1;
	v14 =	vld.idx.msk [tilespmem:v15+s14+$0x0], $0xffff;
	[tilespmem:v17+s19+$0x0] =	vst.idx.msk $0xffff, v16  }
0x409: {  	v12 =	vor.u32 v18, v2;
	v13 =	vor.u32 v32, v5;
	v17 =	vld.idx.msk [tilespmem:v19+s14+$0x0], $0xffff  }
0x40a: {  	v15 =	vor.u32 v18, v3;
	v16 =	vor.u32 v32, v6;
	v19 =	vor.u32 v32, v7;
	v32 =	vld [tilespmem:$0x1F820];
	_ =	sdelay $0x1  }
0x40b: {  	v18 =	vor.u32 v18, v4;
	[tilespmem:v9+s19+$0x0] =	vst.idx.msk $0xffff, v8  }
0x40c: {  	v8 =	vld.idx.msk [tilespmem:v46+s14+$0x0], $0xffff  }
0x40d: {  	[tilespmem:v12+s19+$0x0] =	vst.idx.msk $0xffff, v11;
	v46 =	vld [tilespmem:$0x1F830]  }
0x40e: {  	[tilespmem:v15+s19+$0x0] =	vst.idx.msk $0xffff, v14;
	v9 =	vor.u32 v32, v0;
	v11 =	vld.idx.msk [tilespmem:v13+s14+$0x0], $0xffff  }
0x40f: {  	v12 =	vor.u32 v32, v2;
	v14 =	vld.idx.msk [tilespmem:v16+s14+$0x0], $0xffff  }
0x410: {  	v15 =	vor.u32 v32, v3;
	[tilespmem:v18+s19+$0x0] =	vst.idx.msk $0xffff, v17;
	v18 =	vor.u32 v32, v4;
	v32 =	vld [tilespmem:$0x1F840]  }
0x411: {  	v17 =	vld.idx.msk [tilespmem:v19+s14+$0x0], $0xffff  }
0x412: {  	v10 =	vor.u32 v46, v1  }
0x413: {  	v13 =	vor.u32 v46, v5;
	[tilespmem:v9+s19+$0x0] =	vst.idx.msk $0xffff, v8  }
0x414: {  	v16 =	vor.u32 v46, v6;
	v19 =	vor.u32 v46, v7;
	[tilespmem:v12+s19+$0x0] =	vst.idx.msk $0xffff, v11  }
0x415: {  	v46 =	vld [tilespmem:$0x1F850];
	v9 =	vor.u32 v32, v0;
	v12 =	vor.u32 v32, v2;
	[tilespmem:v15+s19+$0x0] =	vst.idx.msk $0xffff, v14  }
0x416: {  	v15 =	vor.u32 v32, v3;
	[tilespmem:v18+s19+$0x0] =	vst.idx.msk $0xffff, v17;
	v18 =	vor.u32 v32, v4;
	v32 =	vld [tilespmem:$0x1F860]  }
0x417: {  	v8 =	vld.idx.msk [tilespmem:v10+s14+$0x0], $0xffff  }
0x418: {  	v11 =	vld.idx.msk [tilespmem:v13+s14+$0x0], $0xffff  }
0x419: {  	v14 =	vld.idx.msk [tilespmem:v16+s14+$0x0], $0xffff  }
0x41a: {  	v10 =	vor.u32 v46, v1;
	v17 =	vld.idx.msk [tilespmem:v19+s14+$0x0], $0xffff  }
0x41b: {  	v13 =	vor.u32 v46, v5;
	v16 =	vor.u32 v46, v6;
	v19 =	vor.u32 v46, v7;
	v46 =	vld [tilespmem:$0x1F870];
	_ =	sdelay $0x2  }
0x41c: {  	[tilespmem:v9+s19+$0x0] =	vst.idx.msk $0xffff, v8  }
0x41d: {  	v9 =	vor.u32 v32, v0;
	v8 =	vld.idx.msk [tilespmem:v10+s14+$0x0], $0xffff  }
0x41e: {  	v10 =	vor.u32 v46, v1  }
0x41f: {  	[tilespmem:v12+s19+$0x0] =	vst.idx.msk $0xffff, v11  }
0x420: {  	[tilespmem:v15+s19+$0x0] =	vst.idx.msk $0xffff, v14;
	v11 =	vld.idx.msk [tilespmem:v13+s14+$0x0], $0xffff  }
0x421: {  	[tilespmem:v18+s19+$0x0] =	vst.idx.msk $0xffff, v17;
	v14 =	vld.idx.msk [tilespmem:v16+s14+$0x0], $0xffff  }
0x422: {  	v17 =	vld.idx.msk [tilespmem:v19+s14+$0x0], $0xffff;
	[tilespmem:v9+s19+$0x0] =	vst.idx.msk $0xffff, v8  }
0x423: {  	v12 =	vor.u32 v32, v2;
	v8 =	vld.idx.msk [tilespmem:v10+s14+$0x0], $0xffff  }
0x424: {  	v15 =	vor.u32 v32, v3;
	v18 =	vor.u32 v32, v4;
	v13 =	vor.u32 v46, v5;
	v32 =	vld [tilespmem:$0x1F880]  }
0x425: {  	v16 =	vor.u32 v46, v6;
	_ =	sdelay $0x1  }
0x426: {  	v19 =	vor.u32 v46, v7  }
0x427: {  	[tilespmem:v12+s19+$0x0] =	vst.idx.msk $0xffff, v11;
	v46 =	vld [tilespmem:$0x1F890]  }
0x428: {  	[tilespmem:v15+s19+$0x0] =	vst.idx.msk $0xffff, v14;
	v11 =	vld.idx.msk [tilespmem:v13+s14+$0x0], $0xffff;
	v9 =	vor.u32 v32, v0  }
0x429: {  	v14 =	vld.idx.msk [tilespmem:v16+s14+$0x0], $0xffff;
	v12 =	vor.u32 v32, v2  }
0x42a: {  	[tilespmem:v18+s19+$0x0] =	vst.idx.msk $0xffff, v17;
	v15 =	vor.u32 v32, v3;
	v18 =	vor.u32 v32, v4;
	v32 =	vld [tilespmem:$0x1F8A0]  }
0x42b: {  	v17 =	vld.idx.msk [tilespmem:v19+s14+$0x0], $0xffff  }
0x42c: {  	v10 =	vor.u32 v46, v1  }
0x42d: {  	v13 =	vor.u32 v46, v5;
	[tilespmem:v9+s19+$0x0] =	vst.idx.msk $0xffff, v8  }
0x42e: {  	v16 =	vor.u32 v46, v6;
	v19 =	vor.u32 v46, v7;
	[tilespmem:v12+s19+$0x0] =	vst.idx.msk $0xffff, v11  }
0x42f: {  	v46 =	vld [tilespmem:$0x1F8B0];
	v9 =	vor.u32 v32, v0;
	v12 =	vor.u32 v32, v2;
	[tilespmem:v15+s19+$0x0] =	vst.idx.msk $0xffff, v14  }
0x430: {  	v15 =	vor.u32 v32, v3;
	[tilespmem:v18+s19+$0x0] =	vst.idx.msk $0xffff, v17;
	v18 =	vor.u32 v32, v4;
	v32 =	vld [tilespmem:$0x1F8C0]  }
0x431: {  	v8 =	vld.idx.msk [tilespmem:v10+s14+$0x0], $0xffff  }
0x432: {  	v11 =	vld.idx.msk [tilespmem:v13+s14+$0x0], $0xffff  }
0x433: {  	v14 =	vld.idx.msk [tilespmem:v16+s14+$0x0], $0xffff  }
0x434: {  	v17 =	vld.idx.msk [tilespmem:v19+s14+$0x0], $0xffff  }
0x435: {  	v10 =	vor.u32 v46, v1  }
0x436: {  	v13 =	vor.u32 v46, v5;
	[tilespmem:v9+s19+$0x0] =	vst.idx.msk $0xffff, v8  }
0x437: {  	v16 =	vor.u32 v46, v6;
	v19 =	vor.u32 v46, v7;
	[tilespmem:v12+s19+$0x0] =	vst.idx.msk $0xffff, v11  }
0x438: {  	v46 =	vld [tilespmem:$0x1F8D0];
	v9 =	vor.u32 v32, v0;
	v12 =	vor.u32 v32, v2;
	[tilespmem:v15+s19+$0x0] =	vst.idx.msk $0xffff, v14  }
0x439: {  	v15 =	vor.u32 v32, v3;
	[tilespmem:v18+s19+$0x0] =	vst.idx.msk $0xffff, v17;
	v18 =	vor.u32 v32, v4;
	v32 =	vld [tilespmem:$0x1F8E0]  }
0x43a: {  	v8 =	vld.idx.msk [tilespmem:v10+s14+$0x0], $0xffff  }
0x43b: {  	v11 =	vld.idx.msk [tilespmem:v13+s14+$0x0], $0xffff  }
0x43c: {  	v14 =	vld.idx.msk [tilespmem:v16+s14+$0x0], $0xffff  }
0x43d: {  	v17 =	vld.idx.msk [tilespmem:v19+s14+$0x0], $0xffff  }
0x43e: {  	v10 =	vor.u32 v46, v1  }
0x43f: {  	v13 =	vor.u32 v46, v5;
	[tilespmem:v9+s19+$0x0] =	vst.idx.msk $0xffff, v8  }
0x440: {  	v16 =	vor.u32 v46, v6;
	v19 =	vor.u32 v46, v7;
	[tilespmem:v12+s19+$0x0] =	vst.idx.msk $0xffff, v11  }
0x441: {  	v46 =	vld [tilespmem:$0x1F8F0];
	v9 =	vor.u32 v32, v0;
	v12 =	vor.u32 v32, v2;
	[tilespmem:v15+s19+$0x0] =	vst.idx.msk $0xffff, v14  }
0x442: {  	v15 =	vor.u32 v32, v3;
	[tilespmem:v18+s19+$0x0] =	vst.idx.msk $0xffff, v17;
	v18 =	vor.u32 v32, v4;
	v32 =	vld [tilespmem:$0x1F900]  }
0x443: {  	v8 =	vld.idx.msk [tilespmem:v10+s14+$0x0], $0xffff  }
0x444: {  	v11 =	vld.idx.msk [tilespmem:v13+s14+$0x0], $0xffff  }
0x445: {  	v14 =	vld.idx.msk [tilespmem:v16+s14+$0x0], $0xffff  }
0x446: {  	v17 =	vld.idx.msk [tilespmem:v19+s14+$0x0], $0xffff  }
0x447: {  	v10 =	vor.u32 v46, v1  }
0x448: {  	v13 =	vor.u32 v46, v5;
	[tilespmem:v9+s19+$0x0] =	vst.idx.msk $0xffff, v8  }
0x449: {  	v16 =	vor.u32 v46, v6;
	v19 =	vor.u32 v46, v7;
	[tilespmem:v12+s19+$0x0] =	vst.idx.msk $0xffff, v11  }
0x44a: {  	v46 =	vld [tilespmem:$0x1FEC0];
	v9 =	vor.u32 v32, v0;
	v12 =	vor.u32 v32, v2;
	[tilespmem:v15+s19+$0x0] =	vst.idx.msk $0xffff, v14  }
0x44b: {  	v15 =	vor.u32 v32, v3;
	[tilespmem:v18+s19+$0x0] =	vst.idx.msk $0xffff, v17;
	v18 =	vor.u32 v32, v4;
	v32 =	vld [tilespmem:$0x1F910]  }
0x44c: {  	v8 =	vld.idx.msk [tilespmem:v10+s14+$0x0], $0xffff  }
0x44d: {  	v11 =	vld.idx.msk [tilespmem:v13+s14+$0x0], $0xffff  }
0x44e: {  	v14 =	vld.idx.msk [tilespmem:v16+s14+$0x0], $0xffff  }
0x44f: {  	v17 =	vld.idx.msk [tilespmem:v19+s14+$0x0], $0xffff  }
0x450: {  	v10 =	vor.u32 v46, v1  }
0x451: {  	v13 =	vor.u32 v46, v5;
	[tilespmem:v9+s19+$0x0] =	vst.idx.msk $0xffff, v8  }
0x452: {  	v16 =	vor.u32 v46, v6;
	v19 =	vor.u32 v46, v7;
	[tilespmem:v12+s19+$0x0] =	vst.idx.msk $0xffff, v11  }
0x453: {  	v46 =	vld [tilespmem:$0x1FEF0];
	v9 =	vor.u32 v32, v0;
	v12 =	vor.u32 v32, v2;
	[tilespmem:v15+s19+$0x0] =	vst.idx.msk $0xffff, v14  }
0x454: {  	v15 =	vor.u32 v32, v3;
	[tilespmem:v18+s19+$0x0] =	vst.idx.msk $0xffff, v17;
	v18 =	vor.u32 v32, v4;
	v32 =	vld [tilespmem:$0x1F920]  }
0x455: {  	v8 =	vld.idx.msk [tilespmem:v10+s14+$0x0], $0xffff  }
0x456: {  	v11 =	vld.idx.msk [tilespmem:v13+s14+$0x0], $0xffff  }
0x457: {  	v14 =	vld.idx.msk [tilespmem:v16+s14+$0x0], $0xffff  }
0x458: {  	v17 =	vld.idx.msk [tilespmem:v19+s14+$0x0], $0xffff  }
0x459: {  	v10 =	vor.u32 v46, v1  }
0x45a: {  	v13 =	vor.u32 v46, v5;
	[tilespmem:v9+s19+$0x0] =	vst.idx.msk $0xffff, v8  }
0x45b: {  	v16 =	vor.u32 v46, v6;
	v19 =	vor.u32 v46, v7;
	[tilespmem:v12+s19+$0x0] =	vst.idx.msk $0xffff, v11  }
0x45c: {  	v46 =	vld [tilespmem:$0x1FF20];
	v9 =	vor.u32 v32, v0;
	v12 =	vor.u32 v32, v2;
	[tilespmem:v15+s19+$0x0] =	vst.idx.msk $0xffff, v14  }
0x45d: {  	v15 =	vor.u32 v32, v3;
	[tilespmem:v18+s19+$0x0] =	vst.idx.msk $0xffff, v17;
	v18 =	vor.u32 v32, v4;
	v32 =	vld [tilespmem:$0x1F930]  }
0x45e: {  	v8 =	vld.idx.msk [tilespmem:v10+s14+$0x0], $0xffff  }
0x45f: {  	v11 =	vld.idx.msk [tilespmem:v13+s14+$0x0], $0xffff  }
0x460: {  	v14 =	vld.idx.msk [tilespmem:v16+s14+$0x0], $0xffff  }
0x461: {  	v17 =	vld.idx.msk [tilespmem:v19+s14+$0x0], $0xffff  }
0x462: {  	v10 =	vor.u32 v46, v1  }
0x463: {  	v13 =	vor.u32 v46, v5;
	[tilespmem:v9+s19+$0x0] =	vst.idx.msk $0xffff, v8  }
0x464: {  	v16 =	vor.u32 v46, v6;
	v19 =	vor.u32 v46, v7;
	[tilespmem:v12+s19+$0x0] =	vst.idx.msk $0xffff, v11  }
0x465: {  	v46 =	vld [tilespmem:$0x1F6A0];
	v9 =	vor.u32 v32, v0;
	v12 =	vor.u32 v32, v2;
	[tilespmem:v15+s19+$0x0] =	vst.idx.msk $0xffff, v14  }
0x466: {  	v15 =	vor.u32 v32, v3;
	[tilespmem:v18+s19+$0x0] =	vst.idx.msk $0xffff, v17;
	v18 =	vor.u32 v32, v4;
	v32 =	vld [tilespmem:$0x1F980]  }
0x467: {  	v8 =	vld.idx.msk [tilespmem:v10+s14+$0x0], $0xffff  }
0x468: {  	v11 =	vld.idx.msk [tilespmem:v13+s14+$0x0], $0xffff  }
0x469: {  	v14 =	vld.idx.msk [tilespmem:v16+s14+$0x0], $0xffff  }
0x46a: {  	v17 =	vld.idx.msk [tilespmem:v19+s14+$0x0], $0xffff  }
0x46b: {  	v10 =	vor.u32 v46, v1  }
0x46c: {  	v13 =	vor.u32 v46, v5;
	[tilespmem:v9+s19+$0x0] =	vst.idx.msk $0xffff, v8  }
0x46d: {  	v16 =	vor.u32 v46, v6;
	v19 =	vor.u32 v46, v7;
	[tilespmem:v12+s19+$0x0] =	vst.idx.msk $0xffff, v11  }
0x46e: {  	v46 =	vld [tilespmem:$0x1F6B0];
	v9 =	vor.u32 v32, v0;
	v12 =	vor.u32 v32, v2;
	[tilespmem:v15+s19+$0x0] =	vst.idx.msk $0xffff, v14  }
0x46f: {  	v15 =	vor.u32 v32, v3;
	[tilespmem:v18+s19+$0x0] =	vst.idx.msk $0xffff, v17;
	v18 =	vor.u32 v32, v4;
	v32 =	vld [tilespmem:$0x1F9D0]  }
0x470: {  	v8 =	vld.idx.msk [tilespmem:v10+s14+$0x0], $0xffff  }
0x471: {  	v11 =	vld.idx.msk [tilespmem:v13+s14+$0x0], $0xffff  }
0x472: {  	v14 =	vld.idx.msk [tilespmem:v16+s14+$0x0], $0xffff  }
0x473: {  	v17 =	vld.idx.msk [tilespmem:v19+s14+$0x0], $0xffff  }
0x474: {  	v10 =	vor.u32 v46, v1  }
0x475: {  	v13 =	vor.u32 v46, v5;
	[tilespmem:v9+s19+$0x0] =	vst.idx.msk $0xffff, v8  }
0x476: {  	v16 =	vor.u32 v46, v6;
	v19 =	vor.u32 v46, v7;
	[tilespmem:v12+s19+$0x0] =	vst.idx.msk $0xffff, v11  }
0x477: {  	v46 =	vld [tilespmem:$0x1F6C0];
	v9 =	vor.u32 v32, v0;
	v12 =	vor.u32 v32, v2;
	[tilespmem:v15+s19+$0x0] =	vst.idx.msk $0xffff, v14  }
0x478: {  	v15 =	vor.u32 v32, v3;
	[tilespmem:v18+s19+$0x0] =	vst.idx.msk $0xffff, v17;
	v18 =	vor.u32 v32, v4;
	v32 =	vld [tilespmem:$0x1F9E0]  }
0x479: {  	v8 =	vld.idx.msk [tilespmem:v10+s14+$0x0], $0xffff  }
0x47a: {  	v11 =	vld.idx.msk [tilespmem:v13+s14+$0x0], $0xffff  }
0x47b: {  	v14 =	vld.idx.msk [tilespmem:v16+s14+$0x0], $0xffff  }
0x47c: {  	v17 =	vld.idx.msk [tilespmem:v19+s14+$0x0], $0xffff  }
0x47d: {  	v10 =	vor.u32 v46, v1  }
0x47e: {  	v13 =	vor.u32 v46, v5;
	[tilespmem:v9+s19+$0x0] =	vst.idx.msk $0xffff, v8  }
0x47f: {  	v16 =	vor.u32 v46, v6;
	v19 =	vor.u32 v46, v7;
	[tilespmem:v12+s19+$0x0] =	vst.idx.msk $0xffff, v11  }
0x480: {  	v46 =	vld [tilespmem:$0x1F6D0];
	v9 =	vor.u32 v32, v0;
	v12 =	vor.u32 v32, v2;
	[tilespmem:v15+s19+$0x0] =	vst.idx.msk $0xffff, v14  }
0x481: {  	v15 =	vor.u32 v32, v3;
	[tilespmem:v18+s19+$0x0] =	vst.idx.msk $0xffff, v17;
	v18 =	vor.u32 v32, v4;
	v32 =	vld [tilespmem:$0x1F9F0]  }
0x482: {  	v8 =	vld.idx.msk [tilespmem:v10+s14+$0x0], $0xffff  }
0x483: {  	v11 =	vld.idx.msk [tilespmem:v13+s14+$0x0], $0xffff  }
0x484: {  	v14 =	vld.idx.msk [tilespmem:v16+s14+$0x0], $0xffff  }
0x485: {  	v17 =	vld.idx.msk [tilespmem:v19+s14+$0x0], $0xffff  }
0x486: {  	v10 =	vor.u32 v46, v1  }
0x487: {  	v13 =	vor.u32 v46, v5;
	[tilespmem:v9+s19+$0x0] =	vst.idx.msk $0xffff, v8  }
0x488: {  	v16 =	vor.u32 v46, v6;
	v19 =	vor.u32 v46, v7;
	[tilespmem:v12+s19+$0x0] =	vst.idx.msk $0xffff, v11  }
0x489: {  	v46 =	vld [tilespmem:$0x1F6E0];
	v9 =	vor.u32 v32, v0;
	v12 =	vor.u32 v32, v2;
	[tilespmem:v15+s19+$0x0] =	vst.idx.msk $0xffff, v14  }
0x48a: {  	v15 =	vor.u32 v32, v3;
	[tilespmem:v18+s19+$0x0] =	vst.idx.msk $0xffff, v17;
	v18 =	vor.u32 v32, v4;
	v32 =	vld [tilespmem:$0x1FA00]  }
0x48b: {  	v8 =	vld.idx.msk [tilespmem:v10+s14+$0x0], $0xffff  }
0x48c: {  	v11 =	vld.idx.msk [tilespmem:v13+s14+$0x0], $0xffff  }
0x48d: {  	v14 =	vld.idx.msk [tilespmem:v16+s14+$0x0], $0xffff  }
0x48e: {  	v17 =	vld.idx.msk [tilespmem:v19+s14+$0x0], $0xffff  }
0x48f: {  	v10 =	vor.u32 v46, v1  }
0x490: {  	v13 =	vor.u32 v46, v5;
	[tilespmem:v9+s19+$0x0] =	vst.idx.msk $0xffff, v8  }
0x491: {  	v16 =	vor.u32 v46, v6;
	v19 =	vor.u32 v46, v7;
	[tilespmem:v12+s19+$0x0] =	vst.idx.msk $0xffff, v11  }
0x492: {  	v46 =	vld [tilespmem:$0x1F6F0];
	v9 =	vor.u32 v32, v0;
	v12 =	vor.u32 v32, v2;
	[tilespmem:v15+s19+$0x0] =	vst.idx.msk $0xffff, v14  }
0x493: {  	v15 =	vor.u32 v32, v3;
	[tilespmem:v18+s19+$0x0] =	vst.idx.msk $0xffff, v17;
	v18 =	vor.u32 v32, v4;
	v32 =	vld [tilespmem:$0x1FA10]  }
0x494: {  	v8 =	vld.idx.msk [tilespmem:v10+s14+$0x0], $0xffff  }
0x495: {  	v11 =	vld.idx.msk [tilespmem:v13+s14+$0x0], $0xffff  }
0x496: {  	v14 =	vld.idx.msk [tilespmem:v16+s14+$0x0], $0xffff  }
0x497: {  	v17 =	vld.idx.msk [tilespmem:v19+s14+$0x0], $0xffff  }
0x498: {  	v10 =	vor.u32 v46, v1  }
0x499: {  	v13 =	vor.u32 v46, v5;
	[tilespmem:v9+s19+$0x0] =	vst.idx.msk $0xffff, v8  }
0x49a: {  	v16 =	vor.u32 v46, v6;
	v19 =	vor.u32 v46, v7;
	[tilespmem:v12+s19+$0x0] =	vst.idx.msk $0xffff, v11  }
0x49b: {  	v46 =	vld [tilespmem:$0x1F700];
	v9 =	vor.u32 v32, v0;
	v12 =	vor.u32 v32, v2;
	[tilespmem:v15+s19+$0x0] =	vst.idx.msk $0xffff, v14  }
0x49c: {  	v15 =	vor.u32 v32, v3;
	[tilespmem:v18+s19+$0x0] =	vst.idx.msk $0xffff, v17;
	v18 =	vor.u32 v32, v4;
	v32 =	vld [tilespmem:$0x1FA20]  }
0x49d: {  	v8 =	vld.idx.msk [tilespmem:v10+s14+$0x0], $0xffff  }
0x49e: {  	v11 =	vld.idx.msk [tilespmem:v13+s14+$0x0], $0xffff  }
0x49f: {  	v14 =	vld.idx.msk [tilespmem:v16+s14+$0x0], $0xffff  }
0x4a0: {  	v17 =	vld.idx.msk [tilespmem:v19+s14+$0x0], $0xffff  }
0x4a1: {  	v10 =	vor.u32 v46, v1  }
0x4a2: {  	v13 =	vor.u32 v46, v5;
	[tilespmem:v9+s19+$0x0] =	vst.idx.msk $0xffff, v8  }
0x4a3: {  	v16 =	vor.u32 v46, v6;
	v19 =	vor.u32 v46, v7;
	[tilespmem:v12+s19+$0x0] =	vst.idx.msk $0xffff, v11  }
0x4a4: {  	v46 =	vld [tilespmem:$0x1F710];
	v9 =	vor.u32 v32, v0;
	v12 =	vor.u32 v32, v2;
	[tilespmem:v15+s19+$0x0] =	vst.idx.msk $0xffff, v14  }
0x4a5: {  	v15 =	vor.u32 v32, v3;
	[tilespmem:v18+s19+$0x0] =	vst.idx.msk $0xffff, v17;
	v18 =	vor.u32 v32, v4;
	v32 =	vld [tilespmem:$0x1FA30]  }
0x4a6: {  	v8 =	vld.idx.msk [tilespmem:v10+s14+$0x0], $0xffff  }
0x4a7: {  	v11 =	vld.idx.msk [tilespmem:v13+s14+$0x0], $0xffff  }
0x4a8: {  	v14 =	vld.idx.msk [tilespmem:v16+s14+$0x0], $0xffff  }
0x4a9: {  	v17 =	vld.idx.msk [tilespmem:v19+s14+$0x0], $0xffff  }
0x4aa: {  	v10 =	vor.u32 v46, v1  }
0x4ab: {  	v13 =	vor.u32 v46, v5;
	[tilespmem:v9+s19+$0x0] =	vst.idx.msk $0xffff, v8  }
0x4ac: {  	v16 =	vor.u32 v46, v6;
	v19 =	vor.u32 v46, v7;
	[tilespmem:v12+s19+$0x0] =	vst.idx.msk $0xffff, v11  }
0x4ad: {  	v46 =	vld [tilespmem:$0x1F720];
	v9 =	vor.u32 v32, v0;
	v12 =	vor.u32 v32, v2;
	[tilespmem:v15+s19+$0x0] =	vst.idx.msk $0xffff, v14  }
0x4ae: {  	v15 =	vor.u32 v32, v3;
	[tilespmem:v18+s19+$0x0] =	vst.idx.msk $0xffff, v17;
	v18 =	vor.u32 v32, v4;
	v32 =	vld [tilespmem:$0x1FA40]  }
0x4af: {  	v8 =	vld.idx.msk [tilespmem:v10+s14+$0x0], $0xffff  }
0x4b0: {  	v11 =	vld.idx.msk [tilespmem:v13+s14+$0x0], $0xffff  }
0x4b1: {  	v14 =	vld.idx.msk [tilespmem:v16+s14+$0x0], $0xffff  }
0x4b2: {  	v17 =	vld.idx.msk [tilespmem:v19+s14+$0x0], $0xffff  }
0x4b3: {  	v10 =	vor.u32 v46, v1  }
0x4b4: {  	v13 =	vor.u32 v46, v5;
	[tilespmem:v9+s19+$0x0] =	vst.idx.msk $0xffff, v8  }
0x4b5: {  	v16 =	vor.u32 v46, v6;
	v19 =	vor.u32 v46, v7;
	[tilespmem:v12+s19+$0x0] =	vst.idx.msk $0xffff, v11  }
0x4b6: {  	v46 =	vld [tilespmem:$0x1F730];
	v9 =	vor.u32 v32, v0;
	v12 =	vor.u32 v32, v2;
	[tilespmem:v15+s19+$0x0] =	vst.idx.msk $0xffff, v14  }
0x4b7: {  	v15 =	vor.u32 v32, v3;
	[tilespmem:v18+s19+$0x0] =	vst.idx.msk $0xffff, v17;
	v18 =	vor.u32 v32, v4;
	v32 =	vld [tilespmem:$0x1FA50]  }
0x4b8: {  	v8 =	vld.idx.msk [tilespmem:v10+s14+$0x0], $0xffff  }
0x4b9: {  	v11 =	vld.idx.msk [tilespmem:v13+s14+$0x0], $0xffff  }
0x4ba: {  	v14 =	vld.idx.msk [tilespmem:v16+s14+$0x0], $0xffff  }
0x4bb: {  	v17 =	vld.idx.msk [tilespmem:v19+s14+$0x0], $0xffff  }
0x4bc: {  	v10 =	vor.u32 v46, v1  }
0x4bd: {  	v13 =	vor.u32 v46, v5;
	[tilespmem:v9+s19+$0x0] =	vst.idx.msk $0xffff, v8  }
0x4be: {  	v16 =	vor.u32 v46, v6;
	v19 =	vor.u32 v46, v7;
	[tilespmem:v12+s19+$0x0] =	vst.idx.msk $0xffff, v11  }
0x4bf: {  	v46 =	vld [tilespmem:$0x1F740];
	v9 =	vor.u32 v32, v0;
	v12 =	vor.u32 v32, v2;
	[tilespmem:v15+s19+$0x0] =	vst.idx.msk $0xffff, v14  }
0x4c0: {  	v15 =	vor.u32 v32, v3;
	[tilespmem:v18+s19+$0x0] =	vst.idx.msk $0xffff, v17;
	v18 =	vor.u32 v32, v4;
	v32 =	vld [tilespmem:$0x1FA60]  }
0x4c1: {  	v8 =	vld.idx.msk [tilespmem:v10+s14+$0x0], $0xffff  }
0x4c2: {  	v11 =	vld.idx.msk [tilespmem:v13+s14+$0x0], $0xffff  }
0x4c3: {  	v14 =	vld.idx.msk [tilespmem:v16+s14+$0x0], $0xffff  }
0x4c4: {  	v17 =	vld.idx.msk [tilespmem:v19+s14+$0x0], $0xffff  }
0x4c5: {  	v10 =	vor.u32 v46, v1  }
0x4c6: {  	v13 =	vor.u32 v46, v5;
	[tilespmem:v9+s19+$0x0] =	vst.idx.msk $0xffff, v8  }
0x4c7: {  	v16 =	vor.u32 v46, v6;
	v19 =	vor.u32 v46, v7;
	[tilespmem:v12+s19+$0x0] =	vst.idx.msk $0xffff, v11  }
0x4c8: {  	v9 =	vor.u32 v32, v0;
	v12 =	vor.u32 v32, v2;
	[tilespmem:v15+s19+$0x0] =	vst.idx.msk $0xffff, v14  }
0x4c9: {  	v15 =	vor.u32 v32, v3;
	[tilespmem:v18+s19+$0x0] =	vst.idx.msk $0xffff, v17;
	v18 =	vor.u32 v32, v4;
	v32 =	vld [tilespmem:$0x1FA70]  }
0x4ca: {  	v8 =	vld.idx.msk [tilespmem:v10+s14+$0x0], $0xffff  }
0x4cb: {  	v11 =	vld.idx.msk [tilespmem:v13+s14+$0x0], $0xffff  }
0x4cc: {  	v14 =	vld.idx.msk [tilespmem:v16+s14+$0x0], $0xffff  }
0x4cd: {  	v17 =	vld.idx.msk [tilespmem:v19+s14+$0x0], $0xffff  }
0x4ce: {  	v46 =	vor.u32 v28, v1  }
0x4cf: {  	v13 =	vor.u32 v28, v5;
	[tilespmem:v9+s19+$0x0] =	vst.idx.msk $0xffff, v8  }
0x4d0: {  	v16 =	vor.u32 v28, v6;
	v19 =	vor.u32 v28, v7;
	[tilespmem:v12+s19+$0x0] =	vst.idx.msk $0xffff, v11  }
0x4d1: {  	v9 =	vor.u32 v32, v0;
	v12 =	vor.u32 v32, v2;
	[tilespmem:v15+s19+$0x0] =	vst.idx.msk $0xffff, v14  }
0x4d2: {  	v15 =	vor.u32 v32, v3;
	[tilespmem:v18+s19+$0x0] =	vst.idx.msk $0xffff, v17;
	v18 =	vor.u32 v32, v4;
	v32 =	vld [tilespmem:$0x1FA80]  }
0x4d3: {  	v8 =	vld.idx.msk [tilespmem:v46+s14+$0x0], $0xffff  }
0x4d4: {  	v11 =	vld.idx.msk [tilespmem:v13+s14+$0x0], $0xffff  }
0x4d5: {  	v14 =	vld.idx.msk [tilespmem:v16+s14+$0x0], $0xffff  }
0x4d6: {  	v17 =	vld.idx.msk [tilespmem:v19+s14+$0x0], $0xffff  }
0x4d7: {  	v46 =	vor.u32 v30, v1  }
0x4d8: {  	v13 =	vor.u32 v30, v5;
	[tilespmem:v9+s19+$0x0] =	vst.idx.msk $0xffff, v8  }
0x4d9: {  	v16 =	vor.u32 v30, v6;
	v19 =	vor.u32 v30, v7;
	[tilespmem:v12+s19+$0x0] =	vst.idx.msk $0xffff, v11  }
0x4da: {  	v9 =	vor.u32 v32, v0;
	v12 =	vor.u32 v32, v2;
	[tilespmem:v15+s19+$0x0] =	vst.idx.msk $0xffff, v14  }
0x4db: {  	v15 =	vor.u32 v32, v3;
	[tilespmem:v18+s19+$0x0] =	vst.idx.msk $0xffff, v17;
	v18 =	vor.u32 v32, v4;
	v32 =	vld [tilespmem:$0x1FA90]  }
0x4dc: {  	v8 =	vld.idx.msk [tilespmem:v46+s14+$0x0], $0xffff  }
0x4dd: {  	v11 =	vld.idx.msk [tilespmem:v13+s14+$0x0], $0xffff  }
0x4de: {  	v14 =	vld.idx.msk [tilespmem:v16+s14+$0x0], $0xffff  }
0x4df: {  	v17 =	vld.idx.msk [tilespmem:v19+s14+$0x0], $0xffff  }
0x4e0: {  	v46 =	vor.u32 v31, v1  }
0x4e1: {  	v13 =	vor.u32 v31, v5;
	[tilespmem:v9+s19+$0x0] =	vst.idx.msk $0xffff, v8  }
0x4e2: {  	v16 =	vor.u32 v31, v6;
	v19 =	vor.u32 v31, v7;
	[tilespmem:v12+s19+$0x0] =	vst.idx.msk $0xffff, v11  }
0x4e3: {  	v9 =	vor.u32 v32, v0;
	v12 =	vor.u32 v32, v2;
	[tilespmem:v15+s19+$0x0] =	vst.idx.msk $0xffff, v14  }
0x4e4: {  	v15 =	vor.u32 v32, v3;
	[tilespmem:v18+s19+$0x0] =	vst.idx.msk $0xffff, v17;
	v18 =	vor.u32 v32, v4;
	v32 =	vld [tilespmem:$0x1FAA0]  }
0x4e5: {  	v8 =	vld.idx.msk [tilespmem:v46+s14+$0x0], $0xffff  }
0x4e6: {  	v11 =	vld.idx.msk [tilespmem:v13+s14+$0x0], $0xffff  }
0x4e7: {  	v14 =	vld.idx.msk [tilespmem:v16+s14+$0x0], $0xffff  }
0x4e8: {  	v17 =	vld.idx.msk [tilespmem:v19+s14+$0x0], $0xffff  }
0x4e9: {  	v46 =	vor.u32 v36, v1  }
0x4ea: {  	v13 =	vor.u32 v36, v5;
	[tilespmem:v9+s19+$0x0] =	vst.idx.msk $0xffff, v8  }
0x4eb: {  	v16 =	vor.u32 v36, v6;
	v19 =	vor.u32 v36, v7;
	[tilespmem:v12+s19+$0x0] =	vst.idx.msk $0xffff, v11  }
0x4ec: {  	v9 =	vor.u32 v32, v0;
	v12 =	vor.u32 v32, v2;
	[tilespmem:v15+s19+$0x0] =	vst.idx.msk $0xffff, v14  }
0x4ed: {  	v15 =	vor.u32 v32, v3;
	[tilespmem:v18+s19+$0x0] =	vst.idx.msk $0xffff, v17;
	v18 =	vor.u32 v32, v4;
	v32 =	vld [tilespmem:$0x1FAB0]  }
0x4ee: {  	v8 =	vld.idx.msk [tilespmem:v46+s14+$0x0], $0xffff  }
0x4ef: {  	v11 =	vld.idx.msk [tilespmem:v13+s14+$0x0], $0xffff  }
0x4f0: {  	v14 =	vld.idx.msk [tilespmem:v16+s14+$0x0], $0xffff  }
0x4f1: {  	v17 =	vld.idx.msk [tilespmem:v19+s14+$0x0], $0xffff  }
0x4f2: {  	v46 =	vor.u32 v29, v1  }
0x4f3: {  	v13 =	vor.u32 v29, v5;
	[tilespmem:v9+s19+$0x0] =	vst.idx.msk $0xffff, v8  }
0x4f4: {  	v16 =	vor.u32 v29, v6;
	v19 =	vor.u32 v29, v7;
	[tilespmem:v12+s19+$0x0] =	vst.idx.msk $0xffff, v11  }
0x4f5: {  	v9 =	vor.u32 v32, v0;
	v12 =	vor.u32 v32, v2;
	[tilespmem:v15+s19+$0x0] =	vst.idx.msk $0xffff, v14  }
0x4f6: {  	v15 =	vor.u32 v32, v3;
	[tilespmem:v18+s19+$0x0] =	vst.idx.msk $0xffff, v17;
	v18 =	vor.u32 v32, v4;
	v32 =	vld [tilespmem:$0x1FAC0]  }
0x4f7: {  	v8 =	vld.idx.msk [tilespmem:v46+s14+$0x0], $0xffff  }
0x4f8: {  	v11 =	vld.idx.msk [tilespmem:v13+s14+$0x0], $0xffff  }
0x4f9: {  	v14 =	vld.idx.msk [tilespmem:v16+s14+$0x0], $0xffff  }
0x4fa: {  	v17 =	vld.idx.msk [tilespmem:v19+s14+$0x0], $0xffff  }
0x4fb: {  	v46 =	vor.u32 v51, v1  }
0x4fc: {  	v13 =	vor.u32 v51, v5;
	[tilespmem:v9+s19+$0x0] =	vst.idx.msk $0xffff, v8  }
0x4fd: {  	v16 =	vor.u32 v51, v6;
	v19 =	vor.u32 v51, v7;
	[tilespmem:v12+s19+$0x0] =	vst.idx.msk $0xffff, v11  }
0x4fe: {  	v9 =	vor.u32 v32, v0;
	v12 =	vor.u32 v32, v2;
	[tilespmem:v15+s19+$0x0] =	vst.idx.msk $0xffff, v14  }
0x4ff: {  	v15 =	vor.u32 v32, v3;
	[tilespmem:v18+s19+$0x0] =	vst.idx.msk $0xffff, v17;
	v18 =	vor.u32 v32, v4;
	v32 =	vld [tilespmem:$0x1FAD0]  }
0x500: {  	v8 =	vld.idx.msk [tilespmem:v46+s14+$0x0], $0xffff  }
0x501: {  	v11 =	vld.idx.msk [tilespmem:v13+s14+$0x0], $0xffff  }
0x502: {  	v14 =	vld.idx.msk [tilespmem:v16+s14+$0x0], $0xffff  }
0x503: {  	v17 =	vld.idx.msk [tilespmem:v19+s14+$0x0], $0xffff  }
0x504: {  	v46 =	vor.u32 v52, v1  }
0x505: {  	v13 =	vor.u32 v52, v5;
	[tilespmem:v9+s19+$0x0] =	vst.idx.msk $0xffff, v8  }
0x506: {  	v16 =	vor.u32 v52, v6;
	v19 =	vor.u32 v52, v7;
	[tilespmem:v12+s19+$0x0] =	vst.idx.msk $0xffff, v11  }
0x507: {  	v9 =	vor.u32 v32, v0;
	v12 =	vor.u32 v32, v2;
	[tilespmem:v15+s19+$0x0] =	vst.idx.msk $0xffff, v14  }
0x508: {  	v15 =	vor.u32 v32, v3;
	[tilespmem:v18+s19+$0x0] =	vst.idx.msk $0xffff, v17;
	v18 =	vor.u32 v32, v4;
	v32 =	vld [tilespmem:$0x1FAE0]  }
0x509: {  	v8 =	vld.idx.msk [tilespmem:v46+s14+$0x0], $0xffff  }
0x50a: {  	v11 =	vld.idx.msk [tilespmem:v13+s14+$0x0], $0xffff  }
0x50b: {  	v14 =	vld.idx.msk [tilespmem:v16+s14+$0x0], $0xffff  }
0x50c: {  	v17 =	vld.idx.msk [tilespmem:v19+s14+$0x0], $0xffff  }
0x50d: {  	v46 =	vor.u32 v53, v1  }
0x50e: {  	v13 =	vor.u32 v53, v5;
	[tilespmem:v9+s19+$0x0] =	vst.idx.msk $0xffff, v8  }
0x50f: {  	v16 =	vor.u32 v53, v6;
	v19 =	vor.u32 v53, v7;
	[tilespmem:v12+s19+$0x0] =	vst.idx.msk $0xffff, v11  }
0x510: {  	v9 =	vor.u32 v32, v0;
	v12 =	vor.u32 v32, v2;
	[tilespmem:v15+s19+$0x0] =	vst.idx.msk $0xffff, v14  }
0x511: {  	v15 =	vor.u32 v32, v3;
	[tilespmem:v18+s19+$0x0] =	vst.idx.msk $0xffff, v17;
	v18 =	vor.u32 v32, v4;
	v32 =	vld [tilespmem:$0x1FAF0]  }
0x512: {  	v8 =	vld.idx.msk [tilespmem:v46+s14+$0x0], $0xffff  }
0x513: {  	v11 =	vld.idx.msk [tilespmem:v13+s14+$0x0], $0xffff  }
0x514: {  	v14 =	vld.idx.msk [tilespmem:v16+s14+$0x0], $0xffff  }
0x515: {  	v17 =	vld.idx.msk [tilespmem:v19+s14+$0x0], $0xffff  }
0x516: {  	v46 =	vor.u32 v54, v1  }
0x517: {  	v13 =	vor.u32 v54, v5;
	[tilespmem:v9+s19+$0x0] =	vst.idx.msk $0xffff, v8  }
0x518: {  	v16 =	vor.u32 v54, v6;
	v19 =	vor.u32 v54, v7;
	[tilespmem:v12+s19+$0x0] =	vst.idx.msk $0xffff, v11  }
0x519: {  	v9 =	vor.u32 v32, v0;
	v12 =	vor.u32 v32, v2;
	[tilespmem:v15+s19+$0x0] =	vst.idx.msk $0xffff, v14  }
0x51a: {  	v15 =	vor.u32 v32, v3;
	[tilespmem:v18+s19+$0x0] =	vst.idx.msk $0xffff, v17;
	v18 =	vor.u32 v32, v4;
	v32 =	vld [tilespmem:$0x1FB00]  }
0x51b: {  	v8 =	vld.idx.msk [tilespmem:v46+s14+$0x0], $0xffff  }
0x51c: {  	v11 =	vld.idx.msk [tilespmem:v13+s14+$0x0], $0xffff  }
0x51d: {  	v14 =	vld.idx.msk [tilespmem:v16+s14+$0x0], $0xffff  }
0x51e: {  	v17 =	vld.idx.msk [tilespmem:v19+s14+$0x0], $0xffff  }
0x51f: {  	v46 =	vor.u32 v61, v1  }
0x520: {  	v13 =	vor.u32 v61, v5;
	[tilespmem:v9+s19+$0x0] =	vst.idx.msk $0xffff, v8  }
0x521: {  	v16 =	vor.u32 v61, v6;
	v19 =	vor.u32 v61, v7;
	[tilespmem:v12+s19+$0x0] =	vst.idx.msk $0xffff, v11  }
0x522: {  	v9 =	vor.u32 v32, v0;
	v12 =	vor.u32 v32, v2;
	[tilespmem:v15+s19+$0x0] =	vst.idx.msk $0xffff, v14  }
0x523: {  	v15 =	vor.u32 v32, v3;
	[tilespmem:v18+s19+$0x0] =	vst.idx.msk $0xffff, v17;
	v18 =	vor.u32 v32, v4;
	v32 =	vld [tilespmem:$0x1FB10]  }
0x524: {  	v8 =	vld.idx.msk [tilespmem:v46+s14+$0x0], $0xffff  }
0x525: {  	v11 =	vld.idx.msk [tilespmem:v13+s14+$0x0], $0xffff  }
0x526: {  	v14 =	vld.idx.msk [tilespmem:v16+s14+$0x0], $0xffff  }
0x527: {  	v17 =	vld.idx.msk [tilespmem:v19+s14+$0x0], $0xffff  }
0x528: {  	v46 =	vor.u32 v55, v1  }
0x529: {  	v13 =	vor.u32 v55, v5;
	[tilespmem:v9+s19+$0x0] =	vst.idx.msk $0xffff, v8  }
0x52a: {  	v16 =	vor.u32 v55, v6;
	v19 =	vor.u32 v55, v7;
	[tilespmem:v12+s19+$0x0] =	vst.idx.msk $0xffff, v11  }
0x52b: {  	v9 =	vor.u32 v32, v0;
	v12 =	vor.u32 v32, v2;
	[tilespmem:v15+s19+$0x0] =	vst.idx.msk $0xffff, v14  }
0x52c: {  	v15 =	vor.u32 v32, v3;
	[tilespmem:v18+s19+$0x0] =	vst.idx.msk $0xffff, v17;
	v18 =	vor.u32 v32, v4;
	v32 =	vld [tilespmem:$0x1FB20]  }
0x52d: {  	v8 =	vld.idx.msk [tilespmem:v46+s14+$0x0], $0xffff  }
0x52e: {  	v11 =	vld.idx.msk [tilespmem:v13+s14+$0x0], $0xffff  }
0x52f: {  	v14 =	vld.idx.msk [tilespmem:v16+s14+$0x0], $0xffff  }
0x530: {  	v17 =	vld.idx.msk [tilespmem:v19+s14+$0x0], $0xffff  }
0x531: {  	v46 =	vor.u32 v56, v1  }
0x532: {  	v13 =	vor.u32 v56, v5;
	[tilespmem:v9+s19+$0x0] =	vst.idx.msk $0xffff, v8  }
0x533: {  	v16 =	vor.u32 v56, v6;
	v19 =	vor.u32 v56, v7;
	[tilespmem:v12+s19+$0x0] =	vst.idx.msk $0xffff, v11  }
0x534: {  	v9 =	vor.u32 v32, v0;
	v12 =	vor.u32 v32, v2;
	[tilespmem:v15+s19+$0x0] =	vst.idx.msk $0xffff, v14  }
0x535: {  	v15 =	vor.u32 v32, v3;
	[tilespmem:v18+s19+$0x0] =	vst.idx.msk $0xffff, v17;
	v18 =	vor.u32 v32, v4;
	v32 =	vld [tilespmem:$0x1FB30]  }
0x536: {  	v8 =	vld.idx.msk [tilespmem:v46+s14+$0x0], $0xffff  }
0x537: {  	v11 =	vld.idx.msk [tilespmem:v13+s14+$0x0], $0xffff  }
0x538: {  	v14 =	vld.idx.msk [tilespmem:v16+s14+$0x0], $0xffff  }
0x539: {  	v17 =	vld.idx.msk [tilespmem:v19+s14+$0x0], $0xffff  }
0x53a: {  	v46 =	vor.u32 v57, v1  }
0x53b: {  	v13 =	vor.u32 v57, v5;
	[tilespmem:v9+s19+$0x0] =	vst.idx.msk $0xffff, v8  }
0x53c: {  	v16 =	vor.u32 v57, v6;
	v19 =	vor.u32 v57, v7;
	[tilespmem:v12+s19+$0x0] =	vst.idx.msk $0xffff, v11  }
0x53d: {  	v9 =	vor.u32 v32, v0;
	v12 =	vor.u32 v32, v2;
	[tilespmem:v15+s19+$0x0] =	vst.idx.msk $0xffff, v14  }
0x53e: {  	v15 =	vor.u32 v32, v3;
	[tilespmem:v18+s19+$0x0] =	vst.idx.msk $0xffff, v17;
	v18 =	vor.u32 v32, v4;
	v32 =	vld [tilespmem:$0x1FB40]  }
0x53f: {  	v8 =	vld.idx.msk [tilespmem:v46+s14+$0x0], $0xffff  }
0x540: {  	v11 =	vld.idx.msk [tilespmem:v13+s14+$0x0], $0xffff  }
0x541: {  	v14 =	vld.idx.msk [tilespmem:v16+s14+$0x0], $0xffff  }
0x542: {  	v17 =	vld.idx.msk [tilespmem:v19+s14+$0x0], $0xffff  }
0x543: {  	v46 =	vor.u32 v58, v1  }
0x544: {  	v13 =	vor.u32 v58, v5;
	[tilespmem:v9+s19+$0x0] =	vst.idx.msk $0xffff, v8  }
0x545: {  	v16 =	vor.u32 v58, v6;
	v19 =	vor.u32 v58, v7;
	[tilespmem:v12+s19+$0x0] =	vst.idx.msk $0xffff, v11  }
0x546: {  	v9 =	vor.u32 v32, v0;
	v12 =	vor.u32 v32, v2;
	[tilespmem:v15+s19+$0x0] =	vst.idx.msk $0xffff, v14  }
0x547: {  	v15 =	vor.u32 v32, v3;
	[tilespmem:v18+s19+$0x0] =	vst.idx.msk $0xffff, v17;
	v18 =	vor.u32 v32, v4;
	v32 =	vld [tilespmem:$0x1FB50]  }
0x548: {  	v8 =	vld.idx.msk [tilespmem:v46+s14+$0x0], $0xffff  }
0x549: {  	v11 =	vld.idx.msk [tilespmem:v13+s14+$0x0], $0xffff  }
0x54a: {  	v14 =	vld.idx.msk [tilespmem:v16+s14+$0x0], $0xffff  }
0x54b: {  	v17 =	vld.idx.msk [tilespmem:v19+s14+$0x0], $0xffff  }
0x54c: {  	v46 =	vor.u32 v59, v1  }
0x54d: {  	v13 =	vor.u32 v59, v5;
	[tilespmem:v9+s19+$0x0] =	vst.idx.msk $0xffff, v8  }
0x54e: {  	v16 =	vor.u32 v59, v6;
	v19 =	vor.u32 v59, v7;
	[tilespmem:v12+s19+$0x0] =	vst.idx.msk $0xffff, v11  }
0x54f: {  	v9 =	vor.u32 v32, v0;
	v12 =	vor.u32 v32, v2;
	[tilespmem:v15+s19+$0x0] =	vst.idx.msk $0xffff, v14  }
0x550: {  	v15 =	vor.u32 v32, v3;
	[tilespmem:v18+s19+$0x0] =	vst.idx.msk $0xffff, v17;
	v18 =	vor.u32 v32, v4;
	v32 =	vld [tilespmem:$0x1FB60]  }
0x551: {  	v8 =	vld.idx.msk [tilespmem:v46+s14+$0x0], $0xffff  }
0x552: {  	v11 =	vld.idx.msk [tilespmem:v13+s14+$0x0], $0xffff  }
0x553: {  	v14 =	vld.idx.msk [tilespmem:v16+s14+$0x0], $0xffff  }
0x554: {  	v17 =	vld.idx.msk [tilespmem:v19+s14+$0x0], $0xffff  }
0x555: {  	v46 =	vor.u32 v60, v1  }
0x556: {  	v13 =	vor.u32 v60, v5;
	[tilespmem:v9+s19+$0x0] =	vst.idx.msk $0xffff, v8  }
0x557: {  	v16 =	vor.u32 v60, v6;
	v19 =	vor.u32 v60, v7;
	[tilespmem:v12+s19+$0x0] =	vst.idx.msk $0xffff, v11  }
0x558: {  	v9 =	vor.u32 v32, v0;
	v12 =	vor.u32 v32, v2;
	[tilespmem:v15+s19+$0x0] =	vst.idx.msk $0xffff, v14  }
0x559: {  	v15 =	vor.u32 v32, v3;
	[tilespmem:v18+s19+$0x0] =	vst.idx.msk $0xffff, v17;
	v18 =	vor.u32 v32, v4;
	v32 =	vld [tilespmem:$0x1FB70]  }
0x55a: {  	v8 =	vld.idx.msk [tilespmem:v46+s14+$0x0], $0xffff  }
0x55b: {  	v11 =	vld.idx.msk [tilespmem:v13+s14+$0x0], $0xffff  }
0x55c: {  	v14 =	vld.idx.msk [tilespmem:v16+s14+$0x0], $0xffff  }
0x55d: {  	v17 =	vld.idx.msk [tilespmem:v19+s14+$0x0], $0xffff  }
0x55e: {  	v46 =	vor.u32 v62, v1  }
0x55f: {  	v13 =	vor.u32 v62, v5;
	[tilespmem:v9+s19+$0x0] =	vst.idx.msk $0xffff, v8  }
0x560: {  	v16 =	vor.u32 v62, v6;
	v19 =	vor.u32 v62, v7;
	[tilespmem:v12+s19+$0x0] =	vst.idx.msk $0xffff, v11  }
0x561: {  	v9 =	vor.u32 v32, v0;
	v12 =	vor.u32 v32, v2;
	[tilespmem:v15+s19+$0x0] =	vst.idx.msk $0xffff, v14  }
0x562: {  	v15 =	vor.u32 v32, v3;
	[tilespmem:v18+s19+$0x0] =	vst.idx.msk $0xffff, v17;
	v18 =	vor.u32 v32, v4;
	v32 =	vld [tilespmem:$0x1FB80]  }
0x563: {  	v8 =	vld.idx.msk [tilespmem:v46+s14+$0x0], $0xffff  }
0x564: {  	v11 =	vld.idx.msk [tilespmem:v13+s14+$0x0], $0xffff  }
0x565: {  	v14 =	vld.idx.msk [tilespmem:v16+s14+$0x0], $0xffff  }
0x566: {  	v17 =	vld.idx.msk [tilespmem:v19+s14+$0x0], $0xffff  }
0x567: {  	v46 =	vor.u32 v63, v1  }
0x568: {  	v13 =	vor.u32 v63, v5;
	[tilespmem:v9+s19+$0x0] =	vst.idx.msk $0xffff, v8  }
0x569: {  	v16 =	vor.u32 v63, v6;
	v19 =	vor.u32 v63, v7;
	[tilespmem:v12+s19+$0x0] =	vst.idx.msk $0xffff, v11  }
0x56a: {  	v9 =	vor.u32 v32, v0;
	v12 =	vor.u32 v32, v2;
	[tilespmem:v15+s19+$0x0] =	vst.idx.msk $0xffff, v14  }
0x56b: {  	v15 =	vor.u32 v32, v3;
	[tilespmem:v18+s19+$0x0] =	vst.idx.msk $0xffff, v17;
	v18 =	vor.u32 v32, v4;
	v32 =	vld [tilespmem:$0x1FB90]  }
0x56c: {  	v8 =	vld.idx.msk [tilespmem:v46+s14+$0x0], $0xffff  }
0x56d: {  	v11 =	vld.idx.msk [tilespmem:v13+s14+$0x0], $0xffff  }
0x56e: {  	v14 =	vld.idx.msk [tilespmem:v16+s14+$0x0], $0xffff  }
0x56f: {  	v17 =	vld.idx.msk [tilespmem:v19+s14+$0x0], $0xffff  }
0x570: {  	v46 =	vor.u32 v33, v1  }
0x571: {  	v13 =	vor.u32 v33, v5;
	[tilespmem:v9+s19+$0x0] =	vst.idx.msk $0xffff, v8  }
0x572: {  	v16 =	vor.u32 v33, v6;
	v19 =	vor.u32 v33, v7;
	[tilespmem:v12+s19+$0x0] =	vst.idx.msk $0xffff, v11  }
0x573: {  	v9 =	vor.u32 v32, v0;
	v12 =	vor.u32 v32, v2;
	[tilespmem:v15+s19+$0x0] =	vst.idx.msk $0xffff, v14  }
0x574: {  	v15 =	vor.u32 v32, v3;
	[tilespmem:v18+s19+$0x0] =	vst.idx.msk $0xffff, v17;
	v18 =	vor.u32 v32, v4;
	v32 =	vld [tilespmem:$0x1FBA0]  }
0x575: {  	v8 =	vld.idx.msk [tilespmem:v46+s14+$0x0], $0xffff  }
0x576: {  	v11 =	vld.idx.msk [tilespmem:v13+s14+$0x0], $0xffff  }
0x577: {  	v14 =	vld.idx.msk [tilespmem:v16+s14+$0x0], $0xffff  }
0x578: {  	v17 =	vld.idx.msk [tilespmem:v19+s14+$0x0], $0xffff  }
0x579: {  	v46 =	vor.u32 v34, v1  }
0x57a: {  	v13 =	vor.u32 v34, v5;
	[tilespmem:v9+s19+$0x0] =	vst.idx.msk $0xffff, v8  }
0x57b: {  	v16 =	vor.u32 v34, v6;
	v19 =	vor.u32 v34, v7;
	[tilespmem:v12+s19+$0x0] =	vst.idx.msk $0xffff, v11  }
0x57c: {  	v9 =	vor.u32 v32, v0;
	v12 =	vor.u32 v32, v2;
	[tilespmem:v15+s19+$0x0] =	vst.idx.msk $0xffff, v14  }
0x57d: {  	v15 =	vor.u32 v32, v3;
	[tilespmem:v18+s19+$0x0] =	vst.idx.msk $0xffff, v17;
	v18 =	vor.u32 v32, v4;
	v32 =	vld [tilespmem:$0x1FBB0]  }
0x57e: {  	v8 =	vld.idx.msk [tilespmem:v46+s14+$0x0], $0xffff  }
0x57f: {  	v11 =	vld.idx.msk [tilespmem:v13+s14+$0x0], $0xffff  }
0x580: {  	v14 =	vld.idx.msk [tilespmem:v16+s14+$0x0], $0xffff  }
0x581: {  	v17 =	vld.idx.msk [tilespmem:v19+s14+$0x0], $0xffff  }
0x582: {  	v46 =	vor.u32 v35, v1  }
0x583: {  	v13 =	vor.u32 v35, v5;
	[tilespmem:v9+s19+$0x0] =	vst.idx.msk $0xffff, v8  }
0x584: {  	v16 =	vor.u32 v35, v6;
	v19 =	vor.u32 v35, v7;
	[tilespmem:v12+s19+$0x0] =	vst.idx.msk $0xffff, v11  }
0x585: {  	v9 =	vor.u32 v32, v0;
	v12 =	vor.u32 v32, v2;
	[tilespmem:v15+s19+$0x0] =	vst.idx.msk $0xffff, v14  }
0x586: {  	v15 =	vor.u32 v32, v3;
	[tilespmem:v18+s19+$0x0] =	vst.idx.msk $0xffff, v17;
	v18 =	vor.u32 v32, v4;
	v32 =	vld [tilespmem:$0x1FBC0]  }
0x587: {  	v8 =	vld.idx.msk [tilespmem:v46+s14+$0x0], $0xffff  }
0x588: {  	v11 =	vld.idx.msk [tilespmem:v13+s14+$0x0], $0xffff  }
0x589: {  	v14 =	vld.idx.msk [tilespmem:v16+s14+$0x0], $0xffff  }
0x58a: {  	v17 =	vld.idx.msk [tilespmem:v19+s14+$0x0], $0xffff  }
0x58b: {  	v46 =	vor.u32 v37, v1  }
0x58c: {  	v13 =	vor.u32 v37, v5;
	[tilespmem:v9+s19+$0x0] =	vst.idx.msk $0xffff, v8  }
0x58d: {  	v16 =	vor.u32 v37, v6;
	v19 =	vor.u32 v37, v7;
	[tilespmem:v12+s19+$0x0] =	vst.idx.msk $0xffff, v11  }
0x58e: {  	v9 =	vor.u32 v32, v0;
	v12 =	vor.u32 v32, v2;
	[tilespmem:v15+s19+$0x0] =	vst.idx.msk $0xffff, v14  }
0x58f: {  	v15 =	vor.u32 v32, v3;
	[tilespmem:v18+s19+$0x0] =	vst.idx.msk $0xffff, v17;
	v18 =	vor.u32 v32, v4;
	v32 =	vld [tilespmem:$0x1FBD0]  }
0x590: {  	v8 =	vld.idx.msk [tilespmem:v46+s14+$0x0], $0xffff  }
0x591: {  	v11 =	vld.idx.msk [tilespmem:v13+s14+$0x0], $0xffff  }
0x592: {  	v14 =	vld.idx.msk [tilespmem:v16+s14+$0x0], $0xffff  }
0x593: {  	v17 =	vld.idx.msk [tilespmem:v19+s14+$0x0], $0xffff  }
0x594: {  	v46 =	vor.u32 v41, v1  }
0x595: {  	v13 =	vor.u32 v41, v5;
	[tilespmem:v9+s19+$0x0] =	vst.idx.msk $0xffff, v8  }
0x596: {  	v16 =	vor.u32 v41, v6;
	v19 =	vor.u32 v41, v7;
	[tilespmem:v12+s19+$0x0] =	vst.idx.msk $0xffff, v11  }
0x597: {  	v9 =	vor.u32 v32, v0;
	v12 =	vor.u32 v32, v2;
	[tilespmem:v15+s19+$0x0] =	vst.idx.msk $0xffff, v14  }
0x598: {  	v15 =	vor.u32 v32, v3;
	[tilespmem:v18+s19+$0x0] =	vst.idx.msk $0xffff, v17;
	v18 =	vor.u32 v32, v4;
	v32 =	vld [tilespmem:$0x1FBE0]  }
0x599: {  	v8 =	vld.idx.msk [tilespmem:v46+s14+$0x0], $0xffff  }
0x59a: {  	v11 =	vld.idx.msk [tilespmem:v13+s14+$0x0], $0xffff  }
0x59b: {  	v14 =	vld.idx.msk [tilespmem:v16+s14+$0x0], $0xffff  }
0x59c: {  	v17 =	vld.idx.msk [tilespmem:v19+s14+$0x0], $0xffff  }
0x59d: {  	v46 =	vor.u32 v38, v1  }
0x59e: {  	v13 =	vor.u32 v38, v5;
	[tilespmem:v9+s19+$0x0] =	vst.idx.msk $0xffff, v8  }
0x59f: {  	v16 =	vor.u32 v38, v6;
	v19 =	vor.u32 v38, v7;
	[tilespmem:v12+s19+$0x0] =	vst.idx.msk $0xffff, v11  }
0x5a0: {  	v9 =	vor.u32 v32, v0;
	v12 =	vor.u32 v32, v2;
	[tilespmem:v15+s19+$0x0] =	vst.idx.msk $0xffff, v14  }
0x5a1: {  	v15 =	vor.u32 v32, v3;
	[tilespmem:v18+s19+$0x0] =	vst.idx.msk $0xffff, v17;
	v18 =	vor.u32 v32, v4;
	v32 =	vld [tilespmem:$0x1FBF0]  }
0x5a2: {  	v8 =	vld.idx.msk [tilespmem:v46+s14+$0x0], $0xffff  }
0x5a3: {  	v11 =	vld.idx.msk [tilespmem:v13+s14+$0x0], $0xffff  }
0x5a4: {  	v14 =	vld.idx.msk [tilespmem:v16+s14+$0x0], $0xffff  }
0x5a5: {  	v17 =	vld.idx.msk [tilespmem:v19+s14+$0x0], $0xffff  }
0x5a6: {  	v46 =	vor.u32 v39, v1  }
0x5a7: {  	v13 =	vor.u32 v39, v5;
	[tilespmem:v9+s19+$0x0] =	vst.idx.msk $0xffff, v8  }
0x5a8: {  	v16 =	vor.u32 v39, v6;
	v19 =	vor.u32 v39, v7;
	[tilespmem:v12+s19+$0x0] =	vst.idx.msk $0xffff, v11  }
0x5a9: {  	v9 =	vor.u32 v32, v0;
	v12 =	vor.u32 v32, v2;
	[tilespmem:v15+s19+$0x0] =	vst.idx.msk $0xffff, v14  }
0x5aa: {  	v15 =	vor.u32 v32, v3;
	[tilespmem:v18+s19+$0x0] =	vst.idx.msk $0xffff, v17;
	v18 =	vor.u32 v32, v4;
	v32 =	vld [tilespmem:$0x1FC00]  }
0x5ab: {  	v8 =	vld.idx.msk [tilespmem:v46+s14+$0x0], $0xffff  }
0x5ac: {  	v11 =	vld.idx.msk [tilespmem:v13+s14+$0x0], $0xffff  }
0x5ad: {  	v14 =	vld.idx.msk [tilespmem:v16+s14+$0x0], $0xffff  }
0x5ae: {  	v17 =	vld.idx.msk [tilespmem:v19+s14+$0x0], $0xffff  }
0x5af: {  	v46 =	vor.u32 v40, v1  }
0x5b0: {  	v13 =	vor.u32 v40, v5;
	[tilespmem:v9+s19+$0x0] =	vst.idx.msk $0xffff, v8  }
0x5b1: {  	v16 =	vor.u32 v40, v6;
	v19 =	vor.u32 v40, v7;
	[tilespmem:v12+s19+$0x0] =	vst.idx.msk $0xffff, v11  }
0x5b2: {  	v9 =	vor.u32 v32, v0;
	v12 =	vor.u32 v32, v2;
	[tilespmem:v15+s19+$0x0] =	vst.idx.msk $0xffff, v14  }
0x5b3: {  	v15 =	vor.u32 v32, v3;
	[tilespmem:v18+s19+$0x0] =	vst.idx.msk $0xffff, v17;
	v18 =	vor.u32 v32, v4;
	v32 =	vld [tilespmem:$0x1FC10]  }
0x5b4: {  	v8 =	vld.idx.msk [tilespmem:v46+s14+$0x0], $0xffff  }
0x5b5: {  	v11 =	vld.idx.msk [tilespmem:v13+s14+$0x0], $0xffff  }
0x5b6: {  	v14 =	vld.idx.msk [tilespmem:v16+s14+$0x0], $0xffff  }
0x5b7: {  	v17 =	vld.idx.msk [tilespmem:v19+s14+$0x0], $0xffff  }
0x5b8: {  	v46 =	vor.u32 v42, v1  }
0x5b9: {  	v13 =	vor.u32 v42, v5;
	[tilespmem:v9+s19+$0x0] =	vst.idx.msk $0xffff, v8  }
0x5ba: {  	v16 =	vor.u32 v42, v6;
	v19 =	vor.u32 v42, v7;
	[tilespmem:v12+s19+$0x0] =	vst.idx.msk $0xffff, v11  }
0x5bb: {  	v9 =	vor.u32 v32, v0;
	v12 =	vor.u32 v32, v2;
	[tilespmem:v15+s19+$0x0] =	vst.idx.msk $0xffff, v14  }
0x5bc: {  	v15 =	vor.u32 v32, v3;
	[tilespmem:v18+s19+$0x0] =	vst.idx.msk $0xffff, v17;
	v18 =	vor.u32 v32, v4;
	v32 =	vld [tilespmem:$0x1FC20]  }
0x5bd: {  	v8 =	vld.idx.msk [tilespmem:v46+s14+$0x0], $0xffff  }
0x5be: {  	v11 =	vld.idx.msk [tilespmem:v13+s14+$0x0], $0xffff  }
0x5bf: {  	v14 =	vld.idx.msk [tilespmem:v16+s14+$0x0], $0xffff  }
0x5c0: {  	v17 =	vld.idx.msk [tilespmem:v19+s14+$0x0], $0xffff  }
0x5c1: {  	v46 =	vor.u32 v43, v1  }
0x5c2: {  	v13 =	vor.u32 v43, v5;
	[tilespmem:v9+s19+$0x0] =	vst.idx.msk $0xffff, v8  }
0x5c3: {  	v16 =	vor.u32 v43, v6;
	v19 =	vor.u32 v43, v7;
	[tilespmem:v12+s19+$0x0] =	vst.idx.msk $0xffff, v11  }
0x5c4: {  	v9 =	vor.u32 v32, v0;
	v12 =	vor.u32 v32, v2;
	[tilespmem:v15+s19+$0x0] =	vst.idx.msk $0xffff, v14  }
0x5c5: {  	v15 =	vor.u32 v32, v3;
	[tilespmem:v18+s19+$0x0] =	vst.idx.msk $0xffff, v17;
	v18 =	vor.u32 v32, v4;
	v32 =	vld [tilespmem:$0x1FC30]  }
0x5c6: {  	v8 =	vld.idx.msk [tilespmem:v46+s14+$0x0], $0xffff  }
0x5c7: {  	v11 =	vld.idx.msk [tilespmem:v13+s14+$0x0], $0xffff  }
0x5c8: {  	v14 =	vld.idx.msk [tilespmem:v16+s14+$0x0], $0xffff  }
0x5c9: {  	v17 =	vld.idx.msk [tilespmem:v19+s14+$0x0], $0xffff  }
0x5ca: {  	v46 =	vor.u32 v44, v1  }
0x5cb: {  	v13 =	vor.u32 v44, v5;
	[tilespmem:v9+s19+$0x0] =	vst.idx.msk $0xffff, v8  }
0x5cc: {  	v16 =	vor.u32 v44, v6;
	v19 =	vor.u32 v44, v7;
	[tilespmem:v12+s19+$0x0] =	vst.idx.msk $0xffff, v11  }
0x5cd: {  	v9 =	vor.u32 v32, v0;
	v12 =	vor.u32 v32, v2;
	[tilespmem:v15+s19+$0x0] =	vst.idx.msk $0xffff, v14  }
0x5ce: {  	v15 =	vor.u32 v32, v3;
	[tilespmem:v18+s19+$0x0] =	vst.idx.msk $0xffff, v17;
	v18 =	vor.u32 v32, v4;
	v32 =	vld [tilespmem:$0x1FC40]  }
0x5cf: {  	v8 =	vld.idx.msk [tilespmem:v46+s14+$0x0], $0xffff  }
0x5d0: {  	v11 =	vld.idx.msk [tilespmem:v13+s14+$0x0], $0xffff  }
0x5d1: {  	v14 =	vld.idx.msk [tilespmem:v16+s14+$0x0], $0xffff  }
0x5d2: {  	v17 =	vld.idx.msk [tilespmem:v19+s14+$0x0], $0xffff  }
0x5d3: {  	v46 =	vor.u32 v45, v1  }
0x5d4: {  	v13 =	vor.u32 v45, v5;
	[tilespmem:v9+s19+$0x0] =	vst.idx.msk $0xffff, v8  }
0x5d5: {  	v16 =	vor.u32 v45, v6;
	v19 =	vor.u32 v45, v7;
	[tilespmem:v12+s19+$0x0] =	vst.idx.msk $0xffff, v11  }
0x5d6: {  	v9 =	vor.u32 v32, v0;
	v12 =	vor.u32 v32, v2;
	[tilespmem:v15+s19+$0x0] =	vst.idx.msk $0xffff, v14  }
0x5d7: {  	v15 =	vor.u32 v32, v3;
	[tilespmem:v18+s19+$0x0] =	vst.idx.msk $0xffff, v17;
	v18 =	vor.u32 v32, v4;
	v32 =	vld [tilespmem:$0x1FC50]  }
0x5d8: {  	v8 =	vld.idx.msk [tilespmem:v46+s14+$0x0], $0xffff  }
0x5d9: {  	v11 =	vld.idx.msk [tilespmem:v13+s14+$0x0], $0xffff  }
0x5da: {  	v46 =	vor.u32 v47, v1;
	v14 =	vld.idx.msk [tilespmem:v16+s14+$0x0], $0xffff  }
0x5db: {  	v17 =	vld.idx.msk [tilespmem:v19+s14+$0x0], $0xffff  }
0x5dc: {  	v13 =	vor.u32 v47, v5  }
0x5dd: {  	v16 =	vor.u32 v47, v6;
	[tilespmem:v9+s19+$0x0] =	vst.idx.msk $0xffff, v8  }
0x5de: {  	v19 =	vor.u32 v47, v7;
	v9 =	vor.u32 v32, v0;
	[tilespmem:v12+s19+$0x0] =	vst.idx.msk $0xffff, v11  }
0x5df: {  	v12 =	vor.u32 v32, v2;
	[tilespmem:v15+s19+$0x0] =	vst.idx.msk $0xffff, v14;
	v15 =	vor.u32 v32, v3;
	v8 =	vld.idx.msk [tilespmem:v46+s14+$0x0], $0xffff  }
0x5e0: {  	[tilespmem:v18+s19+$0x0] =	vst.idx.msk $0xffff, v17;
	v18 =	vor.u32 v32, v4;
	v32 =	vld [tilespmem:$0x1FC60];
	v46 =	vor.u32 v48, v1  }
0x5e1: {  	v11 =	vld.idx.msk [tilespmem:v13+s14+$0x0], $0xffff  }
0x5e2: {  	v13 =	vor.u32 v48, v5;
	v14 =	vld.idx.msk [tilespmem:v16+s14+$0x0], $0xffff  }
0x5e3: {  	v17 =	vld.idx.msk [tilespmem:v19+s14+$0x0], $0xffff  }
0x5e4: {  	v19 =	vor.u32 v48, v7;
	[tilespmem:v9+s19+$0x0] =	vst.idx.msk $0xffff, v8  }
0x5e5: {  	v16 =	vor.u32 v48, v6;
	v9 =	vor.u32 v32, v0;
	v8 =	vld.idx.msk [tilespmem:v46+s14+$0x0], $0xffff  }
0x5e6: {  	[tilespmem:v12+s19+$0x0] =	vst.idx.msk $0xffff, v11;
	v46 =	vor.u32 v49, v1  }
0x5e7: {  	v12 =	vor.u32 v32, v2;
	[tilespmem:v15+s19+$0x0] =	vst.idx.msk $0xffff, v14;
	v15 =	vor.u32 v32, v3;
	v11 =	vld.idx.msk [tilespmem:v13+s14+$0x0], $0xffff  }
0x5e8: {  	[tilespmem:v18+s19+$0x0] =	vst.idx.msk $0xffff, v17;
	v18 =	vor.u32 v32, v4;
	v32 =	vld [tilespmem:$0x1FFE0];
	v13 =	vor.u32 v49, v5  }
0x5e9: {  	v17 =	vld.idx.msk [tilespmem:v19+s14+$0x0], $0xffff  }
0x5ea: {  	v14 =	vld.idx.msk [tilespmem:v16+s14+$0x0], $0xffff;
	v19 =	vor.u32 v49, v7;
	[tilespmem:v9+s19+$0x0] =	vst.idx.msk $0xffff, v8  }
0x5eb: {  	v8 =	vld.idx.msk [tilespmem:v46+s14+$0x0], $0xffff  }
0x5ec: {  	[tilespmem:v12+s19+$0x0] =	vst.idx.msk $0xffff, v11;
	v46 =	vld [tilespmem:$0x1FFE0]  }
0x5ed: {  	v10 =	vld.idx.msk [tilespmem:v13+s14+$0x0], $0xffff  }
0x5ee: {  	[tilespmem:v18+s19+$0x0] =	vst.idx.msk $0xffff, v17;
	v13 =	vld [tilespmem:$0x1FFE0]  }
0x5ef: {  	v16 =	vor.u32 v49, v6;
	[tilespmem:v15+s19+$0x0] =	vst.idx.msk $0xffff, v14;
	v14 =	vld.idx.msk [tilespmem:v19+s14+$0x0], $0xffff  }
0x5f0: {  	v19 =	vld [tilespmem:$0x1FFE0];
	_ =	sdelay $0x1  }
0x5f1: {  	v11 =	vor.u32 v32, v2  }
0x5f2: {  	v5 =	vor.u32 v50, v5;
	v9 =	vor.u32 v46, v0;
	v46 =	vld [tilespmem:$0x1FFF0]  }
0x5f3: {  	v1 =	vor.u32 v50, v1;
	v12 =	vld.idx.msk [tilespmem:v16+s14+$0x0], $0xffff;
	v13 =	vor.u32 v13, v3  }
0x5f4: {  	v6 =	vor.u32 v50, v6;
	v15 =	vor.u32 v19, v4  }
0x5f5: {  	v7 =	vor.u32 v50, v7  }
0x5f6: {  	[tilespmem:v11+s19+$0x0] =	vst.idx.msk $0xffff, v10  }
0x5f7: {  	v5 =	vld.idx.msk [tilespmem:v5+s14+$0x0], $0xffff;
	[tilespmem:v9+s19+$0x0] =	vst.idx.msk $0xffff, v8;
	v2 =	vor.u32 v46, v2  }
0x5f8: {  	v0 =	vor.u32 v46, v0;
	[tilespmem:v13+s19+$0x0] =	vst.idx.msk $0xffff, v12;
	v1 =	vld.idx.msk [tilespmem:v1+s14+$0x0], $0xffff  }
0x5f9: {  	[tilespmem:v15+s19+$0x0] =	vst.idx.msk $0xffff, v14;
	v3 =	vor.u32 v46, v3;
	v6 =	vld.idx.msk [tilespmem:v6+s14+$0x0], $0xffff  }
0x5fa: {  	p1 =	por p0, p0;
	v4 =	vor.u32 v46, v4;
	v7 =	vld.idx.msk [tilespmem:v7+s14+$0x0], $0xffff  }
.Ltmp6:
0x5fb: {  	_ = 	snop;
	(pc) =	sbr.rel @p1 .LBB2_9-.Ltmp6, $4  }
0x5fc: {  	[tilespmem:v2+s19+$0x0] =	vst.idx.msk $0xffff, v5  }
0x5fd: {  	[tilespmem:v0+s19+$0x0] =	vst.idx.msk $0xffff, v1  }
0x5fe: {  	[tilespmem:v3+s19+$0x0] =	vst.idx.msk $0xffff, v6  }
0x5ff: {  	s25 =	simm.s32 $0x40;
	p0 =	por $0x0, $0x0;
	v12 =	vlaneseq.u32;
	[tilespmem:v4+s19+$0x0] =	vst.idx.msk $0xffff, v7  }
0x600: {  	p0 =	seq.s32 s22, $0x63  }
.Ltmp7:
0x601: {  	_ = 	snop;
	(pc) =	sbr.rel @p0 .LBB2_12-.Ltmp7, $3  }
0x602: {  	_ =	sdelay $0x1  }
0x603: {  	s24 =	sadd.s32 $0x80, s24  }
0x604: {  	[hbm4b:s24+s13] =	stream.strided.scatter [tilespmem:s19], [sflag:$0x4], $0x2000, s9, s13, $0x38;
	[tilespmem:$0xF000] =	vst v63  }
0x605: {  	s23 =	sadd.s32 $0x3, s23  }
.Ltmp8:
0x606: {  	s24 =	sshll.u32 s23, $0xA;
	s25 =	sshll.u32 s23, $0x7;
	(pc) =	sbr.rel .LBB2_2-.Ltmp8, $4  }
0x607: {  	s23 =	sshll.u32 s23, $0x5;
	s24 =	sand.u32 $0xC00, s24;
	s25 =	sand.u32 $0xF000, s25  }
0x608: {  	v16 =	vld [tilespmem:$0x1FFB0];
	s23 =	sand.u32 $0x380, s23;
	s24 =	sor.u32 s24, s25  }
0x609: {  	s22 =	sadd.s32 $0x1, s22;
	v17 =	vld [tilespmem:$0x1FFC0];
	s23 =	sor.u32 s23, s24  }
0x60a: {  	v18 =	vld [tilespmem:$0x1FFD0];
	[tilespmem:s14], [sflag:$0x2] =	stream.indirect.gather [hbm4b:s5+s11], $0x40, s23, s11, $0xb8  }
.LBB2_13:
0x60b: {  	_ =	sfence.sel $0x180000  }
0x60c: {  	[bflag:$0x0] =	sbarrier.arrive $0xFFFF  }
0x60d: {  	p0 =	sne.s32 s2, $0x0;
	_ =	strace $0x90000047  }
0x60e: {  	s0 =	sadd.s32 @!p0 $0x100000, s0;
	[bflag:$0x2] =	sbarrier.arrive $0xFFFF  }
0x60f: {  	[sflag:s0] =	ssyncadd.tile.s32 @!p0 $0x1;
	_ =	shalt  }
.Lfunc_end2:
_tile_overlayer_lowered:
.L_overlay_start_2:
0x610: {  	(tag) =	ssettag $0x2  }
0x611: {  	s0 =	rddreg [dreg:$0x0];
	s2 =	stileid.u32  }
0x612: {  	s1 =	rddreg [dreg:$0x1];
	p0 =	sne.s32 s2, $0x0  }
0x613: {  	s3 =	rddreg [dreg:$0x2];
	[bflag:$0x3] =	sbarrier.arrive $0xFFFF;
	s2 =	simm.s32 @!p0 $0x1C05  }
0x614: {  	[timem:s3], [sflag:s2] =	dma.local @!p0 [hbm:s0], s1  }
0x615: {  	s0 =	simm.s32 @!p0 $0x5  }
0x616: {  	_ =	swait.ge @!p0 [sflag:s0], s1  }
0x617: {  	s1 =	ssub.s32 @!p0 $0x0, s1;
	[sflag:s0] =	ssyncset.done @!p0 $0x0  }
0x618: {  	[sflag:s0] =	ssyncadd.s32 @!p0 s1  }
0x619: {  	[bflag:$0x3] =	sbarrier.arrive $0xFFFF  }
0x61a: {  	_ =	shalt  }

</sc_bundles>
